<compile_context>
chip_gen: v7x
topology: tpu7x:2x2x1
jax: 0.10.2.dev20260603
libtpu: 0.0.44.dev20260713+nightly
codegen_flags: <defaults>
</compile_context>

<pallas_src>
import functools

import jax
import jax.numpy as jnp
from jax import lax
from jax.experimental import pallas as pl
from jax.experimental.pallas import tpu as pltpu
from jax.experimental.pallas import tpu_sc as plsc

B = 16384
F = 26
NV = 200
K = F * NV
NC = 2
NS = 16
NW = NC * NS
CB = B // NW
VPB = CB // 16
RA = 96
RB = NV - RA


def _make_sc_onehot():
    mesh = plsc.VectorSubcoreMesh(core_axis_name="c", subcore_axis_name="s")

    @functools.partial(
        pl.kernel,
        mesh=mesh,
        out_type=jax.ShapeDtypeStruct((K, B), jnp.float32),
        scratch_types=[
            pltpu.VMEM((F, CB), jnp.int32),
            pltpu.VMEM((RA, CB), jnp.float32),
            pltpu.VMEM((RB, CB), jnp.float32),
            pltpu.VMEM((CB,), jnp.int32),
            pltpu.VMEM((CB,), jnp.int32),
            pltpu.SemaphoreType.DMA,
            pltpu.SemaphoreType.DMA,
            pltpu.SemaphoreType.DMA,
        ],
        compiler_params=pltpu.CompilerParams(needs_layout_passes=False),
    )
    def onehot(xe_hbm, out_hbm, xe_v, buf_a, buf_b, idx_a, idx_b,
               sem_a, sem_b, sem_x):
        wid = lax.axis_index("s") * NC + lax.axis_index("c")
        col0 = wid * CB
        for f in range(F):
            pltpu.async_copy(
                xe_hbm.at[pl.ds(f * B + col0, CB)], xe_v.at[f], sem_x)

        zeros16 = jnp.zeros((16,), jnp.float32)
        ones16 = jnp.ones((16,), jnp.float32)
        iota16 = lax.iota(jnp.int32, 16)

        def zero_a(i, carry):
            for j in range(CB // 16):
                buf_a[i, pl.ds(j * 16, 16)] = zeros16
            return carry

        def zero_b(i, carry):
            for j in range(CB // 16):
                buf_b[i, pl.ds(j * 16, 16)] = zeros16
            return carry

        def ones_a(f):
            for k in range(VPB):
                bcol = iota16 + k * 16
                val = xe_v[f, pl.ds(k * 16, 16)]
                row = jnp.minimum(val, RA - 1)
                idx_a[pl.ds(k * 16, 16)] = row
                plsc.store_scatter(buf_a, [row, bcol], ones16, mask=val < RA)

        def ones_b(f):
            for k in range(VPB):
                bcol = iota16 + k * 16
                val = xe_v[f, pl.ds(k * 16, 16)]
                row = jnp.maximum(val, RA) - RA
                idx_b[pl.ds(k * 16, 16)] = row
                plsc.store_scatter(buf_b, [row, bcol], ones16,
                                   mask=val >= RA)

        def clear_a():
            for k in range(VPB):
                bcol = iota16 + k * 16
                row = idx_a[pl.ds(k * 16, 16)]
                plsc.store_scatter(buf_a, [row, bcol], zeros16)

        def clear_b():
            for k in range(VPB):
                bcol = iota16 + k * 16
                row = idx_b[pl.ds(k * 16, 16)]
                plsc.store_scatter(buf_b, [row, bcol], zeros16)

        def fire_a(f):
            pltpu.async_copy(
                buf_a, out_hbm.at[pl.ds(f * NV, RA), pl.ds(col0, CB)], sem_a)

        def fire_b(f):
            pltpu.async_copy(
                buf_b, out_hbm.at[pl.ds(f * NV + RA, RB), pl.ds(col0, CB)],
                sem_b)

        def drain_a(f):
            pltpu.make_async_copy(
                buf_a, out_hbm.at[pl.ds(f * NV, RA), pl.ds(col0, CB)],
                sem_a).wait()

        def drain_b(f):
            pltpu.make_async_copy(
                buf_b, out_hbm.at[pl.ds(f * NV + RA, RB), pl.ds(col0, CB)],
                sem_b).wait()

        lax.fori_loop(0, RA, zero_a, 0)
        for f in range(F):
            pltpu.make_async_copy(
                xe_hbm.at[pl.ds(f * B + col0, CB)], xe_v.at[f], sem_x).wait()
        ones_a(jnp.int32(0))
        fire_a(jnp.int32(0))
        lax.fori_loop(0, RB, zero_b, 0)
        ones_b(jnp.int32(0))
        fire_b(jnp.int32(0))

        def field_body(f, carry):
            drain_a(f - 1)
            clear_a()
            ones_a(f)
            fire_a(f)
            drain_b(f - 1)
            clear_b()
            ones_b(f)
            fire_b(f)
            return carry

        lax.fori_loop(1, F, field_body, 0)
        drain_a(jnp.int32(F - 1))
        drain_b(jnp.int32(F - 1))

    return onehot


_sc_onehot = _make_sc_onehot()


@jax.jit
def kernel(xe):
    return _sc_onehot(xe.T.reshape(F * B)).T

# --- scband reference (transcript-rebuilt; emitter-appended) ---
"""Pipeline reference for scband-one-hot-transform-44315472560398 (READ-ONLY COPY).

The authoritative reference and input builder live on the scoring server;
editing this copy changes nothing except your own understanding.
"""

import jax, jax.numpy as jnp
import numpy as np

NUM_UNIQS = [200] * 26
BATCH = 16384


def setup_inputs(seed: int = 0) -> dict:
    key = jax.random.key(seed)
    xe = jax.random.randint(key, (BATCH, len(NUM_UNIQS)), 0, 200, dtype=jnp.int32)
    return {"xe": xe}


def reference(xe):
    # Faithful translation of OneHotTransform.forward:
    # torch.cat([F.one_hot(xe[:, i], num_uniqs[i]) for i in range(F)], dim=1).float()
    parts = [jax.nn.one_hot(xe[:, i], NUM_UNIQS[i], dtype=jnp.float32) for i in range(xe.shape[1])]
    return jnp.concatenate(parts, axis=1)

if __name__ == "__main__":
    import jax
    _d = setup_inputs()
    print(jax.jit(kernel)(*tuple(_d.values())))

</pallas_src>

<mosaic_0001>
#map = affine_map<(d0, d1) -> (0)>
#map1 = affine_map<(d0, d1) -> (0, 0)>
module attributes {stable_mosaic.version = 14 : i64} {
  func.func @onehot(%arg0: i32, %arg1: i32, %arg2: memref<425984xi32, #tpu.memory_space<hbm>>, %arg3: memref<5200x16384xf32, #tpu.memory_space<hbm>>, %arg4: memref<26x512xi32, #tpu.memory_space<vmem>>, %arg5: memref<96x512xf32, #tpu.memory_space<vmem>>, %arg6: memref<104x512xf32, #tpu.memory_space<vmem>>, %arg7: memref<512xi32, #tpu.memory_space<vmem>>, %arg8: memref<512xi32, #tpu.memory_space<vmem>>, %arg9: memref<!tpu.dma_semaphore, #tpu.memory_space<semaphore_mem>>, %arg10: memref<!tpu.dma_semaphore, #tpu.memory_space<semaphore_mem>>, %arg11: memref<!tpu.dma_semaphore, #tpu.memory_space<semaphore_mem>>) attributes {dimension_semantics = [#tpu.dimension_semantics<core_parallel>, #tpu.dimension_semantics<subcore_parallel>], iteration_bounds = array<i64: 2, 16>, scalar_prefetch = 0 : i64, scratch_operands = 8 : i64, tpu.core_type = #tpu.core_type<sc_vector_subcore>, window_params = [{transform_indices = #map}, {transform_indices = #map1}]} {
    %mul3A = arith.constant 2 : i32
    %mul3A_0 = arith.muli %arg1, %mul3A : i32
    %add3A = arith.addi %mul3A_0, %arg0 : i32
    %mul3A_1 = arith.constant 512 : i32
    %mul3A_2 = arith.muli %add3A, %mul3A_1 : i32
    %add3A_3 = arith.constant 0 : i32
    %add3A_4 = arith.addi %add3A_3, %mul3A_2 : i32
    %dma_start3A = arith.constant 0 : i32
    %dma_start3A_5 = arith.constant 0 : i32
    %dma_start3A_6 = tpu.memref_slice %arg4[%dma_start3A, %dma_start3A_5] : memref<26x512xi32, #tpu.memory_space<vmem>> -> memref<1x512xi32, #tpu.memory_space<vmem>>
    %dma_start3A_7 = tpu.memref_squeeze %dma_start3A_6 : memref<1x512xi32, #tpu.memory_space<vmem>> -> memref<512xi32, #tpu.memory_space<vmem>>
    %dma_start3A_8 = tpu.memref_slice %arg2[%add3A_4] : memref<425984xi32, #tpu.memory_space<hbm>> -> memref<512xi32, #tpu.memory_space<hbm>>
    %dma_start3A_9 = arith.constant 0 : i32
    %dma_start3A_10 = tpu.memref_slice %arg4[%dma_start3A, %dma_start3A_9] : memref<26x512xi32, #tpu.memory_space<vmem>> -> memref<1x512xi32, #tpu.memory_space<vmem>>
    %dma_start3A_11 = tpu.memref_squeeze %dma_start3A_10 : memref<1x512xi32, #tpu.memory_space<vmem>> -> memref<512xi32, #tpu.memory_space<vmem>>
    %dma_start3A_12 = tpu.memref_slice %arg2[%add3A_4] : memref<425984xi32, #tpu.memory_space<hbm>> -> memref<512xi32, #tpu.memory_space<hbm>>
    tpu.enqueue_dma source(%dma_start3A_12 : memref<512xi32, #tpu.memory_space<hbm>>) target(%dma_start3A_11 : memref<512xi32, #tpu.memory_space<vmem>>) target_semaphore(%arg11 : memref<!tpu.dma_semaphore, #tpu.memory_space<semaphore_mem>>)
    %add3A_13 = arith.constant 16384 : i32
    %add3A_14 = arith.addi %add3A_13, %mul3A_2 : i32
    %dma_start3A_15 = arith.constant 1 : i32
    %dma_start3A_16 = arith.constant 0 : i32
    %dma_start3A_17 = tpu.memref_slice %arg4[%dma_start3A_15, %dma_start3A_16] : memref<26x512xi32, #tpu.memory_space<vmem>> -> memref<1x512xi32, #tpu.memory_space<vmem>>
    %dma_start3A_18 = tpu.memref_squeeze %dma_start3A_17 : memref<1x512xi32, #tpu.memory_space<vmem>> -> memref<512xi32, #tpu.memory_space<vmem>>
    %dma_start3A_19 = tpu.memref_slice %arg2[%add3A_14] : memref<425984xi32, #tpu.memory_space<hbm>> -> memref<512xi32, #tpu.memory_space<hbm>>
    %dma_start3A_20 = arith.constant 0 : i32
    %dma_start3A_21 = tpu.memref_slice %arg4[%dma_start3A_15, %dma_start3A_20] : memref<26x512xi32, #tpu.memory_space<vmem>> -> memref<1x512xi32, #tpu.memory_space<vmem>>
    %dma_start3A_22 = tpu.memref_squeeze %dma_start3A_21 : memref<1x512xi32, #tpu.memory_space<vmem>> -> memref<512xi32, #tpu.memory_space<vmem>>
    %dma_start3A_23 = tpu.memref_slice %arg2[%add3A_14] : memref<425984xi32, #tpu.memory_space<hbm>> -> memref<512xi32, #tpu.memory_space<hbm>>
    tpu.enqueue_dma source(%dma_start3A_23 : memref<512xi32, #tpu.memory_space<hbm>>) target(%dma_start3A_22 : memref<512xi32, #tpu.memory_space<vmem>>) target_semaphore(%arg11 : memref<!tpu.dma_semaphore, #tpu.memory_space<semaphore_mem>>)
    %add3A_24 = arith.constant 32768 : i32
    %add3A_25 = arith.addi %add3A_24, %mul3A_2 : i32
    %dma_start3A_26 = arith.constant 2 : i32
    %dma_start3A_27 = arith.constant 0 : i32
    %dma_start3A_28 = tpu.memref_slice %arg4[%dma_start3A_26, %dma_start3A_27] : memref<26x512xi32, #tpu.memory_space<vmem>> -> memref<1x512xi32, #tpu.memory_space<vmem>>
    %dma_start3A_29 = tpu.memref_squeeze %dma_start3A_28 : memref<1x512xi32, #tpu.memory_space<vmem>> -> memref<512xi32, #tpu.memory_space<vmem>>
    %dma_start3A_30 = tpu.memref_slice %arg2[%add3A_25] : memref<425984xi32, #tpu.memory_space<hbm>> -> memref<512xi32, #tpu.memory_space<hbm>>
    %dma_start3A_31 = arith.constant 0 : i32
    %dma_start3A_32 = tpu.memref_slice %arg4[%dma_start3A_26, %dma_start3A_31] : memref<26x512xi32, #tpu.memory_space<vmem>> -> memref<1x512xi32, #tpu.memory_space<vmem>>
    %dma_start3A_33 = tpu.memref_squeeze %dma_start3A_32 : memref<1x512xi32, #tpu.memory_space<vmem>> -> memref<512xi32, #tpu.memory_space<vmem>>
    %dma_start3A_34 = tpu.memref_slice %arg2[%add3A_25] : memref<425984xi32, #tpu.memory_space<hbm>> -> memref<512xi32, #tpu.memory_space<hbm>>
    tpu.enqueue_dma source(%dma_start3A_34 : memref<512xi32, #tpu.memory_space<hbm>>) target(%dma_start3A_33 : memref<512xi32, #tpu.memory_space<vmem>>) target_semaphore(%arg11 : memref<!tpu.dma_semaphore, #tpu.memory_space<semaphore_mem>>)
    %add3A_35 = arith.constant 49152 : i32
    %add3A_36 = arith.addi %add3A_35, %mul3A_2 : i32
    %dma_start3A_37 = arith.constant 3 : i32
    %dma_start3A_38 = arith.constant 0 : i32
    %dma_start3A_39 = tpu.memref_slice %arg4[%dma_start3A_37, %dma_start3A_38] : memref<26x512xi32, #tpu.memory_space<vmem>> -> memref<1x512xi32, #tpu.memory_space<vmem>>
    %dma_start3A_40 = tpu.memref_squeeze %dma_start3A_39 : memref<1x512xi32, #tpu.memory_space<vmem>> -> memref<512xi32, #tpu.memory_space<vmem>>
    %dma_start3A_41 = tpu.memref_slice %arg2[%add3A_36] : memref<425984xi32, #tpu.memory_space<hbm>> -> memref<512xi32, #tpu.memory_space<hbm>>
    %dma_start3A_42 = arith.constant 0 : i32
    %dma_start3A_43 = tpu.memref_slice %arg4[%dma_start3A_37, %dma_start3A_42] : memref<26x512xi32, #tpu.memory_space<vmem>> -> memref<1x512xi32, #tpu.memory_space<vmem>>
    %dma_start3A_44 = tpu.memref_squeeze %dma_start3A_43 : memref<1x512xi32, #tpu.memory_space<vmem>> -> memref<512xi32, #tpu.memory_space<vmem>>
    %dma_start3A_45 = tpu.memref_slice %arg2[%add3A_36] : memref<425984xi32, #tpu.memory_space<hbm>> -> memref<512xi32, #tpu.memory_space<hbm>>
    tpu.enqueue_dma source(%dma_start3A_45 : memref<512xi32, #tpu.memory_space<hbm>>) target(%dma_start3A_44 : memref<512xi32, #tpu.memory_space<vmem>>) target_semaphore(%arg11 : memref<!tpu.dma_semaphore, #tpu.memory_space<semaphore_mem>>)
    %add3A_46 = arith.constant 65536 : i32
    %add3A_47 = arith.addi %add3A_46, %mul3A_2 : i32
    %dma_start3A_48 = arith.constant 4 : i32
    %dma_start3A_49 = arith.constant 0 : i32
    %dma_start3A_50 = tpu.memref_slice %arg4[%dma_start3A_48, %dma_start3A_49] : memref<26x512xi32, #tpu.memory_space<vmem>> -> memref<1x512xi32, #tpu.memory_space<vmem>>
    %dma_start3A_51 = tpu.memref_squeeze %dma_start3A_50 : memref<1x512xi32, #tpu.memory_space<vmem>> -> memref<512xi32, #tpu.memory_space<vmem>>
    %dma_start3A_52 = tpu.memref_slice %arg2[%add3A_47] : memref<425984xi32, #tpu.memory_space<hbm>> -> memref<512xi32, #tpu.memory_space<hbm>>
    %dma_start3A_53 = arith.constant 0 : i32
    %dma_start3A_54 = tpu.memref_slice %arg4[%dma_start3A_48, %dma_start3A_53] : memref<26x512xi32, #tpu.memory_space<vmem>> -> memref<1x512xi32, #tpu.memory_space<vmem>>
    %dma_start3A_55 = tpu.memref_squeeze %dma_start3A_54 : memref<1x512xi32, #tpu.memory_space<vmem>> -> memref<512xi32, #tpu.memory_space<vmem>>
    %dma_start3A_56 = tpu.memref_slice %arg2[%add3A_47] : memref<425984xi32, #tpu.memory_space<hbm>> -> memref<512xi32, #tpu.memory_space<hbm>>
    tpu.enqueue_dma source(%dma_start3A_56 : memref<512xi32, #tpu.memory_space<hbm>>) target(%dma_start3A_55 : memref<512xi32, #tpu.memory_space<vmem>>) target_semaphore(%arg11 : memref<!tpu.dma_semaphore, #tpu.memory_space<semaphore_mem>>)
    %add3A_57 = arith.constant 81920 : i32
    %add3A_58 = arith.addi %add3A_57, %mul3A_2 : i32
    %dma_start3A_59 = arith.constant 5 : i32
    %dma_start3A_60 = arith.constant 0 : i32
    %dma_start3A_61 = tpu.memref_slice %arg4[%dma_start3A_59, %dma_start3A_60] : memref<26x512xi32, #tpu.memory_space<vmem>> -> memref<1x512xi32, #tpu.memory_space<vmem>>
    %dma_start3A_62 = tpu.memref_squeeze %dma_start3A_61 : memref<1x512xi32, #tpu.memory_space<vmem>> -> memref<512xi32, #tpu.memory_space<vmem>>
    %dma_start3A_63 = tpu.memref_slice %arg2[%add3A_58] : memref<425984xi32, #tpu.memory_space<hbm>> -> memref<512xi32, #tpu.memory_space<hbm>>
    %dma_start3A_64 = arith.constant 0 : i32
    %dma_start3A_65 = tpu.memref_slice %arg4[%dma_start3A_59, %dma_start3A_64] : memref<26x512xi32, #tpu.memory_space<vmem>> -> memref<1x512xi32, #tpu.memory_space<vmem>>
    %dma_start3A_66 = tpu.memref_squeeze %dma_start3A_65 : memref<1x512xi32, #tpu.memory_space<vmem>> -> memref<512xi32, #tpu.memory_space<vmem>>
    %dma_start3A_67 = tpu.memref_slice %arg2[%add3A_58] : memref<425984xi32, #tpu.memory_space<hbm>> -> memref<512xi32, #tpu.memory_space<hbm>>
    tpu.enqueue_dma source(%dma_start3A_67 : memref<512xi32, #tpu.memory_space<hbm>>) target(%dma_start3A_66 : memref<512xi32, #tpu.memory_space<vmem>>) target_semaphore(%arg11 : memref<!tpu.dma_semaphore, #tpu.memory_space<semaphore_mem>>)
    %add3A_68 = arith.constant 98304 : i32
    %add3A_69 = arith.addi %add3A_68, %mul3A_2 : i32
    %dma_start3A_70 = arith.constant 6 : i32
    %dma_start3A_71 = arith.constant 0 : i32
    %dma_start3A_72 = tpu.memref_slice %arg4[%dma_start3A_70, %dma_start3A_71] : memref<26x512xi32, #tpu.memory_space<vmem>> -> memref<1x512xi32, #tpu.memory_space<vmem>>
    %dma_start3A_73 = tpu.memref_squeeze %dma_start3A_72 : memref<1x512xi32, #tpu.memory_space<vmem>> -> memref<512xi32, #tpu.memory_space<vmem>>
    %dma_start3A_74 = tpu.memref_slice %arg2[%add3A_69] : memref<425984xi32, #tpu.memory_space<hbm>> -> memref<512xi32, #tpu.memory_space<hbm>>
    %dma_start3A_75 = arith.constant 0 : i32
    %dma_start3A_76 = tpu.memref_slice %arg4[%dma_start3A_70, %dma_start3A_75] : memref<26x512xi32, #tpu.memory_space<vmem>> -> memref<1x512xi32, #tpu.memory_space<vmem>>
    %dma_start3A_77 = tpu.memref_squeeze %dma_start3A_76 : memref<1x512xi32, #tpu.memory_space<vmem>> -> memref<512xi32, #tpu.memory_space<vmem>>
    %dma_start3A_78 = tpu.memref_slice %arg2[%add3A_69] : memref<425984xi32, #tpu.memory_space<hbm>> -> memref<512xi32, #tpu.memory_space<hbm>>
    tpu.enqueue_dma source(%dma_start3A_78 : memref<512xi32, #tpu.memory_space<hbm>>) target(%dma_start3A_77 : memref<512xi32, #tpu.memory_space<vmem>>) target_semaphore(%arg11 : memref<!tpu.dma_semaphore, #tpu.memory_space<semaphore_mem>>)
    %add3A_79 = arith.constant 114688 : i32
    %add3A_80 = arith.addi %add3A_79, %mul3A_2 : i32
    %dma_start3A_81 = arith.constant 7 : i32
    %dma_start3A_82 = arith.constant 0 : i32
    %dma_start3A_83 = tpu.memref_slice %arg4[%dma_start3A_81, %dma_start3A_82] : memref<26x512xi32, #tpu.memory_space<vmem>> -> memref<1x512xi32, #tpu.memory_space<vmem>>
    %dma_start3A_84 = tpu.memref_squeeze %dma_start3A_83 : memref<1x512xi32, #tpu.memory_space<vmem>> -> memref<512xi32, #tpu.memory_space<vmem>>
    %dma_start3A_85 = tpu.memref_slice %arg2[%add3A_80] : memref<425984xi32, #tpu.memory_space<hbm>> -> memref<512xi32, #tpu.memory_space<hbm>>
    %dma_start3A_86 = arith.constant 0 : i32
    %dma_start3A_87 = tpu.memref_slice %arg4[%dma_start3A_81, %dma_start3A_86] : memref<26x512xi32, #tpu.memory_space<vmem>> -> memref<1x512xi32, #tpu.memory_space<vmem>>
    %dma_start3A_88 = tpu.memref_squeeze %dma_start3A_87 : memref<1x512xi32, #tpu.memory_space<vmem>> -> memref<512xi32, #tpu.memory_space<vmem>>
    %dma_start3A_89 = tpu.memref_slice %arg2[%add3A_80] : memref<425984xi32, #tpu.memory_space<hbm>> -> memref<512xi32, #tpu.memory_space<hbm>>
    tpu.enqueue_dma source(%dma_start3A_89 : memref<512xi32, #tpu.memory_space<hbm>>) target(%dma_start3A_88 : memref<512xi32, #tpu.memory_space<vmem>>) target_semaphore(%arg11 : memref<!tpu.dma_semaphore, #tpu.memory_space<semaphore_mem>>)
    %add3A_90 = arith.constant 131072 : i32
    %add3A_91 = arith.addi %add3A_90, %mul3A_2 : i32
    %dma_start3A_92 = arith.constant 8 : i32
    %dma_start3A_93 = arith.constant 0 : i32
    %dma_start3A_94 = tpu.memref_slice %arg4[%dma_start3A_92, %dma_start3A_93] : memref<26x512xi32, #tpu.memory_space<vmem>> -> memref<1x512xi32, #tpu.memory_space<vmem>>
    %dma_start3A_95 = tpu.memref_squeeze %dma_start3A_94 : memref<1x512xi32, #tpu.memory_space<vmem>> -> memref<512xi32, #tpu.memory_space<vmem>>
    %dma_start3A_96 = tpu.memref_slice %arg2[%add3A_91] : memref<425984xi32, #tpu.memory_space<hbm>> -> memref<512xi32, #tpu.memory_space<hbm>>
    %dma_start3A_97 = arith.constant 0 : i32
    %dma_start3A_98 = tpu.memref_slice %arg4[%dma_start3A_92, %dma_start3A_97] : memref<26x512xi32, #tpu.memory_space<vmem>> -> memref<1x512xi32, #tpu.memory_space<vmem>>
    %dma_start3A_99 = tpu.memref_squeeze %dma_start3A_98 : memref<1x512xi32, #tpu.memory_space<vmem>> -> memref<512xi32, #tpu.memory_space<vmem>>
    %dma_start3A_100 = tpu.memref_slice %arg2[%add3A_91] : memref<425984xi32, #tpu.memory_space<hbm>> -> memref<512xi32, #tpu.memory_space<hbm>>
    tpu.enqueue_dma source(%dma_start3A_100 : memref<512xi32, #tpu.memory_space<hbm>>) target(%dma_start3A_99 : memref<512xi32, #tpu.memory_space<vmem>>) target_semaphore(%arg11 : memref<!tpu.dma_semaphore, #tpu.memory_space<semaphore_mem>>)
    %add3A_101 = arith.constant 147456 : i32
    %add3A_102 = arith.addi %add3A_101, %mul3A_2 : i32
    %dma_start3A_103 = arith.constant 9 : i32
    %dma_start3A_104 = arith.constant 0 : i32
    %dma_start3A_105 = tpu.memref_slice %arg4[%dma_start3A_103, %dma_start3A_104] : memref<26x512xi32, #tpu.memory_space<vmem>> -> memref<1x512xi32, #tpu.memory_space<vmem>>
    %dma_start3A_106 = tpu.memref_squeeze %dma_start3A_105 : memref<1x512xi32, #tpu.memory_space<vmem>> -> memref<512xi32, #tpu.memory_space<vmem>>
    %dma_start3A_107 = tpu.memref_slice %arg2[%add3A_102] : memref<425984xi32, #tpu.memory_space<hbm>> -> memref<512xi32, #tpu.memory_space<hbm>>
    %dma_start3A_108 = arith.constant 0 : i32
    %dma_start3A_109 = tpu.memref_slice %arg4[%dma_start3A_103, %dma_start3A_108] : memref<26x512xi32, #tpu.memory_space<vmem>> -> memref<1x512xi32, #tpu.memory_space<vmem>>
    %dma_start3A_110 = tpu.memref_squeeze %dma_start3A_109 : memref<1x512xi32, #tpu.memory_space<vmem>> -> memref<512xi32, #tpu.memory_space<vmem>>
    %dma_start3A_111 = tpu.memref_slice %arg2[%add3A_102] : memref<425984xi32, #tpu.memory_space<hbm>> -> memref<512xi32, #tpu.memory_space<hbm>>
    tpu.enqueue_dma source(%dma_start3A_111 : memref<512xi32, #tpu.memory_space<hbm>>) target(%dma_start3A_110 : memref<512xi32, #tpu.memory_space<vmem>>) target_semaphore(%arg11 : memref<!tpu.dma_semaphore, #tpu.memory_space<semaphore_mem>>)
    %add3A_112 = arith.constant 163840 : i32
    %add3A_113 = arith.addi %add3A_112, %mul3A_2 : i32
    %dma_start3A_114 = arith.constant 10 : i32
    %dma_start3A_115 = arith.constant 0 : i32
    %dma_start3A_116 = tpu.memref_slice %arg4[%dma_start3A_114, %dma_start3A_115] : memref<26x512xi32, #tpu.memory_space<vmem>> -> memref<1x512xi32, #tpu.memory_space<vmem>>
    %dma_start3A_117 = tpu.memref_squeeze %dma_start3A_116 : memref<1x512xi32, #tpu.memory_space<vmem>> -> memref<512xi32, #tpu.memory_space<vmem>>
    %dma_start3A_118 = tpu.memref_slice %arg2[%add3A_113] : memref<425984xi32, #tpu.memory_space<hbm>> -> memref<512xi32, #tpu.memory_space<hbm>>
    %dma_start3A_119 = arith.constant 0 : i32
    %dma_start3A_120 = tpu.memref_slice %arg4[%dma_start3A_114, %dma_start3A_119] : memref<26x512xi32, #tpu.memory_space<vmem>> -> memref<1x512xi32, #tpu.memory_space<vmem>>
    %dma_start3A_121 = tpu.memref_squeeze %dma_start3A_120 : memref<1x512xi32, #tpu.memory_space<vmem>> -> memref<512xi32, #tpu.memory_space<vmem>>
    %dma_start3A_122 = tpu.memref_slice %arg2[%add3A_113] : memref<425984xi32, #tpu.memory_space<hbm>> -> memref<512xi32, #tpu.memory_space<hbm>>
    tpu.enqueue_dma source(%dma_start3A_122 : memref<512xi32, #tpu.memory_space<hbm>>) target(%dma_start3A_121 : memref<512xi32, #tpu.memory_space<vmem>>) target_semaphore(%arg11 : memref<!tpu.dma_semaphore, #tpu.memory_space<semaphore_mem>>)
    %add3A_123 = arith.constant 180224 : i32
    %add3A_124 = arith.addi %add3A_123, %mul3A_2 : i32
    %dma_start3A_125 = arith.constant 11 : i32
    %dma_start3A_126 = arith.constant 0 : i32
    %dma_start3A_127 = tpu.memref_slice %arg4[%dma_start3A_125, %dma_start3A_126] : memref<26x512xi32, #tpu.memory_space<vmem>> -> memref<1x512xi32, #tpu.memory_space<vmem>>
    %dma_start3A_128 = tpu.memref_squeeze %dma_start3A_127 : memref<1x512xi32, #tpu.memory_space<vmem>> -> memref<512xi32, #tpu.memory_space<vmem>>
    %dma_start3A_129 = tpu.memref_slice %arg2[%add3A_124] : memref<425984xi32, #tpu.memory_space<hbm>> -> memref<512xi32, #tpu.memory_space<hbm>>
    %dma_start3A_130 = arith.constant 0 : i32
    %dma_start3A_131 = tpu.memref_slice %arg4[%dma_start3A_125, %dma_start3A_130] : memref<26x512xi32, #tpu.memory_space<vmem>> -> memref<1x512xi32, #tpu.memory_space<vmem>>
    %dma_start3A_132 = tpu.memref_squeeze %dma_start3A_131 : memref<1x512xi32, #tpu.memory_space<vmem>> -> memref<512xi32, #tpu.memory_space<vmem>>
    %dma_start3A_133 = tpu.memref_slice %arg2[%add3A_124] : memref<425984xi32, #tpu.memory_space<hbm>> -> memref<512xi32, #tpu.memory_space<hbm>>
    tpu.enqueue_dma source(%dma_start3A_133 : memref<512xi32, #tpu.memory_space<hbm>>) target(%dma_start3A_132 : memref<512xi32, #tpu.memory_space<vmem>>) target_semaphore(%arg11 : memref<!tpu.dma_semaphore, #tpu.memory_space<semaphore_mem>>)
    %add3A_134 = arith.constant 196608 : i32
    %add3A_135 = arith.addi %add3A_134, %mul3A_2 : i32
    %dma_start3A_136 = arith.constant 12 : i32
    %dma_start3A_137 = arith.constant 0 : i32
    %dma_start3A_138 = tpu.memref_slice %arg4[%dma_start3A_136, %dma_start3A_137] : memref<26x512xi32, #tpu.memory_space<vmem>> -> memref<1x512xi32, #tpu.memory_space<vmem>>
    %dma_start3A_139 = tpu.memref_squeeze %dma_start3A_138 : memref<1x512xi32, #tpu.memory_space<vmem>> -> memref<512xi32, #tpu.memory_space<vmem>>
    %dma_start3A_140 = tpu.memref_slice %arg2[%add3A_135] : memref<425984xi32, #tpu.memory_space<hbm>> -> memref<512xi32, #tpu.memory_space<hbm>>
    %dma_start3A_141 = arith.constant 0 : i32
    %dma_start3A_142 = tpu.memref_slice %arg4[%dma_start3A_136, %dma_start3A_141] : memref<26x512xi32, #tpu.memory_space<vmem>> -> memref<1x512xi32, #tpu.memory_space<vmem>>
    %dma_start3A_143 = tpu.memref_squeeze %dma_start3A_142 : memref<1x512xi32, #tpu.memory_space<vmem>> -> memref<512xi32, #tpu.memory_space<vmem>>
    %dma_start3A_144 = tpu.memref_slice %arg2[%add3A_135] : memref<425984xi32, #tpu.memory_space<hbm>> -> memref<512xi32, #tpu.memory_space<hbm>>
    tpu.enqueue_dma source(%dma_start3A_144 : memref<512xi32, #tpu.memory_space<hbm>>) target(%dma_start3A_143 : memref<512xi32, #tpu.memory_space<vmem>>) target_semaphore(%arg11 : memref<!tpu.dma_semaphore, #tpu.memory_space<semaphore_mem>>)
    %add3A_145 = arith.constant 212992 : i32
    %add3A_146 = arith.addi %add3A_145, %mul3A_2 : i32
    %dma_start3A_147 = arith.constant 13 : i32
    %dma_start3A_148 = arith.constant 0 : i32
    %dma_start3A_149 = tpu.memref_slice %arg4[%dma_start3A_147, %dma_start3A_148] : memref<26x512xi32, #tpu.memory_space<vmem>> -> memref<1x512xi32, #tpu.memory_space<vmem>>
    %dma_start3A_150 = tpu.memref_squeeze %dma_start3A_149 : memref<1x512xi32, #tpu.memory_space<vmem>> -> memref<512xi32, #tpu.memory_space<vmem>>
    %dma_start3A_151 = tpu.memref_slice %arg2[%add3A_146] : memref<425984xi32, #tpu.memory_space<hbm>> -> memref<512xi32, #tpu.memory_space<hbm>>
    %dma_start3A_152 = arith.constant 0 : i32
    %dma_start3A_153 = tpu.memref_slice %arg4[%dma_start3A_147, %dma_start3A_152] : memref<26x512xi32, #tpu.memory_space<vmem>> -> memref<1x512xi32, #tpu.memory_space<vmem>>
    %dma_start3A_154 = tpu.memref_squeeze %dma_start3A_153 : memref<1x512xi32, #tpu.memory_space<vmem>> -> memref<512xi32, #tpu.memory_space<vmem>>
    %dma_start3A_155 = tpu.memref_slice %arg2[%add3A_146] : memref<425984xi32, #tpu.memory_space<hbm>> -> memref<512xi32, #tpu.memory_space<hbm>>
    tpu.enqueue_dma source(%dma_start3A_155 : memref<512xi32, #tpu.memory_space<hbm>>) target(%dma_start3A_154 : memref<512xi32, #tpu.memory_space<vmem>>) target_semaphore(%arg11 : memref<!tpu.dma_semaphore, #tpu.memory_space<semaphore_mem>>)
    %add3A_156 = arith.constant 229376 : i32
    %add3A_157 = arith.addi %add3A_156, %mul3A_2 : i32
    %dma_start3A_158 = arith.constant 14 : i32
    %dma_start3A_159 = arith.constant 0 : i32
    %dma_start3A_160 = tpu.memref_slice %arg4[%dma_start3A_158, %dma_start3A_159] : memref<26x512xi32, #tpu.memory_space<vmem>> -> memref<1x512xi32, #tpu.memory_space<vmem>>
    %dma_start3A_161 = tpu.memref_squeeze %dma_start3A_160 : memref<1x512xi32, #tpu.memory_space<vmem>> -> memref<512xi32, #tpu.memory_space<vmem>>
    %dma_start3A_162 = tpu.memref_slice %arg2[%add3A_157] : memref<425984xi32, #tpu.memory_space<hbm>> -> memref<512xi32, #tpu.memory_space<hbm>>
    %dma_start3A_163 = arith.constant 0 : i32
    %dma_start3A_164 = tpu.memref_slice %arg4[%dma_start3A_158, %dma_start3A_163] : memref<26x512xi32, #tpu.memory_space<vmem>> -> memref<1x512xi32, #tpu.memory_space<vmem>>
    %dma_start3A_165 = tpu.memref_squeeze %dma_start3A_164 : memref<1x512xi32, #tpu.memory_space<vmem>> -> memref<512xi32, #tpu.memory_space<vmem>>
    %dma_start3A_166 = tpu.memref_slice %arg2[%add3A_157] : memref<425984xi32, #tpu.memory_space<hbm>> -> memref<512xi32, #tpu.memory_space<hbm>>
    tpu.enqueue_dma source(%dma_start3A_166 : memref<512xi32, #tpu.memory_space<hbm>>) target(%dma_start3A_165 : memref<512xi32, #tpu.memory_space<vmem>>) target_semaphore(%arg11 : memref<!tpu.dma_semaphore, #tpu.memory_space<semaphore_mem>>)
    %add3A_167 = arith.constant 245760 : i32
    %add3A_168 = arith.addi %add3A_167, %mul3A_2 : i32
    %dma_start3A_169 = arith.constant 15 : i32
    %dma_start3A_170 = arith.constant 0 : i32
    %dma_start3A_171 = tpu.memref_slice %arg4[%dma_start3A_169, %dma_start3A_170] : memref<26x512xi32, #tpu.memory_space<vmem>> -> memref<1x512xi32, #tpu.memory_space<vmem>>
    %dma_start3A_172 = tpu.memref_squeeze %dma_start3A_171 : memref<1x512xi32, #tpu.memory_space<vmem>> -> memref<512xi32, #tpu.memory_space<vmem>>
    %dma_start3A_173 = tpu.memref_slice %arg2[%add3A_168] : memref<425984xi32, #tpu.memory_space<hbm>> -> memref<512xi32, #tpu.memory_space<hbm>>
    %dma_start3A_174 = arith.constant 0 : i32
    %dma_start3A_175 = tpu.memref_slice %arg4[%dma_start3A_169, %dma_start3A_174] : memref<26x512xi32, #tpu.memory_space<vmem>> -> memref<1x512xi32, #tpu.memory_space<vmem>>
    %dma_start3A_176 = tpu.memref_squeeze %dma_start3A_175 : memref<1x512xi32, #tpu.memory_space<vmem>> -> memref<512xi32, #tpu.memory_space<vmem>>
    %dma_start3A_177 = tpu.memref_slice %arg2[%add3A_168] : memref<425984xi32, #tpu.memory_space<hbm>> -> memref<512xi32, #tpu.memory_space<hbm>>
    tpu.enqueue_dma source(%dma_start3A_177 : memref<512xi32, #tpu.memory_space<hbm>>) target(%dma_start3A_176 : memref<512xi32, #tpu.memory_space<vmem>>) target_semaphore(%arg11 : memref<!tpu.dma_semaphore, #tpu.memory_space<semaphore_mem>>)
    %add3A_178 = arith.constant 262144 : i32
    %add3A_179 = arith.addi %add3A_178, %mul3A_2 : i32
    %dma_start3A_180 = arith.constant 16 : i32
    %dma_start3A_181 = arith.constant 0 : i32
    %dma_start3A_182 = tpu.memref_slice %arg4[%dma_start3A_180, %dma_start3A_181] : memref<26x512xi32, #tpu.memory_space<vmem>> -> memref<1x512xi32, #tpu.memory_space<vmem>>
    %dma_start3A_183 = tpu.memref_squeeze %dma_start3A_182 : memref<1x512xi32, #tpu.memory_space<vmem>> -> memref<512xi32, #tpu.memory_space<vmem>>
    %dma_start3A_184 = tpu.memref_slice %arg2[%add3A_179] : memref<425984xi32, #tpu.memory_space<hbm>> -> memref<512xi32, #tpu.memory_space<hbm>>
    %dma_start3A_185 = arith.constant 0 : i32
    %dma_start3A_186 = tpu.memref_slice %arg4[%dma_start3A_180, %dma_start3A_185] : memref<26x512xi32, #tpu.memory_space<vmem>> -> memref<1x512xi32, #tpu.memory_space<vmem>>
    %dma_start3A_187 = tpu.memref_squeeze %dma_start3A_186 : memref<1x512xi32, #tpu.memory_space<vmem>> -> memref<512xi32, #tpu.memory_space<vmem>>
    %dma_start3A_188 = tpu.memref_slice %arg2[%add3A_179] : memref<425984xi32, #tpu.memory_space<hbm>> -> memref<512xi32, #tpu.memory_space<hbm>>
    tpu.enqueue_dma source(%dma_start3A_188 : memref<512xi32, #tpu.memory_space<hbm>>) target(%dma_start3A_187 : memref<512xi32, #tpu.memory_space<vmem>>) target_semaphore(%arg11 : memref<!tpu.dma_semaphore, #tpu.memory_space<semaphore_mem>>)
    %add3A_189 = arith.constant 278528 : i32
    %add3A_190 = arith.addi %add3A_189, %mul3A_2 : i32
    %dma_start3A_191 = arith.constant 17 : i32
    %dma_start3A_192 = arith.constant 0 : i32
    %dma_start3A_193 = tpu.memref_slice %arg4[%dma_start3A_191, %dma_start3A_192] : memref<26x512xi32, #tpu.memory_space<vmem>> -> memref<1x512xi32, #tpu.memory_space<vmem>>
    %dma_start3A_194 = tpu.memref_squeeze %dma_start3A_193 : memref<1x512xi32, #tpu.memory_space<vmem>> -> memref<512xi32, #tpu.memory_space<vmem>>
    %dma_start3A_195 = tpu.memref_slice %arg2[%add3A_190] : memref<425984xi32, #tpu.memory_space<hbm>> -> memref<512xi32, #tpu.memory_space<hbm>>
    %dma_start3A_196 = arith.constant 0 : i32
    %dma_start3A_197 = tpu.memref_slice %arg4[%dma_start3A_191, %dma_start3A_196] : memref<26x512xi32, #tpu.memory_space<vmem>> -> memref<1x512xi32, #tpu.memory_space<vmem>>
    %dma_start3A_198 = tpu.memref_squeeze %dma_start3A_197 : memref<1x512xi32, #tpu.memory_space<vmem>> -> memref<512xi32, #tpu.memory_space<vmem>>
    %dma_start3A_199 = tpu.memref_slice %arg2[%add3A_190] : memref<425984xi32, #tpu.memory_space<hbm>> -> memref<512xi32, #tpu.memory_space<hbm>>
    tpu.enqueue_dma source(%dma_start3A_199 : memref<512xi32, #tpu.memory_space<hbm>>) target(%dma_start3A_198 : memref<512xi32, #tpu.memory_space<vmem>>) target_semaphore(%arg11 : memref<!tpu.dma_semaphore, #tpu.memory_space<semaphore_mem>>)
    %add3A_200 = arith.constant 294912 : i32
    %add3A_201 = arith.addi %add3A_200, %mul3A_2 : i32
    %dma_start3A_202 = arith.constant 18 : i32
    %dma_start3A_203 = arith.constant 0 : i32
    %dma_start3A_204 = tpu.memref_slice %arg4[%dma_start3A_202, %dma_start3A_203] : memref<26x512xi32, #tpu.memory_space<vmem>> -> memref<1x512xi32, #tpu.memory_space<vmem>>
    %dma_start3A_205 = tpu.memref_squeeze %dma_start3A_204 : memref<1x512xi32, #tpu.memory_space<vmem>> -> memref<512xi32, #tpu.memory_space<vmem>>
    %dma_start3A_206 = tpu.memref_slice %arg2[%add3A_201] : memref<425984xi32, #tpu.memory_space<hbm>> -> memref<512xi32, #tpu.memory_space<hbm>>
    %dma_start3A_207 = arith.constant 0 : i32
    %dma_start3A_208 = tpu.memref_slice %arg4[%dma_start3A_202, %dma_start3A_207] : memref<26x512xi32, #tpu.memory_space<vmem>> -> memref<1x512xi32, #tpu.memory_space<vmem>>
    %dma_start3A_209 = tpu.memref_squeeze %dma_start3A_208 : memref<1x512xi32, #tpu.memory_space<vmem>> -> memref<512xi32, #tpu.memory_space<vmem>>
    %dma_start3A_210 = tpu.memref_slice %arg2[%add3A_201] : memref<425984xi32, #tpu.memory_space<hbm>> -> memref<512xi32, #tpu.memory_space<hbm>>
    tpu.enqueue_dma source(%dma_start3A_210 : memref<512xi32, #tpu.memory_space<hbm>>) target(%dma_start3A_209 : memref<512xi32, #tpu.memory_space<vmem>>) target_semaphore(%arg11 : memref<!tpu.dma_semaphore, #tpu.memory_space<semaphore_mem>>)
    %add3A_211 = arith.constant 311296 : i32
    %add3A_212 = arith.addi %add3A_211, %mul3A_2 : i32
    %dma_start3A_213 = arith.constant 19 : i32
    %dma_start3A_214 = arith.constant 0 : i32
    %dma_start3A_215 = tpu.memref_slice %arg4[%dma_start3A_213, %dma_start3A_214] : memref<26x512xi32, #tpu.memory_space<vmem>> -> memref<1x512xi32, #tpu.memory_space<vmem>>
    %dma_start3A_216 = tpu.memref_squeeze %dma_start3A_215 : memref<1x512xi32, #tpu.memory_space<vmem>> -> memref<512xi32, #tpu.memory_space<vmem>>
    %dma_start3A_217 = tpu.memref_slice %arg2[%add3A_212] : memref<425984xi32, #tpu.memory_space<hbm>> -> memref<512xi32, #tpu.memory_space<hbm>>
    %dma_start3A_218 = arith.constant 0 : i32
    %dma_start3A_219 = tpu.memref_slice %arg4[%dma_start3A_213, %dma_start3A_218] : memref<26x512xi32, #tpu.memory_space<vmem>> -> memref<1x512xi32, #tpu.memory_space<vmem>>
    %dma_start3A_220 = tpu.memref_squeeze %dma_start3A_219 : memref<1x512xi32, #tpu.memory_space<vmem>> -> memref<512xi32, #tpu.memory_space<vmem>>
    %dma_start3A_221 = tpu.memref_slice %arg2[%add3A_212] : memref<425984xi32, #tpu.memory_space<hbm>> -> memref<512xi32, #tpu.memory_space<hbm>>
    tpu.enqueue_dma source(%dma_start3A_221 : memref<512xi32, #tpu.memory_space<hbm>>) target(%dma_start3A_220 : memref<512xi32, #tpu.memory_space<vmem>>) target_semaphore(%arg11 : memref<!tpu.dma_semaphore, #tpu.memory_space<semaphore_mem>>)
    %add3A_222 = arith.constant 327680 : i32
    %add3A_223 = arith.addi %add3A_222, %mul3A_2 : i32
    %dma_start3A_224 = arith.constant 20 : i32
    %dma_start3A_225 = arith.constant 0 : i32
    %dma_start3A_226 = tpu.memref_slice %arg4[%dma_start3A_224, %dma_start3A_225] : memref<26x512xi32, #tpu.memory_space<vmem>> -> memref<1x512xi32, #tpu.memory_space<vmem>>
    %dma_start3A_227 = tpu.memref_squeeze %dma_start3A_226 : memref<1x512xi32, #tpu.memory_space<vmem>> -> memref<512xi32, #tpu.memory_space<vmem>>
    %dma_start3A_228 = tpu.memref_slice %arg2[%add3A_223] : memref<425984xi32, #tpu.memory_space<hbm>> -> memref<512xi32, #tpu.memory_space<hbm>>
    %dma_start3A_229 = arith.constant 0 : i32
    %dma_start3A_230 = tpu.memref_slice %arg4[%dma_start3A_224, %dma_start3A_229] : memref<26x512xi32, #tpu.memory_space<vmem>> -> memref<1x512xi32, #tpu.memory_space<vmem>>
    %dma_start3A_231 = tpu.memref_squeeze %dma_start3A_230 : memref<1x512xi32, #tpu.memory_space<vmem>> -> memref<512xi32, #tpu.memory_space<vmem>>
    %dma_start3A_232 = tpu.memref_slice %arg2[%add3A_223] : memref<425984xi32, #tpu.memory_space<hbm>> -> memref<512xi32, #tpu.memory_space<hbm>>
    tpu.enqueue_dma source(%dma_start3A_232 : memref<512xi32, #tpu.memory_space<hbm>>) target(%dma_start3A_231 : memref<512xi32, #tpu.memory_space<vmem>>) target_semaphore(%arg11 : memref<!tpu.dma_semaphore, #tpu.memory_space<semaphore_mem>>)
    %add3A_233 = arith.constant 344064 : i32
    %add3A_234 = arith.addi %add3A_233, %mul3A_2 : i32
    %dma_start3A_235 = arith.constant 21 : i32
    %dma_start3A_236 = arith.constant 0 : i32
    %dma_start3A_237 = tpu.memref_slice %arg4[%dma_start3A_235, %dma_start3A_236] : memref<26x512xi32, #tpu.memory_space<vmem>> -> memref<1x512xi32, #tpu.memory_space<vmem>>
    %dma_start3A_238 = tpu.memref_squeeze %dma_start3A_237 : memref<1x512xi32, #tpu.memory_space<vmem>> -> memref<512xi32, #tpu.memory_space<vmem>>
    %dma_start3A_239 = tpu.memref_slice %arg2[%add3A_234] : memref<425984xi32, #tpu.memory_space<hbm>> -> memref<512xi32, #tpu.memory_space<hbm>>
    %dma_start3A_240 = arith.constant 0 : i32
    %dma_start3A_241 = tpu.memref_slice %arg4[%dma_start3A_235, %dma_start3A_240] : memref<26x512xi32, #tpu.memory_space<vmem>> -> memref<1x512xi32, #tpu.memory_space<vmem>>
    %dma_start3A_242 = tpu.memref_squeeze %dma_start3A_241 : memref<1x512xi32, #tpu.memory_space<vmem>> -> memref<512xi32, #tpu.memory_space<vmem>>
    %dma_start3A_243 = tpu.memref_slice %arg2[%add3A_234] : memref<425984xi32, #tpu.memory_space<hbm>> -> memref<512xi32, #tpu.memory_space<hbm>>
    tpu.enqueue_dma source(%dma_start3A_243 : memref<512xi32, #tpu.memory_space<hbm>>) target(%dma_start3A_242 : memref<512xi32, #tpu.memory_space<vmem>>) target_semaphore(%arg11 : memref<!tpu.dma_semaphore, #tpu.memory_space<semaphore_mem>>)
    %add3A_244 = arith.constant 360448 : i32
    %add3A_245 = arith.addi %add3A_244, %mul3A_2 : i32
    %dma_start3A_246 = arith.constant 22 : i32
    %dma_start3A_247 = arith.constant 0 : i32
    %dma_start3A_248 = tpu.memref_slice %arg4[%dma_start3A_246, %dma_start3A_247] : memref<26x512xi32, #tpu.memory_space<vmem>> -> memref<1x512xi32, #tpu.memory_space<vmem>>
    %dma_start3A_249 = tpu.memref_squeeze %dma_start3A_248 : memref<1x512xi32, #tpu.memory_space<vmem>> -> memref<512xi32, #tpu.memory_space<vmem>>
    %dma_start3A_250 = tpu.memref_slice %arg2[%add3A_245] : memref<425984xi32, #tpu.memory_space<hbm>> -> memref<512xi32, #tpu.memory_space<hbm>>
    %dma_start3A_251 = arith.constant 0 : i32
    %dma_start3A_252 = tpu.memref_slice %arg4[%dma_start3A_246, %dma_start3A_251] : memref<26x512xi32, #tpu.memory_space<vmem>> -> memref<1x512xi32, #tpu.memory_space<vmem>>
    %dma_start3A_253 = tpu.memref_squeeze %dma_start3A_252 : memref<1x512xi32, #tpu.memory_space<vmem>> -> memref<512xi32, #tpu.memory_space<vmem>>
    %dma_start3A_254 = tpu.memref_slice %arg2[%add3A_245] : memref<425984xi32, #tpu.memory_space<hbm>> -> memref<512xi32, #tpu.memory_space<hbm>>
    tpu.enqueue_dma source(%dma_start3A_254 : memref<512xi32, #tpu.memory_space<hbm>>) target(%dma_start3A_253 : memref<512xi32, #tpu.memory_space<vmem>>) target_semaphore(%arg11 : memref<!tpu.dma_semaphore, #tpu.memory_space<semaphore_mem>>)
    %add3A_255 = arith.constant 376832 : i32
    %add3A_256 = arith.addi %add3A_255, %mul3A_2 : i32
    %dma_start3A_257 = arith.constant 23 : i32
    %dma_start3A_258 = arith.constant 0 : i32
    %dma_start3A_259 = tpu.memref_slice %arg4[%dma_start3A_257, %dma_start3A_258] : memref<26x512xi32, #tpu.memory_space<vmem>> -> memref<1x512xi32, #tpu.memory_space<vmem>>
    %dma_start3A_260 = tpu.memref_squeeze %dma_start3A_259 : memref<1x512xi32, #tpu.memory_space<vmem>> -> memref<512xi32, #tpu.memory_space<vmem>>
    %dma_start3A_261 = tpu.memref_slice %arg2[%add3A_256] : memref<425984xi32, #tpu.memory_space<hbm>> -> memref<512xi32, #tpu.memory_space<hbm>>
    %dma_start3A_262 = arith.constant 0 : i32
    %dma_start3A_263 = tpu.memref_slice %arg4[%dma_start3A_257, %dma_start3A_262] : memref<26x512xi32, #tpu.memory_space<vmem>> -> memref<1x512xi32, #tpu.memory_space<vmem>>
    %dma_start3A_264 = tpu.memref_squeeze %dma_start3A_263 : memref<1x512xi32, #tpu.memory_space<vmem>> -> memref<512xi32, #tpu.memory_space<vmem>>
    %dma_start3A_265 = tpu.memref_slice %arg2[%add3A_256] : memref<425984xi32, #tpu.memory_space<hbm>> -> memref<512xi32, #tpu.memory_space<hbm>>
    tpu.enqueue_dma source(%dma_start3A_265 : memref<512xi32, #tpu.memory_space<hbm>>) target(%dma_start3A_264 : memref<512xi32, #tpu.memory_space<vmem>>) target_semaphore(%arg11 : memref<!tpu.dma_semaphore, #tpu.memory_space<semaphore_mem>>)
    %add3A_266 = arith.constant 393216 : i32
    %add3A_267 = arith.addi %add3A_266, %mul3A_2 : i32
    %dma_start3A_268 = arith.constant 24 : i32
    %dma_start3A_269 = arith.constant 0 : i32
    %dma_start3A_270 = tpu.memref_slice %arg4[%dma_start3A_268, %dma_start3A_269] : memref<26x512xi32, #tpu.memory_space<vmem>> -> memref<1x512xi32, #tpu.memory_space<vmem>>
    %dma_start3A_271 = tpu.memref_squeeze %dma_start3A_270 : memref<1x512xi32, #tpu.memory_space<vmem>> -> memref<512xi32, #tpu.memory_space<vmem>>
    %dma_start3A_272 = tpu.memref_slice %arg2[%add3A_267] : memref<425984xi32, #tpu.memory_space<hbm>> -> memref<512xi32, #tpu.memory_space<hbm>>
    %dma_start3A_273 = arith.constant 0 : i32
    %dma_start3A_274 = tpu.memref_slice %arg4[%dma_start3A_268, %dma_start3A_273] : memref<26x512xi32, #tpu.memory_space<vmem>> -> memref<1x512xi32, #tpu.memory_space<vmem>>
    %dma_start3A_275 = tpu.memref_squeeze %dma_start3A_274 : memref<1x512xi32, #tpu.memory_space<vmem>> -> memref<512xi32, #tpu.memory_space<vmem>>
    %dma_start3A_276 = tpu.memref_slice %arg2[%add3A_267] : memref<425984xi32, #tpu.memory_space<hbm>> -> memref<512xi32, #tpu.memory_space<hbm>>
    tpu.enqueue_dma source(%dma_start3A_276 : memref<512xi32, #tpu.memory_space<hbm>>) target(%dma_start3A_275 : memref<512xi32, #tpu.memory_space<vmem>>) target_semaphore(%arg11 : memref<!tpu.dma_semaphore, #tpu.memory_space<semaphore_mem>>)
    %add3A_277 = arith.constant 409600 : i32
    %add3A_278 = arith.addi %add3A_277, %mul3A_2 : i32
    %dma_start3A_279 = arith.constant 25 : i32
    %dma_start3A_280 = arith.constant 0 : i32
    %dma_start3A_281 = tpu.memref_slice %arg4[%dma_start3A_279, %dma_start3A_280] : memref<26x512xi32, #tpu.memory_space<vmem>> -> memref<1x512xi32, #tpu.memory_space<vmem>>
    %dma_start3A_282 = tpu.memref_squeeze %dma_start3A_281 : memref<1x512xi32, #tpu.memory_space<vmem>> -> memref<512xi32, #tpu.memory_space<vmem>>
    %dma_start3A_283 = tpu.memref_slice %arg2[%add3A_278] : memref<425984xi32, #tpu.memory_space<hbm>> -> memref<512xi32, #tpu.memory_space<hbm>>
    %dma_start3A_284 = arith.constant 0 : i32
    %dma_start3A_285 = tpu.memref_slice %arg4[%dma_start3A_279, %dma_start3A_284] : memref<26x512xi32, #tpu.memory_space<vmem>> -> memref<1x512xi32, #tpu.memory_space<vmem>>
    %dma_start3A_286 = tpu.memref_squeeze %dma_start3A_285 : memref<1x512xi32, #tpu.memory_space<vmem>> -> memref<512xi32, #tpu.memory_space<vmem>>
    %dma_start3A_287 = tpu.memref_slice %arg2[%add3A_278] : memref<425984xi32, #tpu.memory_space<hbm>> -> memref<512xi32, #tpu.memory_space<hbm>>
    tpu.enqueue_dma source(%dma_start3A_287 : memref<512xi32, #tpu.memory_space<hbm>>) target(%dma_start3A_286 : memref<512xi32, #tpu.memory_space<vmem>>) target_semaphore(%arg11 : memref<!tpu.dma_semaphore, #tpu.memory_space<semaphore_mem>>)
    %broadcast_in_dim3A = arith.constant 0.000000e+00 : f32
    %broadcast_in_dim3A_288 = vector.broadcast %broadcast_in_dim3A : f32 to vector<16xf32>
    %broadcast_in_dim3A_289 = arith.constant 1.000000e+00 : f32
    %broadcast_in_dim3A_290 = vector.broadcast %broadcast_in_dim3A_289 : f32 to vector<16xf32>
    %iota3A = tpu.iota {dimensions = array<i32: 0>} : vector<16xi32>
    %scan3A = arith.constant 0 : i32
    %scan3A_291 = arith.constant 0 : i32
    %scan3A_292 = arith.constant 96 : i32
    %scan3A_293 = arith.addi %scan3A_291, %scan3A_292 : i32
    %scan3A_294 = arith.constant 1 : i32
    scf.for %scan3A_1666 = %scan3A_291 to %scan3A_293 step %scan3A_294  : i32 {
      %swap3A_1667 = arith.index_cast %scan3A_1666 : i32 to index
      %swap3A_1668 = arith.constant 0 : index
      %swap3A_1669 = tpu.vector_load %arg5[%swap3A_1667, %swap3A_1668] {strides = array<i32>} : memref<96x512xf32, #tpu.memory_space<vmem>>, vector<16xf32>,
      tpu.vector_store %arg5[%swap3A_1667, %swap3A_1668], %broadcast_in_dim3A_288 {strides = array<i32>} : memref<96x512xf32, #tpu.memory_space<vmem>>, vector<16xf32>,
      %swap3A_1670 = arith.index_cast %scan3A_1666 : i32 to index
      %swap3A_1671 = arith.constant 16 : index
      %swap3A_1672 = tpu.vector_load %arg5[%swap3A_1670, %swap3A_1671] {strides = array<i32>} : memref<96x512xf32, #tpu.memory_space<vmem>>, vector<16xf32>,
      tpu.vector_store %arg5[%swap3A_1670, %swap3A_1671], %broadcast_in_dim3A_288 {strides = array<i32>} : memref<96x512xf32, #tpu.memory_space<vmem>>, vector<16xf32>,
      %swap3A_1673 = arith.index_cast %scan3A_1666 : i32 to index
      %swap3A_1674 = arith.constant 32 : index
      %swap3A_1675 = tpu.vector_load %arg5[%swap3A_1673, %swap3A_1674] {strides = array<i32>} : memref<96x512xf32, #tpu.memory_space<vmem>>, vector<16xf32>,
      tpu.vector_store %arg5[%swap3A_1673, %swap3A_1674], %broadcast_in_dim3A_288 {strides = array<i32>} : memref<96x512xf32, #tpu.memory_space<vmem>>, vector<16xf32>,
      %swap3A_1676 = arith.index_cast %scan3A_1666 : i32 to index
      %swap3A_1677 = arith.constant 48 : index
      %swap3A_1678 = tpu.vector_load %arg5[%swap3A_1676, %swap3A_1677] {strides = array<i32>} : memref<96x512xf32, #tpu.memory_space<vmem>>, vector<16xf32>,
      tpu.vector_store %arg5[%swap3A_1676, %swap3A_1677], %broadcast_in_dim3A_288 {strides = array<i32>} : memref<96x512xf32, #tpu.memory_space<vmem>>, vector<16xf32>,
      %swap3A_1679 = arith.index_cast %scan3A_1666 : i32 to index
      %swap3A_1680 = arith.constant 64 : index
      %swap3A_1681 = tpu.vector_load %arg5[%swap3A_1679, %swap3A_1680] {strides = array<i32>} : memref<96x512xf32, #tpu.memory_space<vmem>>, vector<16xf32>,
      tpu.vector_store %arg5[%swap3A_1679, %swap3A_1680], %broadcast_in_dim3A_288 {strides = array<i32>} : memref<96x512xf32, #tpu.memory_space<vmem>>, vector<16xf32>,
      %swap3A_1682 = arith.index_cast %scan3A_1666 : i32 to index
      %swap3A_1683 = arith.constant 80 : index
      %swap3A_1684 = tpu.vector_load %arg5[%swap3A_1682, %swap3A_1683] {strides = array<i32>} : memref<96x512xf32, #tpu.memory_space<vmem>>, vector<16xf32>,
      tpu.vector_store %arg5[%swap3A_1682, %swap3A_1683], %broadcast_in_dim3A_288 {strides = array<i32>} : memref<96x512xf32, #tpu.memory_space<vmem>>, vector<16xf32>,
      %swap3A_1685 = arith.index_cast %scan3A_1666 : i32 to index
      %swap3A_1686 = arith.constant 96 : index
      %swap3A_1687 = tpu.vector_load %arg5[%swap3A_1685, %swap3A_1686] {strides = array<i32>} : memref<96x512xf32, #tpu.memory_space<vmem>>, vector<16xf32>,
      tpu.vector_store %arg5[%swap3A_1685, %swap3A_1686], %broadcast_in_dim3A_288 {strides = array<i32>} : memref<96x512xf32, #tpu.memory_space<vmem>>, vector<16xf32>,
      %swap3A_1688 = arith.index_cast %scan3A_1666 : i32 to index
      %swap3A_1689 = arith.constant 112 : index
      %swap3A_1690 = tpu.vector_load %arg5[%swap3A_1688, %swap3A_1689] {strides = array<i32>} : memref<96x512xf32, #tpu.memory_space<vmem>>, vector<16xf32>,
      tpu.vector_store %arg5[%swap3A_1688, %swap3A_1689], %broadcast_in_dim3A_288 {strides = array<i32>} : memref<96x512xf32, #tpu.memory_space<vmem>>, vector<16xf32>,
      %swap3A_1691 = arith.index_cast %scan3A_1666 : i32 to index
      %swap3A_1692 = arith.constant 128 : index
      %swap3A_1693 = tpu.vector_load %arg5[%swap3A_1691, %swap3A_1692] {strides = array<i32>} : memref<96x512xf32, #tpu.memory_space<vmem>>, vector<16xf32>,
      tpu.vector_store %arg5[%swap3A_1691, %swap3A_1692], %broadcast_in_dim3A_288 {strides = array<i32>} : memref<96x512xf32, #tpu.memory_space<vmem>>, vector<16xf32>,
      %swap3A_1694 = arith.index_cast %scan3A_1666 : i32 to index
      %swap3A_1695 = arith.constant 144 : index
      %swap3A_1696 = tpu.vector_load %arg5[%swap3A_1694, %swap3A_1695] {strides = array<i32>} : memref<96x512xf32, #tpu.memory_space<vmem>>, vector<16xf32>,
      tpu.vector_store %arg5[%swap3A_1694, %swap3A_1695], %broadcast_in_dim3A_288 {strides = array<i32>} : memref<96x512xf32, #tpu.memory_space<vmem>>, vector<16xf32>,
      %swap3A_1697 = arith.index_cast %scan3A_1666 : i32 to index
      %swap3A_1698 = arith.constant 160 : index
      %swap3A_1699 = tpu.vector_load %arg5[%swap3A_1697, %swap3A_1698] {strides = array<i32>} : memref<96x512xf32, #tpu.memory_space<vmem>>, vector<16xf32>,
      tpu.vector_store %arg5[%swap3A_1697, %swap3A_1698], %broadcast_in_dim3A_288 {strides = array<i32>} : memref<96x512xf32, #tpu.memory_space<vmem>>, vector<16xf32>,
      %swap3A_1700 = arith.index_cast %scan3A_1666 : i32 to index
      %swap3A_1701 = arith.constant 176 : index
      %swap3A_1702 = tpu.vector_load %arg5[%swap3A_1700, %swap3A_1701] {strides = array<i32>} : memref<96x512xf32, #tpu.memory_space<vmem>>, vector<16xf32>,
      tpu.vector_store %arg5[%swap3A_1700, %swap3A_1701], %broadcast_in_dim3A_288 {strides = array<i32>} : memref<96x512xf32, #tpu.memory_space<vmem>>, vector<16xf32>,
      %swap3A_1703 = arith.index_cast %scan3A_1666 : i32 to index
      %swap3A_1704 = arith.constant 192 : index
      %swap3A_1705 = tpu.vector_load %arg5[%swap3A_1703, %swap3A_1704] {strides = array<i32>} : memref<96x512xf32, #tpu.memory_space<vmem>>, vector<16xf32>,
      tpu.vector_store %arg5[%swap3A_1703, %swap3A_1704], %broadcast_in_dim3A_288 {strides = array<i32>} : memref<96x512xf32, #tpu.memory_space<vmem>>, vector<16xf32>,
      %swap3A_1706 = arith.index_cast %scan3A_1666 : i32 to index
      %swap3A_1707 = arith.constant 208 : index
      %swap3A_1708 = tpu.vector_load %arg5[%swap3A_1706, %swap3A_1707] {strides = array<i32>} : memref<96x512xf32, #tpu.memory_space<vmem>>, vector<16xf32>,
      tpu.vector_store %arg5[%swap3A_1706, %swap3A_1707], %broadcast_in_dim3A_288 {strides = array<i32>} : memref<96x512xf32, #tpu.memory_space<vmem>>, vector<16xf32>,
      %swap3A_1709 = arith.index_cast %scan3A_1666 : i32 to index
      %swap3A_1710 = arith.constant 224 : index
      %swap3A_1711 = tpu.vector_load %arg5[%swap3A_1709, %swap3A_1710] {strides = array<i32>} : memref<96x512xf32, #tpu.memory_space<vmem>>, vector<16xf32>,
      tpu.vector_store %arg5[%swap3A_1709, %swap3A_1710], %broadcast_in_dim3A_288 {strides = array<i32>} : memref<96x512xf32, #tpu.memory_space<vmem>>, vector<16xf32>,
      %swap3A_1712 = arith.index_cast %scan3A_1666 : i32 to index
      %swap3A_1713 = arith.constant 240 : index
      %swap3A_1714 = tpu.vector_load %arg5[%swap3A_1712, %swap3A_1713] {strides = array<i32>} : memref<96x512xf32, #tpu.memory_space<vmem>>, vector<16xf32>,
      tpu.vector_store %arg5[%swap3A_1712, %swap3A_1713], %broadcast_in_dim3A_288 {strides = array<i32>} : memref<96x512xf32, #tpu.memory_space<vmem>>, vector<16xf32>,
      %swap3A_1715 = arith.index_cast %scan3A_1666 : i32 to index
      %swap3A_1716 = arith.constant 256 : index
      %swap3A_1717 = tpu.vector_load %arg5[%swap3A_1715, %swap3A_1716] {strides = array<i32>} : memref<96x512xf32, #tpu.memory_space<vmem>>, vector<16xf32>,
      tpu.vector_store %arg5[%swap3A_1715, %swap3A_1716], %broadcast_in_dim3A_288 {strides = array<i32>} : memref<96x512xf32, #tpu.memory_space<vmem>>, vector<16xf32>,
      %swap3A_1718 = arith.index_cast %scan3A_1666 : i32 to index
      %swap3A_1719 = arith.constant 272 : index
      %swap3A_1720 = tpu.vector_load %arg5[%swap3A_1718, %swap3A_1719] {strides = array<i32>} : memref<96x512xf32, #tpu.memory_space<vmem>>, vector<16xf32>,
      tpu.vector_store %arg5[%swap3A_1718, %swap3A_1719], %broadcast_in_dim3A_288 {strides = array<i32>} : memref<96x512xf32, #tpu.memory_space<vmem>>, vector<16xf32>,
      %swap3A_1721 = arith.index_cast %scan3A_1666 : i32 to index
      %swap3A_1722 = arith.constant 288 : index
      %swap3A_1723 = tpu.vector_load %arg5[%swap3A_1721, %swap3A_1722] {strides = array<i32>} : memref<96x512xf32, #tpu.memory_space<vmem>>, vector<16xf32>,
      tpu.vector_store %arg5[%swap3A_1721, %swap3A_1722], %broadcast_in_dim3A_288 {strides = array<i32>} : memref<96x512xf32, #tpu.memory_space<vmem>>, vector<16xf32>,
      %swap3A_1724 = arith.index_cast %scan3A_1666 : i32 to index
      %swap3A_1725 = arith.constant 304 : index
      %swap3A_1726 = tpu.vector_load %arg5[%swap3A_1724, %swap3A_1725] {strides = array<i32>} : memref<96x512xf32, #tpu.memory_space<vmem>>, vector<16xf32>,
      tpu.vector_store %arg5[%swap3A_1724, %swap3A_1725], %broadcast_in_dim3A_288 {strides = array<i32>} : memref<96x512xf32, #tpu.memory_space<vmem>>, vector<16xf32>,
      %swap3A_1727 = arith.index_cast %scan3A_1666 : i32 to index
      %swap3A_1728 = arith.constant 320 : index
      %swap3A_1729 = tpu.vector_load %arg5[%swap3A_1727, %swap3A_1728] {strides = array<i32>} : memref<96x512xf32, #tpu.memory_space<vmem>>, vector<16xf32>,
      tpu.vector_store %arg5[%swap3A_1727, %swap3A_1728], %broadcast_in_dim3A_288 {strides = array<i32>} : memref<96x512xf32, #tpu.memory_space<vmem>>, vector<16xf32>,
      %swap3A_1730 = arith.index_cast %scan3A_1666 : i32 to index
      %swap3A_1731 = arith.constant 336 : index
      %swap3A_1732 = tpu.vector_load %arg5[%swap3A_1730, %swap3A_1731] {strides = array<i32>} : memref<96x512xf32, #tpu.memory_space<vmem>>, vector<16xf32>,
      tpu.vector_store %arg5[%swap3A_1730, %swap3A_1731], %broadcast_in_dim3A_288 {strides = array<i32>} : memref<96x512xf32, #tpu.memory_space<vmem>>, vector<16xf32>,
      %swap3A_1733 = arith.index_cast %scan3A_1666 : i32 to index
      %swap3A_1734 = arith.constant 352 : index
      %swap3A_1735 = tpu.vector_load %arg5[%swap3A_1733, %swap3A_1734] {strides = array<i32>} : memref<96x512xf32, #tpu.memory_space<vmem>>, vector<16xf32>,
      tpu.vector_store %arg5[%swap3A_1733, %swap3A_1734], %broadcast_in_dim3A_288 {strides = array<i32>} : memref<96x512xf32, #tpu.memory_space<vmem>>, vector<16xf32>,
      %swap3A_1736 = arith.index_cast %scan3A_1666 : i32 to index
      %swap3A_1737 = arith.constant 368 : index
      %swap3A_1738 = tpu.vector_load %arg5[%swap3A_1736, %swap3A_1737] {strides = array<i32>} : memref<96x512xf32, #tpu.memory_space<vmem>>, vector<16xf32>,
      tpu.vector_store %arg5[%swap3A_1736, %swap3A_1737], %broadcast_in_dim3A_288 {strides = array<i32>} : memref<96x512xf32, #tpu.memory_space<vmem>>, vector<16xf32>,
      %swap3A_1739 = arith.index_cast %scan3A_1666 : i32 to index
      %swap3A_1740 = arith.constant 384 : index
      %swap3A_1741 = tpu.vector_load %arg5[%swap3A_1739, %swap3A_1740] {strides = array<i32>} : memref<96x512xf32, #tpu.memory_space<vmem>>, vector<16xf32>,
      tpu.vector_store %arg5[%swap3A_1739, %swap3A_1740], %broadcast_in_dim3A_288 {strides = array<i32>} : memref<96x512xf32, #tpu.memory_space<vmem>>, vector<16xf32>,
      %swap3A_1742 = arith.index_cast %scan3A_1666 : i32 to index
      %swap3A_1743 = arith.constant 400 : index
      %swap3A_1744 = tpu.vector_load %arg5[%swap3A_1742, %swap3A_1743] {strides = array<i32>} : memref<96x512xf32, #tpu.memory_space<vmem>>, vector<16xf32>,
      tpu.vector_store %arg5[%swap3A_1742, %swap3A_1743], %broadcast_in_dim3A_288 {strides = array<i32>} : memref<96x512xf32, #tpu.memory_space<vmem>>, vector<16xf32>,
      %swap3A_1745 = arith.index_cast %scan3A_1666 : i32 to index
      %swap3A_1746 = arith.constant 416 : index
      %swap3A_1747 = tpu.vector_load %arg5[%swap3A_1745, %swap3A_1746] {strides = array<i32>} : memref<96x512xf32, #tpu.memory_space<vmem>>, vector<16xf32>,
      tpu.vector_store %arg5[%swap3A_1745, %swap3A_1746], %broadcast_in_dim3A_288 {strides = array<i32>} : memref<96x512xf32, #tpu.memory_space<vmem>>, vector<16xf32>,
      %swap3A_1748 = arith.index_cast %scan3A_1666 : i32 to index
      %swap3A_1749 = arith.constant 432 : index
      %swap3A_1750 = tpu.vector_load %arg5[%swap3A_1748, %swap3A_1749] {strides = array<i32>} : memref<96x512xf32, #tpu.memory_space<vmem>>, vector<16xf32>,
      tpu.vector_store %arg5[%swap3A_1748, %swap3A_1749], %broadcast_in_dim3A_288 {strides = array<i32>} : memref<96x512xf32, #tpu.memory_space<vmem>>, vector<16xf32>,
      %swap3A_1751 = arith.index_cast %scan3A_1666 : i32 to index
      %swap3A_1752 = arith.constant 448 : index
      %swap3A_1753 = tpu.vector_load %arg5[%swap3A_1751, %swap3A_1752] {strides = array<i32>} : memref<96x512xf32, #tpu.memory_space<vmem>>, vector<16xf32>,
      tpu.vector_store %arg5[%swap3A_1751, %swap3A_1752], %broadcast_in_dim3A_288 {strides = array<i32>} : memref<96x512xf32, #tpu.memory_space<vmem>>, vector<16xf32>,
      %swap3A_1754 = arith.index_cast %scan3A_1666 : i32 to index
      %swap3A_1755 = arith.constant 464 : index
      %swap3A_1756 = tpu.vector_load %arg5[%swap3A_1754, %swap3A_1755] {strides = array<i32>} : memref<96x512xf32, #tpu.memory_space<vmem>>, vector<16xf32>,
      tpu.vector_store %arg5[%swap3A_1754, %swap3A_1755], %broadcast_in_dim3A_288 {strides = array<i32>} : memref<96x512xf32, #tpu.memory_space<vmem>>, vector<16xf32>,
      %swap3A_1757 = arith.index_cast %scan3A_1666 : i32 to index
      %swap3A_1758 = arith.constant 480 : index
      %swap3A_1759 = tpu.vector_load %arg5[%swap3A_1757, %swap3A_1758] {strides = array<i32>} : memref<96x512xf32, #tpu.memory_space<vmem>>, vector<16xf32>,
      tpu.vector_store %arg5[%swap3A_1757, %swap3A_1758], %broadcast_in_dim3A_288 {strides = array<i32>} : memref<96x512xf32, #tpu.memory_space<vmem>>, vector<16xf32>,
      %swap3A_1760 = arith.index_cast %scan3A_1666 : i32 to index
      %swap3A_1761 = arith.constant 496 : index
      %swap3A_1762 = tpu.vector_load %arg5[%swap3A_1760, %swap3A_1761] {strides = array<i32>} : memref<96x512xf32, #tpu.memory_space<vmem>>, vector<16xf32>,
      tpu.vector_store %arg5[%swap3A_1760, %swap3A_1761], %broadcast_in_dim3A_288 {strides = array<i32>} : memref<96x512xf32, #tpu.memory_space<vmem>>, vector<16xf32>,
    }
    %scan3A_295 = arith.constant 96 : i32
    %add3A_296 = arith.constant 0 : i32
    %add3A_297 = arith.addi %add3A_296, %mul3A_2 : i32
    %dma_wait3A = arith.constant 0 : i32
    %dma_wait3A_298 = arith.constant 0 : i32
    %dma_wait3A_299 = tpu.memref_slice %arg4[%dma_wait3A, %dma_wait3A_298] : memref<26x512xi32, #tpu.memory_space<vmem>> -> memref<1x512xi32, #tpu.memory_space<vmem>>
    %dma_wait3A_300 = tpu.memref_squeeze %dma_wait3A_299 : memref<1x512xi32, #tpu.memory_space<vmem>> -> memref<512xi32, #tpu.memory_space<vmem>>
    %dma_wait3A_301 = tpu.memref_slice %arg2[%add3A_297] : memref<425984xi32, #tpu.memory_space<hbm>> -> memref<512xi32, #tpu.memory_space<hbm>>
    %dma_wait3A_302 = arith.constant 0 : i32
    %dma_wait3A_303 = tpu.memref_slice %arg4[%dma_wait3A, %dma_wait3A_302] : memref<26x512xi32, #tpu.memory_space<vmem>> -> memref<1x512xi32, #tpu.memory_space<vmem>>
    %dma_wait3A_304 = tpu.memref_squeeze %dma_wait3A_303 : memref<1x512xi32, #tpu.memory_space<vmem>> -> memref<512xi32, #tpu.memory_space<vmem>>
    %dma_wait3A_305 = tpu.memref_slice %arg2[%add3A_297] : memref<425984xi32, #tpu.memory_space<hbm>> -> memref<512xi32, #tpu.memory_space<hbm>>
    tpu.wait_dma2 semaphore(%arg11 : memref<!tpu.dma_semaphore, #tpu.memory_space<semaphore_mem>>) src(%dma_wait3A_305 : memref<512xi32, #tpu.memory_space<hbm>>) dst(%dma_wait3A_304 : memref<512xi32, #tpu.memory_space<vmem>>)
    %add3A_306 = arith.constant 16384 : i32
    %add3A_307 = arith.addi %add3A_306, %mul3A_2 : i32
    %dma_wait3A_308 = arith.constant 1 : i32
    %dma_wait3A_309 = arith.constant 0 : i32
    %dma_wait3A_310 = tpu.memref_slice %arg4[%dma_wait3A_308, %dma_wait3A_309] : memref<26x512xi32, #tpu.memory_space<vmem>> -> memref<1x512xi32, #tpu.memory_space<vmem>>
    %dma_wait3A_311 = tpu.memref_squeeze %dma_wait3A_310 : memref<1x512xi32, #tpu.memory_space<vmem>> -> memref<512xi32, #tpu.memory_space<vmem>>
    %dma_wait3A_312 = tpu.memref_slice %arg2[%add3A_307] : memref<425984xi32, #tpu.memory_space<hbm>> -> memref<512xi32, #tpu.memory_space<hbm>>
    %dma_wait3A_313 = arith.constant 0 : i32
    %dma_wait3A_314 = tpu.memref_slice %arg4[%dma_wait3A_308, %dma_wait3A_313] : memref<26x512xi32, #tpu.memory_space<vmem>> -> memref<1x512xi32, #tpu.memory_space<vmem>>
    %dma_wait3A_315 = tpu.memref_squeeze %dma_wait3A_314 : memref<1x512xi32, #tpu.memory_space<vmem>> -> memref<512xi32, #tpu.memory_space<vmem>>
    %dma_wait3A_316 = tpu.memref_slice %arg2[%add3A_307] : memref<425984xi32, #tpu.memory_space<hbm>> -> memref<512xi32, #tpu.memory_space<hbm>>
    tpu.wait_dma2 semaphore(%arg11 : memref<!tpu.dma_semaphore, #tpu.memory_space<semaphore_mem>>) src(%dma_wait3A_316 : memref<512xi32, #tpu.memory_space<hbm>>) dst(%dma_wait3A_315 : memref<512xi32, #tpu.memory_space<vmem>>)
    %add3A_317 = arith.constant 32768 : i32
    %add3A_318 = arith.addi %add3A_317, %mul3A_2 : i32
    %dma_wait3A_319 = arith.constant 2 : i32
    %dma_wait3A_320 = arith.constant 0 : i32
    %dma_wait3A_321 = tpu.memref_slice %arg4[%dma_wait3A_319, %dma_wait3A_320] : memref<26x512xi32, #tpu.memory_space<vmem>> -> memref<1x512xi32, #tpu.memory_space<vmem>>
    %dma_wait3A_322 = tpu.memref_squeeze %dma_wait3A_321 : memref<1x512xi32, #tpu.memory_space<vmem>> -> memref<512xi32, #tpu.memory_space<vmem>>
    %dma_wait3A_323 = tpu.memref_slice %arg2[%add3A_318] : memref<425984xi32, #tpu.memory_space<hbm>> -> memref<512xi32, #tpu.memory_space<hbm>>
    %dma_wait3A_324 = arith.constant 0 : i32
    %dma_wait3A_325 = tpu.memref_slice %arg4[%dma_wait3A_319, %dma_wait3A_324] : memref<26x512xi32, #tpu.memory_space<vmem>> -> memref<1x512xi32, #tpu.memory_space<vmem>>
    %dma_wait3A_326 = tpu.memref_squeeze %dma_wait3A_325 : memref<1x512xi32, #tpu.memory_space<vmem>> -> memref<512xi32, #tpu.memory_space<vmem>>
    %dma_wait3A_327 = tpu.memref_slice %arg2[%add3A_318] : memref<425984xi32, #tpu.memory_space<hbm>> -> memref<512xi32, #tpu.memory_space<hbm>>
    tpu.wait_dma2 semaphore(%arg11 : memref<!tpu.dma_semaphore, #tpu.memory_space<semaphore_mem>>) src(%dma_wait3A_327 : memref<512xi32, #tpu.memory_space<hbm>>) dst(%dma_wait3A_326 : memref<512xi32, #tpu.memory_space<vmem>>)
    %add3A_328 = arith.constant 49152 : i32
    %add3A_329 = arith.addi %add3A_328, %mul3A_2 : i32
    %dma_wait3A_330 = arith.constant 3 : i32
    %dma_wait3A_331 = arith.constant 0 : i32
    %dma_wait3A_332 = tpu.memref_slice %arg4[%dma_wait3A_330, %dma_wait3A_331] : memref<26x512xi32, #tpu.memory_space<vmem>> -> memref<1x512xi32, #tpu.memory_space<vmem>>
    %dma_wait3A_333 = tpu.memref_squeeze %dma_wait3A_332 : memref<1x512xi32, #tpu.memory_space<vmem>> -> memref<512xi32, #tpu.memory_space<vmem>>
    %dma_wait3A_334 = tpu.memref_slice %arg2[%add3A_329] : memref<425984xi32, #tpu.memory_space<hbm>> -> memref<512xi32, #tpu.memory_space<hbm>>
    %dma_wait3A_335 = arith.constant 0 : i32
    %dma_wait3A_336 = tpu.memref_slice %arg4[%dma_wait3A_330, %dma_wait3A_335] : memref<26x512xi32, #tpu.memory_space<vmem>> -> memref<1x512xi32, #tpu.memory_space<vmem>>
    %dma_wait3A_337 = tpu.memref_squeeze %dma_wait3A_336 : memref<1x512xi32, #tpu.memory_space<vmem>> -> memref<512xi32, #tpu.memory_space<vmem>>
    %dma_wait3A_338 = tpu.memref_slice %arg2[%add3A_329] : memref<425984xi32, #tpu.memory_space<hbm>> -> memref<512xi32, #tpu.memory_space<hbm>>
    tpu.wait_dma2 semaphore(%arg11 : memref<!tpu.dma_semaphore, #tpu.memory_space<semaphore_mem>>) src(%dma_wait3A_338 : memref<512xi32, #tpu.memory_space<hbm>>) dst(%dma_wait3A_337 : memref<512xi32, #tpu.memory_space<vmem>>)
    %add3A_339 = arith.constant 65536 : i32
    %add3A_340 = arith.addi %add3A_339, %mul3A_2 : i32
    %dma_wait3A_341 = arith.constant 4 : i32
    %dma_wait3A_342 = arith.constant 0 : i32
    %dma_wait3A_343 = tpu.memref_slice %arg4[%dma_wait3A_341, %dma_wait3A_342] : memref<26x512xi32, #tpu.memory_space<vmem>> -> memref<1x512xi32, #tpu.memory_space<vmem>>
    %dma_wait3A_344 = tpu.memref_squeeze %dma_wait3A_343 : memref<1x512xi32, #tpu.memory_space<vmem>> -> memref<512xi32, #tpu.memory_space<vmem>>
    %dma_wait3A_345 = tpu.memref_slice %arg2[%add3A_340] : memref<425984xi32, #tpu.memory_space<hbm>> -> memref<512xi32, #tpu.memory_space<hbm>>
    %dma_wait3A_346 = arith.constant 0 : i32
    %dma_wait3A_347 = tpu.memref_slice %arg4[%dma_wait3A_341, %dma_wait3A_346] : memref<26x512xi32, #tpu.memory_space<vmem>> -> memref<1x512xi32, #tpu.memory_space<vmem>>
    %dma_wait3A_348 = tpu.memref_squeeze %dma_wait3A_347 : memref<1x512xi32, #tpu.memory_space<vmem>> -> memref<512xi32, #tpu.memory_space<vmem>>
    %dma_wait3A_349 = tpu.memref_slice %arg2[%add3A_340] : memref<425984xi32, #tpu.memory_space<hbm>> -> memref<512xi32, #tpu.memory_space<hbm>>
    tpu.wait_dma2 semaphore(%arg11 : memref<!tpu.dma_semaphore, #tpu.memory_space<semaphore_mem>>) src(%dma_wait3A_349 : memref<512xi32, #tpu.memory_space<hbm>>) dst(%dma_wait3A_348 : memref<512xi32, #tpu.memory_space<vmem>>)
    %add3A_350 = arith.constant 81920 : i32
    %add3A_351 = arith.addi %add3A_350, %mul3A_2 : i32
    %dma_wait3A_352 = arith.constant 5 : i32
    %dma_wait3A_353 = arith.constant 0 : i32
    %dma_wait3A_354 = tpu.memref_slice %arg4[%dma_wait3A_352, %dma_wait3A_353] : memref<26x512xi32, #tpu.memory_space<vmem>> -> memref<1x512xi32, #tpu.memory_space<vmem>>
    %dma_wait3A_355 = tpu.memref_squeeze %dma_wait3A_354 : memref<1x512xi32, #tpu.memory_space<vmem>> -> memref<512xi32, #tpu.memory_space<vmem>>
    %dma_wait3A_356 = tpu.memref_slice %arg2[%add3A_351] : memref<425984xi32, #tpu.memory_space<hbm>> -> memref<512xi32, #tpu.memory_space<hbm>>
    %dma_wait3A_357 = arith.constant 0 : i32
    %dma_wait3A_358 = tpu.memref_slice %arg4[%dma_wait3A_352, %dma_wait3A_357] : memref<26x512xi32, #tpu.memory_space<vmem>> -> memref<1x512xi32, #tpu.memory_space<vmem>>
    %dma_wait3A_359 = tpu.memref_squeeze %dma_wait3A_358 : memref<1x512xi32, #tpu.memory_space<vmem>> -> memref<512xi32, #tpu.memory_space<vmem>>
    %dma_wait3A_360 = tpu.memref_slice %arg2[%add3A_351] : memref<425984xi32, #tpu.memory_space<hbm>> -> memref<512xi32, #tpu.memory_space<hbm>>
    tpu.wait_dma2 semaphore(%arg11 : memref<!tpu.dma_semaphore, #tpu.memory_space<semaphore_mem>>) src(%dma_wait3A_360 : memref<512xi32, #tpu.memory_space<hbm>>) dst(%dma_wait3A_359 : memref<512xi32, #tpu.memory_space<vmem>>)
    %add3A_361 = arith.constant 98304 : i32
    %add3A_362 = arith.addi %add3A_361, %mul3A_2 : i32
    %dma_wait3A_363 = arith.constant 6 : i32
    %dma_wait3A_364 = arith.constant 0 : i32
    %dma_wait3A_365 = tpu.memref_slice %arg4[%dma_wait3A_363, %dma_wait3A_364] : memref<26x512xi32, #tpu.memory_space<vmem>> -> memref<1x512xi32, #tpu.memory_space<vmem>>
    %dma_wait3A_366 = tpu.memref_squeeze %dma_wait3A_365 : memref<1x512xi32, #tpu.memory_space<vmem>> -> memref<512xi32, #tpu.memory_space<vmem>>
    %dma_wait3A_367 = tpu.memref_slice %arg2[%add3A_362] : memref<425984xi32, #tpu.memory_space<hbm>> -> memref<512xi32, #tpu.memory_space<hbm>>
    %dma_wait3A_368 = arith.constant 0 : i32
    %dma_wait3A_369 = tpu.memref_slice %arg4[%dma_wait3A_363, %dma_wait3A_368] : memref<26x512xi32, #tpu.memory_space<vmem>> -> memref<1x512xi32, #tpu.memory_space<vmem>>
    %dma_wait3A_370 = tpu.memref_squeeze %dma_wait3A_369 : memref<1x512xi32, #tpu.memory_space<vmem>> -> memref<512xi32, #tpu.memory_space<vmem>>
    %dma_wait3A_371 = tpu.memref_slice %arg2[%add3A_362] : memref<425984xi32, #tpu.memory_space<hbm>> -> memref<512xi32, #tpu.memory_space<hbm>>
    tpu.wait_dma2 semaphore(%arg11 : memref<!tpu.dma_semaphore, #tpu.memory_space<semaphore_mem>>) src(%dma_wait3A_371 : memref<512xi32, #tpu.memory_space<hbm>>) dst(%dma_wait3A_370 : memref<512xi32, #tpu.memory_space<vmem>>)
    %add3A_372 = arith.constant 114688 : i32
    %add3A_373 = arith.addi %add3A_372, %mul3A_2 : i32
    %dma_wait3A_374 = arith.constant 7 : i32
    %dma_wait3A_375 = arith.constant 0 : i32
    %dma_wait3A_376 = tpu.memref_slice %arg4[%dma_wait3A_374, %dma_wait3A_375] : memref<26x512xi32, #tpu.memory_space<vmem>> -> memref<1x512xi32, #tpu.memory_space<vmem>>
    %dma_wait3A_377 = tpu.memref_squeeze %dma_wait3A_376 : memref<1x512xi32, #tpu.memory_space<vmem>> -> memref<512xi32, #tpu.memory_space<vmem>>
    %dma_wait3A_378 = tpu.memref_slice %arg2[%add3A_373] : memref<425984xi32, #tpu.memory_space<hbm>> -> memref<512xi32, #tpu.memory_space<hbm>>
    %dma_wait3A_379 = arith.constant 0 : i32
    %dma_wait3A_380 = tpu.memref_slice %arg4[%dma_wait3A_374, %dma_wait3A_379] : memref<26x512xi32, #tpu.memory_space<vmem>> -> memref<1x512xi32, #tpu.memory_space<vmem>>
    %dma_wait3A_381 = tpu.memref_squeeze %dma_wait3A_380 : memref<1x512xi32, #tpu.memory_space<vmem>> -> memref<512xi32, #tpu.memory_space<vmem>>
    %dma_wait3A_382 = tpu.memref_slice %arg2[%add3A_373] : memref<425984xi32, #tpu.memory_space<hbm>> -> memref<512xi32, #tpu.memory_space<hbm>>
    tpu.wait_dma2 semaphore(%arg11 : memref<!tpu.dma_semaphore, #tpu.memory_space<semaphore_mem>>) src(%dma_wait3A_382 : memref<512xi32, #tpu.memory_space<hbm>>) dst(%dma_wait3A_381 : memref<512xi32, #tpu.memory_space<vmem>>)
    %add3A_383 = arith.constant 131072 : i32
    %add3A_384 = arith.addi %add3A_383, %mul3A_2 : i32
    %dma_wait3A_385 = arith.constant 8 : i32
    %dma_wait3A_386 = arith.constant 0 : i32
    %dma_wait3A_387 = tpu.memref_slice %arg4[%dma_wait3A_385, %dma_wait3A_386] : memref<26x512xi32, #tpu.memory_space<vmem>> -> memref<1x512xi32, #tpu.memory_space<vmem>>
    %dma_wait3A_388 = tpu.memref_squeeze %dma_wait3A_387 : memref<1x512xi32, #tpu.memory_space<vmem>> -> memref<512xi32, #tpu.memory_space<vmem>>
    %dma_wait3A_389 = tpu.memref_slice %arg2[%add3A_384] : memref<425984xi32, #tpu.memory_space<hbm>> -> memref<512xi32, #tpu.memory_space<hbm>>
    %dma_wait3A_390 = arith.constant 0 : i32
    %dma_wait3A_391 = tpu.memref_slice %arg4[%dma_wait3A_385, %dma_wait3A_390] : memref<26x512xi32, #tpu.memory_space<vmem>> -> memref<1x512xi32, #tpu.memory_space<vmem>>
    %dma_wait3A_392 = tpu.memref_squeeze %dma_wait3A_391 : memref<1x512xi32, #tpu.memory_space<vmem>> -> memref<512xi32, #tpu.memory_space<vmem>>
    %dma_wait3A_393 = tpu.memref_slice %arg2[%add3A_384] : memref<425984xi32, #tpu.memory_space<hbm>> -> memref<512xi32, #tpu.memory_space<hbm>>
    tpu.wait_dma2 semaphore(%arg11 : memref<!tpu.dma_semaphore, #tpu.memory_space<semaphore_mem>>) src(%dma_wait3A_393 : memref<512xi32, #tpu.memory_space<hbm>>) dst(%dma_wait3A_392 : memref<512xi32, #tpu.memory_space<vmem>>)
    %add3A_394 = arith.constant 147456 : i32
    %add3A_395 = arith.addi %add3A_394, %mul3A_2 : i32
    %dma_wait3A_396 = arith.constant 9 : i32
    %dma_wait3A_397 = arith.constant 0 : i32
    %dma_wait3A_398 = tpu.memref_slice %arg4[%dma_wait3A_396, %dma_wait3A_397] : memref<26x512xi32, #tpu.memory_space<vmem>> -> memref<1x512xi32, #tpu.memory_space<vmem>>
    %dma_wait3A_399 = tpu.memref_squeeze %dma_wait3A_398 : memref<1x512xi32, #tpu.memory_space<vmem>> -> memref<512xi32, #tpu.memory_space<vmem>>
    %dma_wait3A_400 = tpu.memref_slice %arg2[%add3A_395] : memref<425984xi32, #tpu.memory_space<hbm>> -> memref<512xi32, #tpu.memory_space<hbm>>
    %dma_wait3A_401 = arith.constant 0 : i32
    %dma_wait3A_402 = tpu.memref_slice %arg4[%dma_wait3A_396, %dma_wait3A_401] : memref<26x512xi32, #tpu.memory_space<vmem>> -> memref<1x512xi32, #tpu.memory_space<vmem>>
    %dma_wait3A_403 = tpu.memref_squeeze %dma_wait3A_402 : memref<1x512xi32, #tpu.memory_space<vmem>> -> memref<512xi32, #tpu.memory_space<vmem>>
    %dma_wait3A_404 = tpu.memref_slice %arg2[%add3A_395] : memref<425984xi32, #tpu.memory_space<hbm>> -> memref<512xi32, #tpu.memory_space<hbm>>
    tpu.wait_dma2 semaphore(%arg11 : memref<!tpu.dma_semaphore, #tpu.memory_space<semaphore_mem>>) src(%dma_wait3A_404 : memref<512xi32, #tpu.memory_space<hbm>>) dst(%dma_wait3A_403 : memref<512xi32, #tpu.memory_space<vmem>>)
    %add3A_405 = arith.constant 163840 : i32
    %add3A_406 = arith.addi %add3A_405, %mul3A_2 : i32
    %dma_wait3A_407 = arith.constant 10 : i32
    %dma_wait3A_408 = arith.constant 0 : i32
    %dma_wait3A_409 = tpu.memref_slice %arg4[%dma_wait3A_407, %dma_wait3A_408] : memref<26x512xi32, #tpu.memory_space<vmem>> -> memref<1x512xi32, #tpu.memory_space<vmem>>
    %dma_wait3A_410 = tpu.memref_squeeze %dma_wait3A_409 : memref<1x512xi32, #tpu.memory_space<vmem>> -> memref<512xi32, #tpu.memory_space<vmem>>
    %dma_wait3A_411 = tpu.memref_slice %arg2[%add3A_406] : memref<425984xi32, #tpu.memory_space<hbm>> -> memref<512xi32, #tpu.memory_space<hbm>>
    %dma_wait3A_412 = arith.constant 0 : i32
    %dma_wait3A_413 = tpu.memref_slice %arg4[%dma_wait3A_407, %dma_wait3A_412] : memref<26x512xi32, #tpu.memory_space<vmem>> -> memref<1x512xi32, #tpu.memory_space<vmem>>
    %dma_wait3A_414 = tpu.memref_squeeze %dma_wait3A_413 : memref<1x512xi32, #tpu.memory_space<vmem>> -> memref<512xi32, #tpu.memory_space<vmem>>
    %dma_wait3A_415 = tpu.memref_slice %arg2[%add3A_406] : memref<425984xi32, #tpu.memory_space<hbm>> -> memref<512xi32, #tpu.memory_space<hbm>>
    tpu.wait_dma2 semaphore(%arg11 : memref<!tpu.dma_semaphore, #tpu.memory_space<semaphore_mem>>) src(%dma_wait3A_415 : memref<512xi32, #tpu.memory_space<hbm>>) dst(%dma_wait3A_414 : memref<512xi32, #tpu.memory_space<vmem>>)
    %add3A_416 = arith.constant 180224 : i32
    %add3A_417 = arith.addi %add3A_416, %mul3A_2 : i32
    %dma_wait3A_418 = arith.constant 11 : i32
    %dma_wait3A_419 = arith.constant 0 : i32
    %dma_wait3A_420 = tpu.memref_slice %arg4[%dma_wait3A_418, %dma_wait3A_419] : memref<26x512xi32, #tpu.memory_space<vmem>> -> memref<1x512xi32, #tpu.memory_space<vmem>>
    %dma_wait3A_421 = tpu.memref_squeeze %dma_wait3A_420 : memref<1x512xi32, #tpu.memory_space<vmem>> -> memref<512xi32, #tpu.memory_space<vmem>>
    %dma_wait3A_422 = tpu.memref_slice %arg2[%add3A_417] : memref<425984xi32, #tpu.memory_space<hbm>> -> memref<512xi32, #tpu.memory_space<hbm>>
    %dma_wait3A_423 = arith.constant 0 : i32
    %dma_wait3A_424 = tpu.memref_slice %arg4[%dma_wait3A_418, %dma_wait3A_423] : memref<26x512xi32, #tpu.memory_space<vmem>> -> memref<1x512xi32, #tpu.memory_space<vmem>>
    %dma_wait3A_425 = tpu.memref_squeeze %dma_wait3A_424 : memref<1x512xi32, #tpu.memory_space<vmem>> -> memref<512xi32, #tpu.memory_space<vmem>>
    %dma_wait3A_426 = tpu.memref_slice %arg2[%add3A_417] : memref<425984xi32, #tpu.memory_space<hbm>> -> memref<512xi32, #tpu.memory_space<hbm>>
    tpu.wait_dma2 semaphore(%arg11 : memref<!tpu.dma_semaphore, #tpu.memory_space<semaphore_mem>>) src(%dma_wait3A_426 : memref<512xi32, #tpu.memory_space<hbm>>) dst(%dma_wait3A_425 : memref<512xi32, #tpu.memory_space<vmem>>)
    %add3A_427 = arith.constant 196608 : i32
    %add3A_428 = arith.addi %add3A_427, %mul3A_2 : i32
    %dma_wait3A_429 = arith.constant 12 : i32
    %dma_wait3A_430 = arith.constant 0 : i32
    %dma_wait3A_431 = tpu.memref_slice %arg4[%dma_wait3A_429, %dma_wait3A_430] : memref<26x512xi32, #tpu.memory_space<vmem>> -> memref<1x512xi32, #tpu.memory_space<vmem>>
    %dma_wait3A_432 = tpu.memref_squeeze %dma_wait3A_431 : memref<1x512xi32, #tpu.memory_space<vmem>> -> memref<512xi32, #tpu.memory_space<vmem>>
    %dma_wait3A_433 = tpu.memref_slice %arg2[%add3A_428] : memref<425984xi32, #tpu.memory_space<hbm>> -> memref<512xi32, #tpu.memory_space<hbm>>
    %dma_wait3A_434 = arith.constant 0 : i32
    %dma_wait3A_435 = tpu.memref_slice %arg4[%dma_wait3A_429, %dma_wait3A_434] : memref<26x512xi32, #tpu.memory_space<vmem>> -> memref<1x512xi32, #tpu.memory_space<vmem>>
    %dma_wait3A_436 = tpu.memref_squeeze %dma_wait3A_435 : memref<1x512xi32, #tpu.memory_space<vmem>> -> memref<512xi32, #tpu.memory_space<vmem>>
    %dma_wait3A_437 = tpu.memref_slice %arg2[%add3A_428] : memref<425984xi32, #tpu.memory_space<hbm>> -> memref<512xi32, #tpu.memory_space<hbm>>
    tpu.wait_dma2 semaphore(%arg11 : memref<!tpu.dma_semaphore, #tpu.memory_space<semaphore_mem>>) src(%dma_wait3A_437 : memref<512xi32, #tpu.memory_space<hbm>>) dst(%dma_wait3A_436 : memref<512xi32, #tpu.memory_space<vmem>>)
    %add3A_438 = arith.constant 212992 : i32
    %add3A_439 = arith.addi %add3A_438, %mul3A_2 : i32
    %dma_wait3A_440 = arith.constant 13 : i32
    %dma_wait3A_441 = arith.constant 0 : i32
    %dma_wait3A_442 = tpu.memref_slice %arg4[%dma_wait3A_440, %dma_wait3A_441] : memref<26x512xi32, #tpu.memory_space<vmem>> -> memref<1x512xi32, #tpu.memory_space<vmem>>
    %dma_wait3A_443 = tpu.memref_squeeze %dma_wait3A_442 : memref<1x512xi32, #tpu.memory_space<vmem>> -> memref<512xi32, #tpu.memory_space<vmem>>
    %dma_wait3A_444 = tpu.memref_slice %arg2[%add3A_439] : memref<425984xi32, #tpu.memory_space<hbm>> -> memref<512xi32, #tpu.memory_space<hbm>>
    %dma_wait3A_445 = arith.constant 0 : i32
    %dma_wait3A_446 = tpu.memref_slice %arg4[%dma_wait3A_440, %dma_wait3A_445] : memref<26x512xi32, #tpu.memory_space<vmem>> -> memref<1x512xi32, #tpu.memory_space<vmem>>
    %dma_wait3A_447 = tpu.memref_squeeze %dma_wait3A_446 : memref<1x512xi32, #tpu.memory_space<vmem>> -> memref<512xi32, #tpu.memory_space<vmem>>
    %dma_wait3A_448 = tpu.memref_slice %arg2[%add3A_439] : memref<425984xi32, #tpu.memory_space<hbm>> -> memref<512xi32, #tpu.memory_space<hbm>>
    tpu.wait_dma2 semaphore(%arg11 : memref<!tpu.dma_semaphore, #tpu.memory_space<semaphore_mem>>) src(%dma_wait3A_448 : memref<512xi32, #tpu.memory_space<hbm>>) dst(%dma_wait3A_447 : memref<512xi32, #tpu.memory_space<vmem>>)
    %add3A_449 = arith.constant 229376 : i32
    %add3A_450 = arith.addi %add3A_449, %mul3A_2 : i32
    %dma_wait3A_451 = arith.constant 14 : i32
    %dma_wait3A_452 = arith.constant 0 : i32
    %dma_wait3A_453 = tpu.memref_slice %arg4[%dma_wait3A_451, %dma_wait3A_452] : memref<26x512xi32, #tpu.memory_space<vmem>> -> memref<1x512xi32, #tpu.memory_space<vmem>>
    %dma_wait3A_454 = tpu.memref_squeeze %dma_wait3A_453 : memref<1x512xi32, #tpu.memory_space<vmem>> -> memref<512xi32, #tpu.memory_space<vmem>>
    %dma_wait3A_455 = tpu.memref_slice %arg2[%add3A_450] : memref<425984xi32, #tpu.memory_space<hbm>> -> memref<512xi32, #tpu.memory_space<hbm>>
    %dma_wait3A_456 = arith.constant 0 : i32
    %dma_wait3A_457 = tpu.memref_slice %arg4[%dma_wait3A_451, %dma_wait3A_456] : memref<26x512xi32, #tpu.memory_space<vmem>> -> memref<1x512xi32, #tpu.memory_space<vmem>>
    %dma_wait3A_458 = tpu.memref_squeeze %dma_wait3A_457 : memref<1x512xi32, #tpu.memory_space<vmem>> -> memref<512xi32, #tpu.memory_space<vmem>>
    %dma_wait3A_459 = tpu.memref_slice %arg2[%add3A_450] : memref<425984xi32, #tpu.memory_space<hbm>> -> memref<512xi32, #tpu.memory_space<hbm>>
    tpu.wait_dma2 semaphore(%arg11 : memref<!tpu.dma_semaphore, #tpu.memory_space<semaphore_mem>>) src(%dma_wait3A_459 : memref<512xi32, #tpu.memory_space<hbm>>) dst(%dma_wait3A_458 : memref<512xi32, #tpu.memory_space<vmem>>)
    %add3A_460 = arith.constant 245760 : i32
    %add3A_461 = arith.addi %add3A_460, %mul3A_2 : i32
    %dma_wait3A_462 = arith.constant 15 : i32
    %dma_wait3A_463 = arith.constant 0 : i32
    %dma_wait3A_464 = tpu.memref_slice %arg4[%dma_wait3A_462, %dma_wait3A_463] : memref<26x512xi32, #tpu.memory_space<vmem>> -> memref<1x512xi32, #tpu.memory_space<vmem>>
    %dma_wait3A_465 = tpu.memref_squeeze %dma_wait3A_464 : memref<1x512xi32, #tpu.memory_space<vmem>> -> memref<512xi32, #tpu.memory_space<vmem>>
    %dma_wait3A_466 = tpu.memref_slice %arg2[%add3A_461] : memref<425984xi32, #tpu.memory_space<hbm>> -> memref<512xi32, #tpu.memory_space<hbm>>
    %dma_wait3A_467 = arith.constant 0 : i32
    %dma_wait3A_468 = tpu.memref_slice %arg4[%dma_wait3A_462, %dma_wait3A_467] : memref<26x512xi32, #tpu.memory_space<vmem>> -> memref<1x512xi32, #tpu.memory_space<vmem>>
    %dma_wait3A_469 = tpu.memref_squeeze %dma_wait3A_468 : memref<1x512xi32, #tpu.memory_space<vmem>> -> memref<512xi32, #tpu.memory_space<vmem>>
    %dma_wait3A_470 = tpu.memref_slice %arg2[%add3A_461] : memref<425984xi32, #tpu.memory_space<hbm>> -> memref<512xi32, #tpu.memory_space<hbm>>
    tpu.wait_dma2 semaphore(%arg11 : memref<!tpu.dma_semaphore, #tpu.memory_space<semaphore_mem>>) src(%dma_wait3A_470 : memref<512xi32, #tpu.memory_space<hbm>>) dst(%dma_wait3A_469 : memref<512xi32, #tpu.memory_space<vmem>>)
    %add3A_471 = arith.constant 262144 : i32
    %add3A_472 = arith.addi %add3A_471, %mul3A_2 : i32
    %dma_wait3A_473 = arith.constant 16 : i32
    %dma_wait3A_474 = arith.constant 0 : i32
    %dma_wait3A_475 = tpu.memref_slice %arg4[%dma_wait3A_473, %dma_wait3A_474] : memref<26x512xi32, #tpu.memory_space<vmem>> -> memref<1x512xi32, #tpu.memory_space<vmem>>
    %dma_wait3A_476 = tpu.memref_squeeze %dma_wait3A_475 : memref<1x512xi32, #tpu.memory_space<vmem>> -> memref<512xi32, #tpu.memory_space<vmem>>
    %dma_wait3A_477 = tpu.memref_slice %arg2[%add3A_472] : memref<425984xi32, #tpu.memory_space<hbm>> -> memref<512xi32, #tpu.memory_space<hbm>>
    %dma_wait3A_478 = arith.constant 0 : i32
    %dma_wait3A_479 = tpu.memref_slice %arg4[%dma_wait3A_473, %dma_wait3A_478] : memref<26x512xi32, #tpu.memory_space<vmem>> -> memref<1x512xi32, #tpu.memory_space<vmem>>
    %dma_wait3A_480 = tpu.memref_squeeze %dma_wait3A_479 : memref<1x512xi32, #tpu.memory_space<vmem>> -> memref<512xi32, #tpu.memory_space<vmem>>
    %dma_wait3A_481 = tpu.memref_slice %arg2[%add3A_472] : memref<425984xi32, #tpu.memory_space<hbm>> -> memref<512xi32, #tpu.memory_space<hbm>>
    tpu.wait_dma2 semaphore(%arg11 : memref<!tpu.dma_semaphore, #tpu.memory_space<semaphore_mem>>) src(%dma_wait3A_481 : memref<512xi32, #tpu.memory_space<hbm>>) dst(%dma_wait3A_480 : memref<512xi32, #tpu.memory_space<vmem>>)
    %add3A_482 = arith.constant 278528 : i32
    %add3A_483 = arith.addi %add3A_482, %mul3A_2 : i32
    %dma_wait3A_484 = arith.constant 17 : i32
    %dma_wait3A_485 = arith.constant 0 : i32
    %dma_wait3A_486 = tpu.memref_slice %arg4[%dma_wait3A_484, %dma_wait3A_485] : memref<26x512xi32, #tpu.memory_space<vmem>> -> memref<1x512xi32, #tpu.memory_space<vmem>>
    %dma_wait3A_487 = tpu.memref_squeeze %dma_wait3A_486 : memref<1x512xi32, #tpu.memory_space<vmem>> -> memref<512xi32, #tpu.memory_space<vmem>>
    %dma_wait3A_488 = tpu.memref_slice %arg2[%add3A_483] : memref<425984xi32, #tpu.memory_space<hbm>> -> memref<512xi32, #tpu.memory_space<hbm>>
    %dma_wait3A_489 = arith.constant 0 : i32
    %dma_wait3A_490 = tpu.memref_slice %arg4[%dma_wait3A_484, %dma_wait3A_489] : memref<26x512xi32, #tpu.memory_space<vmem>> -> memref<1x512xi32, #tpu.memory_space<vmem>>
    %dma_wait3A_491 = tpu.memref_squeeze %dma_wait3A_490 : memref<1x512xi32, #tpu.memory_space<vmem>> -> memref<512xi32, #tpu.memory_space<vmem>>
    %dma_wait3A_492 = tpu.memref_slice %arg2[%add3A_483] : memref<425984xi32, #tpu.memory_space<hbm>> -> memref<512xi32, #tpu.memory_space<hbm>>
    tpu.wait_dma2 semaphore(%arg11 : memref<!tpu.dma_semaphore, #tpu.memory_space<semaphore_mem>>) src(%dma_wait3A_492 : memref<512xi32, #tpu.memory_space<hbm>>) dst(%dma_wait3A_491 : memref<512xi32, #tpu.memory_space<vmem>>)
    %add3A_493 = arith.constant 294912 : i32
    %add3A_494 = arith.addi %add3A_493, %mul3A_2 : i32
    %dma_wait3A_495 = arith.constant 18 : i32
    %dma_wait3A_496 = arith.constant 0 : i32
    %dma_wait3A_497 = tpu.memref_slice %arg4[%dma_wait3A_495, %dma_wait3A_496] : memref<26x512xi32, #tpu.memory_space<vmem>> -> memref<1x512xi32, #tpu.memory_space<vmem>>
    %dma_wait3A_498 = tpu.memref_squeeze %dma_wait3A_497 : memref<1x512xi32, #tpu.memory_space<vmem>> -> memref<512xi32, #tpu.memory_space<vmem>>
    %dma_wait3A_499 = tpu.memref_slice %arg2[%add3A_494] : memref<425984xi32, #tpu.memory_space<hbm>> -> memref<512xi32, #tpu.memory_space<hbm>>
    %dma_wait3A_500 = arith.constant 0 : i32
    %dma_wait3A_501 = tpu.memref_slice %arg4[%dma_wait3A_495, %dma_wait3A_500] : memref<26x512xi32, #tpu.memory_space<vmem>> -> memref<1x512xi32, #tpu.memory_space<vmem>>
    %dma_wait3A_502 = tpu.memref_squeeze %dma_wait3A_501 : memref<1x512xi32, #tpu.memory_space<vmem>> -> memref<512xi32, #tpu.memory_space<vmem>>
    %dma_wait3A_503 = tpu.memref_slice %arg2[%add3A_494] : memref<425984xi32, #tpu.memory_space<hbm>> -> memref<512xi32, #tpu.memory_space<hbm>>
    tpu.wait_dma2 semaphore(%arg11 : memref<!tpu.dma_semaphore, #tpu.memory_space<semaphore_mem>>) src(%dma_wait3A_503 : memref<512xi32, #tpu.memory_space<hbm>>) dst(%dma_wait3A_502 : memref<512xi32, #tpu.memory_space<vmem>>)
    %add3A_504 = arith.constant 311296 : i32
    %add3A_505 = arith.addi %add3A_504, %mul3A_2 : i32
    %dma_wait3A_506 = arith.constant 19 : i32
    %dma_wait3A_507 = arith.constant 0 : i32
    %dma_wait3A_508 = tpu.memref_slice %arg4[%dma_wait3A_506, %dma_wait3A_507] : memref<26x512xi32, #tpu.memory_space<vmem>> -> memref<1x512xi32, #tpu.memory_space<vmem>>
    %dma_wait3A_509 = tpu.memref_squeeze %dma_wait3A_508 : memref<1x512xi32, #tpu.memory_space<vmem>> -> memref<512xi32, #tpu.memory_space<vmem>>
    %dma_wait3A_510 = tpu.memref_slice %arg2[%add3A_505] : memref<425984xi32, #tpu.memory_space<hbm>> -> memref<512xi32, #tpu.memory_space<hbm>>
    %dma_wait3A_511 = arith.constant 0 : i32
    %dma_wait3A_512 = tpu.memref_slice %arg4[%dma_wait3A_506, %dma_wait3A_511] : memref<26x512xi32, #tpu.memory_space<vmem>> -> memref<1x512xi32, #tpu.memory_space<vmem>>
    %dma_wait3A_513 = tpu.memref_squeeze %dma_wait3A_512 : memref<1x512xi32, #tpu.memory_space<vmem>> -> memref<512xi32, #tpu.memory_space<vmem>>
    %dma_wait3A_514 = tpu.memref_slice %arg2[%add3A_505] : memref<425984xi32, #tpu.memory_space<hbm>> -> memref<512xi32, #tpu.memory_space<hbm>>
    tpu.wait_dma2 semaphore(%arg11 : memref<!tpu.dma_semaphore, #tpu.memory_space<semaphore_mem>>) src(%dma_wait3A_514 : memref<512xi32, #tpu.memory_space<hbm>>) dst(%dma_wait3A_513 : memref<512xi32, #tpu.memory_space<vmem>>)
    %add3A_515 = arith.constant 327680 : i32
    %add3A_516 = arith.addi %add3A_515, %mul3A_2 : i32
    %dma_wait3A_517 = arith.constant 20 : i32
    %dma_wait3A_518 = arith.constant 0 : i32
    %dma_wait3A_519 = tpu.memref_slice %arg4[%dma_wait3A_517, %dma_wait3A_518] : memref<26x512xi32, #tpu.memory_space<vmem>> -> memref<1x512xi32, #tpu.memory_space<vmem>>
    %dma_wait3A_520 = tpu.memref_squeeze %dma_wait3A_519 : memref<1x512xi32, #tpu.memory_space<vmem>> -> memref<512xi32, #tpu.memory_space<vmem>>
    %dma_wait3A_521 = tpu.memref_slice %arg2[%add3A_516] : memref<425984xi32, #tpu.memory_space<hbm>> -> memref<512xi32, #tpu.memory_space<hbm>>
    %dma_wait3A_522 = arith.constant 0 : i32
    %dma_wait3A_523 = tpu.memref_slice %arg4[%dma_wait3A_517, %dma_wait3A_522] : memref<26x512xi32, #tpu.memory_space<vmem>> -> memref<1x512xi32, #tpu.memory_space<vmem>>
    %dma_wait3A_524 = tpu.memref_squeeze %dma_wait3A_523 : memref<1x512xi32, #tpu.memory_space<vmem>> -> memref<512xi32, #tpu.memory_space<vmem>>
    %dma_wait3A_525 = tpu.memref_slice %arg2[%add3A_516] : memref<425984xi32, #tpu.memory_space<hbm>> -> memref<512xi32, #tpu.memory_space<hbm>>
    tpu.wait_dma2 semaphore(%arg11 : memref<!tpu.dma_semaphore, #tpu.memory_space<semaphore_mem>>) src(%dma_wait3A_525 : memref<512xi32, #tpu.memory_space<hbm>>) dst(%dma_wait3A_524 : memref<512xi32, #tpu.memory_space<vmem>>)
    %add3A_526 = arith.constant 344064 : i32
    %add3A_527 = arith.addi %add3A_526, %mul3A_2 : i32
    %dma_wait3A_528 = arith.constant 21 : i32
    %dma_wait3A_529 = arith.constant 0 : i32
    %dma_wait3A_530 = tpu.memref_slice %arg4[%dma_wait3A_528, %dma_wait3A_529] : memref<26x512xi32, #tpu.memory_space<vmem>> -> memref<1x512xi32, #tpu.memory_space<vmem>>
    %dma_wait3A_531 = tpu.memref_squeeze %dma_wait3A_530 : memref<1x512xi32, #tpu.memory_space<vmem>> -> memref<512xi32, #tpu.memory_space<vmem>>
    %dma_wait3A_532 = tpu.memref_slice %arg2[%add3A_527] : memref<425984xi32, #tpu.memory_space<hbm>> -> memref<512xi32, #tpu.memory_space<hbm>>
    %dma_wait3A_533 = arith.constant 0 : i32
    %dma_wait3A_534 = tpu.memref_slice %arg4[%dma_wait3A_528, %dma_wait3A_533] : memref<26x512xi32, #tpu.memory_space<vmem>> -> memref<1x512xi32, #tpu.memory_space<vmem>>
    %dma_wait3A_535 = tpu.memref_squeeze %dma_wait3A_534 : memref<1x512xi32, #tpu.memory_space<vmem>> -> memref<512xi32, #tpu.memory_space<vmem>>
    %dma_wait3A_536 = tpu.memref_slice %arg2[%add3A_527] : memref<425984xi32, #tpu.memory_space<hbm>> -> memref<512xi32, #tpu.memory_space<hbm>>
    tpu.wait_dma2 semaphore(%arg11 : memref<!tpu.dma_semaphore, #tpu.memory_space<semaphore_mem>>) src(%dma_wait3A_536 : memref<512xi32, #tpu.memory_space<hbm>>) dst(%dma_wait3A_535 : memref<512xi32, #tpu.memory_space<vmem>>)
    %add3A_537 = arith.constant 360448 : i32
    %add3A_538 = arith.addi %add3A_537, %mul3A_2 : i32
    %dma_wait3A_539 = arith.constant 22 : i32
    %dma_wait3A_540 = arith.constant 0 : i32
    %dma_wait3A_541 = tpu.memref_slice %arg4[%dma_wait3A_539, %dma_wait3A_540] : memref<26x512xi32, #tpu.memory_space<vmem>> -> memref<1x512xi32, #tpu.memory_space<vmem>>
    %dma_wait3A_542 = tpu.memref_squeeze %dma_wait3A_541 : memref<1x512xi32, #tpu.memory_space<vmem>> -> memref<512xi32, #tpu.memory_space<vmem>>
    %dma_wait3A_543 = tpu.memref_slice %arg2[%add3A_538] : memref<425984xi32, #tpu.memory_space<hbm>> -> memref<512xi32, #tpu.memory_space<hbm>>
    %dma_wait3A_544 = arith.constant 0 : i32
    %dma_wait3A_545 = tpu.memref_slice %arg4[%dma_wait3A_539, %dma_wait3A_544] : memref<26x512xi32, #tpu.memory_space<vmem>> -> memref<1x512xi32, #tpu.memory_space<vmem>>
    %dma_wait3A_546 = tpu.memref_squeeze %dma_wait3A_545 : memref<1x512xi32, #tpu.memory_space<vmem>> -> memref<512xi32, #tpu.memory_space<vmem>>
    %dma_wait3A_547 = tpu.memref_slice %arg2[%add3A_538] : memref<425984xi32, #tpu.memory_space<hbm>> -> memref<512xi32, #tpu.memory_space<hbm>>
    tpu.wait_dma2 semaphore(%arg11 : memref<!tpu.dma_semaphore, #tpu.memory_space<semaphore_mem>>) src(%dma_wait3A_547 : memref<512xi32, #tpu.memory_space<hbm>>) dst(%dma_wait3A_546 : memref<512xi32, #tpu.memory_space<vmem>>)
    %add3A_548 = arith.constant 376832 : i32
    %add3A_549 = arith.addi %add3A_548, %mul3A_2 : i32
    %dma_wait3A_550 = arith.constant 23 : i32
    %dma_wait3A_551 = arith.constant 0 : i32
    %dma_wait3A_552 = tpu.memref_slice %arg4[%dma_wait3A_550, %dma_wait3A_551] : memref<26x512xi32, #tpu.memory_space<vmem>> -> memref<1x512xi32, #tpu.memory_space<vmem>>
    %dma_wait3A_553 = tpu.memref_squeeze %dma_wait3A_552 : memref<1x512xi32, #tpu.memory_space<vmem>> -> memref<512xi32, #tpu.memory_space<vmem>>
    %dma_wait3A_554 = tpu.memref_slice %arg2[%add3A_549] : memref<425984xi32, #tpu.memory_space<hbm>> -> memref<512xi32, #tpu.memory_space<hbm>>
    %dma_wait3A_555 = arith.constant 0 : i32
    %dma_wait3A_556 = tpu.memref_slice %arg4[%dma_wait3A_550, %dma_wait3A_555] : memref<26x512xi32, #tpu.memory_space<vmem>> -> memref<1x512xi32, #tpu.memory_space<vmem>>
    %dma_wait3A_557 = tpu.memref_squeeze %dma_wait3A_556 : memref<1x512xi32, #tpu.memory_space<vmem>> -> memref<512xi32, #tpu.memory_space<vmem>>
    %dma_wait3A_558 = tpu.memref_slice %arg2[%add3A_549] : memref<425984xi32, #tpu.memory_space<hbm>> -> memref<512xi32, #tpu.memory_space<hbm>>
    tpu.wait_dma2 semaphore(%arg11 : memref<!tpu.dma_semaphore, #tpu.memory_space<semaphore_mem>>) src(%dma_wait3A_558 : memref<512xi32, #tpu.memory_space<hbm>>) dst(%dma_wait3A_557 : memref<512xi32, #tpu.memory_space<vmem>>)
    %add3A_559 = arith.constant 393216 : i32
    %add3A_560 = arith.addi %add3A_559, %mul3A_2 : i32
    %dma_wait3A_561 = arith.constant 24 : i32
    %dma_wait3A_562 = arith.constant 0 : i32
    %dma_wait3A_563 = tpu.memref_slice %arg4[%dma_wait3A_561, %dma_wait3A_562] : memref<26x512xi32, #tpu.memory_space<vmem>> -> memref<1x512xi32, #tpu.memory_space<vmem>>
    %dma_wait3A_564 = tpu.memref_squeeze %dma_wait3A_563 : memref<1x512xi32, #tpu.memory_space<vmem>> -> memref<512xi32, #tpu.memory_space<vmem>>
    %dma_wait3A_565 = tpu.memref_slice %arg2[%add3A_560] : memref<425984xi32, #tpu.memory_space<hbm>> -> memref<512xi32, #tpu.memory_space<hbm>>
    %dma_wait3A_566 = arith.constant 0 : i32
    %dma_wait3A_567 = tpu.memref_slice %arg4[%dma_wait3A_561, %dma_wait3A_566] : memref<26x512xi32, #tpu.memory_space<vmem>> -> memref<1x512xi32, #tpu.memory_space<vmem>>
    %dma_wait3A_568 = tpu.memref_squeeze %dma_wait3A_567 : memref<1x512xi32, #tpu.memory_space<vmem>> -> memref<512xi32, #tpu.memory_space<vmem>>
    %dma_wait3A_569 = tpu.memref_slice %arg2[%add3A_560] : memref<425984xi32, #tpu.memory_space<hbm>> -> memref<512xi32, #tpu.memory_space<hbm>>
    tpu.wait_dma2 semaphore(%arg11 : memref<!tpu.dma_semaphore, #tpu.memory_space<semaphore_mem>>) src(%dma_wait3A_569 : memref<512xi32, #tpu.memory_space<hbm>>) dst(%dma_wait3A_568 : memref<512xi32, #tpu.memory_space<vmem>>)
    %add3A_570 = arith.constant 409600 : i32
    %add3A_571 = arith.addi %add3A_570, %mul3A_2 : i32
    %dma_wait3A_572 = arith.constant 25 : i32
    %dma_wait3A_573 = arith.constant 0 : i32
    %dma_wait3A_574 = tpu.memref_slice %arg4[%dma_wait3A_572, %dma_wait3A_573] : memref<26x512xi32, #tpu.memory_space<vmem>> -> memref<1x512xi32, #tpu.memory_space<vmem>>
    %dma_wait3A_575 = tpu.memref_squeeze %dma_wait3A_574 : memref<1x512xi32, #tpu.memory_space<vmem>> -> memref<512xi32, #tpu.memory_space<vmem>>
    %dma_wait3A_576 = tpu.memref_slice %arg2[%add3A_571] : memref<425984xi32, #tpu.memory_space<hbm>> -> memref<512xi32, #tpu.memory_space<hbm>>
    %dma_wait3A_577 = arith.constant 0 : i32
    %dma_wait3A_578 = tpu.memref_slice %arg4[%dma_wait3A_572, %dma_wait3A_577] : memref<26x512xi32, #tpu.memory_space<vmem>> -> memref<1x512xi32, #tpu.memory_space<vmem>>
    %dma_wait3A_579 = tpu.memref_squeeze %dma_wait3A_578 : memref<1x512xi32, #tpu.memory_space<vmem>> -> memref<512xi32, #tpu.memory_space<vmem>>
    %dma_wait3A_580 = tpu.memref_slice %arg2[%add3A_571] : memref<425984xi32, #tpu.memory_space<hbm>> -> memref<512xi32, #tpu.memory_space<hbm>>
    tpu.wait_dma2 semaphore(%arg11 : memref<!tpu.dma_semaphore, #tpu.memory_space<semaphore_mem>>) src(%dma_wait3A_580 : memref<512xi32, #tpu.memory_space<hbm>>) dst(%dma_wait3A_579 : memref<512xi32, #tpu.memory_space<vmem>>)
    %add3A_581 = arith.constant 0 : i32
    %add3A_582 = vector.broadcast %add3A_581 : i32 to vector<16xi32>
    %add3A_583 = arith.addi %iota3A, %add3A_582 : vector<16xi32>
    %get3A = arith.constant 0 : i32
    %get3A_584 = arith.index_cast %get3A : i32 to index
    %get3A_585 = arith.constant 0 : index
    %get3A_586 = tpu.vector_load %arg4[%get3A_584, %get3A_585] {strides = array<i32>} : memref<26x512xi32, #tpu.memory_space<vmem>>, vector<16xi32>,
    %min3A = arith.constant 95 : i32
    %min3A_587 = vector.broadcast %min3A : i32 to vector<16xi32>
    %min3A_588 = arith.minsi %get3A_586, %min3A_587 : vector<16xi32>
    %swap3A = arith.constant 0 : index
    %swap3A_589 = tpu.vector_load %arg7[%swap3A] {strides = array<i32>} : memref<512xi32, #tpu.memory_space<vmem>>, vector<16xi32>,
    tpu.vector_store %arg7[%swap3A], %min3A_588 {strides = array<i32>} : memref<512xi32, #tpu.memory_space<vmem>>, vector<16xi32>,
    %lt3A = arith.constant 96 : i32
    %lt3A_590 = vector.broadcast %lt3A : i32 to vector<16xi32>
    %lt3A_591 = arith.cmpi slt, %get3A_586, %lt3A_590 : vector<16xi32>
    tpu.vector_store_idx %arg5[%min3A_588, %add3A_583], %broadcast_in_dim3A_290 masked %lt3A_591 : memref<96x512xf32, #tpu.memory_space<vmem>>[vector<16xi32>, vector<16xi32>], vector<16xf32>, vector<16xi1>
    %add3A_592 = arith.constant 16 : i32
    %add3A_593 = vector.broadcast %add3A_592 : i32 to vector<16xi32>
    %add3A_594 = arith.addi %iota3A, %add3A_593 : vector<16xi32>
    %get3A_595 = arith.constant 0 : i32
    %get3A_596 = arith.index_cast %get3A_595 : i32 to index
    %get3A_597 = arith.constant 16 : index
    %get3A_598 = tpu.vector_load %arg4[%get3A_596, %get3A_597] {strides = array<i32>} : memref<26x512xi32, #tpu.memory_space<vmem>>, vector<16xi32>,
    %min3A_599 = arith.constant 95 : i32
    %min3A_600 = vector.broadcast %min3A_599 : i32 to vector<16xi32>
    %min3A_601 = arith.minsi %get3A_598, %min3A_600 : vector<16xi32>
    %swap3A_602 = arith.constant 16 : index
    %swap3A_603 = tpu.vector_load %arg7[%swap3A_602] {strides = array<i32>} : memref<512xi32, #tpu.memory_space<vmem>>, vector<16xi32>,
    tpu.vector_store %arg7[%swap3A_602], %min3A_601 {strides = array<i32>} : memref<512xi32, #tpu.memory_space<vmem>>, vector<16xi32>,
    %lt3A_604 = arith.constant 96 : i32
    %lt3A_605 = vector.broadcast %lt3A_604 : i32 to vector<16xi32>
    %lt3A_606 = arith.cmpi slt, %get3A_598, %lt3A_605 : vector<16xi32>
    tpu.vector_store_idx %arg5[%min3A_601, %add3A_594], %broadcast_in_dim3A_290 masked %lt3A_606 : memref<96x512xf32, #tpu.memory_space<vmem>>[vector<16xi32>, vector<16xi32>], vector<16xf32>, vector<16xi1>
    %add3A_607 = arith.constant 32 : i32
    %add3A_608 = vector.broadcast %add3A_607 : i32 to vector<16xi32>
    %add3A_609 = arith.addi %iota3A, %add3A_608 : vector<16xi32>
    %get3A_610 = arith.constant 0 : i32
    %get3A_611 = arith.index_cast %get3A_610 : i32 to index
    %get3A_612 = arith.constant 32 : index
    %get3A_613 = tpu.vector_load %arg4[%get3A_611, %get3A_612] {strides = array<i32>} : memref<26x512xi32, #tpu.memory_space<vmem>>, vector<16xi32>,
    %min3A_614 = arith.constant 95 : i32
    %min3A_615 = vector.broadcast %min3A_614 : i32 to vector<16xi32>
    %min3A_616 = arith.minsi %get3A_613, %min3A_615 : vector<16xi32>
    %swap3A_617 = arith.constant 32 : index
    %swap3A_618 = tpu.vector_load %arg7[%swap3A_617] {strides = array<i32>} : memref<512xi32, #tpu.memory_space<vmem>>, vector<16xi32>,
    tpu.vector_store %arg7[%swap3A_617], %min3A_616 {strides = array<i32>} : memref<512xi32, #tpu.memory_space<vmem>>, vector<16xi32>,
    %lt3A_619 = arith.constant 96 : i32
    %lt3A_620 = vector.broadcast %lt3A_619 : i32 to vector<16xi32>
    %lt3A_621 = arith.cmpi slt, %get3A_613, %lt3A_620 : vector<16xi32>
    tpu.vector_store_idx %arg5[%min3A_616, %add3A_609], %broadcast_in_dim3A_290 masked %lt3A_621 : memref<96x512xf32, #tpu.memory_space<vmem>>[vector<16xi32>, vector<16xi32>], vector<16xf32>, vector<16xi1>
    %add3A_622 = arith.constant 48 : i32
    %add3A_623 = vector.broadcast %add3A_622 : i32 to vector<16xi32>
    %add3A_624 = arith.addi %iota3A, %add3A_623 : vector<16xi32>
    %get3A_625 = arith.constant 0 : i32
    %get3A_626 = arith.index_cast %get3A_625 : i32 to index
    %get3A_627 = arith.constant 48 : index
    %get3A_628 = tpu.vector_load %arg4[%get3A_626, %get3A_627] {strides = array<i32>} : memref<26x512xi32, #tpu.memory_space<vmem>>, vector<16xi32>,
    %min3A_629 = arith.constant 95 : i32
    %min3A_630 = vector.broadcast %min3A_629 : i32 to vector<16xi32>
    %min3A_631 = arith.minsi %get3A_628, %min3A_630 : vector<16xi32>
    %swap3A_632 = arith.constant 48 : index
    %swap3A_633 = tpu.vector_load %arg7[%swap3A_632] {strides = array<i32>} : memref<512xi32, #tpu.memory_space<vmem>>, vector<16xi32>,
    tpu.vector_store %arg7[%swap3A_632], %min3A_631 {strides = array<i32>} : memref<512xi32, #tpu.memory_space<vmem>>, vector<16xi32>,
    %lt3A_634 = arith.constant 96 : i32
    %lt3A_635 = vector.broadcast %lt3A_634 : i32 to vector<16xi32>
    %lt3A_636 = arith.cmpi slt, %get3A_628, %lt3A_635 : vector<16xi32>
    tpu.vector_store_idx %arg5[%min3A_631, %add3A_624], %broadcast_in_dim3A_290 masked %lt3A_636 : memref<96x512xf32, #tpu.memory_space<vmem>>[vector<16xi32>, vector<16xi32>], vector<16xf32>, vector<16xi1>
    %add3A_637 = arith.constant 64 : i32
    %add3A_638 = vector.broadcast %add3A_637 : i32 to vector<16xi32>
    %add3A_639 = arith.addi %iota3A, %add3A_638 : vector<16xi32>
    %get3A_640 = arith.constant 0 : i32
    %get3A_641 = arith.index_cast %get3A_640 : i32 to index
    %get3A_642 = arith.constant 64 : index
    %get3A_643 = tpu.vector_load %arg4[%get3A_641, %get3A_642] {strides = array<i32>} : memref<26x512xi32, #tpu.memory_space<vmem>>, vector<16xi32>,
    %min3A_644 = arith.constant 95 : i32
    %min3A_645 = vector.broadcast %min3A_644 : i32 to vector<16xi32>
    %min3A_646 = arith.minsi %get3A_643, %min3A_645 : vector<16xi32>
    %swap3A_647 = arith.constant 64 : index
    %swap3A_648 = tpu.vector_load %arg7[%swap3A_647] {strides = array<i32>} : memref<512xi32, #tpu.memory_space<vmem>>, vector<16xi32>,
    tpu.vector_store %arg7[%swap3A_647], %min3A_646 {strides = array<i32>} : memref<512xi32, #tpu.memory_space<vmem>>, vector<16xi32>,
    %lt3A_649 = arith.constant 96 : i32
    %lt3A_650 = vector.broadcast %lt3A_649 : i32 to vector<16xi32>
    %lt3A_651 = arith.cmpi slt, %get3A_643, %lt3A_650 : vector<16xi32>
    tpu.vector_store_idx %arg5[%min3A_646, %add3A_639], %broadcast_in_dim3A_290 masked %lt3A_651 : memref<96x512xf32, #tpu.memory_space<vmem>>[vector<16xi32>, vector<16xi32>], vector<16xf32>, vector<16xi1>
    %add3A_652 = arith.constant 80 : i32
    %add3A_653 = vector.broadcast %add3A_652 : i32 to vector<16xi32>
    %add3A_654 = arith.addi %iota3A, %add3A_653 : vector<16xi32>
    %get3A_655 = arith.constant 0 : i32
    %get3A_656 = arith.index_cast %get3A_655 : i32 to index
    %get3A_657 = arith.constant 80 : index
    %get3A_658 = tpu.vector_load %arg4[%get3A_656, %get3A_657] {strides = array<i32>} : memref<26x512xi32, #tpu.memory_space<vmem>>, vector<16xi32>,
    %min3A_659 = arith.constant 95 : i32
    %min3A_660 = vector.broadcast %min3A_659 : i32 to vector<16xi32>
    %min3A_661 = arith.minsi %get3A_658, %min3A_660 : vector<16xi32>
    %swap3A_662 = arith.constant 80 : index
    %swap3A_663 = tpu.vector_load %arg7[%swap3A_662] {strides = array<i32>} : memref<512xi32, #tpu.memory_space<vmem>>, vector<16xi32>,
    tpu.vector_store %arg7[%swap3A_662], %min3A_661 {strides = array<i32>} : memref<512xi32, #tpu.memory_space<vmem>>, vector<16xi32>,
    %lt3A_664 = arith.constant 96 : i32
    %lt3A_665 = vector.broadcast %lt3A_664 : i32 to vector<16xi32>
    %lt3A_666 = arith.cmpi slt, %get3A_658, %lt3A_665 : vector<16xi32>
    tpu.vector_store_idx %arg5[%min3A_661, %add3A_654], %broadcast_in_dim3A_290 masked %lt3A_666 : memref<96x512xf32, #tpu.memory_space<vmem>>[vector<16xi32>, vector<16xi32>], vector<16xf32>, vector<16xi1>
    %add3A_667 = arith.constant 96 : i32
    %add3A_668 = vector.broadcast %add3A_667 : i32 to vector<16xi32>
    %add3A_669 = arith.addi %iota3A, %add3A_668 : vector<16xi32>
    %get3A_670 = arith.constant 0 : i32
    %get3A_671 = arith.index_cast %get3A_670 : i32 to index
    %get3A_672 = arith.constant 96 : index
    %get3A_673 = tpu.vector_load %arg4[%get3A_671, %get3A_672] {strides = array<i32>} : memref<26x512xi32, #tpu.memory_space<vmem>>, vector<16xi32>,
    %min3A_674 = arith.constant 95 : i32
    %min3A_675 = vector.broadcast %min3A_674 : i32 to vector<16xi32>
    %min3A_676 = arith.minsi %get3A_673, %min3A_675 : vector<16xi32>
    %swap3A_677 = arith.constant 96 : index
    %swap3A_678 = tpu.vector_load %arg7[%swap3A_677] {strides = array<i32>} : memref<512xi32, #tpu.memory_space<vmem>>, vector<16xi32>,
    tpu.vector_store %arg7[%swap3A_677], %min3A_676 {strides = array<i32>} : memref<512xi32, #tpu.memory_space<vmem>>, vector<16xi32>,
    %lt3A_679 = arith.constant 96 : i32
    %lt3A_680 = vector.broadcast %lt3A_679 : i32 to vector<16xi32>
    %lt3A_681 = arith.cmpi slt, %get3A_673, %lt3A_680 : vector<16xi32>
    tpu.vector_store_idx %arg5[%min3A_676, %add3A_669], %broadcast_in_dim3A_290 masked %lt3A_681 : memref<96x512xf32, #tpu.memory_space<vmem>>[vector<16xi32>, vector<16xi32>], vector<16xf32>, vector<16xi1>
    %add3A_682 = arith.constant 112 : i32
    %add3A_683 = vector.broadcast %add3A_682 : i32 to vector<16xi32>
    %add3A_684 = arith.addi %iota3A, %add3A_683 : vector<16xi32>
    %get3A_685 = arith.constant 0 : i32
    %get3A_686 = arith.index_cast %get3A_685 : i32 to index
    %get3A_687 = arith.constant 112 : index
    %get3A_688 = tpu.vector_load %arg4[%get3A_686, %get3A_687] {strides = array<i32>} : memref<26x512xi32, #tpu.memory_space<vmem>>, vector<16xi32>,
    %min3A_689 = arith.constant 95 : i32
    %min3A_690 = vector.broadcast %min3A_689 : i32 to vector<16xi32>
    %min3A_691 = arith.minsi %get3A_688, %min3A_690 : vector<16xi32>
    %swap3A_692 = arith.constant 112 : index
    %swap3A_693 = tpu.vector_load %arg7[%swap3A_692] {strides = array<i32>} : memref<512xi32, #tpu.memory_space<vmem>>, vector<16xi32>,
    tpu.vector_store %arg7[%swap3A_692], %min3A_691 {strides = array<i32>} : memref<512xi32, #tpu.memory_space<vmem>>, vector<16xi32>,
    %lt3A_694 = arith.constant 96 : i32
    %lt3A_695 = vector.broadcast %lt3A_694 : i32 to vector<16xi32>
    %lt3A_696 = arith.cmpi slt, %get3A_688, %lt3A_695 : vector<16xi32>
    tpu.vector_store_idx %arg5[%min3A_691, %add3A_684], %broadcast_in_dim3A_290 masked %lt3A_696 : memref<96x512xf32, #tpu.memory_space<vmem>>[vector<16xi32>, vector<16xi32>], vector<16xf32>, vector<16xi1>
    %add3A_697 = arith.constant 128 : i32
    %add3A_698 = vector.broadcast %add3A_697 : i32 to vector<16xi32>
    %add3A_699 = arith.addi %iota3A, %add3A_698 : vector<16xi32>
    %get3A_700 = arith.constant 0 : i32
    %get3A_701 = arith.index_cast %get3A_700 : i32 to index
    %get3A_702 = arith.constant 128 : index
    %get3A_703 = tpu.vector_load %arg4[%get3A_701, %get3A_702] {strides = array<i32>} : memref<26x512xi32, #tpu.memory_space<vmem>>, vector<16xi32>,
    %min3A_704 = arith.constant 95 : i32
    %min3A_705 = vector.broadcast %min3A_704 : i32 to vector<16xi32>
    %min3A_706 = arith.minsi %get3A_703, %min3A_705 : vector<16xi32>
    %swap3A_707 = arith.constant 128 : index
    %swap3A_708 = tpu.vector_load %arg7[%swap3A_707] {strides = array<i32>} : memref<512xi32, #tpu.memory_space<vmem>>, vector<16xi32>,
    tpu.vector_store %arg7[%swap3A_707], %min3A_706 {strides = array<i32>} : memref<512xi32, #tpu.memory_space<vmem>>, vector<16xi32>,
    %lt3A_709 = arith.constant 96 : i32
    %lt3A_710 = vector.broadcast %lt3A_709 : i32 to vector<16xi32>
    %lt3A_711 = arith.cmpi slt, %get3A_703, %lt3A_710 : vector<16xi32>
    tpu.vector_store_idx %arg5[%min3A_706, %add3A_699], %broadcast_in_dim3A_290 masked %lt3A_711 : memref<96x512xf32, #tpu.memory_space<vmem>>[vector<16xi32>, vector<16xi32>], vector<16xf32>, vector<16xi1>
    %add3A_712 = arith.constant 144 : i32
    %add3A_713 = vector.broadcast %add3A_712 : i32 to vector<16xi32>
    %add3A_714 = arith.addi %iota3A, %add3A_713 : vector<16xi32>
    %get3A_715 = arith.constant 0 : i32
    %get3A_716 = arith.index_cast %get3A_715 : i32 to index
    %get3A_717 = arith.constant 144 : index
    %get3A_718 = tpu.vector_load %arg4[%get3A_716, %get3A_717] {strides = array<i32>} : memref<26x512xi32, #tpu.memory_space<vmem>>, vector<16xi32>,
    %min3A_719 = arith.constant 95 : i32
    %min3A_720 = vector.broadcast %min3A_719 : i32 to vector<16xi32>
    %min3A_721 = arith.minsi %get3A_718, %min3A_720 : vector<16xi32>
    %swap3A_722 = arith.constant 144 : index
    %swap3A_723 = tpu.vector_load %arg7[%swap3A_722] {strides = array<i32>} : memref<512xi32, #tpu.memory_space<vmem>>, vector<16xi32>,
    tpu.vector_store %arg7[%swap3A_722], %min3A_721 {strides = array<i32>} : memref<512xi32, #tpu.memory_space<vmem>>, vector<16xi32>,
    %lt3A_724 = arith.constant 96 : i32
    %lt3A_725 = vector.broadcast %lt3A_724 : i32 to vector<16xi32>
    %lt3A_726 = arith.cmpi slt, %get3A_718, %lt3A_725 : vector<16xi32>
    tpu.vector_store_idx %arg5[%min3A_721, %add3A_714], %broadcast_in_dim3A_290 masked %lt3A_726 : memref<96x512xf32, #tpu.memory_space<vmem>>[vector<16xi32>, vector<16xi32>], vector<16xf32>, vector<16xi1>
    %add3A_727 = arith.constant 160 : i32
    %add3A_728 = vector.broadcast %add3A_727 : i32 to vector<16xi32>
    %add3A_729 = arith.addi %iota3A, %add3A_728 : vector<16xi32>
    %get3A_730 = arith.constant 0 : i32
    %get3A_731 = arith.index_cast %get3A_730 : i32 to index
    %get3A_732 = arith.constant 160 : index
    %get3A_733 = tpu.vector_load %arg4[%get3A_731, %get3A_732] {strides = array<i32>} : memref<26x512xi32, #tpu.memory_space<vmem>>, vector<16xi32>,
    %min3A_734 = arith.constant 95 : i32
    %min3A_735 = vector.broadcast %min3A_734 : i32 to vector<16xi32>
    %min3A_736 = arith.minsi %get3A_733, %min3A_735 : vector<16xi32>
    %swap3A_737 = arith.constant 160 : index
    %swap3A_738 = tpu.vector_load %arg7[%swap3A_737] {strides = array<i32>} : memref<512xi32, #tpu.memory_space<vmem>>, vector<16xi32>,
    tpu.vector_store %arg7[%swap3A_737], %min3A_736 {strides = array<i32>} : memref<512xi32, #tpu.memory_space<vmem>>, vector<16xi32>,
    %lt3A_739 = arith.constant 96 : i32
    %lt3A_740 = vector.broadcast %lt3A_739 : i32 to vector<16xi32>
    %lt3A_741 = arith.cmpi slt, %get3A_733, %lt3A_740 : vector<16xi32>
    tpu.vector_store_idx %arg5[%min3A_736, %add3A_729], %broadcast_in_dim3A_290 masked %lt3A_741 : memref<96x512xf32, #tpu.memory_space<vmem>>[vector<16xi32>, vector<16xi32>], vector<16xf32>, vector<16xi1>
    %add3A_742 = arith.constant 176 : i32
    %add3A_743 = vector.broadcast %add3A_742 : i32 to vector<16xi32>
    %add3A_744 = arith.addi %iota3A, %add3A_743 : vector<16xi32>
    %get3A_745 = arith.constant 0 : i32
    %get3A_746 = arith.index_cast %get3A_745 : i32 to index
    %get3A_747 = arith.constant 176 : index
    %get3A_748 = tpu.vector_load %arg4[%get3A_746, %get3A_747] {strides = array<i32>} : memref<26x512xi32, #tpu.memory_space<vmem>>, vector<16xi32>,
    %min3A_749 = arith.constant 95 : i32
    %min3A_750 = vector.broadcast %min3A_749 : i32 to vector<16xi32>
    %min3A_751 = arith.minsi %get3A_748, %min3A_750 : vector<16xi32>
    %swap3A_752 = arith.constant 176 : index
    %swap3A_753 = tpu.vector_load %arg7[%swap3A_752] {strides = array<i32>} : memref<512xi32, #tpu.memory_space<vmem>>, vector<16xi32>,
    tpu.vector_store %arg7[%swap3A_752], %min3A_751 {strides = array<i32>} : memref<512xi32, #tpu.memory_space<vmem>>, vector<16xi32>,
    %lt3A_754 = arith.constant 96 : i32
    %lt3A_755 = vector.broadcast %lt3A_754 : i32 to vector<16xi32>
    %lt3A_756 = arith.cmpi slt, %get3A_748, %lt3A_755 : vector<16xi32>
    tpu.vector_store_idx %arg5[%min3A_751, %add3A_744], %broadcast_in_dim3A_290 masked %lt3A_756 : memref<96x512xf32, #tpu.memory_space<vmem>>[vector<16xi32>, vector<16xi32>], vector<16xf32>, vector<16xi1>
    %add3A_757 = arith.constant 192 : i32
    %add3A_758 = vector.broadcast %add3A_757 : i32 to vector<16xi32>
    %add3A_759 = arith.addi %iota3A, %add3A_758 : vector<16xi32>
    %get3A_760 = arith.constant 0 : i32
    %get3A_761 = arith.index_cast %get3A_760 : i32 to index
    %get3A_762 = arith.constant 192 : index
    %get3A_763 = tpu.vector_load %arg4[%get3A_761, %get3A_762] {strides = array<i32>} : memref<26x512xi32, #tpu.memory_space<vmem>>, vector<16xi32>,
    %min3A_764 = arith.constant 95 : i32
    %min3A_765 = vector.broadcast %min3A_764 : i32 to vector<16xi32>
    %min3A_766 = arith.minsi %get3A_763, %min3A_765 : vector<16xi32>
    %swap3A_767 = arith.constant 192 : index
    %swap3A_768 = tpu.vector_load %arg7[%swap3A_767] {strides = array<i32>} : memref<512xi32, #tpu.memory_space<vmem>>, vector<16xi32>,
    tpu.vector_store %arg7[%swap3A_767], %min3A_766 {strides = array<i32>} : memref<512xi32, #tpu.memory_space<vmem>>, vector<16xi32>,
    %lt3A_769 = arith.constant 96 : i32
    %lt3A_770 = vector.broadcast %lt3A_769 : i32 to vector<16xi32>
    %lt3A_771 = arith.cmpi slt, %get3A_763, %lt3A_770 : vector<16xi32>
    tpu.vector_store_idx %arg5[%min3A_766, %add3A_759], %broadcast_in_dim3A_290 masked %lt3A_771 : memref<96x512xf32, #tpu.memory_space<vmem>>[vector<16xi32>, vector<16xi32>], vector<16xf32>, vector<16xi1>
    %add3A_772 = arith.constant 208 : i32
    %add3A_773 = vector.broadcast %add3A_772 : i32 to vector<16xi32>
    %add3A_774 = arith.addi %iota3A, %add3A_773 : vector<16xi32>
    %get3A_775 = arith.constant 0 : i32
    %get3A_776 = arith.index_cast %get3A_775 : i32 to index
    %get3A_777 = arith.constant 208 : index
    %get3A_778 = tpu.vector_load %arg4[%get3A_776, %get3A_777] {strides = array<i32>} : memref<26x512xi32, #tpu.memory_space<vmem>>, vector<16xi32>,
    %min3A_779 = arith.constant 95 : i32
    %min3A_780 = vector.broadcast %min3A_779 : i32 to vector<16xi32>
    %min3A_781 = arith.minsi %get3A_778, %min3A_780 : vector<16xi32>
    %swap3A_782 = arith.constant 208 : index
    %swap3A_783 = tpu.vector_load %arg7[%swap3A_782] {strides = array<i32>} : memref<512xi32, #tpu.memory_space<vmem>>, vector<16xi32>,
    tpu.vector_store %arg7[%swap3A_782], %min3A_781 {strides = array<i32>} : memref<512xi32, #tpu.memory_space<vmem>>, vector<16xi32>,
    %lt3A_784 = arith.constant 96 : i32
    %lt3A_785 = vector.broadcast %lt3A_784 : i32 to vector<16xi32>
    %lt3A_786 = arith.cmpi slt, %get3A_778, %lt3A_785 : vector<16xi32>
    tpu.vector_store_idx %arg5[%min3A_781, %add3A_774], %broadcast_in_dim3A_290 masked %lt3A_786 : memref<96x512xf32, #tpu.memory_space<vmem>>[vector<16xi32>, vector<16xi32>], vector<16xf32>, vector<16xi1>
    %add3A_787 = arith.constant 224 : i32
    %add3A_788 = vector.broadcast %add3A_787 : i32 to vector<16xi32>
    %add3A_789 = arith.addi %iota3A, %add3A_788 : vector<16xi32>
    %get3A_790 = arith.constant 0 : i32
    %get3A_791 = arith.index_cast %get3A_790 : i32 to index
    %get3A_792 = arith.constant 224 : index
    %get3A_793 = tpu.vector_load %arg4[%get3A_791, %get3A_792] {strides = array<i32>} : memref<26x512xi32, #tpu.memory_space<vmem>>, vector<16xi32>,
    %min3A_794 = arith.constant 95 : i32
    %min3A_795 = vector.broadcast %min3A_794 : i32 to vector<16xi32>
    %min3A_796 = arith.minsi %get3A_793, %min3A_795 : vector<16xi32>
    %swap3A_797 = arith.constant 224 : index
    %swap3A_798 = tpu.vector_load %arg7[%swap3A_797] {strides = array<i32>} : memref<512xi32, #tpu.memory_space<vmem>>, vector<16xi32>,
    tpu.vector_store %arg7[%swap3A_797], %min3A_796 {strides = array<i32>} : memref<512xi32, #tpu.memory_space<vmem>>, vector<16xi32>,
    %lt3A_799 = arith.constant 96 : i32
    %lt3A_800 = vector.broadcast %lt3A_799 : i32 to vector<16xi32>
    %lt3A_801 = arith.cmpi slt, %get3A_793, %lt3A_800 : vector<16xi32>
    tpu.vector_store_idx %arg5[%min3A_796, %add3A_789], %broadcast_in_dim3A_290 masked %lt3A_801 : memref<96x512xf32, #tpu.memory_space<vmem>>[vector<16xi32>, vector<16xi32>], vector<16xf32>, vector<16xi1>
    %add3A_802 = arith.constant 240 : i32
    %add3A_803 = vector.broadcast %add3A_802 : i32 to vector<16xi32>
    %add3A_804 = arith.addi %iota3A, %add3A_803 : vector<16xi32>
    %get3A_805 = arith.constant 0 : i32
    %get3A_806 = arith.index_cast %get3A_805 : i32 to index
    %get3A_807 = arith.constant 240 : index
    %get3A_808 = tpu.vector_load %arg4[%get3A_806, %get3A_807] {strides = array<i32>} : memref<26x512xi32, #tpu.memory_space<vmem>>, vector<16xi32>,
    %min3A_809 = arith.constant 95 : i32
    %min3A_810 = vector.broadcast %min3A_809 : i32 to vector<16xi32>
    %min3A_811 = arith.minsi %get3A_808, %min3A_810 : vector<16xi32>
    %swap3A_812 = arith.constant 240 : index
    %swap3A_813 = tpu.vector_load %arg7[%swap3A_812] {strides = array<i32>} : memref<512xi32, #tpu.memory_space<vmem>>, vector<16xi32>,
    tpu.vector_store %arg7[%swap3A_812], %min3A_811 {strides = array<i32>} : memref<512xi32, #tpu.memory_space<vmem>>, vector<16xi32>,
    %lt3A_814 = arith.constant 96 : i32
    %lt3A_815 = vector.broadcast %lt3A_814 : i32 to vector<16xi32>
    %lt3A_816 = arith.cmpi slt, %get3A_808, %lt3A_815 : vector<16xi32>
    tpu.vector_store_idx %arg5[%min3A_811, %add3A_804], %broadcast_in_dim3A_290 masked %lt3A_816 : memref<96x512xf32, #tpu.memory_space<vmem>>[vector<16xi32>, vector<16xi32>], vector<16xf32>, vector<16xi1>
    %add3A_817 = arith.constant 256 : i32
    %add3A_818 = vector.broadcast %add3A_817 : i32 to vector<16xi32>
    %add3A_819 = arith.addi %iota3A, %add3A_818 : vector<16xi32>
    %get3A_820 = arith.constant 0 : i32
    %get3A_821 = arith.index_cast %get3A_820 : i32 to index
    %get3A_822 = arith.constant 256 : index
    %get3A_823 = tpu.vector_load %arg4[%get3A_821, %get3A_822] {strides = array<i32>} : memref<26x512xi32, #tpu.memory_space<vmem>>, vector<16xi32>,
    %min3A_824 = arith.constant 95 : i32
    %min3A_825 = vector.broadcast %min3A_824 : i32 to vector<16xi32>
    %min3A_826 = arith.minsi %get3A_823, %min3A_825 : vector<16xi32>
    %swap3A_827 = arith.constant 256 : index
    %swap3A_828 = tpu.vector_load %arg7[%swap3A_827] {strides = array<i32>} : memref<512xi32, #tpu.memory_space<vmem>>, vector<16xi32>,
    tpu.vector_store %arg7[%swap3A_827], %min3A_826 {strides = array<i32>} : memref<512xi32, #tpu.memory_space<vmem>>, vector<16xi32>,
    %lt3A_829 = arith.constant 96 : i32
    %lt3A_830 = vector.broadcast %lt3A_829 : i32 to vector<16xi32>
    %lt3A_831 = arith.cmpi slt, %get3A_823, %lt3A_830 : vector<16xi32>
    tpu.vector_store_idx %arg5[%min3A_826, %add3A_819], %broadcast_in_dim3A_290 masked %lt3A_831 : memref<96x512xf32, #tpu.memory_space<vmem>>[vector<16xi32>, vector<16xi32>], vector<16xf32>, vector<16xi1>
    %add3A_832 = arith.constant 272 : i32
    %add3A_833 = vector.broadcast %add3A_832 : i32 to vector<16xi32>
    %add3A_834 = arith.addi %iota3A, %add3A_833 : vector<16xi32>
    %get3A_835 = arith.constant 0 : i32
    %get3A_836 = arith.index_cast %get3A_835 : i32 to index
    %get3A_837 = arith.constant 272 : index
    %get3A_838 = tpu.vector_load %arg4[%get3A_836, %get3A_837] {strides = array<i32>} : memref<26x512xi32, #tpu.memory_space<vmem>>, vector<16xi32>,
    %min3A_839 = arith.constant 95 : i32
    %min3A_840 = vector.broadcast %min3A_839 : i32 to vector<16xi32>
    %min3A_841 = arith.minsi %get3A_838, %min3A_840 : vector<16xi32>
    %swap3A_842 = arith.constant 272 : index
    %swap3A_843 = tpu.vector_load %arg7[%swap3A_842] {strides = array<i32>} : memref<512xi32, #tpu.memory_space<vmem>>, vector<16xi32>,
    tpu.vector_store %arg7[%swap3A_842], %min3A_841 {strides = array<i32>} : memref<512xi32, #tpu.memory_space<vmem>>, vector<16xi32>,
    %lt3A_844 = arith.constant 96 : i32
    %lt3A_845 = vector.broadcast %lt3A_844 : i32 to vector<16xi32>
    %lt3A_846 = arith.cmpi slt, %get3A_838, %lt3A_845 : vector<16xi32>
    tpu.vector_store_idx %arg5[%min3A_841, %add3A_834], %broadcast_in_dim3A_290 masked %lt3A_846 : memref<96x512xf32, #tpu.memory_space<vmem>>[vector<16xi32>, vector<16xi32>], vector<16xf32>, vector<16xi1>
    %add3A_847 = arith.constant 288 : i32
    %add3A_848 = vector.broadcast %add3A_847 : i32 to vector<16xi32>
    %add3A_849 = arith.addi %iota3A, %add3A_848 : vector<16xi32>
    %get3A_850 = arith.constant 0 : i32
    %get3A_851 = arith.index_cast %get3A_850 : i32 to index
    %get3A_852 = arith.constant 288 : index
    %get3A_853 = tpu.vector_load %arg4[%get3A_851, %get3A_852] {strides = array<i32>} : memref<26x512xi32, #tpu.memory_space<vmem>>, vector<16xi32>,
    %min3A_854 = arith.constant 95 : i32
    %min3A_855 = vector.broadcast %min3A_854 : i32 to vector<16xi32>
    %min3A_856 = arith.minsi %get3A_853, %min3A_855 : vector<16xi32>
    %swap3A_857 = arith.constant 288 : index
    %swap3A_858 = tpu.vector_load %arg7[%swap3A_857] {strides = array<i32>} : memref<512xi32, #tpu.memory_space<vmem>>, vector<16xi32>,
    tpu.vector_store %arg7[%swap3A_857], %min3A_856 {strides = array<i32>} : memref<512xi32, #tpu.memory_space<vmem>>, vector<16xi32>,
    %lt3A_859 = arith.constant 96 : i32
    %lt3A_860 = vector.broadcast %lt3A_859 : i32 to vector<16xi32>
    %lt3A_861 = arith.cmpi slt, %get3A_853, %lt3A_860 : vector<16xi32>
    tpu.vector_store_idx %arg5[%min3A_856, %add3A_849], %broadcast_in_dim3A_290 masked %lt3A_861 : memref<96x512xf32, #tpu.memory_space<vmem>>[vector<16xi32>, vector<16xi32>], vector<16xf32>, vector<16xi1>
    %add3A_862 = arith.constant 304 : i32
    %add3A_863 = vector.broadcast %add3A_862 : i32 to vector<16xi32>
    %add3A_864 = arith.addi %iota3A, %add3A_863 : vector<16xi32>
    %get3A_865 = arith.constant 0 : i32
    %get3A_866 = arith.index_cast %get3A_865 : i32 to index
    %get3A_867 = arith.constant 304 : index
    %get3A_868 = tpu.vector_load %arg4[%get3A_866, %get3A_867] {strides = array<i32>} : memref<26x512xi32, #tpu.memory_space<vmem>>, vector<16xi32>,
    %min3A_869 = arith.constant 95 : i32
    %min3A_870 = vector.broadcast %min3A_869 : i32 to vector<16xi32>
    %min3A_871 = arith.minsi %get3A_868, %min3A_870 : vector<16xi32>
    %swap3A_872 = arith.constant 304 : index
    %swap3A_873 = tpu.vector_load %arg7[%swap3A_872] {strides = array<i32>} : memref<512xi32, #tpu.memory_space<vmem>>, vector<16xi32>,
    tpu.vector_store %arg7[%swap3A_872], %min3A_871 {strides = array<i32>} : memref<512xi32, #tpu.memory_space<vmem>>, vector<16xi32>,
    %lt3A_874 = arith.constant 96 : i32
    %lt3A_875 = vector.broadcast %lt3A_874 : i32 to vector<16xi32>
    %lt3A_876 = arith.cmpi slt, %get3A_868, %lt3A_875 : vector<16xi32>
    tpu.vector_store_idx %arg5[%min3A_871, %add3A_864], %broadcast_in_dim3A_290 masked %lt3A_876 : memref<96x512xf32, #tpu.memory_space<vmem>>[vector<16xi32>, vector<16xi32>], vector<16xf32>, vector<16xi1>
    %add3A_877 = arith.constant 320 : i32
    %add3A_878 = vector.broadcast %add3A_877 : i32 to vector<16xi32>
    %add3A_879 = arith.addi %iota3A, %add3A_878 : vector<16xi32>
    %get3A_880 = arith.constant 0 : i32
    %get3A_881 = arith.index_cast %get3A_880 : i32 to index
    %get3A_882 = arith.constant 320 : index
    %get3A_883 = tpu.vector_load %arg4[%get3A_881, %get3A_882] {strides = array<i32>} : memref<26x512xi32, #tpu.memory_space<vmem>>, vector<16xi32>,
    %min3A_884 = arith.constant 95 : i32
    %min3A_885 = vector.broadcast %min3A_884 : i32 to vector<16xi32>
    %min3A_886 = arith.minsi %get3A_883, %min3A_885 : vector<16xi32>
    %swap3A_887 = arith.constant 320 : index
    %swap3A_888 = tpu.vector_load %arg7[%swap3A_887] {strides = array<i32>} : memref<512xi32, #tpu.memory_space<vmem>>, vector<16xi32>,
    tpu.vector_store %arg7[%swap3A_887], %min3A_886 {strides = array<i32>} : memref<512xi32, #tpu.memory_space<vmem>>, vector<16xi32>,
    %lt3A_889 = arith.constant 96 : i32
    %lt3A_890 = vector.broadcast %lt3A_889 : i32 to vector<16xi32>
    %lt3A_891 = arith.cmpi slt, %get3A_883, %lt3A_890 : vector<16xi32>
    tpu.vector_store_idx %arg5[%min3A_886, %add3A_879], %broadcast_in_dim3A_290 masked %lt3A_891 : memref<96x512xf32, #tpu.memory_space<vmem>>[vector<16xi32>, vector<16xi32>], vector<16xf32>, vector<16xi1>
    %add3A_892 = arith.constant 336 : i32
    %add3A_893 = vector.broadcast %add3A_892 : i32 to vector<16xi32>
    %add3A_894 = arith.addi %iota3A, %add3A_893 : vector<16xi32>
    %get3A_895 = arith.constant 0 : i32
    %get3A_896 = arith.index_cast %get3A_895 : i32 to index
    %get3A_897 = arith.constant 336 : index
    %get3A_898 = tpu.vector_load %arg4[%get3A_896, %get3A_897] {strides = array<i32>} : memref<26x512xi32, #tpu.memory_space<vmem>>, vector<16xi32>,
    %min3A_899 = arith.constant 95 : i32
    %min3A_900 = vector.broadcast %min3A_899 : i32 to vector<16xi32>
    %min3A_901 = arith.minsi %get3A_898, %min3A_900 : vector<16xi32>
    %swap3A_902 = arith.constant 336 : index
    %swap3A_903 = tpu.vector_load %arg7[%swap3A_902] {strides = array<i32>} : memref<512xi32, #tpu.memory_space<vmem>>, vector<16xi32>,
    tpu.vector_store %arg7[%swap3A_902], %min3A_901 {strides = array<i32>} : memref<512xi32, #tpu.memory_space<vmem>>, vector<16xi32>,
    %lt3A_904 = arith.constant 96 : i32
    %lt3A_905 = vector.broadcast %lt3A_904 : i32 to vector<16xi32>
    %lt3A_906 = arith.cmpi slt, %get3A_898, %lt3A_905 : vector<16xi32>
    tpu.vector_store_idx %arg5[%min3A_901, %add3A_894], %broadcast_in_dim3A_290 masked %lt3A_906 : memref<96x512xf32, #tpu.memory_space<vmem>>[vector<16xi32>, vector<16xi32>], vector<16xf32>, vector<16xi1>
    %add3A_907 = arith.constant 352 : i32
    %add3A_908 = vector.broadcast %add3A_907 : i32 to vector<16xi32>
    %add3A_909 = arith.addi %iota3A, %add3A_908 : vector<16xi32>
    %get3A_910 = arith.constant 0 : i32
    %get3A_911 = arith.index_cast %get3A_910 : i32 to index
    %get3A_912 = arith.constant 352 : index
    %get3A_913 = tpu.vector_load %arg4[%get3A_911, %get3A_912] {strides = array<i32>} : memref<26x512xi32, #tpu.memory_space<vmem>>, vector<16xi32>,
    %min3A_914 = arith.constant 95 : i32
    %min3A_915 = vector.broadcast %min3A_914 : i32 to vector<16xi32>
    %min3A_916 = arith.minsi %get3A_913, %min3A_915 : vector<16xi32>
    %swap3A_917 = arith.constant 352 : index
    %swap3A_918 = tpu.vector_load %arg7[%swap3A_917] {strides = array<i32>} : memref<512xi32, #tpu.memory_space<vmem>>, vector<16xi32>,
    tpu.vector_store %arg7[%swap3A_917], %min3A_916 {strides = array<i32>} : memref<512xi32, #tpu.memory_space<vmem>>, vector<16xi32>,
    %lt3A_919 = arith.constant 96 : i32
    %lt3A_920 = vector.broadcast %lt3A_919 : i32 to vector<16xi32>
    %lt3A_921 = arith.cmpi slt, %get3A_913, %lt3A_920 : vector<16xi32>
    tpu.vector_store_idx %arg5[%min3A_916, %add3A_909], %broadcast_in_dim3A_290 masked %lt3A_921 : memref<96x512xf32, #tpu.memory_space<vmem>>[vector<16xi32>, vector<16xi32>], vector<16xf32>, vector<16xi1>
    %add3A_922 = arith.constant 368 : i32
    %add3A_923 = vector.broadcast %add3A_922 : i32 to vector<16xi32>
    %add3A_924 = arith.addi %iota3A, %add3A_923 : vector<16xi32>
    %get3A_925 = arith.constant 0 : i32
    %get3A_926 = arith.index_cast %get3A_925 : i32 to index
    %get3A_927 = arith.constant 368 : index
    %get3A_928 = tpu.vector_load %arg4[%get3A_926, %get3A_927] {strides = array<i32>} : memref<26x512xi32, #tpu.memory_space<vmem>>, vector<16xi32>,
    %min3A_929 = arith.constant 95 : i32
    %min3A_930 = vector.broadcast %min3A_929 : i32 to vector<16xi32>
    %min3A_931 = arith.minsi %get3A_928, %min3A_930 : vector<16xi32>
    %swap3A_932 = arith.constant 368 : index
    %swap3A_933 = tpu.vector_load %arg7[%swap3A_932] {strides = array<i32>} : memref<512xi32, #tpu.memory_space<vmem>>, vector<16xi32>,
    tpu.vector_store %arg7[%swap3A_932], %min3A_931 {strides = array<i32>} : memref<512xi32, #tpu.memory_space<vmem>>, vector<16xi32>,
    %lt3A_934 = arith.constant 96 : i32
    %lt3A_935 = vector.broadcast %lt3A_934 : i32 to vector<16xi32>
    %lt3A_936 = arith.cmpi slt, %get3A_928, %lt3A_935 : vector<16xi32>
    tpu.vector_store_idx %arg5[%min3A_931, %add3A_924], %broadcast_in_dim3A_290 masked %lt3A_936 : memref<96x512xf32, #tpu.memory_space<vmem>>[vector<16xi32>, vector<16xi32>], vector<16xf32>, vector<16xi1>
    %add3A_937 = arith.constant 384 : i32
    %add3A_938 = vector.broadcast %add3A_937 : i32 to vector<16xi32>
    %add3A_939 = arith.addi %iota3A, %add3A_938 : vector<16xi32>
    %get3A_940 = arith.constant 0 : i32
    %get3A_941 = arith.index_cast %get3A_940 : i32 to index
    %get3A_942 = arith.constant 384 : index
    %get3A_943 = tpu.vector_load %arg4[%get3A_941, %get3A_942] {strides = array<i32>} : memref<26x512xi32, #tpu.memory_space<vmem>>, vector<16xi32>,
    %min3A_944 = arith.constant 95 : i32
    %min3A_945 = vector.broadcast %min3A_944 : i32 to vector<16xi32>
    %min3A_946 = arith.minsi %get3A_943, %min3A_945 : vector<16xi32>
    %swap3A_947 = arith.constant 384 : index
    %swap3A_948 = tpu.vector_load %arg7[%swap3A_947] {strides = array<i32>} : memref<512xi32, #tpu.memory_space<vmem>>, vector<16xi32>,
    tpu.vector_store %arg7[%swap3A_947], %min3A_946 {strides = array<i32>} : memref<512xi32, #tpu.memory_space<vmem>>, vector<16xi32>,
    %lt3A_949 = arith.constant 96 : i32
    %lt3A_950 = vector.broadcast %lt3A_949 : i32 to vector<16xi32>
    %lt3A_951 = arith.cmpi slt, %get3A_943, %lt3A_950 : vector<16xi32>
    tpu.vector_store_idx %arg5[%min3A_946, %add3A_939], %broadcast_in_dim3A_290 masked %lt3A_951 : memref<96x512xf32, #tpu.memory_space<vmem>>[vector<16xi32>, vector<16xi32>], vector<16xf32>, vector<16xi1>
    %add3A_952 = arith.constant 400 : i32
    %add3A_953 = vector.broadcast %add3A_952 : i32 to vector<16xi32>
    %add3A_954 = arith.addi %iota3A, %add3A_953 : vector<16xi32>
    %get3A_955 = arith.constant 0 : i32
    %get3A_956 = arith.index_cast %get3A_955 : i32 to index
    %get3A_957 = arith.constant 400 : index
    %get3A_958 = tpu.vector_load %arg4[%get3A_956, %get3A_957] {strides = array<i32>} : memref<26x512xi32, #tpu.memory_space<vmem>>, vector<16xi32>,
    %min3A_959 = arith.constant 95 : i32
    %min3A_960 = vector.broadcast %min3A_959 : i32 to vector<16xi32>
    %min3A_961 = arith.minsi %get3A_958, %min3A_960 : vector<16xi32>
    %swap3A_962 = arith.constant 400 : index
    %swap3A_963 = tpu.vector_load %arg7[%swap3A_962] {strides = array<i32>} : memref<512xi32, #tpu.memory_space<vmem>>, vector<16xi32>,
    tpu.vector_store %arg7[%swap3A_962], %min3A_961 {strides = array<i32>} : memref<512xi32, #tpu.memory_space<vmem>>, vector<16xi32>,
    %lt3A_964 = arith.constant 96 : i32
    %lt3A_965 = vector.broadcast %lt3A_964 : i32 to vector<16xi32>
    %lt3A_966 = arith.cmpi slt, %get3A_958, %lt3A_965 : vector<16xi32>
    tpu.vector_store_idx %arg5[%min3A_961, %add3A_954], %broadcast_in_dim3A_290 masked %lt3A_966 : memref<96x512xf32, #tpu.memory_space<vmem>>[vector<16xi32>, vector<16xi32>], vector<16xf32>, vector<16xi1>
    %add3A_967 = arith.constant 416 : i32
    %add3A_968 = vector.broadcast %add3A_967 : i32 to vector<16xi32>
    %add3A_969 = arith.addi %iota3A, %add3A_968 : vector<16xi32>
    %get3A_970 = arith.constant 0 : i32
    %get3A_971 = arith.index_cast %get3A_970 : i32 to index
    %get3A_972 = arith.constant 416 : index
    %get3A_973 = tpu.vector_load %arg4[%get3A_971, %get3A_972] {strides = array<i32>} : memref<26x512xi32, #tpu.memory_space<vmem>>, vector<16xi32>,
    %min3A_974 = arith.constant 95 : i32
    %min3A_975 = vector.broadcast %min3A_974 : i32 to vector<16xi32>
    %min3A_976 = arith.minsi %get3A_973, %min3A_975 : vector<16xi32>
    %swap3A_977 = arith.constant 416 : index
    %swap3A_978 = tpu.vector_load %arg7[%swap3A_977] {strides = array<i32>} : memref<512xi32, #tpu.memory_space<vmem>>, vector<16xi32>,
    tpu.vector_store %arg7[%swap3A_977], %min3A_976 {strides = array<i32>} : memref<512xi32, #tpu.memory_space<vmem>>, vector<16xi32>,
    %lt3A_979 = arith.constant 96 : i32
    %lt3A_980 = vector.broadcast %lt3A_979 : i32 to vector<16xi32>
    %lt3A_981 = arith.cmpi slt, %get3A_973, %lt3A_980 : vector<16xi32>
    tpu.vector_store_idx %arg5[%min3A_976, %add3A_969], %broadcast_in_dim3A_290 masked %lt3A_981 : memref<96x512xf32, #tpu.memory_space<vmem>>[vector<16xi32>, vector<16xi32>], vector<16xf32>, vector<16xi1>
    %add3A_982 = arith.constant 432 : i32
    %add3A_983 = vector.broadcast %add3A_982 : i32 to vector<16xi32>
    %add3A_984 = arith.addi %iota3A, %add3A_983 : vector<16xi32>
    %get3A_985 = arith.constant 0 : i32
    %get3A_986 = arith.index_cast %get3A_985 : i32 to index
    %get3A_987 = arith.constant 432 : index
    %get3A_988 = tpu.vector_load %arg4[%get3A_986, %get3A_987] {strides = array<i32>} : memref<26x512xi32, #tpu.memory_space<vmem>>, vector<16xi32>,
    %min3A_989 = arith.constant 95 : i32
    %min3A_990 = vector.broadcast %min3A_989 : i32 to vector<16xi32>
    %min3A_991 = arith.minsi %get3A_988, %min3A_990 : vector<16xi32>
    %swap3A_992 = arith.constant 432 : index
    %swap3A_993 = tpu.vector_load %arg7[%swap3A_992] {strides = array<i32>} : memref<512xi32, #tpu.memory_space<vmem>>, vector<16xi32>,
    tpu.vector_store %arg7[%swap3A_992], %min3A_991 {strides = array<i32>} : memref<512xi32, #tpu.memory_space<vmem>>, vector<16xi32>,
    %lt3A_994 = arith.constant 96 : i32
    %lt3A_995 = vector.broadcast %lt3A_994 : i32 to vector<16xi32>
    %lt3A_996 = arith.cmpi slt, %get3A_988, %lt3A_995 : vector<16xi32>
    tpu.vector_store_idx %arg5[%min3A_991, %add3A_984], %broadcast_in_dim3A_290 masked %lt3A_996 : memref<96x512xf32, #tpu.memory_space<vmem>>[vector<16xi32>, vector<16xi32>], vector<16xf32>, vector<16xi1>
    %add3A_997 = arith.constant 448 : i32
    %add3A_998 = vector.broadcast %add3A_997 : i32 to vector<16xi32>
    %add3A_999 = arith.addi %iota3A, %add3A_998 : vector<16xi32>
    %get3A_1000 = arith.constant 0 : i32
    %get3A_1001 = arith.index_cast %get3A_1000 : i32 to index
    %get3A_1002 = arith.constant 448 : index
    %get3A_1003 = tpu.vector_load %arg4[%get3A_1001, %get3A_1002] {strides = array<i32>} : memref<26x512xi32, #tpu.memory_space<vmem>>, vector<16xi32>,
    %min3A_1004 = arith.constant 95 : i32
    %min3A_1005 = vector.broadcast %min3A_1004 : i32 to vector<16xi32>
    %min3A_1006 = arith.minsi %get3A_1003, %min3A_1005 : vector<16xi32>
    %swap3A_1007 = arith.constant 448 : index
    %swap3A_1008 = tpu.vector_load %arg7[%swap3A_1007] {strides = array<i32>} : memref<512xi32, #tpu.memory_space<vmem>>, vector<16xi32>,
    tpu.vector_store %arg7[%swap3A_1007], %min3A_1006 {strides = array<i32>} : memref<512xi32, #tpu.memory_space<vmem>>, vector<16xi32>,
    %lt3A_1009 = arith.constant 96 : i32
    %lt3A_1010 = vector.broadcast %lt3A_1009 : i32 to vector<16xi32>
    %lt3A_1011 = arith.cmpi slt, %get3A_1003, %lt3A_1010 : vector<16xi32>
    tpu.vector_store_idx %arg5[%min3A_1006, %add3A_999], %broadcast_in_dim3A_290 masked %lt3A_1011 : memref<96x512xf32, #tpu.memory_space<vmem>>[vector<16xi32>, vector<16xi32>], vector<16xf32>, vector<16xi1>
    %add3A_1012 = arith.constant 464 : i32
    %add3A_1013 = vector.broadcast %add3A_1012 : i32 to vector<16xi32>
    %add3A_1014 = arith.addi %iota3A, %add3A_1013 : vector<16xi32>
    %get3A_1015 = arith.constant 0 : i32
    %get3A_1016 = arith.index_cast %get3A_1015 : i32 to index
    %get3A_1017 = arith.constant 464 : index
    %get3A_1018 = tpu.vector_load %arg4[%get3A_1016, %get3A_1017] {strides = array<i32>} : memref<26x512xi32, #tpu.memory_space<vmem>>, vector<16xi32>,
    %min3A_1019 = arith.constant 95 : i32
    %min3A_1020 = vector.broadcast %min3A_1019 : i32 to vector<16xi32>
    %min3A_1021 = arith.minsi %get3A_1018, %min3A_1020 : vector<16xi32>
    %swap3A_1022 = arith.constant 464 : index
    %swap3A_1023 = tpu.vector_load %arg7[%swap3A_1022] {strides = array<i32>} : memref<512xi32, #tpu.memory_space<vmem>>, vector<16xi32>,
    tpu.vector_store %arg7[%swap3A_1022], %min3A_1021 {strides = array<i32>} : memref<512xi32, #tpu.memory_space<vmem>>, vector<16xi32>,
    %lt3A_1024 = arith.constant 96 : i32
    %lt3A_1025 = vector.broadcast %lt3A_1024 : i32 to vector<16xi32>
    %lt3A_1026 = arith.cmpi slt, %get3A_1018, %lt3A_1025 : vector<16xi32>
    tpu.vector_store_idx %arg5[%min3A_1021, %add3A_1014], %broadcast_in_dim3A_290 masked %lt3A_1026 : memref<96x512xf32, #tpu.memory_space<vmem>>[vector<16xi32>, vector<16xi32>], vector<16xf32>, vector<16xi1>
    %add3A_1027 = arith.constant 480 : i32
    %add3A_1028 = vector.broadcast %add3A_1027 : i32 to vector<16xi32>
    %add3A_1029 = arith.addi %iota3A, %add3A_1028 : vector<16xi32>
    %get3A_1030 = arith.constant 0 : i32
    %get3A_1031 = arith.index_cast %get3A_1030 : i32 to index
    %get3A_1032 = arith.constant 480 : index
    %get3A_1033 = tpu.vector_load %arg4[%get3A_1031, %get3A_1032] {strides = array<i32>} : memref<26x512xi32, #tpu.memory_space<vmem>>, vector<16xi32>,
    %min3A_1034 = arith.constant 95 : i32
    %min3A_1035 = vector.broadcast %min3A_1034 : i32 to vector<16xi32>
    %min3A_1036 = arith.minsi %get3A_1033, %min3A_1035 : vector<16xi32>
    %swap3A_1037 = arith.constant 480 : index
    %swap3A_1038 = tpu.vector_load %arg7[%swap3A_1037] {strides = array<i32>} : memref<512xi32, #tpu.memory_space<vmem>>, vector<16xi32>,
    tpu.vector_store %arg7[%swap3A_1037], %min3A_1036 {strides = array<i32>} : memref<512xi32, #tpu.memory_space<vmem>>, vector<16xi32>,
    %lt3A_1039 = arith.constant 96 : i32
    %lt3A_1040 = vector.broadcast %lt3A_1039 : i32 to vector<16xi32>
    %lt3A_1041 = arith.cmpi slt, %get3A_1033, %lt3A_1040 : vector<16xi32>
    tpu.vector_store_idx %arg5[%min3A_1036, %add3A_1029], %broadcast_in_dim3A_290 masked %lt3A_1041 : memref<96x512xf32, #tpu.memory_space<vmem>>[vector<16xi32>, vector<16xi32>], vector<16xf32>, vector<16xi1>
    %add3A_1042 = arith.constant 496 : i32
    %add3A_1043 = vector.broadcast %add3A_1042 : i32 to vector<16xi32>
    %add3A_1044 = arith.addi %iota3A, %add3A_1043 : vector<16xi32>
    %get3A_1045 = arith.constant 0 : i32
    %get3A_1046 = arith.index_cast %get3A_1045 : i32 to index
    %get3A_1047 = arith.constant 496 : index
    %get3A_1048 = tpu.vector_load %arg4[%get3A_1046, %get3A_1047] {strides = array<i32>} : memref<26x512xi32, #tpu.memory_space<vmem>>, vector<16xi32>,
    %min3A_1049 = arith.constant 95 : i32
    %min3A_1050 = vector.broadcast %min3A_1049 : i32 to vector<16xi32>
    %min3A_1051 = arith.minsi %get3A_1048, %min3A_1050 : vector<16xi32>
    %swap3A_1052 = arith.constant 496 : index
    %swap3A_1053 = tpu.vector_load %arg7[%swap3A_1052] {strides = array<i32>} : memref<512xi32, #tpu.memory_space<vmem>>, vector<16xi32>,
    tpu.vector_store %arg7[%swap3A_1052], %min3A_1051 {strides = array<i32>} : memref<512xi32, #tpu.memory_space<vmem>>, vector<16xi32>,
    %lt3A_1054 = arith.constant 96 : i32
    %lt3A_1055 = vector.broadcast %lt3A_1054 : i32 to vector<16xi32>
    %lt3A_1056 = arith.cmpi slt, %get3A_1048, %lt3A_1055 : vector<16xi32>
    tpu.vector_store_idx %arg5[%min3A_1051, %add3A_1044], %broadcast_in_dim3A_290 masked %lt3A_1056 : memref<96x512xf32, #tpu.memory_space<vmem>>[vector<16xi32>, vector<16xi32>], vector<16xf32>, vector<16xi1>
    %mul3A_1057 = arith.constant 0 : i32
    %mul3A_1058 = arith.constant 200 : i32
    %mul3A_1059 = arith.muli %mul3A_1057, %mul3A_1058 : i32
    %dma_start3A_1060 = tpu.memref_slice %arg3[%mul3A_1059, %mul3A_2] : memref<5200x16384xf32, #tpu.memory_space<hbm>> -> memref<96x512xf32, #tpu.memory_space<hbm>>
    %dma_start3A_1061 = tpu.memref_slice %arg3[%mul3A_1059, %mul3A_2] : memref<5200x16384xf32, #tpu.memory_space<hbm>> -> memref<96x512xf32, #tpu.memory_space<hbm>>
    tpu.enqueue_dma source(%arg5 : memref<96x512xf32, #tpu.memory_space<vmem>>) target(%dma_start3A_1061 : memref<96x512xf32, #tpu.memory_space<hbm>>) target_semaphore(%arg9 : memref<!tpu.dma_semaphore, #tpu.memory_space<semaphore_mem>>)
    %scan3A_1062 = arith.constant 0 : i32
    %scan3A_1063 = arith.constant 0 : i32
    %scan3A_1064 = arith.constant 104 : i32
    %scan3A_1065 = arith.addi %scan3A_1063, %scan3A_1064 : i32
    %scan3A_1066 = arith.constant 1 : i32
    scf.for %scan3A_1666 = %scan3A_1063 to %scan3A_1065 step %scan3A_1066  : i32 {
      %swap3A_1667 = arith.index_cast %scan3A_1666 : i32 to index
      %swap3A_1668 = arith.constant 0 : index
      %swap3A_1669 = tpu.vector_load %arg6[%swap3A_1667, %swap3A_1668] {strides = array<i32>} : memref<104x512xf32, #tpu.memory_space<vmem>>, vector<16xf32>,
      tpu.vector_store %arg6[%swap3A_1667, %swap3A_1668], %broadcast_in_dim3A_288 {strides = array<i32>} : memref<104x512xf32, #tpu.memory_space<vmem>>, vector<16xf32>,
      %swap3A_1670 = arith.index_cast %scan3A_1666 : i32 to index
      %swap3A_1671 = arith.constant 16 : index
      %swap3A_1672 = tpu.vector_load %arg6[%swap3A_1670, %swap3A_1671] {strides = array<i32>} : memref<104x512xf32, #tpu.memory_space<vmem>>, vector<16xf32>,
      tpu.vector_store %arg6[%swap3A_1670, %swap3A_1671], %broadcast_in_dim3A_288 {strides = array<i32>} : memref<104x512xf32, #tpu.memory_space<vmem>>, vector<16xf32>,
      %swap3A_1673 = arith.index_cast %scan3A_1666 : i32 to index
      %swap3A_1674 = arith.constant 32 : index
      %swap3A_1675 = tpu.vector_load %arg6[%swap3A_1673, %swap3A_1674] {strides = array<i32>} : memref<104x512xf32, #tpu.memory_space<vmem>>, vector<16xf32>,
      tpu.vector_store %arg6[%swap3A_1673, %swap3A_1674], %broadcast_in_dim3A_288 {strides = array<i32>} : memref<104x512xf32, #tpu.memory_space<vmem>>, vector<16xf32>,
      %swap3A_1676 = arith.index_cast %scan3A_1666 : i32 to index
      %swap3A_1677 = arith.constant 48 : index
      %swap3A_1678 = tpu.vector_load %arg6[%swap3A_1676, %swap3A_1677] {strides = array<i32>} : memref<104x512xf32, #tpu.memory_space<vmem>>, vector<16xf32>,
      tpu.vector_store %arg6[%swap3A_1676, %swap3A_1677], %broadcast_in_dim3A_288 {strides = array<i32>} : memref<104x512xf32, #tpu.memory_space<vmem>>, vector<16xf32>,
      %swap3A_1679 = arith.index_cast %scan3A_1666 : i32 to index
      %swap3A_1680 = arith.constant 64 : index
      %swap3A_1681 = tpu.vector_load %arg6[%swap3A_1679, %swap3A_1680] {strides = array<i32>} : memref<104x512xf32, #tpu.memory_space<vmem>>, vector<16xf32>,
      tpu.vector_store %arg6[%swap3A_1679, %swap3A_1680], %broadcast_in_dim3A_288 {strides = array<i32>} : memref<104x512xf32, #tpu.memory_space<vmem>>, vector<16xf32>,
      %swap3A_1682 = arith.index_cast %scan3A_1666 : i32 to index
      %swap3A_1683 = arith.constant 80 : index
      %swap3A_1684 = tpu.vector_load %arg6[%swap3A_1682, %swap3A_1683] {strides = array<i32>} : memref<104x512xf32, #tpu.memory_space<vmem>>, vector<16xf32>,
      tpu.vector_store %arg6[%swap3A_1682, %swap3A_1683], %broadcast_in_dim3A_288 {strides = array<i32>} : memref<104x512xf32, #tpu.memory_space<vmem>>, vector<16xf32>,
      %swap3A_1685 = arith.index_cast %scan3A_1666 : i32 to index
      %swap3A_1686 = arith.constant 96 : index
      %swap3A_1687 = tpu.vector_load %arg6[%swap3A_1685, %swap3A_1686] {strides = array<i32>} : memref<104x512xf32, #tpu.memory_space<vmem>>, vector<16xf32>,
      tpu.vector_store %arg6[%swap3A_1685, %swap3A_1686], %broadcast_in_dim3A_288 {strides = array<i32>} : memref<104x512xf32, #tpu.memory_space<vmem>>, vector<16xf32>,
      %swap3A_1688 = arith.index_cast %scan3A_1666 : i32 to index
      %swap3A_1689 = arith.constant 112 : index
      %swap3A_1690 = tpu.vector_load %arg6[%swap3A_1688, %swap3A_1689] {strides = array<i32>} : memref<104x512xf32, #tpu.memory_space<vmem>>, vector<16xf32>,
      tpu.vector_store %arg6[%swap3A_1688, %swap3A_1689], %broadcast_in_dim3A_288 {strides = array<i32>} : memref<104x512xf32, #tpu.memory_space<vmem>>, vector<16xf32>,
      %swap3A_1691 = arith.index_cast %scan3A_1666 : i32 to index
      %swap3A_1692 = arith.constant 128 : index
      %swap3A_1693 = tpu.vector_load %arg6[%swap3A_1691, %swap3A_1692] {strides = array<i32>} : memref<104x512xf32, #tpu.memory_space<vmem>>, vector<16xf32>,
      tpu.vector_store %arg6[%swap3A_1691, %swap3A_1692], %broadcast_in_dim3A_288 {strides = array<i32>} : memref<104x512xf32, #tpu.memory_space<vmem>>, vector<16xf32>,
      %swap3A_1694 = arith.index_cast %scan3A_1666 : i32 to index
      %swap3A_1695 = arith.constant 144 : index
      %swap3A_1696 = tpu.vector_load %arg6[%swap3A_1694, %swap3A_1695] {strides = array<i32>} : memref<104x512xf32, #tpu.memory_space<vmem>>, vector<16xf32>,
      tpu.vector_store %arg6[%swap3A_1694, %swap3A_1695], %broadcast_in_dim3A_288 {strides = array<i32>} : memref<104x512xf32, #tpu.memory_space<vmem>>, vector<16xf32>,
      %swap3A_1697 = arith.index_cast %scan3A_1666 : i32 to index
      %swap3A_1698 = arith.constant 160 : index
      %swap3A_1699 = tpu.vector_load %arg6[%swap3A_1697, %swap3A_1698] {strides = array<i32>} : memref<104x512xf32, #tpu.memory_space<vmem>>, vector<16xf32>,
      tpu.vector_store %arg6[%swap3A_1697, %swap3A_1698], %broadcast_in_dim3A_288 {strides = array<i32>} : memref<104x512xf32, #tpu.memory_space<vmem>>, vector<16xf32>,
      %swap3A_1700 = arith.index_cast %scan3A_1666 : i32 to index
      %swap3A_1701 = arith.constant 176 : index
      %swap3A_1702 = tpu.vector_load %arg6[%swap3A_1700, %swap3A_1701] {strides = array<i32>} : memref<104x512xf32, #tpu.memory_space<vmem>>, vector<16xf32>,
      tpu.vector_store %arg6[%swap3A_1700, %swap3A_1701], %broadcast_in_dim3A_288 {strides = array<i32>} : memref<104x512xf32, #tpu.memory_space<vmem>>, vector<16xf32>,
      %swap3A_1703 = arith.index_cast %scan3A_1666 : i32 to index
      %swap3A_1704 = arith.constant 192 : index
      %swap3A_1705 = tpu.vector_load %arg6[%swap3A_1703, %swap3A_1704] {strides = array<i32>} : memref<104x512xf32, #tpu.memory_space<vmem>>, vector<16xf32>,
      tpu.vector_store %arg6[%swap3A_1703, %swap3A_1704], %broadcast_in_dim3A_288 {strides = array<i32>} : memref<104x512xf32, #tpu.memory_space<vmem>>, vector<16xf32>,
      %swap3A_1706 = arith.index_cast %scan3A_1666 : i32 to index
      %swap3A_1707 = arith.constant 208 : index
      %swap3A_1708 = tpu.vector_load %arg6[%swap3A_1706, %swap3A_1707] {strides = array<i32>} : memref<104x512xf32, #tpu.memory_space<vmem>>, vector<16xf32>,
      tpu.vector_store %arg6[%swap3A_1706, %swap3A_1707], %broadcast_in_dim3A_288 {strides = array<i32>} : memref<104x512xf32, #tpu.memory_space<vmem>>, vector<16xf32>,
      %swap3A_1709 = arith.index_cast %scan3A_1666 : i32 to index
      %swap3A_1710 = arith.constant 224 : index
      %swap3A_1711 = tpu.vector_load %arg6[%swap3A_1709, %swap3A_1710] {strides = array<i32>} : memref<104x512xf32, #tpu.memory_space<vmem>>, vector<16xf32>,
      tpu.vector_store %arg6[%swap3A_1709, %swap3A_1710], %broadcast_in_dim3A_288 {strides = array<i32>} : memref<104x512xf32, #tpu.memory_space<vmem>>, vector<16xf32>,
      %swap3A_1712 = arith.index_cast %scan3A_1666 : i32 to index
      %swap3A_1713 = arith.constant 240 : index
      %swap3A_1714 = tpu.vector_load %arg6[%swap3A_1712, %swap3A_1713] {strides = array<i32>} : memref<104x512xf32, #tpu.memory_space<vmem>>, vector<16xf32>,
      tpu.vector_store %arg6[%swap3A_1712, %swap3A_1713], %broadcast_in_dim3A_288 {strides = array<i32>} : memref<104x512xf32, #tpu.memory_space<vmem>>, vector<16xf32>,
      %swap3A_1715 = arith.index_cast %scan3A_1666 : i32 to index
      %swap3A_1716 = arith.constant 256 : index
      %swap3A_1717 = tpu.vector_load %arg6[%swap3A_1715, %swap3A_1716] {strides = array<i32>} : memref<104x512xf32, #tpu.memory_space<vmem>>, vector<16xf32>,
      tpu.vector_store %arg6[%swap3A_1715, %swap3A_1716], %broadcast_in_dim3A_288 {strides = array<i32>} : memref<104x512xf32, #tpu.memory_space<vmem>>, vector<16xf32>,
      %swap3A_1718 = arith.index_cast %scan3A_1666 : i32 to index
      %swap3A_1719 = arith.constant 272 : index
      %swap3A_1720 = tpu.vector_load %arg6[%swap3A_1718, %swap3A_1719] {strides = array<i32>} : memref<104x512xf32, #tpu.memory_space<vmem>>, vector<16xf32>,
      tpu.vector_store %arg6[%swap3A_1718, %swap3A_1719], %broadcast_in_dim3A_288 {strides = array<i32>} : memref<104x512xf32, #tpu.memory_space<vmem>>, vector<16xf32>,
      %swap3A_1721 = arith.index_cast %scan3A_1666 : i32 to index
      %swap3A_1722 = arith.constant 288 : index
      %swap3A_1723 = tpu.vector_load %arg6[%swap3A_1721, %swap3A_1722] {strides = array<i32>} : memref<104x512xf32, #tpu.memory_space<vmem>>, vector<16xf32>,
      tpu.vector_store %arg6[%swap3A_1721, %swap3A_1722], %broadcast_in_dim3A_288 {strides = array<i32>} : memref<104x512xf32, #tpu.memory_space<vmem>>, vector<16xf32>,
      %swap3A_1724 = arith.index_cast %scan3A_1666 : i32 to index
      %swap3A_1725 = arith.constant 304 : index
      %swap3A_1726 = tpu.vector_load %arg6[%swap3A_1724, %swap3A_1725] {strides = array<i32>} : memref<104x512xf32, #tpu.memory_space<vmem>>, vector<16xf32>,
      tpu.vector_store %arg6[%swap3A_1724, %swap3A_1725], %broadcast_in_dim3A_288 {strides = array<i32>} : memref<104x512xf32, #tpu.memory_space<vmem>>, vector<16xf32>,
      %swap3A_1727 = arith.index_cast %scan3A_1666 : i32 to index
      %swap3A_1728 = arith.constant 320 : index
      %swap3A_1729 = tpu.vector_load %arg6[%swap3A_1727, %swap3A_1728] {strides = array<i32>} : memref<104x512xf32, #tpu.memory_space<vmem>>, vector<16xf32>,
      tpu.vector_store %arg6[%swap3A_1727, %swap3A_1728], %broadcast_in_dim3A_288 {strides = array<i32>} : memref<104x512xf32, #tpu.memory_space<vmem>>, vector<16xf32>,
      %swap3A_1730 = arith.index_cast %scan3A_1666 : i32 to index
      %swap3A_1731 = arith.constant 336 : index
      %swap3A_1732 = tpu.vector_load %arg6[%swap3A_1730, %swap3A_1731] {strides = array<i32>} : memref<104x512xf32, #tpu.memory_space<vmem>>, vector<16xf32>,
      tpu.vector_store %arg6[%swap3A_1730, %swap3A_1731], %broadcast_in_dim3A_288 {strides = array<i32>} : memref<104x512xf32, #tpu.memory_space<vmem>>, vector<16xf32>,
      %swap3A_1733 = arith.index_cast %scan3A_1666 : i32 to index
      %swap3A_1734 = arith.constant 352 : index
      %swap3A_1735 = tpu.vector_load %arg6[%swap3A_1733, %swap3A_1734] {strides = array<i32>} : memref<104x512xf32, #tpu.memory_space<vmem>>, vector<16xf32>,
      tpu.vector_store %arg6[%swap3A_1733, %swap3A_1734], %broadcast_in_dim3A_288 {strides = array<i32>} : memref<104x512xf32, #tpu.memory_space<vmem>>, vector<16xf32>,
      %swap3A_1736 = arith.index_cast %scan3A_1666 : i32 to index
      %swap3A_1737 = arith.constant 368 : index
      %swap3A_1738 = tpu.vector_load %arg6[%swap3A_1736, %swap3A_1737] {strides = array<i32>} : memref<104x512xf32, #tpu.memory_space<vmem>>, vector<16xf32>,
      tpu.vector_store %arg6[%swap3A_1736, %swap3A_1737], %broadcast_in_dim3A_288 {strides = array<i32>} : memref<104x512xf32, #tpu.memory_space<vmem>>, vector<16xf32>,
      %swap3A_1739 = arith.index_cast %scan3A_1666 : i32 to index
      %swap3A_1740 = arith.constant 384 : index
      %swap3A_1741 = tpu.vector_load %arg6[%swap3A_1739, %swap3A_1740] {strides = array<i32>} : memref<104x512xf32, #tpu.memory_space<vmem>>, vector<16xf32>,
      tpu.vector_store %arg6[%swap3A_1739, %swap3A_1740], %broadcast_in_dim3A_288 {strides = array<i32>} : memref<104x512xf32, #tpu.memory_space<vmem>>, vector<16xf32>,
      %swap3A_1742 = arith.index_cast %scan3A_1666 : i32 to index
      %swap3A_1743 = arith.constant 400 : index
      %swap3A_1744 = tpu.vector_load %arg6[%swap3A_1742, %swap3A_1743] {strides = array<i32>} : memref<104x512xf32, #tpu.memory_space<vmem>>, vector<16xf32>,
      tpu.vector_store %arg6[%swap3A_1742, %swap3A_1743], %broadcast_in_dim3A_288 {strides = array<i32>} : memref<104x512xf32, #tpu.memory_space<vmem>>, vector<16xf32>,
      %swap3A_1745 = arith.index_cast %scan3A_1666 : i32 to index
      %swap3A_1746 = arith.constant 416 : index
      %swap3A_1747 = tpu.vector_load %arg6[%swap3A_1745, %swap3A_1746] {strides = array<i32>} : memref<104x512xf32, #tpu.memory_space<vmem>>, vector<16xf32>,
      tpu.vector_store %arg6[%swap3A_1745, %swap3A_1746], %broadcast_in_dim3A_288 {strides = array<i32>} : memref<104x512xf32, #tpu.memory_space<vmem>>, vector<16xf32>,
      %swap3A_1748 = arith.index_cast %scan3A_1666 : i32 to index
      %swap3A_1749 = arith.constant 432 : index
      %swap3A_1750 = tpu.vector_load %arg6[%swap3A_1748, %swap3A_1749] {strides = array<i32>} : memref<104x512xf32, #tpu.memory_space<vmem>>, vector<16xf32>,
      tpu.vector_store %arg6[%swap3A_1748, %swap3A_1749], %broadcast_in_dim3A_288 {strides = array<i32>} : memref<104x512xf32, #tpu.memory_space<vmem>>, vector<16xf32>,
      %swap3A_1751 = arith.index_cast %scan3A_1666 : i32 to index
      %swap3A_1752 = arith.constant 448 : index
      %swap3A_1753 = tpu.vector_load %arg6[%swap3A_1751, %swap3A_1752] {strides = array<i32>} : memref<104x512xf32, #tpu.memory_space<vmem>>, vector<16xf32>,
      tpu.vector_store %arg6[%swap3A_1751, %swap3A_1752], %broadcast_in_dim3A_288 {strides = array<i32>} : memref<104x512xf32, #tpu.memory_space<vmem>>, vector<16xf32>,
      %swap3A_1754 = arith.index_cast %scan3A_1666 : i32 to index
      %swap3A_1755 = arith.constant 464 : index
      %swap3A_1756 = tpu.vector_load %arg6[%swap3A_1754, %swap3A_1755] {strides = array<i32>} : memref<104x512xf32, #tpu.memory_space<vmem>>, vector<16xf32>,
      tpu.vector_store %arg6[%swap3A_1754, %swap3A_1755], %broadcast_in_dim3A_288 {strides = array<i32>} : memref<104x512xf32, #tpu.memory_space<vmem>>, vector<16xf32>,
      %swap3A_1757 = arith.index_cast %scan3A_1666 : i32 to index
      %swap3A_1758 = arith.constant 480 : index
      %swap3A_1759 = tpu.vector_load %arg6[%swap3A_1757, %swap3A_1758] {strides = array<i32>} : memref<104x512xf32, #tpu.memory_space<vmem>>, vector<16xf32>,
      tpu.vector_store %arg6[%swap3A_1757, %swap3A_1758], %broadcast_in_dim3A_288 {strides = array<i32>} : memref<104x512xf32, #tpu.memory_space<vmem>>, vector<16xf32>,
      %swap3A_1760 = arith.index_cast %scan3A_1666 : i32 to index
      %swap3A_1761 = arith.constant 496 : index
      %swap3A_1762 = tpu.vector_load %arg6[%swap3A_1760, %swap3A_1761] {strides = array<i32>} : memref<104x512xf32, #tpu.memory_space<vmem>>, vector<16xf32>,
      tpu.vector_store %arg6[%swap3A_1760, %swap3A_1761], %broadcast_in_dim3A_288 {strides = array<i32>} : memref<104x512xf32, #tpu.memory_space<vmem>>, vector<16xf32>,
    }
    %scan3A_1067 = arith.constant 104 : i32
    %add3A_1068 = arith.constant 0 : i32
    %add3A_1069 = vector.broadcast %add3A_1068 : i32 to vector<16xi32>
    %add3A_1070 = arith.addi %iota3A, %add3A_1069 : vector<16xi32>
    %get3A_1071 = arith.constant 0 : i32
    %get3A_1072 = arith.index_cast %get3A_1071 : i32 to index
    %get3A_1073 = arith.constant 0 : index
    %get3A_1074 = tpu.vector_load %arg4[%get3A_1072, %get3A_1073] {strides = array<i32>} : memref<26x512xi32, #tpu.memory_space<vmem>>, vector<16xi32>,
    %max3A = arith.constant 96 : i32
    %max3A_1075 = vector.broadcast %max3A : i32 to vector<16xi32>
    %max3A_1076 = arith.maxsi %get3A_1074, %max3A_1075 : vector<16xi32>
    %sub3A = arith.constant 96 : i32
    %sub3A_1077 = vector.broadcast %sub3A : i32 to vector<16xi32>
    %sub3A_1078 = arith.subi %max3A_1076, %sub3A_1077 : vector<16xi32>
    %swap3A_1079 = arith.constant 0 : index
    %swap3A_1080 = tpu.vector_load %arg8[%swap3A_1079] {strides = array<i32>} : memref<512xi32, #tpu.memory_space<vmem>>, vector<16xi32>,
    tpu.vector_store %arg8[%swap3A_1079], %sub3A_1078 {strides = array<i32>} : memref<512xi32, #tpu.memory_space<vmem>>, vector<16xi32>,
    %ge3A = arith.constant 96 : i32
    %ge3A_1081 = vector.broadcast %ge3A : i32 to vector<16xi32>
    %ge3A_1082 = arith.cmpi sge, %get3A_1074, %ge3A_1081 : vector<16xi32>
    tpu.vector_store_idx %arg6[%sub3A_1078, %add3A_1070], %broadcast_in_dim3A_290 masked %ge3A_1082 : memref<104x512xf32, #tpu.memory_space<vmem>>[vector<16xi32>, vector<16xi32>], vector<16xf32>, vector<16xi1>
    %add3A_1083 = arith.constant 16 : i32
    %add3A_1084 = vector.broadcast %add3A_1083 : i32 to vector<16xi32>
    %add3A_1085 = arith.addi %iota3A, %add3A_1084 : vector<16xi32>
    %get3A_1086 = arith.constant 0 : i32
    %get3A_1087 = arith.index_cast %get3A_1086 : i32 to index
    %get3A_1088 = arith.constant 16 : index
    %get3A_1089 = tpu.vector_load %arg4[%get3A_1087, %get3A_1088] {strides = array<i32>} : memref<26x512xi32, #tpu.memory_space<vmem>>, vector<16xi32>,
    %max3A_1090 = arith.constant 96 : i32
    %max3A_1091 = vector.broadcast %max3A_1090 : i32 to vector<16xi32>
    %max3A_1092 = arith.maxsi %get3A_1089, %max3A_1091 : vector<16xi32>
    %sub3A_1093 = arith.constant 96 : i32
    %sub3A_1094 = vector.broadcast %sub3A_1093 : i32 to vector<16xi32>
    %sub3A_1095 = arith.subi %max3A_1092, %sub3A_1094 : vector<16xi32>
    %swap3A_1096 = arith.constant 16 : index
    %swap3A_1097 = tpu.vector_load %arg8[%swap3A_1096] {strides = array<i32>} : memref<512xi32, #tpu.memory_space<vmem>>, vector<16xi32>,
    tpu.vector_store %arg8[%swap3A_1096], %sub3A_1095 {strides = array<i32>} : memref<512xi32, #tpu.memory_space<vmem>>, vector<16xi32>,
    %ge3A_1098 = arith.constant 96 : i32
    %ge3A_1099 = vector.broadcast %ge3A_1098 : i32 to vector<16xi32>
    %ge3A_1100 = arith.cmpi sge, %get3A_1089, %ge3A_1099 : vector<16xi32>
    tpu.vector_store_idx %arg6[%sub3A_1095, %add3A_1085], %broadcast_in_dim3A_290 masked %ge3A_1100 : memref<104x512xf32, #tpu.memory_space<vmem>>[vector<16xi32>, vector<16xi32>], vector<16xf32>, vector<16xi1>
    %add3A_1101 = arith.constant 32 : i32
    %add3A_1102 = vector.broadcast %add3A_1101 : i32 to vector<16xi32>
    %add3A_1103 = arith.addi %iota3A, %add3A_1102 : vector<16xi32>
    %get3A_1104 = arith.constant 0 : i32
    %get3A_1105 = arith.index_cast %get3A_1104 : i32 to index
    %get3A_1106 = arith.constant 32 : index
    %get3A_1107 = tpu.vector_load %arg4[%get3A_1105, %get3A_1106] {strides = array<i32>} : memref<26x512xi32, #tpu.memory_space<vmem>>, vector<16xi32>,
    %max3A_1108 = arith.constant 96 : i32
    %max3A_1109 = vector.broadcast %max3A_1108 : i32 to vector<16xi32>
    %max3A_1110 = arith.maxsi %get3A_1107, %max3A_1109 : vector<16xi32>
    %sub3A_1111 = arith.constant 96 : i32
    %sub3A_1112 = vector.broadcast %sub3A_1111 : i32 to vector<16xi32>
    %sub3A_1113 = arith.subi %max3A_1110, %sub3A_1112 : vector<16xi32>
    %swap3A_1114 = arith.constant 32 : index
    %swap3A_1115 = tpu.vector_load %arg8[%swap3A_1114] {strides = array<i32>} : memref<512xi32, #tpu.memory_space<vmem>>, vector<16xi32>,
    tpu.vector_store %arg8[%swap3A_1114], %sub3A_1113 {strides = array<i32>} : memref<512xi32, #tpu.memory_space<vmem>>, vector<16xi32>,
    %ge3A_1116 = arith.constant 96 : i32
    %ge3A_1117 = vector.broadcast %ge3A_1116 : i32 to vector<16xi32>
    %ge3A_1118 = arith.cmpi sge, %get3A_1107, %ge3A_1117 : vector<16xi32>
    tpu.vector_store_idx %arg6[%sub3A_1113, %add3A_1103], %broadcast_in_dim3A_290 masked %ge3A_1118 : memref<104x512xf32, #tpu.memory_space<vmem>>[vector<16xi32>, vector<16xi32>], vector<16xf32>, vector<16xi1>
    %add3A_1119 = arith.constant 48 : i32
    %add3A_1120 = vector.broadcast %add3A_1119 : i32 to vector<16xi32>
    %add3A_1121 = arith.addi %iota3A, %add3A_1120 : vector<16xi32>
    %get3A_1122 = arith.constant 0 : i32
    %get3A_1123 = arith.index_cast %get3A_1122 : i32 to index
    %get3A_1124 = arith.constant 48 : index
    %get3A_1125 = tpu.vector_load %arg4[%get3A_1123, %get3A_1124] {strides = array<i32>} : memref<26x512xi32, #tpu.memory_space<vmem>>, vector<16xi32>,
    %max3A_1126 = arith.constant 96 : i32
    %max3A_1127 = vector.broadcast %max3A_1126 : i32 to vector<16xi32>
    %max3A_1128 = arith.maxsi %get3A_1125, %max3A_1127 : vector<16xi32>
    %sub3A_1129 = arith.constant 96 : i32
    %sub3A_1130 = vector.broadcast %sub3A_1129 : i32 to vector<16xi32>
    %sub3A_1131 = arith.subi %max3A_1128, %sub3A_1130 : vector<16xi32>
    %swap3A_1132 = arith.constant 48 : index
    %swap3A_1133 = tpu.vector_load %arg8[%swap3A_1132] {strides = array<i32>} : memref<512xi32, #tpu.memory_space<vmem>>, vector<16xi32>,
    tpu.vector_store %arg8[%swap3A_1132], %sub3A_1131 {strides = array<i32>} : memref<512xi32, #tpu.memory_space<vmem>>, vector<16xi32>,
    %ge3A_1134 = arith.constant 96 : i32
    %ge3A_1135 = vector.broadcast %ge3A_1134 : i32 to vector<16xi32>
    %ge3A_1136 = arith.cmpi sge, %get3A_1125, %ge3A_1135 : vector<16xi32>
    tpu.vector_store_idx %arg6[%sub3A_1131, %add3A_1121], %broadcast_in_dim3A_290 masked %ge3A_1136 : memref<104x512xf32, #tpu.memory_space<vmem>>[vector<16xi32>, vector<16xi32>], vector<16xf32>, vector<16xi1>
    %add3A_1137 = arith.constant 64 : i32
    %add3A_1138 = vector.broadcast %add3A_1137 : i32 to vector<16xi32>
    %add3A_1139 = arith.addi %iota3A, %add3A_1138 : vector<16xi32>
    %get3A_1140 = arith.constant 0 : i32
    %get3A_1141 = arith.index_cast %get3A_1140 : i32 to index
    %get3A_1142 = arith.constant 64 : index
    %get3A_1143 = tpu.vector_load %arg4[%get3A_1141, %get3A_1142] {strides = array<i32>} : memref<26x512xi32, #tpu.memory_space<vmem>>, vector<16xi32>,
    %max3A_1144 = arith.constant 96 : i32
    %max3A_1145 = vector.broadcast %max3A_1144 : i32 to vector<16xi32>
    %max3A_1146 = arith.maxsi %get3A_1143, %max3A_1145 : vector<16xi32>
    %sub3A_1147 = arith.constant 96 : i32
    %sub3A_1148 = vector.broadcast %sub3A_1147 : i32 to vector<16xi32>
    %sub3A_1149 = arith.subi %max3A_1146, %sub3A_1148 : vector<16xi32>
    %swap3A_1150 = arith.constant 64 : index
    %swap3A_1151 = tpu.vector_load %arg8[%swap3A_1150] {strides = array<i32>} : memref<512xi32, #tpu.memory_space<vmem>>, vector<16xi32>,
    tpu.vector_store %arg8[%swap3A_1150], %sub3A_1149 {strides = array<i32>} : memref<512xi32, #tpu.memory_space<vmem>>, vector<16xi32>,
    %ge3A_1152 = arith.constant 96 : i32
    %ge3A_1153 = vector.broadcast %ge3A_1152 : i32 to vector<16xi32>
    %ge3A_1154 = arith.cmpi sge, %get3A_1143, %ge3A_1153 : vector<16xi32>
    tpu.vector_store_idx %arg6[%sub3A_1149, %add3A_1139], %broadcast_in_dim3A_290 masked %ge3A_1154 : memref<104x512xf32, #tpu.memory_space<vmem>>[vector<16xi32>, vector<16xi32>], vector<16xf32>, vector<16xi1>
    %add3A_1155 = arith.constant 80 : i32
    %add3A_1156 = vector.broadcast %add3A_1155 : i32 to vector<16xi32>
    %add3A_1157 = arith.addi %iota3A, %add3A_1156 : vector<16xi32>
    %get3A_1158 = arith.constant 0 : i32
    %get3A_1159 = arith.index_cast %get3A_1158 : i32 to index
    %get3A_1160 = arith.constant 80 : index
    %get3A_1161 = tpu.vector_load %arg4[%get3A_1159, %get3A_1160] {strides = array<i32>} : memref<26x512xi32, #tpu.memory_space<vmem>>, vector<16xi32>,
    %max3A_1162 = arith.constant 96 : i32
    %max3A_1163 = vector.broadcast %max3A_1162 : i32 to vector<16xi32>
    %max3A_1164 = arith.maxsi %get3A_1161, %max3A_1163 : vector<16xi32>
    %sub3A_1165 = arith.constant 96 : i32
    %sub3A_1166 = vector.broadcast %sub3A_1165 : i32 to vector<16xi32>
    %sub3A_1167 = arith.subi %max3A_1164, %sub3A_1166 : vector<16xi32>
    %swap3A_1168 = arith.constant 80 : index
    %swap3A_1169 = tpu.vector_load %arg8[%swap3A_1168] {strides = array<i32>} : memref<512xi32, #tpu.memory_space<vmem>>, vector<16xi32>,
    tpu.vector_store %arg8[%swap3A_1168], %sub3A_1167 {strides = array<i32>} : memref<512xi32, #tpu.memory_space<vmem>>, vector<16xi32>,
    %ge3A_1170 = arith.constant 96 : i32
    %ge3A_1171 = vector.broadcast %ge3A_1170 : i32 to vector<16xi32>
    %ge3A_1172 = arith.cmpi sge, %get3A_1161, %ge3A_1171 : vector<16xi32>
    tpu.vector_store_idx %arg6[%sub3A_1167, %add3A_1157], %broadcast_in_dim3A_290 masked %ge3A_1172 : memref<104x512xf32, #tpu.memory_space<vmem>>[vector<16xi32>, vector<16xi32>], vector<16xf32>, vector<16xi1>
    %add3A_1173 = arith.constant 96 : i32
    %add3A_1174 = vector.broadcast %add3A_1173 : i32 to vector<16xi32>
    %add3A_1175 = arith.addi %iota3A, %add3A_1174 : vector<16xi32>
    %get3A_1176 = arith.constant 0 : i32
    %get3A_1177 = arith.index_cast %get3A_1176 : i32 to index
    %get3A_1178 = arith.constant 96 : index
    %get3A_1179 = tpu.vector_load %arg4[%get3A_1177, %get3A_1178] {strides = array<i32>} : memref<26x512xi32, #tpu.memory_space<vmem>>, vector<16xi32>,
    %max3A_1180 = arith.constant 96 : i32
    %max3A_1181 = vector.broadcast %max3A_1180 : i32 to vector<16xi32>
    %max3A_1182 = arith.maxsi %get3A_1179, %max3A_1181 : vector<16xi32>
    %sub3A_1183 = arith.constant 96 : i32
    %sub3A_1184 = vector.broadcast %sub3A_1183 : i32 to vector<16xi32>
    %sub3A_1185 = arith.subi %max3A_1182, %sub3A_1184 : vector<16xi32>
    %swap3A_1186 = arith.constant 96 : index
    %swap3A_1187 = tpu.vector_load %arg8[%swap3A_1186] {strides = array<i32>} : memref<512xi32, #tpu.memory_space<vmem>>, vector<16xi32>,
    tpu.vector_store %arg8[%swap3A_1186], %sub3A_1185 {strides = array<i32>} : memref<512xi32, #tpu.memory_space<vmem>>, vector<16xi32>,
    %ge3A_1188 = arith.constant 96 : i32
    %ge3A_1189 = vector.broadcast %ge3A_1188 : i32 to vector<16xi32>
    %ge3A_1190 = arith.cmpi sge, %get3A_1179, %ge3A_1189 : vector<16xi32>
    tpu.vector_store_idx %arg6[%sub3A_1185, %add3A_1175], %broadcast_in_dim3A_290 masked %ge3A_1190 : memref<104x512xf32, #tpu.memory_space<vmem>>[vector<16xi32>, vector<16xi32>], vector<16xf32>, vector<16xi1>
    %add3A_1191 = arith.constant 112 : i32
    %add3A_1192 = vector.broadcast %add3A_1191 : i32 to vector<16xi32>
    %add3A_1193 = arith.addi %iota3A, %add3A_1192 : vector<16xi32>
    %get3A_1194 = arith.constant 0 : i32
    %get3A_1195 = arith.index_cast %get3A_1194 : i32 to index
    %get3A_1196 = arith.constant 112 : index
    %get3A_1197 = tpu.vector_load %arg4[%get3A_1195, %get3A_1196] {strides = array<i32>} : memref<26x512xi32, #tpu.memory_space<vmem>>, vector<16xi32>,
    %max3A_1198 = arith.constant 96 : i32
    %max3A_1199 = vector.broadcast %max3A_1198 : i32 to vector<16xi32>
    %max3A_1200 = arith.maxsi %get3A_1197, %max3A_1199 : vector<16xi32>
    %sub3A_1201 = arith.constant 96 : i32
    %sub3A_1202 = vector.broadcast %sub3A_1201 : i32 to vector<16xi32>
    %sub3A_1203 = arith.subi %max3A_1200, %sub3A_1202 : vector<16xi32>
    %swap3A_1204 = arith.constant 112 : index
    %swap3A_1205 = tpu.vector_load %arg8[%swap3A_1204] {strides = array<i32>} : memref<512xi32, #tpu.memory_space<vmem>>, vector<16xi32>,
    tpu.vector_store %arg8[%swap3A_1204], %sub3A_1203 {strides = array<i32>} : memref<512xi32, #tpu.memory_space<vmem>>, vector<16xi32>,
    %ge3A_1206 = arith.constant 96 : i32
    %ge3A_1207 = vector.broadcast %ge3A_1206 : i32 to vector<16xi32>
    %ge3A_1208 = arith.cmpi sge, %get3A_1197, %ge3A_1207 : vector<16xi32>
    tpu.vector_store_idx %arg6[%sub3A_1203, %add3A_1193], %broadcast_in_dim3A_290 masked %ge3A_1208 : memref<104x512xf32, #tpu.memory_space<vmem>>[vector<16xi32>, vector<16xi32>], vector<16xf32>, vector<16xi1>
    %add3A_1209 = arith.constant 128 : i32
    %add3A_1210 = vector.broadcast %add3A_1209 : i32 to vector<16xi32>
    %add3A_1211 = arith.addi %iota3A, %add3A_1210 : vector<16xi32>
    %get3A_1212 = arith.constant 0 : i32
    %get3A_1213 = arith.index_cast %get3A_1212 : i32 to index
    %get3A_1214 = arith.constant 128 : index
    %get3A_1215 = tpu.vector_load %arg4[%get3A_1213, %get3A_1214] {strides = array<i32>} : memref<26x512xi32, #tpu.memory_space<vmem>>, vector<16xi32>,
    %max3A_1216 = arith.constant 96 : i32
    %max3A_1217 = vector.broadcast %max3A_1216 : i32 to vector<16xi32>
    %max3A_1218 = arith.maxsi %get3A_1215, %max3A_1217 : vector<16xi32>
    %sub3A_1219 = arith.constant 96 : i32
    %sub3A_1220 = vector.broadcast %sub3A_1219 : i32 to vector<16xi32>
    %sub3A_1221 = arith.subi %max3A_1218, %sub3A_1220 : vector<16xi32>
    %swap3A_1222 = arith.constant 128 : index
    %swap3A_1223 = tpu.vector_load %arg8[%swap3A_1222] {strides = array<i32>} : memref<512xi32, #tpu.memory_space<vmem>>, vector<16xi32>,
    tpu.vector_store %arg8[%swap3A_1222], %sub3A_1221 {strides = array<i32>} : memref<512xi32, #tpu.memory_space<vmem>>, vector<16xi32>,
    %ge3A_1224 = arith.constant 96 : i32
    %ge3A_1225 = vector.broadcast %ge3A_1224 : i32 to vector<16xi32>
    %ge3A_1226 = arith.cmpi sge, %get3A_1215, %ge3A_1225 : vector<16xi32>
    tpu.vector_store_idx %arg6[%sub3A_1221, %add3A_1211], %broadcast_in_dim3A_290 masked %ge3A_1226 : memref<104x512xf32, #tpu.memory_space<vmem>>[vector<16xi32>, vector<16xi32>], vector<16xf32>, vector<16xi1>
    %add3A_1227 = arith.constant 144 : i32
    %add3A_1228 = vector.broadcast %add3A_1227 : i32 to vector<16xi32>
    %add3A_1229 = arith.addi %iota3A, %add3A_1228 : vector<16xi32>
    %get3A_1230 = arith.constant 0 : i32
    %get3A_1231 = arith.index_cast %get3A_1230 : i32 to index
    %get3A_1232 = arith.constant 144 : index
    %get3A_1233 = tpu.vector_load %arg4[%get3A_1231, %get3A_1232] {strides = array<i32>} : memref<26x512xi32, #tpu.memory_space<vmem>>, vector<16xi32>,
    %max3A_1234 = arith.constant 96 : i32
    %max3A_1235 = vector.broadcast %max3A_1234 : i32 to vector<16xi32>
    %max3A_1236 = arith.maxsi %get3A_1233, %max3A_1235 : vector<16xi32>
    %sub3A_1237 = arith.constant 96 : i32
    %sub3A_1238 = vector.broadcast %sub3A_1237 : i32 to vector<16xi32>
    %sub3A_1239 = arith.subi %max3A_1236, %sub3A_1238 : vector<16xi32>
    %swap3A_1240 = arith.constant 144 : index
    %swap3A_1241 = tpu.vector_load %arg8[%swap3A_1240] {strides = array<i32>} : memref<512xi32, #tpu.memory_space<vmem>>, vector<16xi32>,
    tpu.vector_store %arg8[%swap3A_1240], %sub3A_1239 {strides = array<i32>} : memref<512xi32, #tpu.memory_space<vmem>>, vector<16xi32>,
    %ge3A_1242 = arith.constant 96 : i32
    %ge3A_1243 = vector.broadcast %ge3A_1242 : i32 to vector<16xi32>
    %ge3A_1244 = arith.cmpi sge, %get3A_1233, %ge3A_1243 : vector<16xi32>
    tpu.vector_store_idx %arg6[%sub3A_1239, %add3A_1229], %broadcast_in_dim3A_290 masked %ge3A_1244 : memref<104x512xf32, #tpu.memory_space<vmem>>[vector<16xi32>, vector<16xi32>], vector<16xf32>, vector<16xi1>
    %add3A_1245 = arith.constant 160 : i32
    %add3A_1246 = vector.broadcast %add3A_1245 : i32 to vector<16xi32>
    %add3A_1247 = arith.addi %iota3A, %add3A_1246 : vector<16xi32>
    %get3A_1248 = arith.constant 0 : i32
    %get3A_1249 = arith.index_cast %get3A_1248 : i32 to index
    %get3A_1250 = arith.constant 160 : index
    %get3A_1251 = tpu.vector_load %arg4[%get3A_1249, %get3A_1250] {strides = array<i32>} : memref<26x512xi32, #tpu.memory_space<vmem>>, vector<16xi32>,
    %max3A_1252 = arith.constant 96 : i32
    %max3A_1253 = vector.broadcast %max3A_1252 : i32 to vector<16xi32>
    %max3A_1254 = arith.maxsi %get3A_1251, %max3A_1253 : vector<16xi32>
    %sub3A_1255 = arith.constant 96 : i32
    %sub3A_1256 = vector.broadcast %sub3A_1255 : i32 to vector<16xi32>
    %sub3A_1257 = arith.subi %max3A_1254, %sub3A_1256 : vector<16xi32>
    %swap3A_1258 = arith.constant 160 : index
    %swap3A_1259 = tpu.vector_load %arg8[%swap3A_1258] {strides = array<i32>} : memref<512xi32, #tpu.memory_space<vmem>>, vector<16xi32>,
    tpu.vector_store %arg8[%swap3A_1258], %sub3A_1257 {strides = array<i32>} : memref<512xi32, #tpu.memory_space<vmem>>, vector<16xi32>,
    %ge3A_1260 = arith.constant 96 : i32
    %ge3A_1261 = vector.broadcast %ge3A_1260 : i32 to vector<16xi32>
    %ge3A_1262 = arith.cmpi sge, %get3A_1251, %ge3A_1261 : vector<16xi32>
    tpu.vector_store_idx %arg6[%sub3A_1257, %add3A_1247], %broadcast_in_dim3A_290 masked %ge3A_1262 : memref<104x512xf32, #tpu.memory_space<vmem>>[vector<16xi32>, vector<16xi32>], vector<16xf32>, vector<16xi1>
    %add3A_1263 = arith.constant 176 : i32
    %add3A_1264 = vector.broadcast %add3A_1263 : i32 to vector<16xi32>
    %add3A_1265 = arith.addi %iota3A, %add3A_1264 : vector<16xi32>
    %get3A_1266 = arith.constant 0 : i32
    %get3A_1267 = arith.index_cast %get3A_1266 : i32 to index
    %get3A_1268 = arith.constant 176 : index
    %get3A_1269 = tpu.vector_load %arg4[%get3A_1267, %get3A_1268] {strides = array<i32>} : memref<26x512xi32, #tpu.memory_space<vmem>>, vector<16xi32>,
    %max3A_1270 = arith.constant 96 : i32
    %max3A_1271 = vector.broadcast %max3A_1270 : i32 to vector<16xi32>
    %max3A_1272 = arith.maxsi %get3A_1269, %max3A_1271 : vector<16xi32>
    %sub3A_1273 = arith.constant 96 : i32
    %sub3A_1274 = vector.broadcast %sub3A_1273 : i32 to vector<16xi32>
    %sub3A_1275 = arith.subi %max3A_1272, %sub3A_1274 : vector<16xi32>
    %swap3A_1276 = arith.constant 176 : index
    %swap3A_1277 = tpu.vector_load %arg8[%swap3A_1276] {strides = array<i32>} : memref<512xi32, #tpu.memory_space<vmem>>, vector<16xi32>,
    tpu.vector_store %arg8[%swap3A_1276], %sub3A_1275 {strides = array<i32>} : memref<512xi32, #tpu.memory_space<vmem>>, vector<16xi32>,
    %ge3A_1278 = arith.constant 96 : i32
    %ge3A_1279 = vector.broadcast %ge3A_1278 : i32 to vector<16xi32>
    %ge3A_1280 = arith.cmpi sge, %get3A_1269, %ge3A_1279 : vector<16xi32>
    tpu.vector_store_idx %arg6[%sub3A_1275, %add3A_1265], %broadcast_in_dim3A_290 masked %ge3A_1280 : memref<104x512xf32, #tpu.memory_space<vmem>>[vector<16xi32>, vector<16xi32>], vector<16xf32>, vector<16xi1>
    %add3A_1281 = arith.constant 192 : i32
    %add3A_1282 = vector.broadcast %add3A_1281 : i32 to vector<16xi32>
    %add3A_1283 = arith.addi %iota3A, %add3A_1282 : vector<16xi32>
    %get3A_1284 = arith.constant 0 : i32
    %get3A_1285 = arith.index_cast %get3A_1284 : i32 to index
    %get3A_1286 = arith.constant 192 : index
    %get3A_1287 = tpu.vector_load %arg4[%get3A_1285, %get3A_1286] {strides = array<i32>} : memref<26x512xi32, #tpu.memory_space<vmem>>, vector<16xi32>,
    %max3A_1288 = arith.constant 96 : i32
    %max3A_1289 = vector.broadcast %max3A_1288 : i32 to vector<16xi32>
    %max3A_1290 = arith.maxsi %get3A_1287, %max3A_1289 : vector<16xi32>
    %sub3A_1291 = arith.constant 96 : i32
    %sub3A_1292 = vector.broadcast %sub3A_1291 : i32 to vector<16xi32>
    %sub3A_1293 = arith.subi %max3A_1290, %sub3A_1292 : vector<16xi32>
    %swap3A_1294 = arith.constant 192 : index
    %swap3A_1295 = tpu.vector_load %arg8[%swap3A_1294] {strides = array<i32>} : memref<512xi32, #tpu.memory_space<vmem>>, vector<16xi32>,
    tpu.vector_store %arg8[%swap3A_1294], %sub3A_1293 {strides = array<i32>} : memref<512xi32, #tpu.memory_space<vmem>>, vector<16xi32>,
    %ge3A_1296 = arith.constant 96 : i32
    %ge3A_1297 = vector.broadcast %ge3A_1296 : i32 to vector<16xi32>
    %ge3A_1298 = arith.cmpi sge, %get3A_1287, %ge3A_1297 : vector<16xi32>
    tpu.vector_store_idx %arg6[%sub3A_1293, %add3A_1283], %broadcast_in_dim3A_290 masked %ge3A_1298 : memref<104x512xf32, #tpu.memory_space<vmem>>[vector<16xi32>, vector<16xi32>], vector<16xf32>, vector<16xi1>
    %add3A_1299 = arith.constant 208 : i32
    %add3A_1300 = vector.broadcast %add3A_1299 : i32 to vector<16xi32>
    %add3A_1301 = arith.addi %iota3A, %add3A_1300 : vector<16xi32>
    %get3A_1302 = arith.constant 0 : i32
    %get3A_1303 = arith.index_cast %get3A_1302 : i32 to index
    %get3A_1304 = arith.constant 208 : index
    %get3A_1305 = tpu.vector_load %arg4[%get3A_1303, %get3A_1304] {strides = array<i32>} : memref<26x512xi32, #tpu.memory_space<vmem>>, vector<16xi32>,
    %max3A_1306 = arith.constant 96 : i32
    %max3A_1307 = vector.broadcast %max3A_1306 : i32 to vector<16xi32>
    %max3A_1308 = arith.maxsi %get3A_1305, %max3A_1307 : vector<16xi32>
    %sub3A_1309 = arith.constant 96 : i32
    %sub3A_1310 = vector.broadcast %sub3A_1309 : i32 to vector<16xi32>
    %sub3A_1311 = arith.subi %max3A_1308, %sub3A_1310 : vector<16xi32>
    %swap3A_1312 = arith.constant 208 : index
    %swap3A_1313 = tpu.vector_load %arg8[%swap3A_1312] {strides = array<i32>} : memref<512xi32, #tpu.memory_space<vmem>>, vector<16xi32>,
    tpu.vector_store %arg8[%swap3A_1312], %sub3A_1311 {strides = array<i32>} : memref<512xi32, #tpu.memory_space<vmem>>, vector<16xi32>,
    %ge3A_1314 = arith.constant 96 : i32
    %ge3A_1315 = vector.broadcast %ge3A_1314 : i32 to vector<16xi32>
    %ge3A_1316 = arith.cmpi sge, %get3A_1305, %ge3A_1315 : vector<16xi32>
    tpu.vector_store_idx %arg6[%sub3A_1311, %add3A_1301], %broadcast_in_dim3A_290 masked %ge3A_1316 : memref<104x512xf32, #tpu.memory_space<vmem>>[vector<16xi32>, vector<16xi32>], vector<16xf32>, vector<16xi1>
    %add3A_1317 = arith.constant 224 : i32
    %add3A_1318 = vector.broadcast %add3A_1317 : i32 to vector<16xi32>
    %add3A_1319 = arith.addi %iota3A, %add3A_1318 : vector<16xi32>
    %get3A_1320 = arith.constant 0 : i32
    %get3A_1321 = arith.index_cast %get3A_1320 : i32 to index
    %get3A_1322 = arith.constant 224 : index
    %get3A_1323 = tpu.vector_load %arg4[%get3A_1321, %get3A_1322] {strides = array<i32>} : memref<26x512xi32, #tpu.memory_space<vmem>>, vector<16xi32>,
    %max3A_1324 = arith.constant 96 : i32
    %max3A_1325 = vector.broadcast %max3A_1324 : i32 to vector<16xi32>
    %max3A_1326 = arith.maxsi %get3A_1323, %max3A_1325 : vector<16xi32>
    %sub3A_1327 = arith.constant 96 : i32
    %sub3A_1328 = vector.broadcast %sub3A_1327 : i32 to vector<16xi32>
    %sub3A_1329 = arith.subi %max3A_1326, %sub3A_1328 : vector<16xi32>
    %swap3A_1330 = arith.constant 224 : index
    %swap3A_1331 = tpu.vector_load %arg8[%swap3A_1330] {strides = array<i32>} : memref<512xi32, #tpu.memory_space<vmem>>, vector<16xi32>,
    tpu.vector_store %arg8[%swap3A_1330], %sub3A_1329 {strides = array<i32>} : memref<512xi32, #tpu.memory_space<vmem>>, vector<16xi32>,
    %ge3A_1332 = arith.constant 96 : i32
    %ge3A_1333 = vector.broadcast %ge3A_1332 : i32 to vector<16xi32>
    %ge3A_1334 = arith.cmpi sge, %get3A_1323, %ge3A_1333 : vector<16xi32>
    tpu.vector_store_idx %arg6[%sub3A_1329, %add3A_1319], %broadcast_in_dim3A_290 masked %ge3A_1334 : memref<104x512xf32, #tpu.memory_space<vmem>>[vector<16xi32>, vector<16xi32>], vector<16xf32>, vector<16xi1>
    %add3A_1335 = arith.constant 240 : i32
    %add3A_1336 = vector.broadcast %add3A_1335 : i32 to vector<16xi32>
    %add3A_1337 = arith.addi %iota3A, %add3A_1336 : vector<16xi32>
    %get3A_1338 = arith.constant 0 : i32
    %get3A_1339 = arith.index_cast %get3A_1338 : i32 to index
    %get3A_1340 = arith.constant 240 : index
    %get3A_1341 = tpu.vector_load %arg4[%get3A_1339, %get3A_1340] {strides = array<i32>} : memref<26x512xi32, #tpu.memory_space<vmem>>, vector<16xi32>,
    %max3A_1342 = arith.constant 96 : i32
    %max3A_1343 = vector.broadcast %max3A_1342 : i32 to vector<16xi32>
    %max3A_1344 = arith.maxsi %get3A_1341, %max3A_1343 : vector<16xi32>
    %sub3A_1345 = arith.constant 96 : i32
    %sub3A_1346 = vector.broadcast %sub3A_1345 : i32 to vector<16xi32>
    %sub3A_1347 = arith.subi %max3A_1344, %sub3A_1346 : vector<16xi32>
    %swap3A_1348 = arith.constant 240 : index
    %swap3A_1349 = tpu.vector_load %arg8[%swap3A_1348] {strides = array<i32>} : memref<512xi32, #tpu.memory_space<vmem>>, vector<16xi32>,
    tpu.vector_store %arg8[%swap3A_1348], %sub3A_1347 {strides = array<i32>} : memref<512xi32, #tpu.memory_space<vmem>>, vector<16xi32>,
    %ge3A_1350 = arith.constant 96 : i32
    %ge3A_1351 = vector.broadcast %ge3A_1350 : i32 to vector<16xi32>
    %ge3A_1352 = arith.cmpi sge, %get3A_1341, %ge3A_1351 : vector<16xi32>
    tpu.vector_store_idx %arg6[%sub3A_1347, %add3A_1337], %broadcast_in_dim3A_290 masked %ge3A_1352 : memref<104x512xf32, #tpu.memory_space<vmem>>[vector<16xi32>, vector<16xi32>], vector<16xf32>, vector<16xi1>
    %add3A_1353 = arith.constant 256 : i32
    %add3A_1354 = vector.broadcast %add3A_1353 : i32 to vector<16xi32>
    %add3A_1355 = arith.addi %iota3A, %add3A_1354 : vector<16xi32>
    %get3A_1356 = arith.constant 0 : i32
    %get3A_1357 = arith.index_cast %get3A_1356 : i32 to index
    %get3A_1358 = arith.constant 256 : index
    %get3A_1359 = tpu.vector_load %arg4[%get3A_1357, %get3A_1358] {strides = array<i32>} : memref<26x512xi32, #tpu.memory_space<vmem>>, vector<16xi32>,
    %max3A_1360 = arith.constant 96 : i32
    %max3A_1361 = vector.broadcast %max3A_1360 : i32 to vector<16xi32>
    %max3A_1362 = arith.maxsi %get3A_1359, %max3A_1361 : vector<16xi32>
    %sub3A_1363 = arith.constant 96 : i32
    %sub3A_1364 = vector.broadcast %sub3A_1363 : i32 to vector<16xi32>
    %sub3A_1365 = arith.subi %max3A_1362, %sub3A_1364 : vector<16xi32>
    %swap3A_1366 = arith.constant 256 : index
    %swap3A_1367 = tpu.vector_load %arg8[%swap3A_1366] {strides = array<i32>} : memref<512xi32, #tpu.memory_space<vmem>>, vector<16xi32>,
    tpu.vector_store %arg8[%swap3A_1366], %sub3A_1365 {strides = array<i32>} : memref<512xi32, #tpu.memory_space<vmem>>, vector<16xi32>,
    %ge3A_1368 = arith.constant 96 : i32
    %ge3A_1369 = vector.broadcast %ge3A_1368 : i32 to vector<16xi32>
    %ge3A_1370 = arith.cmpi sge, %get3A_1359, %ge3A_1369 : vector<16xi32>
    tpu.vector_store_idx %arg6[%sub3A_1365, %add3A_1355], %broadcast_in_dim3A_290 masked %ge3A_1370 : memref<104x512xf32, #tpu.memory_space<vmem>>[vector<16xi32>, vector<16xi32>], vector<16xf32>, vector<16xi1>
    %add3A_1371 = arith.constant 272 : i32
    %add3A_1372 = vector.broadcast %add3A_1371 : i32 to vector<16xi32>
    %add3A_1373 = arith.addi %iota3A, %add3A_1372 : vector<16xi32>
    %get3A_1374 = arith.constant 0 : i32
    %get3A_1375 = arith.index_cast %get3A_1374 : i32 to index
    %get3A_1376 = arith.constant 272 : index
    %get3A_1377 = tpu.vector_load %arg4[%get3A_1375, %get3A_1376] {strides = array<i32>} : memref<26x512xi32, #tpu.memory_space<vmem>>, vector<16xi32>,
    %max3A_1378 = arith.constant 96 : i32
    %max3A_1379 = vector.broadcast %max3A_1378 : i32 to vector<16xi32>
    %max3A_1380 = arith.maxsi %get3A_1377, %max3A_1379 : vector<16xi32>
    %sub3A_1381 = arith.constant 96 : i32
    %sub3A_1382 = vector.broadcast %sub3A_1381 : i32 to vector<16xi32>
    %sub3A_1383 = arith.subi %max3A_1380, %sub3A_1382 : vector<16xi32>
    %swap3A_1384 = arith.constant 272 : index
    %swap3A_1385 = tpu.vector_load %arg8[%swap3A_1384] {strides = array<i32>} : memref<512xi32, #tpu.memory_space<vmem>>, vector<16xi32>,
    tpu.vector_store %arg8[%swap3A_1384], %sub3A_1383 {strides = array<i32>} : memref<512xi32, #tpu.memory_space<vmem>>, vector<16xi32>,
    %ge3A_1386 = arith.constant 96 : i32
    %ge3A_1387 = vector.broadcast %ge3A_1386 : i32 to vector<16xi32>
    %ge3A_1388 = arith.cmpi sge, %get3A_1377, %ge3A_1387 : vector<16xi32>
    tpu.vector_store_idx %arg6[%sub3A_1383, %add3A_1373], %broadcast_in_dim3A_290 masked %ge3A_1388 : memref<104x512xf32, #tpu.memory_space<vmem>>[vector<16xi32>, vector<16xi32>], vector<16xf32>, vector<16xi1>
    %add3A_1389 = arith.constant 288 : i32
    %add3A_1390 = vector.broadcast %add3A_1389 : i32 to vector<16xi32>
    %add3A_1391 = arith.addi %iota3A, %add3A_1390 : vector<16xi32>
    %get3A_1392 = arith.constant 0 : i32
    %get3A_1393 = arith.index_cast %get3A_1392 : i32 to index
    %get3A_1394 = arith.constant 288 : index
    %get3A_1395 = tpu.vector_load %arg4[%get3A_1393, %get3A_1394] {strides = array<i32>} : memref<26x512xi32, #tpu.memory_space<vmem>>, vector<16xi32>,
    %max3A_1396 = arith.constant 96 : i32
    %max3A_1397 = vector.broadcast %max3A_1396 : i32 to vector<16xi32>
    %max3A_1398 = arith.maxsi %get3A_1395, %max3A_1397 : vector<16xi32>
    %sub3A_1399 = arith.constant 96 : i32
    %sub3A_1400 = vector.broadcast %sub3A_1399 : i32 to vector<16xi32>
    %sub3A_1401 = arith.subi %max3A_1398, %sub3A_1400 : vector<16xi32>
    %swap3A_1402 = arith.constant 288 : index
    %swap3A_1403 = tpu.vector_load %arg8[%swap3A_1402] {strides = array<i32>} : memref<512xi32, #tpu.memory_space<vmem>>, vector<16xi32>,
    tpu.vector_store %arg8[%swap3A_1402], %sub3A_1401 {strides = array<i32>} : memref<512xi32, #tpu.memory_space<vmem>>, vector<16xi32>,
    %ge3A_1404 = arith.constant 96 : i32
    %ge3A_1405 = vector.broadcast %ge3A_1404 : i32 to vector<16xi32>
    %ge3A_1406 = arith.cmpi sge, %get3A_1395, %ge3A_1405 : vector<16xi32>
    tpu.vector_store_idx %arg6[%sub3A_1401, %add3A_1391], %broadcast_in_dim3A_290 masked %ge3A_1406 : memref<104x512xf32, #tpu.memory_space<vmem>>[vector<16xi32>, vector<16xi32>], vector<16xf32>, vector<16xi1>
    %add3A_1407 = arith.constant 304 : i32
    %add3A_1408 = vector.broadcast %add3A_1407 : i32 to vector<16xi32>
    %add3A_1409 = arith.addi %iota3A, %add3A_1408 : vector<16xi32>
    %get3A_1410 = arith.constant 0 : i32
    %get3A_1411 = arith.index_cast %get3A_1410 : i32 to index
    %get3A_1412 = arith.constant 304 : index
    %get3A_1413 = tpu.vector_load %arg4[%get3A_1411, %get3A_1412] {strides = array<i32>} : memref<26x512xi32, #tpu.memory_space<vmem>>, vector<16xi32>,
    %max3A_1414 = arith.constant 96 : i32
    %max3A_1415 = vector.broadcast %max3A_1414 : i32 to vector<16xi32>
    %max3A_1416 = arith.maxsi %get3A_1413, %max3A_1415 : vector<16xi32>
    %sub3A_1417 = arith.constant 96 : i32
    %sub3A_1418 = vector.broadcast %sub3A_1417 : i32 to vector<16xi32>
    %sub3A_1419 = arith.subi %max3A_1416, %sub3A_1418 : vector<16xi32>
    %swap3A_1420 = arith.constant 304 : index
    %swap3A_1421 = tpu.vector_load %arg8[%swap3A_1420] {strides = array<i32>} : memref<512xi32, #tpu.memory_space<vmem>>, vector<16xi32>,
    tpu.vector_store %arg8[%swap3A_1420], %sub3A_1419 {strides = array<i32>} : memref<512xi32, #tpu.memory_space<vmem>>, vector<16xi32>,
    %ge3A_1422 = arith.constant 96 : i32
    %ge3A_1423 = vector.broadcast %ge3A_1422 : i32 to vector<16xi32>
    %ge3A_1424 = arith.cmpi sge, %get3A_1413, %ge3A_1423 : vector<16xi32>
    tpu.vector_store_idx %arg6[%sub3A_1419, %add3A_1409], %broadcast_in_dim3A_290 masked %ge3A_1424 : memref<104x512xf32, #tpu.memory_space<vmem>>[vector<16xi32>, vector<16xi32>], vector<16xf32>, vector<16xi1>
    %add3A_1425 = arith.constant 320 : i32
    %add3A_1426 = vector.broadcast %add3A_1425 : i32 to vector<16xi32>
    %add3A_1427 = arith.addi %iota3A, %add3A_1426 : vector<16xi32>
    %get3A_1428 = arith.constant 0 : i32
    %get3A_1429 = arith.index_cast %get3A_1428 : i32 to index
    %get3A_1430 = arith.constant 320 : index
    %get3A_1431 = tpu.vector_load %arg4[%get3A_1429, %get3A_1430] {strides = array<i32>} : memref<26x512xi32, #tpu.memory_space<vmem>>, vector<16xi32>,
    %max3A_1432 = arith.constant 96 : i32
    %max3A_1433 = vector.broadcast %max3A_1432 : i32 to vector<16xi32>
    %max3A_1434 = arith.maxsi %get3A_1431, %max3A_1433 : vector<16xi32>
    %sub3A_1435 = arith.constant 96 : i32
    %sub3A_1436 = vector.broadcast %sub3A_1435 : i32 to vector<16xi32>
    %sub3A_1437 = arith.subi %max3A_1434, %sub3A_1436 : vector<16xi32>
    %swap3A_1438 = arith.constant 320 : index
    %swap3A_1439 = tpu.vector_load %arg8[%swap3A_1438] {strides = array<i32>} : memref<512xi32, #tpu.memory_space<vmem>>, vector<16xi32>,
    tpu.vector_store %arg8[%swap3A_1438], %sub3A_1437 {strides = array<i32>} : memref<512xi32, #tpu.memory_space<vmem>>, vector<16xi32>,
    %ge3A_1440 = arith.constant 96 : i32
    %ge3A_1441 = vector.broadcast %ge3A_1440 : i32 to vector<16xi32>
    %ge3A_1442 = arith.cmpi sge, %get3A_1431, %ge3A_1441 : vector<16xi32>
    tpu.vector_store_idx %arg6[%sub3A_1437, %add3A_1427], %broadcast_in_dim3A_290 masked %ge3A_1442 : memref<104x512xf32, #tpu.memory_space<vmem>>[vector<16xi32>, vector<16xi32>], vector<16xf32>, vector<16xi1>
    %add3A_1443 = arith.constant 336 : i32
    %add3A_1444 = vector.broadcast %add3A_1443 : i32 to vector<16xi32>
    %add3A_1445 = arith.addi %iota3A, %add3A_1444 : vector<16xi32>
    %get3A_1446 = arith.constant 0 : i32
    %get3A_1447 = arith.index_cast %get3A_1446 : i32 to index
    %get3A_1448 = arith.constant 336 : index
    %get3A_1449 = tpu.vector_load %arg4[%get3A_1447, %get3A_1448] {strides = array<i32>} : memref<26x512xi32, #tpu.memory_space<vmem>>, vector<16xi32>,
    %max3A_1450 = arith.constant 96 : i32
    %max3A_1451 = vector.broadcast %max3A_1450 : i32 to vector<16xi32>
    %max3A_1452 = arith.maxsi %get3A_1449, %max3A_1451 : vector<16xi32>
    %sub3A_1453 = arith.constant 96 : i32
    %sub3A_1454 = vector.broadcast %sub3A_1453 : i32 to vector<16xi32>
    %sub3A_1455 = arith.subi %max3A_1452, %sub3A_1454 : vector<16xi32>
    %swap3A_1456 = arith.constant 336 : index
    %swap3A_1457 = tpu.vector_load %arg8[%swap3A_1456] {strides = array<i32>} : memref<512xi32, #tpu.memory_space<vmem>>, vector<16xi32>,
    tpu.vector_store %arg8[%swap3A_1456], %sub3A_1455 {strides = array<i32>} : memref<512xi32, #tpu.memory_space<vmem>>, vector<16xi32>,
    %ge3A_1458 = arith.constant 96 : i32
    %ge3A_1459 = vector.broadcast %ge3A_1458 : i32 to vector<16xi32>
    %ge3A_1460 = arith.cmpi sge, %get3A_1449, %ge3A_1459 : vector<16xi32>
    tpu.vector_store_idx %arg6[%sub3A_1455, %add3A_1445], %broadcast_in_dim3A_290 masked %ge3A_1460 : memref<104x512xf32, #tpu.memory_space<vmem>>[vector<16xi32>, vector<16xi32>], vector<16xf32>, vector<16xi1>
    %add3A_1461 = arith.constant 352 : i32
    %add3A_1462 = vector.broadcast %add3A_1461 : i32 to vector<16xi32>
    %add3A_1463 = arith.addi %iota3A, %add3A_1462 : vector<16xi32>
    %get3A_1464 = arith.constant 0 : i32
    %get3A_1465 = arith.index_cast %get3A_1464 : i32 to index
    %get3A_1466 = arith.constant 352 : index
    %get3A_1467 = tpu.vector_load %arg4[%get3A_1465, %get3A_1466] {strides = array<i32>} : memref<26x512xi32, #tpu.memory_space<vmem>>, vector<16xi32>,
    %max3A_1468 = arith.constant 96 : i32
    %max3A_1469 = vector.broadcast %max3A_1468 : i32 to vector<16xi32>
    %max3A_1470 = arith.maxsi %get3A_1467, %max3A_1469 : vector<16xi32>
    %sub3A_1471 = arith.constant 96 : i32
    %sub3A_1472 = vector.broadcast %sub3A_1471 : i32 to vector<16xi32>
    %sub3A_1473 = arith.subi %max3A_1470, %sub3A_1472 : vector<16xi32>
    %swap3A_1474 = arith.constant 352 : index
    %swap3A_1475 = tpu.vector_load %arg8[%swap3A_1474] {strides = array<i32>} : memref<512xi32, #tpu.memory_space<vmem>>, vector<16xi32>,
    tpu.vector_store %arg8[%swap3A_1474], %sub3A_1473 {strides = array<i32>} : memref<512xi32, #tpu.memory_space<vmem>>, vector<16xi32>,
    %ge3A_1476 = arith.constant 96 : i32
    %ge3A_1477 = vector.broadcast %ge3A_1476 : i32 to vector<16xi32>
    %ge3A_1478 = arith.cmpi sge, %get3A_1467, %ge3A_1477 : vector<16xi32>
    tpu.vector_store_idx %arg6[%sub3A_1473, %add3A_1463], %broadcast_in_dim3A_290 masked %ge3A_1478 : memref<104x512xf32, #tpu.memory_space<vmem>>[vector<16xi32>, vector<16xi32>], vector<16xf32>, vector<16xi1>
    %add3A_1479 = arith.constant 368 : i32
    %add3A_1480 = vector.broadcast %add3A_1479 : i32 to vector<16xi32>
    %add3A_1481 = arith.addi %iota3A, %add3A_1480 : vector<16xi32>
    %get3A_1482 = arith.constant 0 : i32
    %get3A_1483 = arith.index_cast %get3A_1482 : i32 to index
    %get3A_1484 = arith.constant 368 : index
    %get3A_1485 = tpu.vector_load %arg4[%get3A_1483, %get3A_1484] {strides = array<i32>} : memref<26x512xi32, #tpu.memory_space<vmem>>, vector<16xi32>,
    %max3A_1486 = arith.constant 96 : i32
    %max3A_1487 = vector.broadcast %max3A_1486 : i32 to vector<16xi32>
    %max3A_1488 = arith.maxsi %get3A_1485, %max3A_1487 : vector<16xi32>
    %sub3A_1489 = arith.constant 96 : i32
    %sub3A_1490 = vector.broadcast %sub3A_1489 : i32 to vector<16xi32>
    %sub3A_1491 = arith.subi %max3A_1488, %sub3A_1490 : vector<16xi32>
    %swap3A_1492 = arith.constant 368 : index
    %swap3A_1493 = tpu.vector_load %arg8[%swap3A_1492] {strides = array<i32>} : memref<512xi32, #tpu.memory_space<vmem>>, vector<16xi32>,
    tpu.vector_store %arg8[%swap3A_1492], %sub3A_1491 {strides = array<i32>} : memref<512xi32, #tpu.memory_space<vmem>>, vector<16xi32>,
    %ge3A_1494 = arith.constant 96 : i32
    %ge3A_1495 = vector.broadcast %ge3A_1494 : i32 to vector<16xi32>
    %ge3A_1496 = arith.cmpi sge, %get3A_1485, %ge3A_1495 : vector<16xi32>
    tpu.vector_store_idx %arg6[%sub3A_1491, %add3A_1481], %broadcast_in_dim3A_290 masked %ge3A_1496 : memref<104x512xf32, #tpu.memory_space<vmem>>[vector<16xi32>, vector<16xi32>], vector<16xf32>, vector<16xi1>
    %add3A_1497 = arith.constant 384 : i32
    %add3A_1498 = vector.broadcast %add3A_1497 : i32 to vector<16xi32>
    %add3A_1499 = arith.addi %iota3A, %add3A_1498 : vector<16xi32>
    %get3A_1500 = arith.constant 0 : i32
    %get3A_1501 = arith.index_cast %get3A_1500 : i32 to index
    %get3A_1502 = arith.constant 384 : index
    %get3A_1503 = tpu.vector_load %arg4[%get3A_1501, %get3A_1502] {strides = array<i32>} : memref<26x512xi32, #tpu.memory_space<vmem>>, vector<16xi32>,
    %max3A_1504 = arith.constant 96 : i32
    %max3A_1505 = vector.broadcast %max3A_1504 : i32 to vector<16xi32>
    %max3A_1506 = arith.maxsi %get3A_1503, %max3A_1505 : vector<16xi32>
    %sub3A_1507 = arith.constant 96 : i32
    %sub3A_1508 = vector.broadcast %sub3A_1507 : i32 to vector<16xi32>
    %sub3A_1509 = arith.subi %max3A_1506, %sub3A_1508 : vector<16xi32>
    %swap3A_1510 = arith.constant 384 : index
    %swap3A_1511 = tpu.vector_load %arg8[%swap3A_1510] {strides = array<i32>} : memref<512xi32, #tpu.memory_space<vmem>>, vector<16xi32>,
    tpu.vector_store %arg8[%swap3A_1510], %sub3A_1509 {strides = array<i32>} : memref<512xi32, #tpu.memory_space<vmem>>, vector<16xi32>,
    %ge3A_1512 = arith.constant 96 : i32
    %ge3A_1513 = vector.broadcast %ge3A_1512 : i32 to vector<16xi32>
    %ge3A_1514 = arith.cmpi sge, %get3A_1503, %ge3A_1513 : vector<16xi32>
    tpu.vector_store_idx %arg6[%sub3A_1509, %add3A_1499], %broadcast_in_dim3A_290 masked %ge3A_1514 : memref<104x512xf32, #tpu.memory_space<vmem>>[vector<16xi32>, vector<16xi32>], vector<16xf32>, vector<16xi1>
    %add3A_1515 = arith.constant 400 : i32
    %add3A_1516 = vector.broadcast %add3A_1515 : i32 to vector<16xi32>
    %add3A_1517 = arith.addi %iota3A, %add3A_1516 : vector<16xi32>
    %get3A_1518 = arith.constant 0 : i32
    %get3A_1519 = arith.index_cast %get3A_1518 : i32 to index
    %get3A_1520 = arith.constant 400 : index
    %get3A_1521 = tpu.vector_load %arg4[%get3A_1519, %get3A_1520] {strides = array<i32>} : memref<26x512xi32, #tpu.memory_space<vmem>>, vector<16xi32>,
    %max3A_1522 = arith.constant 96 : i32
    %max3A_1523 = vector.broadcast %max3A_1522 : i32 to vector<16xi32>
    %max3A_1524 = arith.maxsi %get3A_1521, %max3A_1523 : vector<16xi32>
    %sub3A_1525 = arith.constant 96 : i32
    %sub3A_1526 = vector.broadcast %sub3A_1525 : i32 to vector<16xi32>
    %sub3A_1527 = arith.subi %max3A_1524, %sub3A_1526 : vector<16xi32>
    %swap3A_1528 = arith.constant 400 : index
    %swap3A_1529 = tpu.vector_load %arg8[%swap3A_1528] {strides = array<i32>} : memref<512xi32, #tpu.memory_space<vmem>>, vector<16xi32>,
    tpu.vector_store %arg8[%swap3A_1528], %sub3A_1527 {strides = array<i32>} : memref<512xi32, #tpu.memory_space<vmem>>, vector<16xi32>,
    %ge3A_1530 = arith.constant 96 : i32
    %ge3A_1531 = vector.broadcast %ge3A_1530 : i32 to vector<16xi32>
    %ge3A_1532 = arith.cmpi sge, %get3A_1521, %ge3A_1531 : vector<16xi32>
    tpu.vector_store_idx %arg6[%sub3A_1527, %add3A_1517], %broadcast_in_dim3A_290 masked %ge3A_1532 : memref<104x512xf32, #tpu.memory_space<vmem>>[vector<16xi32>, vector<16xi32>], vector<16xf32>, vector<16xi1>
    %add3A_1533 = arith.constant 416 : i32
    %add3A_1534 = vector.broadcast %add3A_1533 : i32 to vector<16xi32>
    %add3A_1535 = arith.addi %iota3A, %add3A_1534 : vector<16xi32>
    %get3A_1536 = arith.constant 0 : i32
    %get3A_1537 = arith.index_cast %get3A_1536 : i32 to index
    %get3A_1538 = arith.constant 416 : index
    %get3A_1539 = tpu.vector_load %arg4[%get3A_1537, %get3A_1538] {strides = array<i32>} : memref<26x512xi32, #tpu.memory_space<vmem>>, vector<16xi32>,
    %max3A_1540 = arith.constant 96 : i32
    %max3A_1541 = vector.broadcast %max3A_1540 : i32 to vector<16xi32>
    %max3A_1542 = arith.maxsi %get3A_1539, %max3A_1541 : vector<16xi32>
    %sub3A_1543 = arith.constant 96 : i32
    %sub3A_1544 = vector.broadcast %sub3A_1543 : i32 to vector<16xi32>
    %sub3A_1545 = arith.subi %max3A_1542, %sub3A_1544 : vector<16xi32>
    %swap3A_1546 = arith.constant 416 : index
    %swap3A_1547 = tpu.vector_load %arg8[%swap3A_1546] {strides = array<i32>} : memref<512xi32, #tpu.memory_space<vmem>>, vector<16xi32>,
    tpu.vector_store %arg8[%swap3A_1546], %sub3A_1545 {strides = array<i32>} : memref<512xi32, #tpu.memory_space<vmem>>, vector<16xi32>,
    %ge3A_1548 = arith.constant 96 : i32
    %ge3A_1549 = vector.broadcast %ge3A_1548 : i32 to vector<16xi32>
    %ge3A_1550 = arith.cmpi sge, %get3A_1539, %ge3A_1549 : vector<16xi32>
    tpu.vector_store_idx %arg6[%sub3A_1545, %add3A_1535], %broadcast_in_dim3A_290 masked %ge3A_1550 : memref<104x512xf32, #tpu.memory_space<vmem>>[vector<16xi32>, vector<16xi32>], vector<16xf32>, vector<16xi1>
    %add3A_1551 = arith.constant 432 : i32
    %add3A_1552 = vector.broadcast %add3A_1551 : i32 to vector<16xi32>
    %add3A_1553 = arith.addi %iota3A, %add3A_1552 : vector<16xi32>
    %get3A_1554 = arith.constant 0 : i32
    %get3A_1555 = arith.index_cast %get3A_1554 : i32 to index
    %get3A_1556 = arith.constant 432 : index
    %get3A_1557 = tpu.vector_load %arg4[%get3A_1555, %get3A_1556] {strides = array<i32>} : memref<26x512xi32, #tpu.memory_space<vmem>>, vector<16xi32>,
    %max3A_1558 = arith.constant 96 : i32
    %max3A_1559 = vector.broadcast %max3A_1558 : i32 to vector<16xi32>
    %max3A_1560 = arith.maxsi %get3A_1557, %max3A_1559 : vector<16xi32>
    %sub3A_1561 = arith.constant 96 : i32
    %sub3A_1562 = vector.broadcast %sub3A_1561 : i32 to vector<16xi32>
    %sub3A_1563 = arith.subi %max3A_1560, %sub3A_1562 : vector<16xi32>
    %swap3A_1564 = arith.constant 432 : index
    %swap3A_1565 = tpu.vector_load %arg8[%swap3A_1564] {strides = array<i32>} : memref<512xi32, #tpu.memory_space<vmem>>, vector<16xi32>,
    tpu.vector_store %arg8[%swap3A_1564], %sub3A_1563 {strides = array<i32>} : memref<512xi32, #tpu.memory_space<vmem>>, vector<16xi32>,
    %ge3A_1566 = arith.constant 96 : i32
    %ge3A_1567 = vector.broadcast %ge3A_1566 : i32 to vector<16xi32>
    %ge3A_1568 = arith.cmpi sge, %get3A_1557, %ge3A_1567 : vector<16xi32>
    tpu.vector_store_idx %arg6[%sub3A_1563, %add3A_1553], %broadcast_in_dim3A_290 masked %ge3A_1568 : memref<104x512xf32, #tpu.memory_space<vmem>>[vector<16xi32>, vector<16xi32>], vector<16xf32>, vector<16xi1>
    %add3A_1569 = arith.constant 448 : i32
    %add3A_1570 = vector.broadcast %add3A_1569 : i32 to vector<16xi32>
    %add3A_1571 = arith.addi %iota3A, %add3A_1570 : vector<16xi32>
    %get3A_1572 = arith.constant 0 : i32
    %get3A_1573 = arith.index_cast %get3A_1572 : i32 to index
    %get3A_1574 = arith.constant 448 : index
    %get3A_1575 = tpu.vector_load %arg4[%get3A_1573, %get3A_1574] {strides = array<i32>} : memref<26x512xi32, #tpu.memory_space<vmem>>, vector<16xi32>,
    %max3A_1576 = arith.constant 96 : i32
    %max3A_1577 = vector.broadcast %max3A_1576 : i32 to vector<16xi32>
    %max3A_1578 = arith.maxsi %get3A_1575, %max3A_1577 : vector<16xi32>
    %sub3A_1579 = arith.constant 96 : i32
    %sub3A_1580 = vector.broadcast %sub3A_1579 : i32 to vector<16xi32>
    %sub3A_1581 = arith.subi %max3A_1578, %sub3A_1580 : vector<16xi32>
    %swap3A_1582 = arith.constant 448 : index
    %swap3A_1583 = tpu.vector_load %arg8[%swap3A_1582] {strides = array<i32>} : memref<512xi32, #tpu.memory_space<vmem>>, vector<16xi32>,
    tpu.vector_store %arg8[%swap3A_1582], %sub3A_1581 {strides = array<i32>} : memref<512xi32, #tpu.memory_space<vmem>>, vector<16xi32>,
    %ge3A_1584 = arith.constant 96 : i32
    %ge3A_1585 = vector.broadcast %ge3A_1584 : i32 to vector<16xi32>
    %ge3A_1586 = arith.cmpi sge, %get3A_1575, %ge3A_1585 : vector<16xi32>
    tpu.vector_store_idx %arg6[%sub3A_1581, %add3A_1571], %broadcast_in_dim3A_290 masked %ge3A_1586 : memref<104x512xf32, #tpu.memory_space<vmem>>[vector<16xi32>, vector<16xi32>], vector<16xf32>, vector<16xi1>
    %add3A_1587 = arith.constant 464 : i32
    %add3A_1588 = vector.broadcast %add3A_1587 : i32 to vector<16xi32>
    %add3A_1589 = arith.addi %iota3A, %add3A_1588 : vector<16xi32>
    %get3A_1590 = arith.constant 0 : i32
    %get3A_1591 = arith.index_cast %get3A_1590 : i32 to index
    %get3A_1592 = arith.constant 464 : index
    %get3A_1593 = tpu.vector_load %arg4[%get3A_1591, %get3A_1592] {strides = array<i32>} : memref<26x512xi32, #tpu.memory_space<vmem>>, vector<16xi32>,
    %max3A_1594 = arith.constant 96 : i32
    %max3A_1595 = vector.broadcast %max3A_1594 : i32 to vector<16xi32>
    %max3A_1596 = arith.maxsi %get3A_1593, %max3A_1595 : vector<16xi32>
    %sub3A_1597 = arith.constant 96 : i32
    %sub3A_1598 = vector.broadcast %sub3A_1597 : i32 to vector<16xi32>
    %sub3A_1599 = arith.subi %max3A_1596, %sub3A_1598 : vector<16xi32>
    %swap3A_1600 = arith.constant 464 : index
    %swap3A_1601 = tpu.vector_load %arg8[%swap3A_1600] {strides = array<i32>} : memref<512xi32, #tpu.memory_space<vmem>>, vector<16xi32>,
    tpu.vector_store %arg8[%swap3A_1600], %sub3A_1599 {strides = array<i32>} : memref<512xi32, #tpu.memory_space<vmem>>, vector<16xi32>,
    %ge3A_1602 = arith.constant 96 : i32
    %ge3A_1603 = vector.broadcast %ge3A_1602 : i32 to vector<16xi32>
    %ge3A_1604 = arith.cmpi sge, %get3A_1593, %ge3A_1603 : vector<16xi32>
    tpu.vector_store_idx %arg6[%sub3A_1599, %add3A_1589], %broadcast_in_dim3A_290 masked %ge3A_1604 : memref<104x512xf32, #tpu.memory_space<vmem>>[vector<16xi32>, vector<16xi32>], vector<16xf32>, vector<16xi1>
    %add3A_1605 = arith.constant 480 : i32
    %add3A_1606 = vector.broadcast %add3A_1605 : i32 to vector<16xi32>
    %add3A_1607 = arith.addi %iota3A, %add3A_1606 : vector<16xi32>
    %get3A_1608 = arith.constant 0 : i32
    %get3A_1609 = arith.index_cast %get3A_1608 : i32 to index
    %get3A_1610 = arith.constant 480 : index
    %get3A_1611 = tpu.vector_load %arg4[%get3A_1609, %get3A_1610] {strides = array<i32>} : memref<26x512xi32, #tpu.memory_space<vmem>>, vector<16xi32>,
    %max3A_1612 = arith.constant 96 : i32
    %max3A_1613 = vector.broadcast %max3A_1612 : i32 to vector<16xi32>
    %max3A_1614 = arith.maxsi %get3A_1611, %max3A_1613 : vector<16xi32>
    %sub3A_1615 = arith.constant 96 : i32
    %sub3A_1616 = vector.broadcast %sub3A_1615 : i32 to vector<16xi32>
    %sub3A_1617 = arith.subi %max3A_1614, %sub3A_1616 : vector<16xi32>
    %swap3A_1618 = arith.constant 480 : index
    %swap3A_1619 = tpu.vector_load %arg8[%swap3A_1618] {strides = array<i32>} : memref<512xi32, #tpu.memory_space<vmem>>, vector<16xi32>,
    tpu.vector_store %arg8[%swap3A_1618], %sub3A_1617 {strides = array<i32>} : memref<512xi32, #tpu.memory_space<vmem>>, vector<16xi32>,
    %ge3A_1620 = arith.constant 96 : i32
    %ge3A_1621 = vector.broadcast %ge3A_1620 : i32 to vector<16xi32>
    %ge3A_1622 = arith.cmpi sge, %get3A_1611, %ge3A_1621 : vector<16xi32>
    tpu.vector_store_idx %arg6[%sub3A_1617, %add3A_1607], %broadcast_in_dim3A_290 masked %ge3A_1622 : memref<104x512xf32, #tpu.memory_space<vmem>>[vector<16xi32>, vector<16xi32>], vector<16xf32>, vector<16xi1>
    %add3A_1623 = arith.constant 496 : i32
    %add3A_1624 = vector.broadcast %add3A_1623 : i32 to vector<16xi32>
    %add3A_1625 = arith.addi %iota3A, %add3A_1624 : vector<16xi32>
    %get3A_1626 = arith.constant 0 : i32
    %get3A_1627 = arith.index_cast %get3A_1626 : i32 to index
    %get3A_1628 = arith.constant 496 : index
    %get3A_1629 = tpu.vector_load %arg4[%get3A_1627, %get3A_1628] {strides = array<i32>} : memref<26x512xi32, #tpu.memory_space<vmem>>, vector<16xi32>,
    %max3A_1630 = arith.constant 96 : i32
    %max3A_1631 = vector.broadcast %max3A_1630 : i32 to vector<16xi32>
    %max3A_1632 = arith.maxsi %get3A_1629, %max3A_1631 : vector<16xi32>
    %sub3A_1633 = arith.constant 96 : i32
    %sub3A_1634 = vector.broadcast %sub3A_1633 : i32 to vector<16xi32>
    %sub3A_1635 = arith.subi %max3A_1632, %sub3A_1634 : vector<16xi32>
    %swap3A_1636 = arith.constant 496 : index
    %swap3A_1637 = tpu.vector_load %arg8[%swap3A_1636] {strides = array<i32>} : memref<512xi32, #tpu.memory_space<vmem>>, vector<16xi32>,
    tpu.vector_store %arg8[%swap3A_1636], %sub3A_1635 {strides = array<i32>} : memref<512xi32, #tpu.memory_space<vmem>>, vector<16xi32>,
    %ge3A_1638 = arith.constant 96 : i32
    %ge3A_1639 = vector.broadcast %ge3A_1638 : i32 to vector<16xi32>
    %ge3A_1640 = arith.cmpi sge, %get3A_1629, %ge3A_1639 : vector<16xi32>
    tpu.vector_store_idx %arg6[%sub3A_1635, %add3A_1625], %broadcast_in_dim3A_290 masked %ge3A_1640 : memref<104x512xf32, #tpu.memory_space<vmem>>[vector<16xi32>, vector<16xi32>], vector<16xf32>, vector<16xi1>
    %mul3A_1641 = arith.constant 0 : i32
    %mul3A_1642 = arith.constant 200 : i32
    %mul3A_1643 = arith.muli %mul3A_1641, %mul3A_1642 : i32
    %add3A_1644 = arith.constant 96 : i32
    %add3A_1645 = arith.addi %mul3A_1643, %add3A_1644 : i32
    %dma_start3A_1646 = tpu.memref_slice %arg3[%add3A_1645, %mul3A_2] : memref<5200x16384xf32, #tpu.memory_space<hbm>> -> memref<104x512xf32, #tpu.memory_space<hbm>>
    %dma_start3A_1647 = tpu.memref_slice %arg3[%add3A_1645, %mul3A_2] : memref<5200x16384xf32, #tpu.memory_space<hbm>> -> memref<104x512xf32, #tpu.memory_space<hbm>>
    tpu.enqueue_dma source(%arg6 : memref<104x512xf32, #tpu.memory_space<vmem>>) target(%dma_start3A_1647 : memref<104x512xf32, #tpu.memory_space<hbm>>) target_semaphore(%arg10 : memref<!tpu.dma_semaphore, #tpu.memory_space<semaphore_mem>>)
    %scan3A_1648 = arith.constant 0 : i32
    %scan3A_1649 = arith.constant 1 : i32
    %scan3A_1650 = arith.constant 25 : i32
    %scan3A_1651 = arith.addi %scan3A_1649, %scan3A_1650 : i32
    %scan3A_1652 = arith.constant 1 : i32
    scf.for %scan3A_1666 = %scan3A_1649 to %scan3A_1651 step %scan3A_1652  : i32 {
      %sub3A_1667 = arith.constant 1 : i32
      %sub3A_1668 = arith.subi %scan3A_1666, %sub3A_1667 : i32
      %mul3A_1669 = arith.constant 200 : i32
      %mul3A_1670 = arith.muli %sub3A_1668, %mul3A_1669 : i32
      %dma_wait3A_1671 = tpu.memref_slice %arg3[%mul3A_1670, %mul3A_2] : memref<5200x16384xf32, #tpu.memory_space<hbm>> -> memref<96x512xf32, #tpu.memory_space<hbm>>
      %dma_wait3A_1672 = tpu.memref_slice %arg3[%mul3A_1670, %mul3A_2] : memref<5200x16384xf32, #tpu.memory_space<hbm>> -> memref<96x512xf32, #tpu.memory_space<hbm>>
      tpu.wait_dma2 semaphore(%arg9 : memref<!tpu.dma_semaphore, #tpu.memory_space<semaphore_mem>>) src(%arg5 : memref<96x512xf32, #tpu.memory_space<vmem>>) dst(%dma_wait3A_1672 : memref<96x512xf32, #tpu.memory_space<hbm>>)
      %add3A_1673 = arith.constant 0 : i32
      %add3A_1674 = vector.broadcast %add3A_1673 : i32 to vector<16xi32>
      %add3A_1675 = arith.addi %iota3A, %add3A_1674 : vector<16xi32>
      %get3A_1676 = arith.constant 0 : index
      %get3A_1677 = tpu.vector_load %arg7[%get3A_1676] {strides = array<i32>} : memref<512xi32, #tpu.memory_space<vmem>>, vector<16xi32>,
      tpu.vector_store_idx %arg5[%get3A_1677, %add3A_1675], %broadcast_in_dim3A_288 : memref<96x512xf32, #tpu.memory_space<vmem>>[vector<16xi32>, vector<16xi32>], vector<16xf32>,
      %add3A_1678 = arith.constant 16 : i32
      %add3A_1679 = vector.broadcast %add3A_1678 : i32 to vector<16xi32>
      %add3A_1680 = arith.addi %iota3A, %add3A_1679 : vector<16xi32>
      %get3A_1681 = arith.constant 16 : index
      %get3A_1682 = tpu.vector_load %arg7[%get3A_1681] {strides = array<i32>} : memref<512xi32, #tpu.memory_space<vmem>>, vector<16xi32>,
      tpu.vector_store_idx %arg5[%get3A_1682, %add3A_1680], %broadcast_in_dim3A_288 : memref<96x512xf32, #tpu.memory_space<vmem>>[vector<16xi32>, vector<16xi32>], vector<16xf32>,
      %add3A_1683 = arith.constant 32 : i32
      %add3A_1684 = vector.broadcast %add3A_1683 : i32 to vector<16xi32>
      %add3A_1685 = arith.addi %iota3A, %add3A_1684 : vector<16xi32>
      %get3A_1686 = arith.constant 32 : index
      %get3A_1687 = tpu.vector_load %arg7[%get3A_1686] {strides = array<i32>} : memref<512xi32, #tpu.memory_space<vmem>>, vector<16xi32>,
      tpu.vector_store_idx %arg5[%get3A_1687, %add3A_1685], %broadcast_in_dim3A_288 : memref<96x512xf32, #tpu.memory_space<vmem>>[vector<16xi32>, vector<16xi32>], vector<16xf32>,
      %add3A_1688 = arith.constant 48 : i32
      %add3A_1689 = vector.broadcast %add3A_1688 : i32 to vector<16xi32>
      %add3A_1690 = arith.addi %iota3A, %add3A_1689 : vector<16xi32>
      %get3A_1691 = arith.constant 48 : index
      %get3A_1692 = tpu.vector_load %arg7[%get3A_1691] {strides = array<i32>} : memref<512xi32, #tpu.memory_space<vmem>>, vector<16xi32>,
      tpu.vector_store_idx %arg5[%get3A_1692, %add3A_1690], %broadcast_in_dim3A_288 : memref<96x512xf32, #tpu.memory_space<vmem>>[vector<16xi32>, vector<16xi32>], vector<16xf32>,
      %add3A_1693 = arith.constant 64 : i32
      %add3A_1694 = vector.broadcast %add3A_1693 : i32 to vector<16xi32>
      %add3A_1695 = arith.addi %iota3A, %add3A_1694 : vector<16xi32>
      %get3A_1696 = arith.constant 64 : index
      %get3A_1697 = tpu.vector_load %arg7[%get3A_1696] {strides = array<i32>} : memref<512xi32, #tpu.memory_space<vmem>>, vector<16xi32>,
      tpu.vector_store_idx %arg5[%get3A_1697, %add3A_1695], %broadcast_in_dim3A_288 : memref<96x512xf32, #tpu.memory_space<vmem>>[vector<16xi32>, vector<16xi32>], vector<16xf32>,
      %add3A_1698 = arith.constant 80 : i32
      %add3A_1699 = vector.broadcast %add3A_1698 : i32 to vector<16xi32>
      %add3A_1700 = arith.addi %iota3A, %add3A_1699 : vector<16xi32>
      %get3A_1701 = arith.constant 80 : index
      %get3A_1702 = tpu.vector_load %arg7[%get3A_1701] {strides = array<i32>} : memref<512xi32, #tpu.memory_space<vmem>>, vector<16xi32>,
      tpu.vector_store_idx %arg5[%get3A_1702, %add3A_1700], %broadcast_in_dim3A_288 : memref<96x512xf32, #tpu.memory_space<vmem>>[vector<16xi32>, vector<16xi32>], vector<16xf32>,
      %add3A_1703 = arith.constant 96 : i32
      %add3A_1704 = vector.broadcast %add3A_1703 : i32 to vector<16xi32>
      %add3A_1705 = arith.addi %iota3A, %add3A_1704 : vector<16xi32>
      %get3A_1706 = arith.constant 96 : index
      %get3A_1707 = tpu.vector_load %arg7[%get3A_1706] {strides = array<i32>} : memref<512xi32, #tpu.memory_space<vmem>>, vector<16xi32>,
      tpu.vector_store_idx %arg5[%get3A_1707, %add3A_1705], %broadcast_in_dim3A_288 : memref<96x512xf32, #tpu.memory_space<vmem>>[vector<16xi32>, vector<16xi32>], vector<16xf32>,
      %add3A_1708 = arith.constant 112 : i32
      %add3A_1709 = vector.broadcast %add3A_1708 : i32 to vector<16xi32>
      %add3A_1710 = arith.addi %iota3A, %add3A_1709 : vector<16xi32>
      %get3A_1711 = arith.constant 112 : index
      %get3A_1712 = tpu.vector_load %arg7[%get3A_1711] {strides = array<i32>} : memref<512xi32, #tpu.memory_space<vmem>>, vector<16xi32>,
      tpu.vector_store_idx %arg5[%get3A_1712, %add3A_1710], %broadcast_in_dim3A_288 : memref<96x512xf32, #tpu.memory_space<vmem>>[vector<16xi32>, vector<16xi32>], vector<16xf32>,
      %add3A_1713 = arith.constant 128 : i32
      %add3A_1714 = vector.broadcast %add3A_1713 : i32 to vector<16xi32>
      %add3A_1715 = arith.addi %iota3A, %add3A_1714 : vector<16xi32>
      %get3A_1716 = arith.constant 128 : index
      %get3A_1717 = tpu.vector_load %arg7[%get3A_1716] {strides = array<i32>} : memref<512xi32, #tpu.memory_space<vmem>>, vector<16xi32>,
      tpu.vector_store_idx %arg5[%get3A_1717, %add3A_1715], %broadcast_in_dim3A_288 : memref<96x512xf32, #tpu.memory_space<vmem>>[vector<16xi32>, vector<16xi32>], vector<16xf32>,
      %add3A_1718 = arith.constant 144 : i32
      %add3A_1719 = vector.broadcast %add3A_1718 : i32 to vector<16xi32>
      %add3A_1720 = arith.addi %iota3A, %add3A_1719 : vector<16xi32>
      %get3A_1721 = arith.constant 144 : index
      %get3A_1722 = tpu.vector_load %arg7[%get3A_1721] {strides = array<i32>} : memref<512xi32, #tpu.memory_space<vmem>>, vector<16xi32>,
      tpu.vector_store_idx %arg5[%get3A_1722, %add3A_1720], %broadcast_in_dim3A_288 : memref<96x512xf32, #tpu.memory_space<vmem>>[vector<16xi32>, vector<16xi32>], vector<16xf32>,
      %add3A_1723 = arith.constant 160 : i32
      %add3A_1724 = vector.broadcast %add3A_1723 : i32 to vector<16xi32>
      %add3A_1725 = arith.addi %iota3A, %add3A_1724 : vector<16xi32>
      %get3A_1726 = arith.constant 160 : index
      %get3A_1727 = tpu.vector_load %arg7[%get3A_1726] {strides = array<i32>} : memref<512xi32, #tpu.memory_space<vmem>>, vector<16xi32>,
      tpu.vector_store_idx %arg5[%get3A_1727, %add3A_1725], %broadcast_in_dim3A_288 : memref<96x512xf32, #tpu.memory_space<vmem>>[vector<16xi32>, vector<16xi32>], vector<16xf32>,
      %add3A_1728 = arith.constant 176 : i32
      %add3A_1729 = vector.broadcast %add3A_1728 : i32 to vector<16xi32>
      %add3A_1730 = arith.addi %iota3A, %add3A_1729 : vector<16xi32>
      %get3A_1731 = arith.constant 176 : index
      %get3A_1732 = tpu.vector_load %arg7[%get3A_1731] {strides = array<i32>} : memref<512xi32, #tpu.memory_space<vmem>>, vector<16xi32>,
      tpu.vector_store_idx %arg5[%get3A_1732, %add3A_1730], %broadcast_in_dim3A_288 : memref<96x512xf32, #tpu.memory_space<vmem>>[vector<16xi32>, vector<16xi32>], vector<16xf32>,
      %add3A_1733 = arith.constant 192 : i32
      %add3A_1734 = vector.broadcast %add3A_1733 : i32 to vector<16xi32>
      %add3A_1735 = arith.addi %iota3A, %add3A_1734 : vector<16xi32>
      %get3A_1736 = arith.constant 192 : index
      %get3A_1737 = tpu.vector_load %arg7[%get3A_1736] {strides = array<i32>} : memref<512xi32, #tpu.memory_space<vmem>>, vector<16xi32>,
      tpu.vector_store_idx %arg5[%get3A_1737, %add3A_1735], %broadcast_in_dim3A_288 : memref<96x512xf32, #tpu.memory_space<vmem>>[vector<16xi32>, vector<16xi32>], vector<16xf32>,
      %add3A_1738 = arith.constant 208 : i32
      %add3A_1739 = vector.broadcast %add3A_1738 : i32 to vector<16xi32>
      %add3A_1740 = arith.addi %iota3A, %add3A_1739 : vector<16xi32>
      %get3A_1741 = arith.constant 208 : index
      %get3A_1742 = tpu.vector_load %arg7[%get3A_1741] {strides = array<i32>} : memref<512xi32, #tpu.memory_space<vmem>>, vector<16xi32>,
      tpu.vector_store_idx %arg5[%get3A_1742, %add3A_1740], %broadcast_in_dim3A_288 : memref<96x512xf32, #tpu.memory_space<vmem>>[vector<16xi32>, vector<16xi32>], vector<16xf32>,
      %add3A_1743 = arith.constant 224 : i32
      %add3A_1744 = vector.broadcast %add3A_1743 : i32 to vector<16xi32>
      %add3A_1745 = arith.addi %iota3A, %add3A_1744 : vector<16xi32>
      %get3A_1746 = arith.constant 224 : index
      %get3A_1747 = tpu.vector_load %arg7[%get3A_1746] {strides = array<i32>} : memref<512xi32, #tpu.memory_space<vmem>>, vector<16xi32>,
      tpu.vector_store_idx %arg5[%get3A_1747, %add3A_1745], %broadcast_in_dim3A_288 : memref<96x512xf32, #tpu.memory_space<vmem>>[vector<16xi32>, vector<16xi32>], vector<16xf32>,
      %add3A_1748 = arith.constant 240 : i32
      %add3A_1749 = vector.broadcast %add3A_1748 : i32 to vector<16xi32>
      %add3A_1750 = arith.addi %iota3A, %add3A_1749 : vector<16xi32>
      %get3A_1751 = arith.constant 240 : index
      %get3A_1752 = tpu.vector_load %arg7[%get3A_1751] {strides = array<i32>} : memref<512xi32, #tpu.memory_space<vmem>>, vector<16xi32>,
      tpu.vector_store_idx %arg5[%get3A_1752, %add3A_1750], %broadcast_in_dim3A_288 : memref<96x512xf32, #tpu.memory_space<vmem>>[vector<16xi32>, vector<16xi32>], vector<16xf32>,
      %add3A_1753 = arith.constant 256 : i32
      %add3A_1754 = vector.broadcast %add3A_1753 : i32 to vector<16xi32>
      %add3A_1755 = arith.addi %iota3A, %add3A_1754 : vector<16xi32>
      %get3A_1756 = arith.constant 256 : index
      %get3A_1757 = tpu.vector_load %arg7[%get3A_1756] {strides = array<i32>} : memref<512xi32, #tpu.memory_space<vmem>>, vector<16xi32>,
      tpu.vector_store_idx %arg5[%get3A_1757, %add3A_1755], %broadcast_in_dim3A_288 : memref<96x512xf32, #tpu.memory_space<vmem>>[vector<16xi32>, vector<16xi32>], vector<16xf32>,
      %add3A_1758 = arith.constant 272 : i32
      %add3A_1759 = vector.broadcast %add3A_1758 : i32 to vector<16xi32>
      %add3A_1760 = arith.addi %iota3A, %add3A_1759 : vector<16xi32>
      %get3A_1761 = arith.constant 272 : index
      %get3A_1762 = tpu.vector_load %arg7[%get3A_1761] {strides = array<i32>} : memref<512xi32, #tpu.memory_space<vmem>>, vector<16xi32>,
      tpu.vector_store_idx %arg5[%get3A_1762, %add3A_1760], %broadcast_in_dim3A_288 : memref<96x512xf32, #tpu.memory_space<vmem>>[vector<16xi32>, vector<16xi32>], vector<16xf32>,
      %add3A_1763 = arith.constant 288 : i32
      %add3A_1764 = vector.broadcast %add3A_1763 : i32 to vector<16xi32>
      %add3A_1765 = arith.addi %iota3A, %add3A_1764 : vector<16xi32>
      %get3A_1766 = arith.constant 288 : index
      %get3A_1767 = tpu.vector_load %arg7[%get3A_1766] {strides = array<i32>} : memref<512xi32, #tpu.memory_space<vmem>>, vector<16xi32>,
      tpu.vector_store_idx %arg5[%get3A_1767, %add3A_1765], %broadcast_in_dim3A_288 : memref<96x512xf32, #tpu.memory_space<vmem>>[vector<16xi32>, vector<16xi32>], vector<16xf32>,
      %add3A_1768 = arith.constant 304 : i32
      %add3A_1769 = vector.broadcast %add3A_1768 : i32 to vector<16xi32>
      %add3A_1770 = arith.addi %iota3A, %add3A_1769 : vector<16xi32>
      %get3A_1771 = arith.constant 304 : index
      %get3A_1772 = tpu.vector_load %arg7[%get3A_1771] {strides = array<i32>} : memref<512xi32, #tpu.memory_space<vmem>>, vector<16xi32>,
      tpu.vector_store_idx %arg5[%get3A_1772, %add3A_1770], %broadcast_in_dim3A_288 : memref<96x512xf32, #tpu.memory_space<vmem>>[vector<16xi32>, vector<16xi32>], vector<16xf32>,
      %add3A_1773 = arith.constant 320 : i32
      %add3A_1774 = vector.broadcast %add3A_1773 : i32 to vector<16xi32>
      %add3A_1775 = arith.addi %iota3A, %add3A_1774 : vector<16xi32>
      %get3A_1776 = arith.constant 320 : index
      %get3A_1777 = tpu.vector_load %arg7[%get3A_1776] {strides = array<i32>} : memref<512xi32, #tpu.memory_space<vmem>>, vector<16xi32>,
      tpu.vector_store_idx %arg5[%get3A_1777, %add3A_1775], %broadcast_in_dim3A_288 : memref<96x512xf32, #tpu.memory_space<vmem>>[vector<16xi32>, vector<16xi32>], vector<16xf32>,
      %add3A_1778 = arith.constant 336 : i32
      %add3A_1779 = vector.broadcast %add3A_1778 : i32 to vector<16xi32>
      %add3A_1780 = arith.addi %iota3A, %add3A_1779 : vector<16xi32>
      %get3A_1781 = arith.constant 336 : index
      %get3A_1782 = tpu.vector_load %arg7[%get3A_1781] {strides = array<i32>} : memref<512xi32, #tpu.memory_space<vmem>>, vector<16xi32>,
      tpu.vector_store_idx %arg5[%get3A_1782, %add3A_1780], %broadcast_in_dim3A_288 : memref<96x512xf32, #tpu.memory_space<vmem>>[vector<16xi32>, vector<16xi32>], vector<16xf32>,
      %add3A_1783 = arith.constant 352 : i32
      %add3A_1784 = vector.broadcast %add3A_1783 : i32 to vector<16xi32>
      %add3A_1785 = arith.addi %iota3A, %add3A_1784 : vector<16xi32>
      %get3A_1786 = arith.constant 352 : index
      %get3A_1787 = tpu.vector_load %arg7[%get3A_1786] {strides = array<i32>} : memref<512xi32, #tpu.memory_space<vmem>>, vector<16xi32>,
      tpu.vector_store_idx %arg5[%get3A_1787, %add3A_1785], %broadcast_in_dim3A_288 : memref<96x512xf32, #tpu.memory_space<vmem>>[vector<16xi32>, vector<16xi32>], vector<16xf32>,
      %add3A_1788 = arith.constant 368 : i32
      %add3A_1789 = vector.broadcast %add3A_1788 : i32 to vector<16xi32>
      %add3A_1790 = arith.addi %iota3A, %add3A_1789 : vector<16xi32>
      %get3A_1791 = arith.constant 368 : index
      %get3A_1792 = tpu.vector_load %arg7[%get3A_1791] {strides = array<i32>} : memref<512xi32, #tpu.memory_space<vmem>>, vector<16xi32>,
      tpu.vector_store_idx %arg5[%get3A_1792, %add3A_1790], %broadcast_in_dim3A_288 : memref<96x512xf32, #tpu.memory_space<vmem>>[vector<16xi32>, vector<16xi32>], vector<16xf32>,
      %add3A_1793 = arith.constant 384 : i32
      %add3A_1794 = vector.broadcast %add3A_1793 : i32 to vector<16xi32>
      %add3A_1795 = arith.addi %iota3A, %add3A_1794 : vector<16xi32>
      %get3A_1796 = arith.constant 384 : index
      %get3A_1797 = tpu.vector_load %arg7[%get3A_1796] {strides = array<i32>} : memref<512xi32, #tpu.memory_space<vmem>>, vector<16xi32>,
      tpu.vector_store_idx %arg5[%get3A_1797, %add3A_1795], %broadcast_in_dim3A_288 : memref<96x512xf32, #tpu.memory_space<vmem>>[vector<16xi32>, vector<16xi32>], vector<16xf32>,
      %add3A_1798 = arith.constant 400 : i32
      %add3A_1799 = vector.broadcast %add3A_1798 : i32 to vector<16xi32>
      %add3A_1800 = arith.addi %iota3A, %add3A_1799 : vector<16xi32>
      %get3A_1801 = arith.constant 400 : index
      %get3A_1802 = tpu.vector_load %arg7[%get3A_1801] {strides = array<i32>} : memref<512xi32, #tpu.memory_space<vmem>>, vector<16xi32>,
      tpu.vector_store_idx %arg5[%get3A_1802, %add3A_1800], %broadcast_in_dim3A_288 : memref<96x512xf32, #tpu.memory_space<vmem>>[vector<16xi32>, vector<16xi32>], vector<16xf32>,
      %add3A_1803 = arith.constant 416 : i32
      %add3A_1804 = vector.broadcast %add3A_1803 : i32 to vector<16xi32>
      %add3A_1805 = arith.addi %iota3A, %add3A_1804 : vector<16xi32>
      %get3A_1806 = arith.constant 416 : index
      %get3A_1807 = tpu.vector_load %arg7[%get3A_1806] {strides = array<i32>} : memref<512xi32, #tpu.memory_space<vmem>>, vector<16xi32>,
      tpu.vector_store_idx %arg5[%get3A_1807, %add3A_1805], %broadcast_in_dim3A_288 : memref<96x512xf32, #tpu.memory_space<vmem>>[vector<16xi32>, vector<16xi32>], vector<16xf32>,
      %add3A_1808 = arith.constant 432 : i32
      %add3A_1809 = vector.broadcast %add3A_1808 : i32 to vector<16xi32>
      %add3A_1810 = arith.addi %iota3A, %add3A_1809 : vector<16xi32>
      %get3A_1811 = arith.constant 432 : index
      %get3A_1812 = tpu.vector_load %arg7[%get3A_1811] {strides = array<i32>} : memref<512xi32, #tpu.memory_space<vmem>>, vector<16xi32>,
      tpu.vector_store_idx %arg5[%get3A_1812, %add3A_1810], %broadcast_in_dim3A_288 : memref<96x512xf32, #tpu.memory_space<vmem>>[vector<16xi32>, vector<16xi32>], vector<16xf32>,
      %add3A_1813 = arith.constant 448 : i32
      %add3A_1814 = vector.broadcast %add3A_1813 : i32 to vector<16xi32>
      %add3A_1815 = arith.addi %iota3A, %add3A_1814 : vector<16xi32>
      %get3A_1816 = arith.constant 448 : index
      %get3A_1817 = tpu.vector_load %arg7[%get3A_1816] {strides = array<i32>} : memref<512xi32, #tpu.memory_space<vmem>>, vector<16xi32>,
      tpu.vector_store_idx %arg5[%get3A_1817, %add3A_1815], %broadcast_in_dim3A_288 : memref<96x512xf32, #tpu.memory_space<vmem>>[vector<16xi32>, vector<16xi32>], vector<16xf32>,
      %add3A_1818 = arith.constant 464 : i32
      %add3A_1819 = vector.broadcast %add3A_1818 : i32 to vector<16xi32>
      %add3A_1820 = arith.addi %iota3A, %add3A_1819 : vector<16xi32>
      %get3A_1821 = arith.constant 464 : index
      %get3A_1822 = tpu.vector_load %arg7[%get3A_1821] {strides = array<i32>} : memref<512xi32, #tpu.memory_space<vmem>>, vector<16xi32>,
      tpu.vector_store_idx %arg5[%get3A_1822, %add3A_1820], %broadcast_in_dim3A_288 : memref<96x512xf32, #tpu.memory_space<vmem>>[vector<16xi32>, vector<16xi32>], vector<16xf32>,
      %add3A_1823 = arith.constant 480 : i32
      %add3A_1824 = vector.broadcast %add3A_1823 : i32 to vector<16xi32>
      %add3A_1825 = arith.addi %iota3A, %add3A_1824 : vector<16xi32>
      %get3A_1826 = arith.constant 480 : index
      %get3A_1827 = tpu.vector_load %arg7[%get3A_1826] {strides = array<i32>} : memref<512xi32, #tpu.memory_space<vmem>>, vector<16xi32>,
      tpu.vector_store_idx %arg5[%get3A_1827, %add3A_1825], %broadcast_in_dim3A_288 : memref<96x512xf32, #tpu.memory_space<vmem>>[vector<16xi32>, vector<16xi32>], vector<16xf32>,
      %add3A_1828 = arith.constant 496 : i32
      %add3A_1829 = vector.broadcast %add3A_1828 : i32 to vector<16xi32>
      %add3A_1830 = arith.addi %iota3A, %add3A_1829 : vector<16xi32>
      %get3A_1831 = arith.constant 496 : index
      %get3A_1832 = tpu.vector_load %arg7[%get3A_1831] {strides = array<i32>} : memref<512xi32, #tpu.memory_space<vmem>>, vector<16xi32>,
      tpu.vector_store_idx %arg5[%get3A_1832, %add3A_1830], %broadcast_in_dim3A_288 : memref<96x512xf32, #tpu.memory_space<vmem>>[vector<16xi32>, vector<16xi32>], vector<16xf32>,
      %add3A_1833 = arith.constant 0 : i32
      %add3A_1834 = vector.broadcast %add3A_1833 : i32 to vector<16xi32>
      %add3A_1835 = arith.addi %iota3A, %add3A_1834 : vector<16xi32>
      %get3A_1836 = arith.index_cast %scan3A_1666 : i32 to index
      %get3A_1837 = arith.constant 0 : index
      %get3A_1838 = tpu.vector_load %arg4[%get3A_1836, %get3A_1837] {strides = array<i32>} : memref<26x512xi32, #tpu.memory_space<vmem>>, vector<16xi32>,
      %min3A_1839 = arith.constant 95 : i32
      %min3A_1840 = vector.broadcast %min3A_1839 : i32 to vector<16xi32>
      %min3A_1841 = arith.minsi %get3A_1838, %min3A_1840 : vector<16xi32>
      %swap3A_1842 = arith.constant 0 : index
      %swap3A_1843 = tpu.vector_load %arg7[%swap3A_1842] {strides = array<i32>} : memref<512xi32, #tpu.memory_space<vmem>>, vector<16xi32>,
      tpu.vector_store %arg7[%swap3A_1842], %min3A_1841 {strides = array<i32>} : memref<512xi32, #tpu.memory_space<vmem>>, vector<16xi32>,
      %lt3A_1844 = arith.constant 96 : i32
      %lt3A_1845 = vector.broadcast %lt3A_1844 : i32 to vector<16xi32>
      %lt3A_1846 = arith.cmpi slt, %get3A_1838, %lt3A_1845 : vector<16xi32>
      tpu.vector_store_idx %arg5[%min3A_1841, %add3A_1835], %broadcast_in_dim3A_290 masked %lt3A_1846 : memref<96x512xf32, #tpu.memory_space<vmem>>[vector<16xi32>, vector<16xi32>], vector<16xf32>, vector<16xi1>
      %add3A_1847 = arith.constant 16 : i32
      %add3A_1848 = vector.broadcast %add3A_1847 : i32 to vector<16xi32>
      %add3A_1849 = arith.addi %iota3A, %add3A_1848 : vector<16xi32>
      %get3A_1850 = arith.index_cast %scan3A_1666 : i32 to index
      %get3A_1851 = arith.constant 16 : index
      %get3A_1852 = tpu.vector_load %arg4[%get3A_1850, %get3A_1851] {strides = array<i32>} : memref<26x512xi32, #tpu.memory_space<vmem>>, vector<16xi32>,
      %min3A_1853 = arith.constant 95 : i32
      %min3A_1854 = vector.broadcast %min3A_1853 : i32 to vector<16xi32>
      %min3A_1855 = arith.minsi %get3A_1852, %min3A_1854 : vector<16xi32>
      %swap3A_1856 = arith.constant 16 : index
      %swap3A_1857 = tpu.vector_load %arg7[%swap3A_1856] {strides = array<i32>} : memref<512xi32, #tpu.memory_space<vmem>>, vector<16xi32>,
      tpu.vector_store %arg7[%swap3A_1856], %min3A_1855 {strides = array<i32>} : memref<512xi32, #tpu.memory_space<vmem>>, vector<16xi32>,
      %lt3A_1858 = arith.constant 96 : i32
      %lt3A_1859 = vector.broadcast %lt3A_1858 : i32 to vector<16xi32>
      %lt3A_1860 = arith.cmpi slt, %get3A_1852, %lt3A_1859 : vector<16xi32>
      tpu.vector_store_idx %arg5[%min3A_1855, %add3A_1849], %broadcast_in_dim3A_290 masked %lt3A_1860 : memref<96x512xf32, #tpu.memory_space<vmem>>[vector<16xi32>, vector<16xi32>], vector<16xf32>, vector<16xi1>
      %add3A_1861 = arith.constant 32 : i32
      %add3A_1862 = vector.broadcast %add3A_1861 : i32 to vector<16xi32>
      %add3A_1863 = arith.addi %iota3A, %add3A_1862 : vector<16xi32>
      %get3A_1864 = arith.index_cast %scan3A_1666 : i32 to index
      %get3A_1865 = arith.constant 32 : index
      %get3A_1866 = tpu.vector_load %arg4[%get3A_1864, %get3A_1865] {strides = array<i32>} : memref<26x512xi32, #tpu.memory_space<vmem>>, vector<16xi32>,
      %min3A_1867 = arith.constant 95 : i32
      %min3A_1868 = vector.broadcast %min3A_1867 : i32 to vector<16xi32>
      %min3A_1869 = arith.minsi %get3A_1866, %min3A_1868 : vector<16xi32>
      %swap3A_1870 = arith.constant 32 : index
      %swap3A_1871 = tpu.vector_load %arg7[%swap3A_1870] {strides = array<i32>} : memref<512xi32, #tpu.memory_space<vmem>>, vector<16xi32>,
      tpu.vector_store %arg7[%swap3A_1870], %min3A_1869 {strides = array<i32>} : memref<512xi32, #tpu.memory_space<vmem>>, vector<16xi32>,
      %lt3A_1872 = arith.constant 96 : i32
      %lt3A_1873 = vector.broadcast %lt3A_1872 : i32 to vector<16xi32>
      %lt3A_1874 = arith.cmpi slt, %get3A_1866, %lt3A_1873 : vector<16xi32>
      tpu.vector_store_idx %arg5[%min3A_1869, %add3A_1863], %broadcast_in_dim3A_290 masked %lt3A_1874 : memref<96x512xf32, #tpu.memory_space<vmem>>[vector<16xi32>, vector<16xi32>], vector<16xf32>, vector<16xi1>
      %add3A_1875 = arith.constant 48 : i32
      %add3A_1876 = vector.broadcast %add3A_1875 : i32 to vector<16xi32>
      %add3A_1877 = arith.addi %iota3A, %add3A_1876 : vector<16xi32>
      %get3A_1878 = arith.index_cast %scan3A_1666 : i32 to index
      %get3A_1879 = arith.constant 48 : index
      %get3A_1880 = tpu.vector_load %arg4[%get3A_1878, %get3A_1879] {strides = array<i32>} : memref<26x512xi32, #tpu.memory_space<vmem>>, vector<16xi32>,
      %min3A_1881 = arith.constant 95 : i32
      %min3A_1882 = vector.broadcast %min3A_1881 : i32 to vector<16xi32>
      %min3A_1883 = arith.minsi %get3A_1880, %min3A_1882 : vector<16xi32>
      %swap3A_1884 = arith.constant 48 : index
      %swap3A_1885 = tpu.vector_load %arg7[%swap3A_1884] {strides = array<i32>} : memref<512xi32, #tpu.memory_space<vmem>>, vector<16xi32>,
      tpu.vector_store %arg7[%swap3A_1884], %min3A_1883 {strides = array<i32>} : memref<512xi32, #tpu.memory_space<vmem>>, vector<16xi32>,
      %lt3A_1886 = arith.constant 96 : i32
      %lt3A_1887 = vector.broadcast %lt3A_1886 : i32 to vector<16xi32>
      %lt3A_1888 = arith.cmpi slt, %get3A_1880, %lt3A_1887 : vector<16xi32>
      tpu.vector_store_idx %arg5[%min3A_1883, %add3A_1877], %broadcast_in_dim3A_290 masked %lt3A_1888 : memref<96x512xf32, #tpu.memory_space<vmem>>[vector<16xi32>, vector<16xi32>], vector<16xf32>, vector<16xi1>
      %add3A_1889 = arith.constant 64 : i32
      %add3A_1890 = vector.broadcast %add3A_1889 : i32 to vector<16xi32>
      %add3A_1891 = arith.addi %iota3A, %add3A_1890 : vector<16xi32>
      %get3A_1892 = arith.index_cast %scan3A_1666 : i32 to index
      %get3A_1893 = arith.constant 64 : index
      %get3A_1894 = tpu.vector_load %arg4[%get3A_1892, %get3A_1893] {strides = array<i32>} : memref<26x512xi32, #tpu.memory_space<vmem>>, vector<16xi32>,
      %min3A_1895 = arith.constant 95 : i32
      %min3A_1896 = vector.broadcast %min3A_1895 : i32 to vector<16xi32>
      %min3A_1897 = arith.minsi %get3A_1894, %min3A_1896 : vector<16xi32>
      %swap3A_1898 = arith.constant 64 : index
      %swap3A_1899 = tpu.vector_load %arg7[%swap3A_1898] {strides = array<i32>} : memref<512xi32, #tpu.memory_space<vmem>>, vector<16xi32>,
      tpu.vector_store %arg7[%swap3A_1898], %min3A_1897 {strides = array<i32>} : memref<512xi32, #tpu.memory_space<vmem>>, vector<16xi32>,
      %lt3A_1900 = arith.constant 96 : i32
      %lt3A_1901 = vector.broadcast %lt3A_1900 : i32 to vector<16xi32>
      %lt3A_1902 = arith.cmpi slt, %get3A_1894, %lt3A_1901 : vector<16xi32>
      tpu.vector_store_idx %arg5[%min3A_1897, %add3A_1891], %broadcast_in_dim3A_290 masked %lt3A_1902 : memref<96x512xf32, #tpu.memory_space<vmem>>[vector<16xi32>, vector<16xi32>], vector<16xf32>, vector<16xi1>
      %add3A_1903 = arith.constant 80 : i32
      %add3A_1904 = vector.broadcast %add3A_1903 : i32 to vector<16xi32>
      %add3A_1905 = arith.addi %iota3A, %add3A_1904 : vector<16xi32>
      %get3A_1906 = arith.index_cast %scan3A_1666 : i32 to index
      %get3A_1907 = arith.constant 80 : index
      %get3A_1908 = tpu.vector_load %arg4[%get3A_1906, %get3A_1907] {strides = array<i32>} : memref<26x512xi32, #tpu.memory_space<vmem>>, vector<16xi32>,
      %min3A_1909 = arith.constant 95 : i32
      %min3A_1910 = vector.broadcast %min3A_1909 : i32 to vector<16xi32>
      %min3A_1911 = arith.minsi %get3A_1908, %min3A_1910 : vector<16xi32>
      %swap3A_1912 = arith.constant 80 : index
      %swap3A_1913 = tpu.vector_load %arg7[%swap3A_1912] {strides = array<i32>} : memref<512xi32, #tpu.memory_space<vmem>>, vector<16xi32>,
      tpu.vector_store %arg7[%swap3A_1912], %min3A_1911 {strides = array<i32>} : memref<512xi32, #tpu.memory_space<vmem>>, vector<16xi32>,
      %lt3A_1914 = arith.constant 96 : i32
      %lt3A_1915 = vector.broadcast %lt3A_1914 : i32 to vector<16xi32>
      %lt3A_1916 = arith.cmpi slt, %get3A_1908, %lt3A_1915 : vector<16xi32>
      tpu.vector_store_idx %arg5[%min3A_1911, %add3A_1905], %broadcast_in_dim3A_290 masked %lt3A_1916 : memref<96x512xf32, #tpu.memory_space<vmem>>[vector<16xi32>, vector<16xi32>], vector<16xf32>, vector<16xi1>
      %add3A_1917 = arith.constant 96 : i32
      %add3A_1918 = vector.broadcast %add3A_1917 : i32 to vector<16xi32>
      %add3A_1919 = arith.addi %iota3A, %add3A_1918 : vector<16xi32>
      %get3A_1920 = arith.index_cast %scan3A_1666 : i32 to index
      %get3A_1921 = arith.constant 96 : index
      %get3A_1922 = tpu.vector_load %arg4[%get3A_1920, %get3A_1921] {strides = array<i32>} : memref<26x512xi32, #tpu.memory_space<vmem>>, vector<16xi32>,
      %min3A_1923 = arith.constant 95 : i32
      %min3A_1924 = vector.broadcast %min3A_1923 : i32 to vector<16xi32>
      %min3A_1925 = arith.minsi %get3A_1922, %min3A_1924 : vector<16xi32>
      %swap3A_1926 = arith.constant 96 : index
      %swap3A_1927 = tpu.vector_load %arg7[%swap3A_1926] {strides = array<i32>} : memref<512xi32, #tpu.memory_space<vmem>>, vector<16xi32>,
      tpu.vector_store %arg7[%swap3A_1926], %min3A_1925 {strides = array<i32>} : memref<512xi32, #tpu.memory_space<vmem>>, vector<16xi32>,
      %lt3A_1928 = arith.constant 96 : i32
      %lt3A_1929 = vector.broadcast %lt3A_1928 : i32 to vector<16xi32>
      %lt3A_1930 = arith.cmpi slt, %get3A_1922, %lt3A_1929 : vector<16xi32>
      tpu.vector_store_idx %arg5[%min3A_1925, %add3A_1919], %broadcast_in_dim3A_290 masked %lt3A_1930 : memref<96x512xf32, #tpu.memory_space<vmem>>[vector<16xi32>, vector<16xi32>], vector<16xf32>, vector<16xi1>
      %add3A_1931 = arith.constant 112 : i32
      %add3A_1932 = vector.broadcast %add3A_1931 : i32 to vector<16xi32>
      %add3A_1933 = arith.addi %iota3A, %add3A_1932 : vector<16xi32>
      %get3A_1934 = arith.index_cast %scan3A_1666 : i32 to index
      %get3A_1935 = arith.constant 112 : index
      %get3A_1936 = tpu.vector_load %arg4[%get3A_1934, %get3A_1935] {strides = array<i32>} : memref<26x512xi32, #tpu.memory_space<vmem>>, vector<16xi32>,
      %min3A_1937 = arith.constant 95 : i32
      %min3A_1938 = vector.broadcast %min3A_1937 : i32 to vector<16xi32>
      %min3A_1939 = arith.minsi %get3A_1936, %min3A_1938 : vector<16xi32>
      %swap3A_1940 = arith.constant 112 : index
      %swap3A_1941 = tpu.vector_load %arg7[%swap3A_1940] {strides = array<i32>} : memref<512xi32, #tpu.memory_space<vmem>>, vector<16xi32>,
      tpu.vector_store %arg7[%swap3A_1940], %min3A_1939 {strides = array<i32>} : memref<512xi32, #tpu.memory_space<vmem>>, vector<16xi32>,
      %lt3A_1942 = arith.constant 96 : i32
      %lt3A_1943 = vector.broadcast %lt3A_1942 : i32 to vector<16xi32>
      %lt3A_1944 = arith.cmpi slt, %get3A_1936, %lt3A_1943 : vector<16xi32>
      tpu.vector_store_idx %arg5[%min3A_1939, %add3A_1933], %broadcast_in_dim3A_290 masked %lt3A_1944 : memref<96x512xf32, #tpu.memory_space<vmem>>[vector<16xi32>, vector<16xi32>], vector<16xf32>, vector<16xi1>
      %add3A_1945 = arith.constant 128 : i32
      %add3A_1946 = vector.broadcast %add3A_1945 : i32 to vector<16xi32>
      %add3A_1947 = arith.addi %iota3A, %add3A_1946 : vector<16xi32>
      %get3A_1948 = arith.index_cast %scan3A_1666 : i32 to index
      %get3A_1949 = arith.constant 128 : index
      %get3A_1950 = tpu.vector_load %arg4[%get3A_1948, %get3A_1949] {strides = array<i32>} : memref<26x512xi32, #tpu.memory_space<vmem>>, vector<16xi32>,
      %min3A_1951 = arith.constant 95 : i32
      %min3A_1952 = vector.broadcast %min3A_1951 : i32 to vector<16xi32>
      %min3A_1953 = arith.minsi %get3A_1950, %min3A_1952 : vector<16xi32>
      %swap3A_1954 = arith.constant 128 : index
      %swap3A_1955 = tpu.vector_load %arg7[%swap3A_1954] {strides = array<i32>} : memref<512xi32, #tpu.memory_space<vmem>>, vector<16xi32>,
      tpu.vector_store %arg7[%swap3A_1954], %min3A_1953 {strides = array<i32>} : memref<512xi32, #tpu.memory_space<vmem>>, vector<16xi32>,
      %lt3A_1956 = arith.constant 96 : i32
      %lt3A_1957 = vector.broadcast %lt3A_1956 : i32 to vector<16xi32>
      %lt3A_1958 = arith.cmpi slt, %get3A_1950, %lt3A_1957 : vector<16xi32>
      tpu.vector_store_idx %arg5[%min3A_1953, %add3A_1947], %broadcast_in_dim3A_290 masked %lt3A_1958 : memref<96x512xf32, #tpu.memory_space<vmem>>[vector<16xi32>, vector<16xi32>], vector<16xf32>, vector<16xi1>
      %add3A_1959 = arith.constant 144 : i32
      %add3A_1960 = vector.broadcast %add3A_1959 : i32 to vector<16xi32>
      %add3A_1961 = arith.addi %iota3A, %add3A_1960 : vector<16xi32>
      %get3A_1962 = arith.index_cast %scan3A_1666 : i32 to index
      %get3A_1963 = arith.constant 144 : index
      %get3A_1964 = tpu.vector_load %arg4[%get3A_1962, %get3A_1963] {strides = array<i32>} : memref<26x512xi32, #tpu.memory_space<vmem>>, vector<16xi32>,
      %min3A_1965 = arith.constant 95 : i32
      %min3A_1966 = vector.broadcast %min3A_1965 : i32 to vector<16xi32>
      %min3A_1967 = arith.minsi %get3A_1964, %min3A_1966 : vector<16xi32>
      %swap3A_1968 = arith.constant 144 : index
      %swap3A_1969 = tpu.vector_load %arg7[%swap3A_1968] {strides = array<i32>} : memref<512xi32, #tpu.memory_space<vmem>>, vector<16xi32>,
      tpu.vector_store %arg7[%swap3A_1968], %min3A_1967 {strides = array<i32>} : memref<512xi32, #tpu.memory_space<vmem>>, vector<16xi32>,
      %lt3A_1970 = arith.constant 96 : i32
      %lt3A_1971 = vector.broadcast %lt3A_1970 : i32 to vector<16xi32>
      %lt3A_1972 = arith.cmpi slt, %get3A_1964, %lt3A_1971 : vector<16xi32>
      tpu.vector_store_idx %arg5[%min3A_1967, %add3A_1961], %broadcast_in_dim3A_290 masked %lt3A_1972 : memref<96x512xf32, #tpu.memory_space<vmem>>[vector<16xi32>, vector<16xi32>], vector<16xf32>, vector<16xi1>
      %add3A_1973 = arith.constant 160 : i32
      %add3A_1974 = vector.broadcast %add3A_1973 : i32 to vector<16xi32>
      %add3A_1975 = arith.addi %iota3A, %add3A_1974 : vector<16xi32>
      %get3A_1976 = arith.index_cast %scan3A_1666 : i32 to index
      %get3A_1977 = arith.constant 160 : index
      %get3A_1978 = tpu.vector_load %arg4[%get3A_1976, %get3A_1977] {strides = array<i32>} : memref<26x512xi32, #tpu.memory_space<vmem>>, vector<16xi32>,
      %min3A_1979 = arith.constant 95 : i32
      %min3A_1980 = vector.broadcast %min3A_1979 : i32 to vector<16xi32>
      %min3A_1981 = arith.minsi %get3A_1978, %min3A_1980 : vector<16xi32>
      %swap3A_1982 = arith.constant 160 : index
      %swap3A_1983 = tpu.vector_load %arg7[%swap3A_1982] {strides = array<i32>} : memref<512xi32, #tpu.memory_space<vmem>>, vector<16xi32>,
      tpu.vector_store %arg7[%swap3A_1982], %min3A_1981 {strides = array<i32>} : memref<512xi32, #tpu.memory_space<vmem>>, vector<16xi32>,
      %lt3A_1984 = arith.constant 96 : i32
      %lt3A_1985 = vector.broadcast %lt3A_1984 : i32 to vector<16xi32>
      %lt3A_1986 = arith.cmpi slt, %get3A_1978, %lt3A_1985 : vector<16xi32>
      tpu.vector_store_idx %arg5[%min3A_1981, %add3A_1975], %broadcast_in_dim3A_290 masked %lt3A_1986 : memref<96x512xf32, #tpu.memory_space<vmem>>[vector<16xi32>, vector<16xi32>], vector<16xf32>, vector<16xi1>
      %add3A_1987 = arith.constant 176 : i32
      %add3A_1988 = vector.broadcast %add3A_1987 : i32 to vector<16xi32>
      %add3A_1989 = arith.addi %iota3A, %add3A_1988 : vector<16xi32>
      %get3A_1990 = arith.index_cast %scan3A_1666 : i32 to index
      %get3A_1991 = arith.constant 176 : index
      %get3A_1992 = tpu.vector_load %arg4[%get3A_1990, %get3A_1991] {strides = array<i32>} : memref<26x512xi32, #tpu.memory_space<vmem>>, vector<16xi32>,
      %min3A_1993 = arith.constant 95 : i32
      %min3A_1994 = vector.broadcast %min3A_1993 : i32 to vector<16xi32>
      %min3A_1995 = arith.minsi %get3A_1992, %min3A_1994 : vector<16xi32>
      %swap3A_1996 = arith.constant 176 : index
      %swap3A_1997 = tpu.vector_load %arg7[%swap3A_1996] {strides = array<i32>} : memref<512xi32, #tpu.memory_space<vmem>>, vector<16xi32>,
      tpu.vector_store %arg7[%swap3A_1996], %min3A_1995 {strides = array<i32>} : memref<512xi32, #tpu.memory_space<vmem>>, vector<16xi32>,
      %lt3A_1998 = arith.constant 96 : i32
      %lt3A_1999 = vector.broadcast %lt3A_1998 : i32 to vector<16xi32>
      %lt3A_2000 = arith.cmpi slt, %get3A_1992, %lt3A_1999 : vector<16xi32>
      tpu.vector_store_idx %arg5[%min3A_1995, %add3A_1989], %broadcast_in_dim3A_290 masked %lt3A_2000 : memref<96x512xf32, #tpu.memory_space<vmem>>[vector<16xi32>, vector<16xi32>], vector<16xf32>, vector<16xi1>
      %add3A_2001 = arith.constant 192 : i32
      %add3A_2002 = vector.broadcast %add3A_2001 : i32 to vector<16xi32>
      %add3A_2003 = arith.addi %iota3A, %add3A_2002 : vector<16xi32>
      %get3A_2004 = arith.index_cast %scan3A_1666 : i32 to index
      %get3A_2005 = arith.constant 192 : index
      %get3A_2006 = tpu.vector_load %arg4[%get3A_2004, %get3A_2005] {strides = array<i32>} : memref<26x512xi32, #tpu.memory_space<vmem>>, vector<16xi32>,
      %min3A_2007 = arith.constant 95 : i32
      %min3A_2008 = vector.broadcast %min3A_2007 : i32 to vector<16xi32>
      %min3A_2009 = arith.minsi %get3A_2006, %min3A_2008 : vector<16xi32>
      %swap3A_2010 = arith.constant 192 : index
      %swap3A_2011 = tpu.vector_load %arg7[%swap3A_2010] {strides = array<i32>} : memref<512xi32, #tpu.memory_space<vmem>>, vector<16xi32>,
      tpu.vector_store %arg7[%swap3A_2010], %min3A_2009 {strides = array<i32>} : memref<512xi32, #tpu.memory_space<vmem>>, vector<16xi32>,
      %lt3A_2012 = arith.constant 96 : i32
      %lt3A_2013 = vector.broadcast %lt3A_2012 : i32 to vector<16xi32>
      %lt3A_2014 = arith.cmpi slt, %get3A_2006, %lt3A_2013 : vector<16xi32>
      tpu.vector_store_idx %arg5[%min3A_2009, %add3A_2003], %broadcast_in_dim3A_290 masked %lt3A_2014 : memref<96x512xf32, #tpu.memory_space<vmem>>[vector<16xi32>, vector<16xi32>], vector<16xf32>, vector<16xi1>
      %add3A_2015 = arith.constant 208 : i32
      %add3A_2016 = vector.broadcast %add3A_2015 : i32 to vector<16xi32>
      %add3A_2017 = arith.addi %iota3A, %add3A_2016 : vector<16xi32>
      %get3A_2018 = arith.index_cast %scan3A_1666 : i32 to index
      %get3A_2019 = arith.constant 208 : index
      %get3A_2020 = tpu.vector_load %arg4[%get3A_2018, %get3A_2019] {strides = array<i32>} : memref<26x512xi32, #tpu.memory_space<vmem>>, vector<16xi32>,
      %min3A_2021 = arith.constant 95 : i32
      %min3A_2022 = vector.broadcast %min3A_2021 : i32 to vector<16xi32>
      %min3A_2023 = arith.minsi %get3A_2020, %min3A_2022 : vector<16xi32>
      %swap3A_2024 = arith.constant 208 : index
      %swap3A_2025 = tpu.vector_load %arg7[%swap3A_2024] {strides = array<i32>} : memref<512xi32, #tpu.memory_space<vmem>>, vector<16xi32>,
      tpu.vector_store %arg7[%swap3A_2024], %min3A_2023 {strides = array<i32>} : memref<512xi32, #tpu.memory_space<vmem>>, vector<16xi32>,
      %lt3A_2026 = arith.constant 96 : i32
      %lt3A_2027 = vector.broadcast %lt3A_2026 : i32 to vector<16xi32>
      %lt3A_2028 = arith.cmpi slt, %get3A_2020, %lt3A_2027 : vector<16xi32>
      tpu.vector_store_idx %arg5[%min3A_2023, %add3A_2017], %broadcast_in_dim3A_290 masked %lt3A_2028 : memref<96x512xf32, #tpu.memory_space<vmem>>[vector<16xi32>, vector<16xi32>], vector<16xf32>, vector<16xi1>
      %add3A_2029 = arith.constant 224 : i32
      %add3A_2030 = vector.broadcast %add3A_2029 : i32 to vector<16xi32>
      %add3A_2031 = arith.addi %iota3A, %add3A_2030 : vector<16xi32>
      %get3A_2032 = arith.index_cast %scan3A_1666 : i32 to index
      %get3A_2033 = arith.constant 224 : index
      %get3A_2034 = tpu.vector_load %arg4[%get3A_2032, %get3A_2033] {strides = array<i32>} : memref<26x512xi32, #tpu.memory_space<vmem>>, vector<16xi32>,
      %min3A_2035 = arith.constant 95 : i32
      %min3A_2036 = vector.broadcast %min3A_2035 : i32 to vector<16xi32>
      %min3A_2037 = arith.minsi %get3A_2034, %min3A_2036 : vector<16xi32>
      %swap3A_2038 = arith.constant 224 : index
      %swap3A_2039 = tpu.vector_load %arg7[%swap3A_2038] {strides = array<i32>} : memref<512xi32, #tpu.memory_space<vmem>>, vector<16xi32>,
      tpu.vector_store %arg7[%swap3A_2038], %min3A_2037 {strides = array<i32>} : memref<512xi32, #tpu.memory_space<vmem>>, vector<16xi32>,
      %lt3A_2040 = arith.constant 96 : i32
      %lt3A_2041 = vector.broadcast %lt3A_2040 : i32 to vector<16xi32>
      %lt3A_2042 = arith.cmpi slt, %get3A_2034, %lt3A_2041 : vector<16xi32>
      tpu.vector_store_idx %arg5[%min3A_2037, %add3A_2031], %broadcast_in_dim3A_290 masked %lt3A_2042 : memref<96x512xf32, #tpu.memory_space<vmem>>[vector<16xi32>, vector<16xi32>], vector<16xf32>, vector<16xi1>
      %add3A_2043 = arith.constant 240 : i32
      %add3A_2044 = vector.broadcast %add3A_2043 : i32 to vector<16xi32>
      %add3A_2045 = arith.addi %iota3A, %add3A_2044 : vector<16xi32>
      %get3A_2046 = arith.index_cast %scan3A_1666 : i32 to index
      %get3A_2047 = arith.constant 240 : index
      %get3A_2048 = tpu.vector_load %arg4[%get3A_2046, %get3A_2047] {strides = array<i32>} : memref<26x512xi32, #tpu.memory_space<vmem>>, vector<16xi32>,
      %min3A_2049 = arith.constant 95 : i32
      %min3A_2050 = vector.broadcast %min3A_2049 : i32 to vector<16xi32>
      %min3A_2051 = arith.minsi %get3A_2048, %min3A_2050 : vector<16xi32>
      %swap3A_2052 = arith.constant 240 : index
      %swap3A_2053 = tpu.vector_load %arg7[%swap3A_2052] {strides = array<i32>} : memref<512xi32, #tpu.memory_space<vmem>>, vector<16xi32>,
      tpu.vector_store %arg7[%swap3A_2052], %min3A_2051 {strides = array<i32>} : memref<512xi32, #tpu.memory_space<vmem>>, vector<16xi32>,
      %lt3A_2054 = arith.constant 96 : i32
      %lt3A_2055 = vector.broadcast %lt3A_2054 : i32 to vector<16xi32>
      %lt3A_2056 = arith.cmpi slt, %get3A_2048, %lt3A_2055 : vector<16xi32>
      tpu.vector_store_idx %arg5[%min3A_2051, %add3A_2045], %broadcast_in_dim3A_290 masked %lt3A_2056 : memref<96x512xf32, #tpu.memory_space<vmem>>[vector<16xi32>, vector<16xi32>], vector<16xf32>, vector<16xi1>
      %add3A_2057 = arith.constant 256 : i32
      %add3A_2058 = vector.broadcast %add3A_2057 : i32 to vector<16xi32>
      %add3A_2059 = arith.addi %iota3A, %add3A_2058 : vector<16xi32>
      %get3A_2060 = arith.index_cast %scan3A_1666 : i32 to index
      %get3A_2061 = arith.constant 256 : index
      %get3A_2062 = tpu.vector_load %arg4[%get3A_2060, %get3A_2061] {strides = array<i32>} : memref<26x512xi32, #tpu.memory_space<vmem>>, vector<16xi32>,
      %min3A_2063 = arith.constant 95 : i32
      %min3A_2064 = vector.broadcast %min3A_2063 : i32 to vector<16xi32>
      %min3A_2065 = arith.minsi %get3A_2062, %min3A_2064 : vector<16xi32>
      %swap3A_2066 = arith.constant 256 : index
      %swap3A_2067 = tpu.vector_load %arg7[%swap3A_2066] {strides = array<i32>} : memref<512xi32, #tpu.memory_space<vmem>>, vector<16xi32>,
      tpu.vector_store %arg7[%swap3A_2066], %min3A_2065 {strides = array<i32>} : memref<512xi32, #tpu.memory_space<vmem>>, vector<16xi32>,
      %lt3A_2068 = arith.constant 96 : i32
      %lt3A_2069 = vector.broadcast %lt3A_2068 : i32 to vector<16xi32>
      %lt3A_2070 = arith.cmpi slt, %get3A_2062, %lt3A_2069 : vector<16xi32>
      tpu.vector_store_idx %arg5[%min3A_2065, %add3A_2059], %broadcast_in_dim3A_290 masked %lt3A_2070 : memref<96x512xf32, #tpu.memory_space<vmem>>[vector<16xi32>, vector<16xi32>], vector<16xf32>, vector<16xi1>
      %add3A_2071 = arith.constant 272 : i32
      %add3A_2072 = vector.broadcast %add3A_2071 : i32 to vector<16xi32>
      %add3A_2073 = arith.addi %iota3A, %add3A_2072 : vector<16xi32>
      %get3A_2074 = arith.index_cast %scan3A_1666 : i32 to index
      %get3A_2075 = arith.constant 272 : index
      %get3A_2076 = tpu.vector_load %arg4[%get3A_2074, %get3A_2075] {strides = array<i32>} : memref<26x512xi32, #tpu.memory_space<vmem>>, vector<16xi32>,
      %min3A_2077 = arith.constant 95 : i32
      %min3A_2078 = vector.broadcast %min3A_2077 : i32 to vector<16xi32>
      %min3A_2079 = arith.minsi %get3A_2076, %min3A_2078 : vector<16xi32>
      %swap3A_2080 = arith.constant 272 : index
      %swap3A_2081 = tpu.vector_load %arg7[%swap3A_2080] {strides = array<i32>} : memref<512xi32, #tpu.memory_space<vmem>>, vector<16xi32>,
      tpu.vector_store %arg7[%swap3A_2080], %min3A_2079 {strides = array<i32>} : memref<512xi32, #tpu.memory_space<vmem>>, vector<16xi32>,
      %lt3A_2082 = arith.constant 96 : i32
      %lt3A_2083 = vector.broadcast %lt3A_2082 : i32 to vector<16xi32>
      %lt3A_2084 = arith.cmpi slt, %get3A_2076, %lt3A_2083 : vector<16xi32>
      tpu.vector_store_idx %arg5[%min3A_2079, %add3A_2073], %broadcast_in_dim3A_290 masked %lt3A_2084 : memref<96x512xf32, #tpu.memory_space<vmem>>[vector<16xi32>, vector<16xi32>], vector<16xf32>, vector<16xi1>
      %add3A_2085 = arith.constant 288 : i32
      %add3A_2086 = vector.broadcast %add3A_2085 : i32 to vector<16xi32>
      %add3A_2087 = arith.addi %iota3A, %add3A_2086 : vector<16xi32>
      %get3A_2088 = arith.index_cast %scan3A_1666 : i32 to index
      %get3A_2089 = arith.constant 288 : index
      %get3A_2090 = tpu.vector_load %arg4[%get3A_2088, %get3A_2089] {strides = array<i32>} : memref<26x512xi32, #tpu.memory_space<vmem>>, vector<16xi32>,
      %min3A_2091 = arith.constant 95 : i32
      %min3A_2092 = vector.broadcast %min3A_2091 : i32 to vector<16xi32>
      %min3A_2093 = arith.minsi %get3A_2090, %min3A_2092 : vector<16xi32>
      %swap3A_2094 = arith.constant 288 : index
      %swap3A_2095 = tpu.vector_load %arg7[%swap3A_2094] {strides = array<i32>} : memref<512xi32, #tpu.memory_space<vmem>>, vector<16xi32>,
      tpu.vector_store %arg7[%swap3A_2094], %min3A_2093 {strides = array<i32>} : memref<512xi32, #tpu.memory_space<vmem>>, vector<16xi32>,
      %lt3A_2096 = arith.constant 96 : i32
      %lt3A_2097 = vector.broadcast %lt3A_2096 : i32 to vector<16xi32>
      %lt3A_2098 = arith.cmpi slt, %get3A_2090, %lt3A_2097 : vector<16xi32>
      tpu.vector_store_idx %arg5[%min3A_2093, %add3A_2087], %broadcast_in_dim3A_290 masked %lt3A_2098 : memref<96x512xf32, #tpu.memory_space<vmem>>[vector<16xi32>, vector<16xi32>], vector<16xf32>, vector<16xi1>
      %add3A_2099 = arith.constant 304 : i32
      %add3A_2100 = vector.broadcast %add3A_2099 : i32 to vector<16xi32>
      %add3A_2101 = arith.addi %iota3A, %add3A_2100 : vector<16xi32>
      %get3A_2102 = arith.index_cast %scan3A_1666 : i32 to index
      %get3A_2103 = arith.constant 304 : index
      %get3A_2104 = tpu.vector_load %arg4[%get3A_2102, %get3A_2103] {strides = array<i32>} : memref<26x512xi32, #tpu.memory_space<vmem>>, vector<16xi32>,
      %min3A_2105 = arith.constant 95 : i32
      %min3A_2106 = vector.broadcast %min3A_2105 : i32 to vector<16xi32>
      %min3A_2107 = arith.minsi %get3A_2104, %min3A_2106 : vector<16xi32>
      %swap3A_2108 = arith.constant 304 : index
      %swap3A_2109 = tpu.vector_load %arg7[%swap3A_2108] {strides = array<i32>} : memref<512xi32, #tpu.memory_space<vmem>>, vector<16xi32>,
      tpu.vector_store %arg7[%swap3A_2108], %min3A_2107 {strides = array<i32>} : memref<512xi32, #tpu.memory_space<vmem>>, vector<16xi32>,
      %lt3A_2110 = arith.constant 96 : i32
      %lt3A_2111 = vector.broadcast %lt3A_2110 : i32 to vector<16xi32>
      %lt3A_2112 = arith.cmpi slt, %get3A_2104, %lt3A_2111 : vector<16xi32>
      tpu.vector_store_idx %arg5[%min3A_2107, %add3A_2101], %broadcast_in_dim3A_290 masked %lt3A_2112 : memref<96x512xf32, #tpu.memory_space<vmem>>[vector<16xi32>, vector<16xi32>], vector<16xf32>, vector<16xi1>
      %add3A_2113 = arith.constant 320 : i32
      %add3A_2114 = vector.broadcast %add3A_2113 : i32 to vector<16xi32>
      %add3A_2115 = arith.addi %iota3A, %add3A_2114 : vector<16xi32>
      %get3A_2116 = arith.index_cast %scan3A_1666 : i32 to index
      %get3A_2117 = arith.constant 320 : index
      %get3A_2118 = tpu.vector_load %arg4[%get3A_2116, %get3A_2117] {strides = array<i32>} : memref<26x512xi32, #tpu.memory_space<vmem>>, vector<16xi32>,
      %min3A_2119 = arith.constant 95 : i32
      %min3A_2120 = vector.broadcast %min3A_2119 : i32 to vector<16xi32>
      %min3A_2121 = arith.minsi %get3A_2118, %min3A_2120 : vector<16xi32>
      %swap3A_2122 = arith.constant 320 : index
      %swap3A_2123 = tpu.vector_load %arg7[%swap3A_2122] {strides = array<i32>} : memref<512xi32, #tpu.memory_space<vmem>>, vector<16xi32>,
      tpu.vector_store %arg7[%swap3A_2122], %min3A_2121 {strides = array<i32>} : memref<512xi32, #tpu.memory_space<vmem>>, vector<16xi32>,
      %lt3A_2124 = arith.constant 96 : i32
      %lt3A_2125 = vector.broadcast %lt3A_2124 : i32 to vector<16xi32>
      %lt3A_2126 = arith.cmpi slt, %get3A_2118, %lt3A_2125 : vector<16xi32>
      tpu.vector_store_idx %arg5[%min3A_2121, %add3A_2115], %broadcast_in_dim3A_290 masked %lt3A_2126 : memref<96x512xf32, #tpu.memory_space<vmem>>[vector<16xi32>, vector<16xi32>], vector<16xf32>, vector<16xi1>
      %add3A_2127 = arith.constant 336 : i32
      %add3A_2128 = vector.broadcast %add3A_2127 : i32 to vector<16xi32>
      %add3A_2129 = arith.addi %iota3A, %add3A_2128 : vector<16xi32>
      %get3A_2130 = arith.index_cast %scan3A_1666 : i32 to index
      %get3A_2131 = arith.constant 336 : index
      %get3A_2132 = tpu.vector_load %arg4[%get3A_2130, %get3A_2131] {strides = array<i32>} : memref<26x512xi32, #tpu.memory_space<vmem>>, vector<16xi32>,
      %min3A_2133 = arith.constant 95 : i32
      %min3A_2134 = vector.broadcast %min3A_2133 : i32 to vector<16xi32>
      %min3A_2135 = arith.minsi %get3A_2132, %min3A_2134 : vector<16xi32>
      %swap3A_2136 = arith.constant 336 : index
      %swap3A_2137 = tpu.vector_load %arg7[%swap3A_2136] {strides = array<i32>} : memref<512xi32, #tpu.memory_space<vmem>>, vector<16xi32>,
      tpu.vector_store %arg7[%swap3A_2136], %min3A_2135 {strides = array<i32>} : memref<512xi32, #tpu.memory_space<vmem>>, vector<16xi32>,
      %lt3A_2138 = arith.constant 96 : i32
      %lt3A_2139 = vector.broadcast %lt3A_2138 : i32 to vector<16xi32>
      %lt3A_2140 = arith.cmpi slt, %get3A_2132, %lt3A_2139 : vector<16xi32>
      tpu.vector_store_idx %arg5[%min3A_2135, %add3A_2129], %broadcast_in_dim3A_290 masked %lt3A_2140 : memref<96x512xf32, #tpu.memory_space<vmem>>[vector<16xi32>, vector<16xi32>], vector<16xf32>, vector<16xi1>
      %add3A_2141 = arith.constant 352 : i32
      %add3A_2142 = vector.broadcast %add3A_2141 : i32 to vector<16xi32>
      %add3A_2143 = arith.addi %iota3A, %add3A_2142 : vector<16xi32>
      %get3A_2144 = arith.index_cast %scan3A_1666 : i32 to index
      %get3A_2145 = arith.constant 352 : index
      %get3A_2146 = tpu.vector_load %arg4[%get3A_2144, %get3A_2145] {strides = array<i32>} : memref<26x512xi32, #tpu.memory_space<vmem>>, vector<16xi32>,
      %min3A_2147 = arith.constant 95 : i32
      %min3A_2148 = vector.broadcast %min3A_2147 : i32 to vector<16xi32>
      %min3A_2149 = arith.minsi %get3A_2146, %min3A_2148 : vector<16xi32>
      %swap3A_2150 = arith.constant 352 : index
      %swap3A_2151 = tpu.vector_load %arg7[%swap3A_2150] {strides = array<i32>} : memref<512xi32, #tpu.memory_space<vmem>>, vector<16xi32>,
      tpu.vector_store %arg7[%swap3A_2150], %min3A_2149 {strides = array<i32>} : memref<512xi32, #tpu.memory_space<vmem>>, vector<16xi32>,
      %lt3A_2152 = arith.constant 96 : i32
      %lt3A_2153 = vector.broadcast %lt3A_2152 : i32 to vector<16xi32>
      %lt3A_2154 = arith.cmpi slt, %get3A_2146, %lt3A_2153 : vector<16xi32>
      tpu.vector_store_idx %arg5[%min3A_2149, %add3A_2143], %broadcast_in_dim3A_290 masked %lt3A_2154 : memref<96x512xf32, #tpu.memory_space<vmem>>[vector<16xi32>, vector<16xi32>], vector<16xf32>, vector<16xi1>
      %add3A_2155 = arith.constant 368 : i32
      %add3A_2156 = vector.broadcast %add3A_2155 : i32 to vector<16xi32>
      %add3A_2157 = arith.addi %iota3A, %add3A_2156 : vector<16xi32>
      %get3A_2158 = arith.index_cast %scan3A_1666 : i32 to index
      %get3A_2159 = arith.constant 368 : index
      %get3A_2160 = tpu.vector_load %arg4[%get3A_2158, %get3A_2159] {strides = array<i32>} : memref<26x512xi32, #tpu.memory_space<vmem>>, vector<16xi32>,
      %min3A_2161 = arith.constant 95 : i32
      %min3A_2162 = vector.broadcast %min3A_2161 : i32 to vector<16xi32>
      %min3A_2163 = arith.minsi %get3A_2160, %min3A_2162 : vector<16xi32>
      %swap3A_2164 = arith.constant 368 : index
      %swap3A_2165 = tpu.vector_load %arg7[%swap3A_2164] {strides = array<i32>} : memref<512xi32, #tpu.memory_space<vmem>>, vector<16xi32>,
      tpu.vector_store %arg7[%swap3A_2164], %min3A_2163 {strides = array<i32>} : memref<512xi32, #tpu.memory_space<vmem>>, vector<16xi32>,
      %lt3A_2166 = arith.constant 96 : i32
      %lt3A_2167 = vector.broadcast %lt3A_2166 : i32 to vector<16xi32>
      %lt3A_2168 = arith.cmpi slt, %get3A_2160, %lt3A_2167 : vector<16xi32>
      tpu.vector_store_idx %arg5[%min3A_2163, %add3A_2157], %broadcast_in_dim3A_290 masked %lt3A_2168 : memref<96x512xf32, #tpu.memory_space<vmem>>[vector<16xi32>, vector<16xi32>], vector<16xf32>, vector<16xi1>
      %add3A_2169 = arith.constant 384 : i32
      %add3A_2170 = vector.broadcast %add3A_2169 : i32 to vector<16xi32>
      %add3A_2171 = arith.addi %iota3A, %add3A_2170 : vector<16xi32>
      %get3A_2172 = arith.index_cast %scan3A_1666 : i32 to index
      %get3A_2173 = arith.constant 384 : index
      %get3A_2174 = tpu.vector_load %arg4[%get3A_2172, %get3A_2173] {strides = array<i32>} : memref<26x512xi32, #tpu.memory_space<vmem>>, vector<16xi32>,
      %min3A_2175 = arith.constant 95 : i32
      %min3A_2176 = vector.broadcast %min3A_2175 : i32 to vector<16xi32>
      %min3A_2177 = arith.minsi %get3A_2174, %min3A_2176 : vector<16xi32>
      %swap3A_2178 = arith.constant 384 : index
      %swap3A_2179 = tpu.vector_load %arg7[%swap3A_2178] {strides = array<i32>} : memref<512xi32, #tpu.memory_space<vmem>>, vector<16xi32>,
      tpu.vector_store %arg7[%swap3A_2178], %min3A_2177 {strides = array<i32>} : memref<512xi32, #tpu.memory_space<vmem>>, vector<16xi32>,
      %lt3A_2180 = arith.constant 96 : i32
      %lt3A_2181 = vector.broadcast %lt3A_2180 : i32 to vector<16xi32>
      %lt3A_2182 = arith.cmpi slt, %get3A_2174, %lt3A_2181 : vector<16xi32>
      tpu.vector_store_idx %arg5[%min3A_2177, %add3A_2171], %broadcast_in_dim3A_290 masked %lt3A_2182 : memref<96x512xf32, #tpu.memory_space<vmem>>[vector<16xi32>, vector<16xi32>], vector<16xf32>, vector<16xi1>
      %add3A_2183 = arith.constant 400 : i32
      %add3A_2184 = vector.broadcast %add3A_2183 : i32 to vector<16xi32>
      %add3A_2185 = arith.addi %iota3A, %add3A_2184 : vector<16xi32>
      %get3A_2186 = arith.index_cast %scan3A_1666 : i32 to index
      %get3A_2187 = arith.constant 400 : index
      %get3A_2188 = tpu.vector_load %arg4[%get3A_2186, %get3A_2187] {strides = array<i32>} : memref<26x512xi32, #tpu.memory_space<vmem>>, vector<16xi32>,
      %min3A_2189 = arith.constant 95 : i32
      %min3A_2190 = vector.broadcast %min3A_2189 : i32 to vector<16xi32>
      %min3A_2191 = arith.minsi %get3A_2188, %min3A_2190 : vector<16xi32>
      %swap3A_2192 = arith.constant 400 : index
      %swap3A_2193 = tpu.vector_load %arg7[%swap3A_2192] {strides = array<i32>} : memref<512xi32, #tpu.memory_space<vmem>>, vector<16xi32>,
      tpu.vector_store %arg7[%swap3A_2192], %min3A_2191 {strides = array<i32>} : memref<512xi32, #tpu.memory_space<vmem>>, vector<16xi32>,
      %lt3A_2194 = arith.constant 96 : i32
      %lt3A_2195 = vector.broadcast %lt3A_2194 : i32 to vector<16xi32>
      %lt3A_2196 = arith.cmpi slt, %get3A_2188, %lt3A_2195 : vector<16xi32>
      tpu.vector_store_idx %arg5[%min3A_2191, %add3A_2185], %broadcast_in_dim3A_290 masked %lt3A_2196 : memref<96x512xf32, #tpu.memory_space<vmem>>[vector<16xi32>, vector<16xi32>], vector<16xf32>, vector<16xi1>
      %add3A_2197 = arith.constant 416 : i32
      %add3A_2198 = vector.broadcast %add3A_2197 : i32 to vector<16xi32>
      %add3A_2199 = arith.addi %iota3A, %add3A_2198 : vector<16xi32>
      %get3A_2200 = arith.index_cast %scan3A_1666 : i32 to index
      %get3A_2201 = arith.constant 416 : index
      %get3A_2202 = tpu.vector_load %arg4[%get3A_2200, %get3A_2201] {strides = array<i32>} : memref<26x512xi32, #tpu.memory_space<vmem>>, vector<16xi32>,
      %min3A_2203 = arith.constant 95 : i32
      %min3A_2204 = vector.broadcast %min3A_2203 : i32 to vector<16xi32>
      %min3A_2205 = arith.minsi %get3A_2202, %min3A_2204 : vector<16xi32>
      %swap3A_2206 = arith.constant 416 : index
      %swap3A_2207 = tpu.vector_load %arg7[%swap3A_2206] {strides = array<i32>} : memref<512xi32, #tpu.memory_space<vmem>>, vector<16xi32>,
      tpu.vector_store %arg7[%swap3A_2206], %min3A_2205 {strides = array<i32>} : memref<512xi32, #tpu.memory_space<vmem>>, vector<16xi32>,
      %lt3A_2208 = arith.constant 96 : i32
      %lt3A_2209 = vector.broadcast %lt3A_2208 : i32 to vector<16xi32>
      %lt3A_2210 = arith.cmpi slt, %get3A_2202, %lt3A_2209 : vector<16xi32>
      tpu.vector_store_idx %arg5[%min3A_2205, %add3A_2199], %broadcast_in_dim3A_290 masked %lt3A_2210 : memref<96x512xf32, #tpu.memory_space<vmem>>[vector<16xi32>, vector<16xi32>], vector<16xf32>, vector<16xi1>
      %add3A_2211 = arith.constant 432 : i32
      %add3A_2212 = vector.broadcast %add3A_2211 : i32 to vector<16xi32>
      %add3A_2213 = arith.addi %iota3A, %add3A_2212 : vector<16xi32>
      %get3A_2214 = arith.index_cast %scan3A_1666 : i32 to index
      %get3A_2215 = arith.constant 432 : index
      %get3A_2216 = tpu.vector_load %arg4[%get3A_2214, %get3A_2215] {strides = array<i32>} : memref<26x512xi32, #tpu.memory_space<vmem>>, vector<16xi32>,
      %min3A_2217 = arith.constant 95 : i32
      %min3A_2218 = vector.broadcast %min3A_2217 : i32 to vector<16xi32>
      %min3A_2219 = arith.minsi %get3A_2216, %min3A_2218 : vector<16xi32>
      %swap3A_2220 = arith.constant 432 : index
      %swap3A_2221 = tpu.vector_load %arg7[%swap3A_2220] {strides = array<i32>} : memref<512xi32, #tpu.memory_space<vmem>>, vector<16xi32>,
      tpu.vector_store %arg7[%swap3A_2220], %min3A_2219 {strides = array<i32>} : memref<512xi32, #tpu.memory_space<vmem>>, vector<16xi32>,
      %lt3A_2222 = arith.constant 96 : i32
      %lt3A_2223 = vector.broadcast %lt3A_2222 : i32 to vector<16xi32>
      %lt3A_2224 = arith.cmpi slt, %get3A_2216, %lt3A_2223 : vector<16xi32>
      tpu.vector_store_idx %arg5[%min3A_2219, %add3A_2213], %broadcast_in_dim3A_290 masked %lt3A_2224 : memref<96x512xf32, #tpu.memory_space<vmem>>[vector<16xi32>, vector<16xi32>], vector<16xf32>, vector<16xi1>
      %add3A_2225 = arith.constant 448 : i32
      %add3A_2226 = vector.broadcast %add3A_2225 : i32 to vector<16xi32>
      %add3A_2227 = arith.addi %iota3A, %add3A_2226 : vector<16xi32>
      %get3A_2228 = arith.index_cast %scan3A_1666 : i32 to index
      %get3A_2229 = arith.constant 448 : index
      %get3A_2230 = tpu.vector_load %arg4[%get3A_2228, %get3A_2229] {strides = array<i32>} : memref<26x512xi32, #tpu.memory_space<vmem>>, vector<16xi32>,
      %min3A_2231 = arith.constant 95 : i32
      %min3A_2232 = vector.broadcast %min3A_2231 : i32 to vector<16xi32>
      %min3A_2233 = arith.minsi %get3A_2230, %min3A_2232 : vector<16xi32>
      %swap3A_2234 = arith.constant 448 : index
      %swap3A_2235 = tpu.vector_load %arg7[%swap3A_2234] {strides = array<i32>} : memref<512xi32, #tpu.memory_space<vmem>>, vector<16xi32>,
      tpu.vector_store %arg7[%swap3A_2234], %min3A_2233 {strides = array<i32>} : memref<512xi32, #tpu.memory_space<vmem>>, vector<16xi32>,
      %lt3A_2236 = arith.constant 96 : i32
      %lt3A_2237 = vector.broadcast %lt3A_2236 : i32 to vector<16xi32>
      %lt3A_2238 = arith.cmpi slt, %get3A_2230, %lt3A_2237 : vector<16xi32>
      tpu.vector_store_idx %arg5[%min3A_2233, %add3A_2227], %broadcast_in_dim3A_290 masked %lt3A_2238 : memref<96x512xf32, #tpu.memory_space<vmem>>[vector<16xi32>, vector<16xi32>], vector<16xf32>, vector<16xi1>
      %add3A_2239 = arith.constant 464 : i32
      %add3A_2240 = vector.broadcast %add3A_2239 : i32 to vector<16xi32>
      %add3A_2241 = arith.addi %iota3A, %add3A_2240 : vector<16xi32>
      %get3A_2242 = arith.index_cast %scan3A_1666 : i32 to index
      %get3A_2243 = arith.constant 464 : index
      %get3A_2244 = tpu.vector_load %arg4[%get3A_2242, %get3A_2243] {strides = array<i32>} : memref<26x512xi32, #tpu.memory_space<vmem>>, vector<16xi32>,
      %min3A_2245 = arith.constant 95 : i32
      %min3A_2246 = vector.broadcast %min3A_2245 : i32 to vector<16xi32>
      %min3A_2247 = arith.minsi %get3A_2244, %min3A_2246 : vector<16xi32>
      %swap3A_2248 = arith.constant 464 : index
      %swap3A_2249 = tpu.vector_load %arg7[%swap3A_2248] {strides = array<i32>} : memref<512xi32, #tpu.memory_space<vmem>>, vector<16xi32>,
      tpu.vector_store %arg7[%swap3A_2248], %min3A_2247 {strides = array<i32>} : memref<512xi32, #tpu.memory_space<vmem>>, vector<16xi32>,
      %lt3A_2250 = arith.constant 96 : i32
      %lt3A_2251 = vector.broadcast %lt3A_2250 : i32 to vector<16xi32>
      %lt3A_2252 = arith.cmpi slt, %get3A_2244, %lt3A_2251 : vector<16xi32>
      tpu.vector_store_idx %arg5[%min3A_2247, %add3A_2241], %broadcast_in_dim3A_290 masked %lt3A_2252 : memref<96x512xf32, #tpu.memory_space<vmem>>[vector<16xi32>, vector<16xi32>], vector<16xf32>, vector<16xi1>
      %add3A_2253 = arith.constant 480 : i32
      %add3A_2254 = vector.broadcast %add3A_2253 : i32 to vector<16xi32>
      %add3A_2255 = arith.addi %iota3A, %add3A_2254 : vector<16xi32>
      %get3A_2256 = arith.index_cast %scan3A_1666 : i32 to index
      %get3A_2257 = arith.constant 480 : index
      %get3A_2258 = tpu.vector_load %arg4[%get3A_2256, %get3A_2257] {strides = array<i32>} : memref<26x512xi32, #tpu.memory_space<vmem>>, vector<16xi32>,
      %min3A_2259 = arith.constant 95 : i32
      %min3A_2260 = vector.broadcast %min3A_2259 : i32 to vector<16xi32>
      %min3A_2261 = arith.minsi %get3A_2258, %min3A_2260 : vector<16xi32>
      %swap3A_2262 = arith.constant 480 : index
      %swap3A_2263 = tpu.vector_load %arg7[%swap3A_2262] {strides = array<i32>} : memref<512xi32, #tpu.memory_space<vmem>>, vector<16xi32>,
      tpu.vector_store %arg7[%swap3A_2262], %min3A_2261 {strides = array<i32>} : memref<512xi32, #tpu.memory_space<vmem>>, vector<16xi32>,
      %lt3A_2264 = arith.constant 96 : i32
      %lt3A_2265 = vector.broadcast %lt3A_2264 : i32 to vector<16xi32>
      %lt3A_2266 = arith.cmpi slt, %get3A_2258, %lt3A_2265 : vector<16xi32>
      tpu.vector_store_idx %arg5[%min3A_2261, %add3A_2255], %broadcast_in_dim3A_290 masked %lt3A_2266 : memref<96x512xf32, #tpu.memory_space<vmem>>[vector<16xi32>, vector<16xi32>], vector<16xf32>, vector<16xi1>
      %add3A_2267 = arith.constant 496 : i32
      %add3A_2268 = vector.broadcast %add3A_2267 : i32 to vector<16xi32>
      %add3A_2269 = arith.addi %iota3A, %add3A_2268 : vector<16xi32>
      %get3A_2270 = arith.index_cast %scan3A_1666 : i32 to index
      %get3A_2271 = arith.constant 496 : index
      %get3A_2272 = tpu.vector_load %arg4[%get3A_2270, %get3A_2271] {strides = array<i32>} : memref<26x512xi32, #tpu.memory_space<vmem>>, vector<16xi32>,
      %min3A_2273 = arith.constant 95 : i32
      %min3A_2274 = vector.broadcast %min3A_2273 : i32 to vector<16xi32>
      %min3A_2275 = arith.minsi %get3A_2272, %min3A_2274 : vector<16xi32>
      %swap3A_2276 = arith.constant 496 : index
      %swap3A_2277 = tpu.vector_load %arg7[%swap3A_2276] {strides = array<i32>} : memref<512xi32, #tpu.memory_space<vmem>>, vector<16xi32>,
      tpu.vector_store %arg7[%swap3A_2276], %min3A_2275 {strides = array<i32>} : memref<512xi32, #tpu.memory_space<vmem>>, vector<16xi32>,
      %lt3A_2278 = arith.constant 96 : i32
      %lt3A_2279 = vector.broadcast %lt3A_2278 : i32 to vector<16xi32>
      %lt3A_2280 = arith.cmpi slt, %get3A_2272, %lt3A_2279 : vector<16xi32>
      tpu.vector_store_idx %arg5[%min3A_2275, %add3A_2269], %broadcast_in_dim3A_290 masked %lt3A_2280 : memref<96x512xf32, #tpu.memory_space<vmem>>[vector<16xi32>, vector<16xi32>], vector<16xf32>, vector<16xi1>
      %mul3A_2281 = arith.constant 200 : i32
      %mul3A_2282 = arith.muli %scan3A_1666, %mul3A_2281 : i32
      %dma_start3A_2283 = tpu.memref_slice %arg3[%mul3A_2282, %mul3A_2] : memref<5200x16384xf32, #tpu.memory_space<hbm>> -> memref<96x512xf32, #tpu.memory_space<hbm>>
      %dma_start3A_2284 = tpu.memref_slice %arg3[%mul3A_2282, %mul3A_2] : memref<5200x16384xf32, #tpu.memory_space<hbm>> -> memref<96x512xf32, #tpu.memory_space<hbm>>
      tpu.enqueue_dma source(%arg5 : memref<96x512xf32, #tpu.memory_space<vmem>>) target(%dma_start3A_2284 : memref<96x512xf32, #tpu.memory_space<hbm>>) target_semaphore(%arg9 : memref<!tpu.dma_semaphore, #tpu.memory_space<semaphore_mem>>)
      %sub3A_2285 = arith.constant 1 : i32
      %sub3A_2286 = arith.subi %scan3A_1666, %sub3A_2285 : i32
      %mul3A_2287 = arith.constant 200 : i32
      %mul3A_2288 = arith.muli %sub3A_2286, %mul3A_2287 : i32
      %add3A_2289 = arith.constant 96 : i32
      %add3A_2290 = arith.addi %mul3A_2288, %add3A_2289 : i32
      %dma_wait3A_2291 = tpu.memref_slice %arg3[%add3A_2290, %mul3A_2] : memref<5200x16384xf32, #tpu.memory_space<hbm>> -> memref<104x512xf32, #tpu.memory_space<hbm>>
      %dma_wait3A_2292 = tpu.memref_slice %arg3[%add3A_2290, %mul3A_2] : memref<5200x16384xf32, #tpu.memory_space<hbm>> -> memref<104x512xf32, #tpu.memory_space<hbm>>
      tpu.wait_dma2 semaphore(%arg10 : memref<!tpu.dma_semaphore, #tpu.memory_space<semaphore_mem>>) src(%arg6 : memref<104x512xf32, #tpu.memory_space<vmem>>) dst(%dma_wait3A_2292 : memref<104x512xf32, #tpu.memory_space<hbm>>)
      %add3A_2293 = arith.constant 0 : i32
      %add3A_2294 = vector.broadcast %add3A_2293 : i32 to vector<16xi32>
      %add3A_2295 = arith.addi %iota3A, %add3A_2294 : vector<16xi32>
      %get3A_2296 = arith.constant 0 : index
      %get3A_2297 = tpu.vector_load %arg8[%get3A_2296] {strides = array<i32>} : memref<512xi32, #tpu.memory_space<vmem>>, vector<16xi32>,
      tpu.vector_store_idx %arg6[%get3A_2297, %add3A_2295], %broadcast_in_dim3A_288 : memref<104x512xf32, #tpu.memory_space<vmem>>[vector<16xi32>, vector<16xi32>], vector<16xf32>,
      %add3A_2298 = arith.constant 16 : i32
      %add3A_2299 = vector.broadcast %add3A_2298 : i32 to vector<16xi32>
      %add3A_2300 = arith.addi %iota3A, %add3A_2299 : vector<16xi32>
      %get3A_2301 = arith.constant 16 : index
      %get3A_2302 = tpu.vector_load %arg8[%get3A_2301] {strides = array<i32>} : memref<512xi32, #tpu.memory_space<vmem>>, vector<16xi32>,
      tpu.vector_store_idx %arg6[%get3A_2302, %add3A_2300], %broadcast_in_dim3A_288 : memref<104x512xf32, #tpu.memory_space<vmem>>[vector<16xi32>, vector<16xi32>], vector<16xf32>,
      %add3A_2303 = arith.constant 32 : i32
      %add3A_2304 = vector.broadcast %add3A_2303 : i32 to vector<16xi32>
      %add3A_2305 = arith.addi %iota3A, %add3A_2304 : vector<16xi32>
      %get3A_2306 = arith.constant 32 : index
      %get3A_2307 = tpu.vector_load %arg8[%get3A_2306] {strides = array<i32>} : memref<512xi32, #tpu.memory_space<vmem>>, vector<16xi32>,
      tpu.vector_store_idx %arg6[%get3A_2307, %add3A_2305], %broadcast_in_dim3A_288 : memref<104x512xf32, #tpu.memory_space<vmem>>[vector<16xi32>, vector<16xi32>], vector<16xf32>,
      %add3A_2308 = arith.constant 48 : i32
      %add3A_2309 = vector.broadcast %add3A_2308 : i32 to vector<16xi32>
      %add3A_2310 = arith.addi %iota3A, %add3A_2309 : vector<16xi32>
      %get3A_2311 = arith.constant 48 : index
      %get3A_2312 = tpu.vector_load %arg8[%get3A_2311] {strides = array<i32>} : memref<512xi32, #tpu.memory_space<vmem>>, vector<16xi32>,
      tpu.vector_store_idx %arg6[%get3A_2312, %add3A_2310], %broadcast_in_dim3A_288 : memref<104x512xf32, #tpu.memory_space<vmem>>[vector<16xi32>, vector<16xi32>], vector<16xf32>,
      %add3A_2313 = arith.constant 64 : i32
      %add3A_2314 = vector.broadcast %add3A_2313 : i32 to vector<16xi32>
      %add3A_2315 = arith.addi %iota3A, %add3A_2314 : vector<16xi32>
      %get3A_2316 = arith.constant 64 : index
      %get3A_2317 = tpu.vector_load %arg8[%get3A_2316] {strides = array<i32>} : memref<512xi32, #tpu.memory_space<vmem>>, vector<16xi32>,
      tpu.vector_store_idx %arg6[%get3A_2317, %add3A_2315], %broadcast_in_dim3A_288 : memref<104x512xf32, #tpu.memory_space<vmem>>[vector<16xi32>, vector<16xi32>], vector<16xf32>,
      %add3A_2318 = arith.constant 80 : i32
      %add3A_2319 = vector.broadcast %add3A_2318 : i32 to vector<16xi32>
      %add3A_2320 = arith.addi %iota3A, %add3A_2319 : vector<16xi32>
      %get3A_2321 = arith.constant 80 : index
      %get3A_2322 = tpu.vector_load %arg8[%get3A_2321] {strides = array<i32>} : memref<512xi32, #tpu.memory_space<vmem>>, vector<16xi32>,
      tpu.vector_store_idx %arg6[%get3A_2322, %add3A_2320], %broadcast_in_dim3A_288 : memref<104x512xf32, #tpu.memory_space<vmem>>[vector<16xi32>, vector<16xi32>], vector<16xf32>,
      %add3A_2323 = arith.constant 96 : i32
      %add3A_2324 = vector.broadcast %add3A_2323 : i32 to vector<16xi32>
      %add3A_2325 = arith.addi %iota3A, %add3A_2324 : vector<16xi32>
      %get3A_2326 = arith.constant 96 : index
      %get3A_2327 = tpu.vector_load %arg8[%get3A_2326] {strides = array<i32>} : memref<512xi32, #tpu.memory_space<vmem>>, vector<16xi32>,
      tpu.vector_store_idx %arg6[%get3A_2327, %add3A_2325], %broadcast_in_dim3A_288 : memref<104x512xf32, #tpu.memory_space<vmem>>[vector<16xi32>, vector<16xi32>], vector<16xf32>,
      %add3A_2328 = arith.constant 112 : i32
      %add3A_2329 = vector.broadcast %add3A_2328 : i32 to vector<16xi32>
      %add3A_2330 = arith.addi %iota3A, %add3A_2329 : vector<16xi32>
      %get3A_2331 = arith.constant 112 : index
      %get3A_2332 = tpu.vector_load %arg8[%get3A_2331] {strides = array<i32>} : memref<512xi32, #tpu.memory_space<vmem>>, vector<16xi32>,
      tpu.vector_store_idx %arg6[%get3A_2332, %add3A_2330], %broadcast_in_dim3A_288 : memref<104x512xf32, #tpu.memory_space<vmem>>[vector<16xi32>, vector<16xi32>], vector<16xf32>,
      %add3A_2333 = arith.constant 128 : i32
      %add3A_2334 = vector.broadcast %add3A_2333 : i32 to vector<16xi32>
      %add3A_2335 = arith.addi %iota3A, %add3A_2334 : vector<16xi32>
      %get3A_2336 = arith.constant 128 : index
      %get3A_2337 = tpu.vector_load %arg8[%get3A_2336] {strides = array<i32>} : memref<512xi32, #tpu.memory_space<vmem>>, vector<16xi32>,
      tpu.vector_store_idx %arg6[%get3A_2337, %add3A_2335], %broadcast_in_dim3A_288 : memref<104x512xf32, #tpu.memory_space<vmem>>[vector<16xi32>, vector<16xi32>], vector<16xf32>,
      %add3A_2338 = arith.constant 144 : i32
      %add3A_2339 = vector.broadcast %add3A_2338 : i32 to vector<16xi32>
      %add3A_2340 = arith.addi %iota3A, %add3A_2339 : vector<16xi32>
      %get3A_2341 = arith.constant 144 : index
      %get3A_2342 = tpu.vector_load %arg8[%get3A_2341] {strides = array<i32>} : memref<512xi32, #tpu.memory_space<vmem>>, vector<16xi32>,
      tpu.vector_store_idx %arg6[%get3A_2342, %add3A_2340], %broadcast_in_dim3A_288 : memref<104x512xf32, #tpu.memory_space<vmem>>[vector<16xi32>, vector<16xi32>], vector<16xf32>,
      %add3A_2343 = arith.constant 160 : i32
      %add3A_2344 = vector.broadcast %add3A_2343 : i32 to vector<16xi32>
      %add3A_2345 = arith.addi %iota3A, %add3A_2344 : vector<16xi32>
      %get3A_2346 = arith.constant 160 : index
      %get3A_2347 = tpu.vector_load %arg8[%get3A_2346] {strides = array<i32>} : memref<512xi32, #tpu.memory_space<vmem>>, vector<16xi32>,
      tpu.vector_store_idx %arg6[%get3A_2347, %add3A_2345], %broadcast_in_dim3A_288 : memref<104x512xf32, #tpu.memory_space<vmem>>[vector<16xi32>, vector<16xi32>], vector<16xf32>,
      %add3A_2348 = arith.constant 176 : i32
      %add3A_2349 = vector.broadcast %add3A_2348 : i32 to vector<16xi32>
      %add3A_2350 = arith.addi %iota3A, %add3A_2349 : vector<16xi32>
      %get3A_2351 = arith.constant 176 : index
      %get3A_2352 = tpu.vector_load %arg8[%get3A_2351] {strides = array<i32>} : memref<512xi32, #tpu.memory_space<vmem>>, vector<16xi32>,
      tpu.vector_store_idx %arg6[%get3A_2352, %add3A_2350], %broadcast_in_dim3A_288 : memref<104x512xf32, #tpu.memory_space<vmem>>[vector<16xi32>, vector<16xi32>], vector<16xf32>,
      %add3A_2353 = arith.constant 192 : i32
      %add3A_2354 = vector.broadcast %add3A_2353 : i32 to vector<16xi32>
      %add3A_2355 = arith.addi %iota3A, %add3A_2354 : vector<16xi32>
      %get3A_2356 = arith.constant 192 : index
      %get3A_2357 = tpu.vector_load %arg8[%get3A_2356] {strides = array<i32>} : memref<512xi32, #tpu.memory_space<vmem>>, vector<16xi32>,
      tpu.vector_store_idx %arg6[%get3A_2357, %add3A_2355], %broadcast_in_dim3A_288 : memref<104x512xf32, #tpu.memory_space<vmem>>[vector<16xi32>, vector<16xi32>], vector<16xf32>,
      %add3A_2358 = arith.constant 208 : i32
      %add3A_2359 = vector.broadcast %add3A_2358 : i32 to vector<16xi32>
      %add3A_2360 = arith.addi %iota3A, %add3A_2359 : vector<16xi32>
      %get3A_2361 = arith.constant 208 : index
      %get3A_2362 = tpu.vector_load %arg8[%get3A_2361] {strides = array<i32>} : memref<512xi32, #tpu.memory_space<vmem>>, vector<16xi32>,
      tpu.vector_store_idx %arg6[%get3A_2362, %add3A_2360], %broadcast_in_dim3A_288 : memref<104x512xf32, #tpu.memory_space<vmem>>[vector<16xi32>, vector<16xi32>], vector<16xf32>,
      %add3A_2363 = arith.constant 224 : i32
      %add3A_2364 = vector.broadcast %add3A_2363 : i32 to vector<16xi32>
      %add3A_2365 = arith.addi %iota3A, %add3A_2364 : vector<16xi32>
      %get3A_2366 = arith.constant 224 : index
      %get3A_2367 = tpu.vector_load %arg8[%get3A_2366] {strides = array<i32>} : memref<512xi32, #tpu.memory_space<vmem>>, vector<16xi32>,
      tpu.vector_store_idx %arg6[%get3A_2367, %add3A_2365], %broadcast_in_dim3A_288 : memref<104x512xf32, #tpu.memory_space<vmem>>[vector<16xi32>, vector<16xi32>], vector<16xf32>,
      %add3A_2368 = arith.constant 240 : i32
      %add3A_2369 = vector.broadcast %add3A_2368 : i32 to vector<16xi32>
      %add3A_2370 = arith.addi %iota3A, %add3A_2369 : vector<16xi32>
      %get3A_2371 = arith.constant 240 : index
      %get3A_2372 = tpu.vector_load %arg8[%get3A_2371] {strides = array<i32>} : memref<512xi32, #tpu.memory_space<vmem>>, vector<16xi32>,
      tpu.vector_store_idx %arg6[%get3A_2372, %add3A_2370], %broadcast_in_dim3A_288 : memref<104x512xf32, #tpu.memory_space<vmem>>[vector<16xi32>, vector<16xi32>], vector<16xf32>,
      %add3A_2373 = arith.constant 256 : i32
      %add3A_2374 = vector.broadcast %add3A_2373 : i32 to vector<16xi32>
      %add3A_2375 = arith.addi %iota3A, %add3A_2374 : vector<16xi32>
      %get3A_2376 = arith.constant 256 : index
      %get3A_2377 = tpu.vector_load %arg8[%get3A_2376] {strides = array<i32>} : memref<512xi32, #tpu.memory_space<vmem>>, vector<16xi32>,
      tpu.vector_store_idx %arg6[%get3A_2377, %add3A_2375], %broadcast_in_dim3A_288 : memref<104x512xf32, #tpu.memory_space<vmem>>[vector<16xi32>, vector<16xi32>], vector<16xf32>,
      %add3A_2378 = arith.constant 272 : i32
      %add3A_2379 = vector.broadcast %add3A_2378 : i32 to vector<16xi32>
      %add3A_2380 = arith.addi %iota3A, %add3A_2379 : vector<16xi32>
      %get3A_2381 = arith.constant 272 : index
      %get3A_2382 = tpu.vector_load %arg8[%get3A_2381] {strides = array<i32>} : memref<512xi32, #tpu.memory_space<vmem>>, vector<16xi32>,
      tpu.vector_store_idx %arg6[%get3A_2382, %add3A_2380], %broadcast_in_dim3A_288 : memref<104x512xf32, #tpu.memory_space<vmem>>[vector<16xi32>, vector<16xi32>], vector<16xf32>,
      %add3A_2383 = arith.constant 288 : i32
      %add3A_2384 = vector.broadcast %add3A_2383 : i32 to vector<16xi32>
      %add3A_2385 = arith.addi %iota3A, %add3A_2384 : vector<16xi32>
      %get3A_2386 = arith.constant 288 : index
      %get3A_2387 = tpu.vector_load %arg8[%get3A_2386] {strides = array<i32>} : memref<512xi32, #tpu.memory_space<vmem>>, vector<16xi32>,
      tpu.vector_store_idx %arg6[%get3A_2387, %add3A_2385], %broadcast_in_dim3A_288 : memref<104x512xf32, #tpu.memory_space<vmem>>[vector<16xi32>, vector<16xi32>], vector<16xf32>,
      %add3A_2388 = arith.constant 304 : i32
      %add3A_2389 = vector.broadcast %add3A_2388 : i32 to vector<16xi32>
      %add3A_2390 = arith.addi %iota3A, %add3A_2389 : vector<16xi32>
      %get3A_2391 = arith.constant 304 : index
      %get3A_2392 = tpu.vector_load %arg8[%get3A_2391] {strides = array<i32>} : memref<512xi32, #tpu.memory_space<vmem>>, vector<16xi32>,
      tpu.vector_store_idx %arg6[%get3A_2392, %add3A_2390], %broadcast_in_dim3A_288 : memref<104x512xf32, #tpu.memory_space<vmem>>[vector<16xi32>, vector<16xi32>], vector<16xf32>,
      %add3A_2393 = arith.constant 320 : i32
      %add3A_2394 = vector.broadcast %add3A_2393 : i32 to vector<16xi32>
      %add3A_2395 = arith.addi %iota3A, %add3A_2394 : vector<16xi32>
      %get3A_2396 = arith.constant 320 : index
      %get3A_2397 = tpu.vector_load %arg8[%get3A_2396] {strides = array<i32>} : memref<512xi32, #tpu.memory_space<vmem>>, vector<16xi32>,
      tpu.vector_store_idx %arg6[%get3A_2397, %add3A_2395], %broadcast_in_dim3A_288 : memref<104x512xf32, #tpu.memory_space<vmem>>[vector<16xi32>, vector<16xi32>], vector<16xf32>,
      %add3A_2398 = arith.constant 336 : i32
      %add3A_2399 = vector.broadcast %add3A_2398 : i32 to vector<16xi32>
      %add3A_2400 = arith.addi %iota3A, %add3A_2399 : vector<16xi32>
      %get3A_2401 = arith.constant 336 : index
      %get3A_2402 = tpu.vector_load %arg8[%get3A_2401] {strides = array<i32>} : memref<512xi32, #tpu.memory_space<vmem>>, vector<16xi32>,
      tpu.vector_store_idx %arg6[%get3A_2402, %add3A_2400], %broadcast_in_dim3A_288 : memref<104x512xf32, #tpu.memory_space<vmem>>[vector<16xi32>, vector<16xi32>], vector<16xf32>,
      %add3A_2403 = arith.constant 352 : i32
      %add3A_2404 = vector.broadcast %add3A_2403 : i32 to vector<16xi32>
      %add3A_2405 = arith.addi %iota3A, %add3A_2404 : vector<16xi32>
      %get3A_2406 = arith.constant 352 : index
      %get3A_2407 = tpu.vector_load %arg8[%get3A_2406] {strides = array<i32>} : memref<512xi32, #tpu.memory_space<vmem>>, vector<16xi32>,
      tpu.vector_store_idx %arg6[%get3A_2407, %add3A_2405], %broadcast_in_dim3A_288 : memref<104x512xf32, #tpu.memory_space<vmem>>[vector<16xi32>, vector<16xi32>], vector<16xf32>,
      %add3A_2408 = arith.constant 368 : i32
      %add3A_2409 = vector.broadcast %add3A_2408 : i32 to vector<16xi32>
      %add3A_2410 = arith.addi %iota3A, %add3A_2409 : vector<16xi32>
      %get3A_2411 = arith.constant 368 : index
      %get3A_2412 = tpu.vector_load %arg8[%get3A_2411] {strides = array<i32>} : memref<512xi32, #tpu.memory_space<vmem>>, vector<16xi32>,
      tpu.vector_store_idx %arg6[%get3A_2412, %add3A_2410], %broadcast_in_dim3A_288 : memref<104x512xf32, #tpu.memory_space<vmem>>[vector<16xi32>, vector<16xi32>], vector<16xf32>,
      %add3A_2413 = arith.constant 384 : i32
      %add3A_2414 = vector.broadcast %add3A_2413 : i32 to vector<16xi32>
      %add3A_2415 = arith.addi %iota3A, %add3A_2414 : vector<16xi32>
      %get3A_2416 = arith.constant 384 : index
      %get3A_2417 = tpu.vector_load %arg8[%get3A_2416] {strides = array<i32>} : memref<512xi32, #tpu.memory_space<vmem>>, vector<16xi32>,
      tpu.vector_store_idx %arg6[%get3A_2417, %add3A_2415], %broadcast_in_dim3A_288 : memref<104x512xf32, #tpu.memory_space<vmem>>[vector<16xi32>, vector<16xi32>], vector<16xf32>,
      %add3A_2418 = arith.constant 400 : i32
      %add3A_2419 = vector.broadcast %add3A_2418 : i32 to vector<16xi32>
      %add3A_2420 = arith.addi %iota3A, %add3A_2419 : vector<16xi32>
      %get3A_2421 = arith.constant 400 : index
      %get3A_2422 = tpu.vector_load %arg8[%get3A_2421] {strides = array<i32>} : memref<512xi32, #tpu.memory_space<vmem>>, vector<16xi32>,
      tpu.vector_store_idx %arg6[%get3A_2422, %add3A_2420], %broadcast_in_dim3A_288 : memref<104x512xf32, #tpu.memory_space<vmem>>[vector<16xi32>, vector<16xi32>], vector<16xf32>,
      %add3A_2423 = arith.constant 416 : i32
      %add3A_2424 = vector.broadcast %add3A_2423 : i32 to vector<16xi32>
      %add3A_2425 = arith.addi %iota3A, %add3A_2424 : vector<16xi32>
      %get3A_2426 = arith.constant 416 : index
      %get3A_2427 = tpu.vector_load %arg8[%get3A_2426] {strides = array<i32>} : memref<512xi32, #tpu.memory_space<vmem>>, vector<16xi32>,
      tpu.vector_store_idx %arg6[%get3A_2427, %add3A_2425], %broadcast_in_dim3A_288 : memref<104x512xf32, #tpu.memory_space<vmem>>[vector<16xi32>, vector<16xi32>], vector<16xf32>,
      %add3A_2428 = arith.constant 432 : i32
      %add3A_2429 = vector.broadcast %add3A_2428 : i32 to vector<16xi32>
      %add3A_2430 = arith.addi %iota3A, %add3A_2429 : vector<16xi32>
      %get3A_2431 = arith.constant 432 : index
      %get3A_2432 = tpu.vector_load %arg8[%get3A_2431] {strides = array<i32>} : memref<512xi32, #tpu.memory_space<vmem>>, vector<16xi32>,
      tpu.vector_store_idx %arg6[%get3A_2432, %add3A_2430], %broadcast_in_dim3A_288 : memref<104x512xf32, #tpu.memory_space<vmem>>[vector<16xi32>, vector<16xi32>], vector<16xf32>,
      %add3A_2433 = arith.constant 448 : i32
      %add3A_2434 = vector.broadcast %add3A_2433 : i32 to vector<16xi32>
      %add3A_2435 = arith.addi %iota3A, %add3A_2434 : vector<16xi32>
      %get3A_2436 = arith.constant 448 : index
      %get3A_2437 = tpu.vector_load %arg8[%get3A_2436] {strides = array<i32>} : memref<512xi32, #tpu.memory_space<vmem>>, vector<16xi32>,
      tpu.vector_store_idx %arg6[%get3A_2437, %add3A_2435], %broadcast_in_dim3A_288 : memref<104x512xf32, #tpu.memory_space<vmem>>[vector<16xi32>, vector<16xi32>], vector<16xf32>,
      %add3A_2438 = arith.constant 464 : i32
      %add3A_2439 = vector.broadcast %add3A_2438 : i32 to vector<16xi32>
      %add3A_2440 = arith.addi %iota3A, %add3A_2439 : vector<16xi32>
      %get3A_2441 = arith.constant 464 : index
      %get3A_2442 = tpu.vector_load %arg8[%get3A_2441] {strides = array<i32>} : memref<512xi32, #tpu.memory_space<vmem>>, vector<16xi32>,
      tpu.vector_store_idx %arg6[%get3A_2442, %add3A_2440], %broadcast_in_dim3A_288 : memref<104x512xf32, #tpu.memory_space<vmem>>[vector<16xi32>, vector<16xi32>], vector<16xf32>,
      %add3A_2443 = arith.constant 480 : i32
      %add3A_2444 = vector.broadcast %add3A_2443 : i32 to vector<16xi32>
      %add3A_2445 = arith.addi %iota3A, %add3A_2444 : vector<16xi32>
      %get3A_2446 = arith.constant 480 : index
      %get3A_2447 = tpu.vector_load %arg8[%get3A_2446] {strides = array<i32>} : memref<512xi32, #tpu.memory_space<vmem>>, vector<16xi32>,
      tpu.vector_store_idx %arg6[%get3A_2447, %add3A_2445], %broadcast_in_dim3A_288 : memref<104x512xf32, #tpu.memory_space<vmem>>[vector<16xi32>, vector<16xi32>], vector<16xf32>,
      %add3A_2448 = arith.constant 496 : i32
      %add3A_2449 = vector.broadcast %add3A_2448 : i32 to vector<16xi32>
      %add3A_2450 = arith.addi %iota3A, %add3A_2449 : vector<16xi32>
      %get3A_2451 = arith.constant 496 : index
      %get3A_2452 = tpu.vector_load %arg8[%get3A_2451] {strides = array<i32>} : memref<512xi32, #tpu.memory_space<vmem>>, vector<16xi32>,
      tpu.vector_store_idx %arg6[%get3A_2452, %add3A_2450], %broadcast_in_dim3A_288 : memref<104x512xf32, #tpu.memory_space<vmem>>[vector<16xi32>, vector<16xi32>], vector<16xf32>,
      %add3A_2453 = arith.constant 0 : i32
      %add3A_2454 = vector.broadcast %add3A_2453 : i32 to vector<16xi32>
      %add3A_2455 = arith.addi %iota3A, %add3A_2454 : vector<16xi32>
      %get3A_2456 = arith.index_cast %scan3A_1666 : i32 to index
      %get3A_2457 = arith.constant 0 : index
      %get3A_2458 = tpu.vector_load %arg4[%get3A_2456, %get3A_2457] {strides = array<i32>} : memref<26x512xi32, #tpu.memory_space<vmem>>, vector<16xi32>,
      %max3A_2459 = arith.constant 96 : i32
      %max3A_2460 = vector.broadcast %max3A_2459 : i32 to vector<16xi32>
      %max3A_2461 = arith.maxsi %get3A_2458, %max3A_2460 : vector<16xi32>
      %sub3A_2462 = arith.constant 96 : i32
      %sub3A_2463 = vector.broadcast %sub3A_2462 : i32 to vector<16xi32>
      %sub3A_2464 = arith.subi %max3A_2461, %sub3A_2463 : vector<16xi32>
      %swap3A_2465 = arith.constant 0 : index
      %swap3A_2466 = tpu.vector_load %arg8[%swap3A_2465] {strides = array<i32>} : memref<512xi32, #tpu.memory_space<vmem>>, vector<16xi32>,
      tpu.vector_store %arg8[%swap3A_2465], %sub3A_2464 {strides = array<i32>} : memref<512xi32, #tpu.memory_space<vmem>>, vector<16xi32>,
      %ge3A_2467 = arith.constant 96 : i32
      %ge3A_2468 = vector.broadcast %ge3A_2467 : i32 to vector<16xi32>
      %ge3A_2469 = arith.cmpi sge, %get3A_2458, %ge3A_2468 : vector<16xi32>
      tpu.vector_store_idx %arg6[%sub3A_2464, %add3A_2455], %broadcast_in_dim3A_290 masked %ge3A_2469 : memref<104x512xf32, #tpu.memory_space<vmem>>[vector<16xi32>, vector<16xi32>], vector<16xf32>, vector<16xi1>
      %add3A_2470 = arith.constant 16 : i32
      %add3A_2471 = vector.broadcast %add3A_2470 : i32 to vector<16xi32>
      %add3A_2472 = arith.addi %iota3A, %add3A_2471 : vector<16xi32>
      %get3A_2473 = arith.index_cast %scan3A_1666 : i32 to index
      %get3A_2474 = arith.constant 16 : index
      %get3A_2475 = tpu.vector_load %arg4[%get3A_2473, %get3A_2474] {strides = array<i32>} : memref<26x512xi32, #tpu.memory_space<vmem>>, vector<16xi32>,
      %max3A_2476 = arith.constant 96 : i32
      %max3A_2477 = vector.broadcast %max3A_2476 : i32 to vector<16xi32>
      %max3A_2478 = arith.maxsi %get3A_2475, %max3A_2477 : vector<16xi32>
      %sub3A_2479 = arith.constant 96 : i32
      %sub3A_2480 = vector.broadcast %sub3A_2479 : i32 to vector<16xi32>
      %sub3A_2481 = arith.subi %max3A_2478, %sub3A_2480 : vector<16xi32>
      %swap3A_2482 = arith.constant 16 : index
      %swap3A_2483 = tpu.vector_load %arg8[%swap3A_2482] {strides = array<i32>} : memref<512xi32, #tpu.memory_space<vmem>>, vector<16xi32>,
      tpu.vector_store %arg8[%swap3A_2482], %sub3A_2481 {strides = array<i32>} : memref<512xi32, #tpu.memory_space<vmem>>, vector<16xi32>,
      %ge3A_2484 = arith.constant 96 : i32
      %ge3A_2485 = vector.broadcast %ge3A_2484 : i32 to vector<16xi32>
      %ge3A_2486 = arith.cmpi sge, %get3A_2475, %ge3A_2485 : vector<16xi32>
      tpu.vector_store_idx %arg6[%sub3A_2481, %add3A_2472], %broadcast_in_dim3A_290 masked %ge3A_2486 : memref<104x512xf32, #tpu.memory_space<vmem>>[vector<16xi32>, vector<16xi32>], vector<16xf32>, vector<16xi1>
      %add3A_2487 = arith.constant 32 : i32
      %add3A_2488 = vector.broadcast %add3A_2487 : i32 to vector<16xi32>
      %add3A_2489 = arith.addi %iota3A, %add3A_2488 : vector<16xi32>
      %get3A_2490 = arith.index_cast %scan3A_1666 : i32 to index
      %get3A_2491 = arith.constant 32 : index
      %get3A_2492 = tpu.vector_load %arg4[%get3A_2490, %get3A_2491] {strides = array<i32>} : memref<26x512xi32, #tpu.memory_space<vmem>>, vector<16xi32>,
      %max3A_2493 = arith.constant 96 : i32
      %max3A_2494 = vector.broadcast %max3A_2493 : i32 to vector<16xi32>
      %max3A_2495 = arith.maxsi %get3A_2492, %max3A_2494 : vector<16xi32>
      %sub3A_2496 = arith.constant 96 : i32
      %sub3A_2497 = vector.broadcast %sub3A_2496 : i32 to vector<16xi32>
      %sub3A_2498 = arith.subi %max3A_2495, %sub3A_2497 : vector<16xi32>
      %swap3A_2499 = arith.constant 32 : index
      %swap3A_2500 = tpu.vector_load %arg8[%swap3A_2499] {strides = array<i32>} : memref<512xi32, #tpu.memory_space<vmem>>, vector<16xi32>,
      tpu.vector_store %arg8[%swap3A_2499], %sub3A_2498 {strides = array<i32>} : memref<512xi32, #tpu.memory_space<vmem>>, vector<16xi32>,
      %ge3A_2501 = arith.constant 96 : i32
      %ge3A_2502 = vector.broadcast %ge3A_2501 : i32 to vector<16xi32>
      %ge3A_2503 = arith.cmpi sge, %get3A_2492, %ge3A_2502 : vector<16xi32>
      tpu.vector_store_idx %arg6[%sub3A_2498, %add3A_2489], %broadcast_in_dim3A_290 masked %ge3A_2503 : memref<104x512xf32, #tpu.memory_space<vmem>>[vector<16xi32>, vector<16xi32>], vector<16xf32>, vector<16xi1>
      %add3A_2504 = arith.constant 48 : i32
      %add3A_2505 = vector.broadcast %add3A_2504 : i32 to vector<16xi32>
      %add3A_2506 = arith.addi %iota3A, %add3A_2505 : vector<16xi32>
      %get3A_2507 = arith.index_cast %scan3A_1666 : i32 to index
      %get3A_2508 = arith.constant 48 : index
      %get3A_2509 = tpu.vector_load %arg4[%get3A_2507, %get3A_2508] {strides = array<i32>} : memref<26x512xi32, #tpu.memory_space<vmem>>, vector<16xi32>,
      %max3A_2510 = arith.constant 96 : i32
      %max3A_2511 = vector.broadcast %max3A_2510 : i32 to vector<16xi32>
      %max3A_2512 = arith.maxsi %get3A_2509, %max3A_2511 : vector<16xi32>
      %sub3A_2513 = arith.constant 96 : i32
      %sub3A_2514 = vector.broadcast %sub3A_2513 : i32 to vector<16xi32>
      %sub3A_2515 = arith.subi %max3A_2512, %sub3A_2514 : vector<16xi32>
      %swap3A_2516 = arith.constant 48 : index
      %swap3A_2517 = tpu.vector_load %arg8[%swap3A_2516] {strides = array<i32>} : memref<512xi32, #tpu.memory_space<vmem>>, vector<16xi32>,
      tpu.vector_store %arg8[%swap3A_2516], %sub3A_2515 {strides = array<i32>} : memref<512xi32, #tpu.memory_space<vmem>>, vector<16xi32>,
      %ge3A_2518 = arith.constant 96 : i32
      %ge3A_2519 = vector.broadcast %ge3A_2518 : i32 to vector<16xi32>
      %ge3A_2520 = arith.cmpi sge, %get3A_2509, %ge3A_2519 : vector<16xi32>
      tpu.vector_store_idx %arg6[%sub3A_2515, %add3A_2506], %broadcast_in_dim3A_290 masked %ge3A_2520 : memref<104x512xf32, #tpu.memory_space<vmem>>[vector<16xi32>, vector<16xi32>], vector<16xf32>, vector<16xi1>
      %add3A_2521 = arith.constant 64 : i32
      %add3A_2522 = vector.broadcast %add3A_2521 : i32 to vector<16xi32>
      %add3A_2523 = arith.addi %iota3A, %add3A_2522 : vector<16xi32>
      %get3A_2524 = arith.index_cast %scan3A_1666 : i32 to index
      %get3A_2525 = arith.constant 64 : index
      %get3A_2526 = tpu.vector_load %arg4[%get3A_2524, %get3A_2525] {strides = array<i32>} : memref<26x512xi32, #tpu.memory_space<vmem>>, vector<16xi32>,
      %max3A_2527 = arith.constant 96 : i32
      %max3A_2528 = vector.broadcast %max3A_2527 : i32 to vector<16xi32>
      %max3A_2529 = arith.maxsi %get3A_2526, %max3A_2528 : vector<16xi32>
      %sub3A_2530 = arith.constant 96 : i32
      %sub3A_2531 = vector.broadcast %sub3A_2530 : i32 to vector<16xi32>
      %sub3A_2532 = arith.subi %max3A_2529, %sub3A_2531 : vector<16xi32>
      %swap3A_2533 = arith.constant 64 : index
      %swap3A_2534 = tpu.vector_load %arg8[%swap3A_2533] {strides = array<i32>} : memref<512xi32, #tpu.memory_space<vmem>>, vector<16xi32>,
      tpu.vector_store %arg8[%swap3A_2533], %sub3A_2532 {strides = array<i32>} : memref<512xi32, #tpu.memory_space<vmem>>, vector<16xi32>,
      %ge3A_2535 = arith.constant 96 : i32
      %ge3A_2536 = vector.broadcast %ge3A_2535 : i32 to vector<16xi32>
      %ge3A_2537 = arith.cmpi sge, %get3A_2526, %ge3A_2536 : vector<16xi32>
      tpu.vector_store_idx %arg6[%sub3A_2532, %add3A_2523], %broadcast_in_dim3A_290 masked %ge3A_2537 : memref<104x512xf32, #tpu.memory_space<vmem>>[vector<16xi32>, vector<16xi32>], vector<16xf32>, vector<16xi1>
      %add3A_2538 = arith.constant 80 : i32
      %add3A_2539 = vector.broadcast %add3A_2538 : i32 to vector<16xi32>
      %add3A_2540 = arith.addi %iota3A, %add3A_2539 : vector<16xi32>
      %get3A_2541 = arith.index_cast %scan3A_1666 : i32 to index
      %get3A_2542 = arith.constant 80 : index
      %get3A_2543 = tpu.vector_load %arg4[%get3A_2541, %get3A_2542] {strides = array<i32>} : memref<26x512xi32, #tpu.memory_space<vmem>>, vector<16xi32>,
      %max3A_2544 = arith.constant 96 : i32
      %max3A_2545 = vector.broadcast %max3A_2544 : i32 to vector<16xi32>
      %max3A_2546 = arith.maxsi %get3A_2543, %max3A_2545 : vector<16xi32>
      %sub3A_2547 = arith.constant 96 : i32
      %sub3A_2548 = vector.broadcast %sub3A_2547 : i32 to vector<16xi32>
      %sub3A_2549 = arith.subi %max3A_2546, %sub3A_2548 : vector<16xi32>
      %swap3A_2550 = arith.constant 80 : index
      %swap3A_2551 = tpu.vector_load %arg8[%swap3A_2550] {strides = array<i32>} : memref<512xi32, #tpu.memory_space<vmem>>, vector<16xi32>,
      tpu.vector_store %arg8[%swap3A_2550], %sub3A_2549 {strides = array<i32>} : memref<512xi32, #tpu.memory_space<vmem>>, vector<16xi32>,
      %ge3A_2552 = arith.constant 96 : i32
      %ge3A_2553 = vector.broadcast %ge3A_2552 : i32 to vector<16xi32>
      %ge3A_2554 = arith.cmpi sge, %get3A_2543, %ge3A_2553 : vector<16xi32>
      tpu.vector_store_idx %arg6[%sub3A_2549, %add3A_2540], %broadcast_in_dim3A_290 masked %ge3A_2554 : memref<104x512xf32, #tpu.memory_space<vmem>>[vector<16xi32>, vector<16xi32>], vector<16xf32>, vector<16xi1>
      %add3A_2555 = arith.constant 96 : i32
      %add3A_2556 = vector.broadcast %add3A_2555 : i32 to vector<16xi32>
      %add3A_2557 = arith.addi %iota3A, %add3A_2556 : vector<16xi32>
      %get3A_2558 = arith.index_cast %scan3A_1666 : i32 to index
      %get3A_2559 = arith.constant 96 : index
      %get3A_2560 = tpu.vector_load %arg4[%get3A_2558, %get3A_2559] {strides = array<i32>} : memref<26x512xi32, #tpu.memory_space<vmem>>, vector<16xi32>,
      %max3A_2561 = arith.constant 96 : i32
      %max3A_2562 = vector.broadcast %max3A_2561 : i32 to vector<16xi32>
      %max3A_2563 = arith.maxsi %get3A_2560, %max3A_2562 : vector<16xi32>
      %sub3A_2564 = arith.constant 96 : i32
      %sub3A_2565 = vector.broadcast %sub3A_2564 : i32 to vector<16xi32>
      %sub3A_2566 = arith.subi %max3A_2563, %sub3A_2565 : vector<16xi32>
      %swap3A_2567 = arith.constant 96 : index
      %swap3A_2568 = tpu.vector_load %arg8[%swap3A_2567] {strides = array<i32>} : memref<512xi32, #tpu.memory_space<vmem>>, vector<16xi32>,
      tpu.vector_store %arg8[%swap3A_2567], %sub3A_2566 {strides = array<i32>} : memref<512xi32, #tpu.memory_space<vmem>>, vector<16xi32>,
      %ge3A_2569 = arith.constant 96 : i32
      %ge3A_2570 = vector.broadcast %ge3A_2569 : i32 to vector<16xi32>
      %ge3A_2571 = arith.cmpi sge, %get3A_2560, %ge3A_2570 : vector<16xi32>
      tpu.vector_store_idx %arg6[%sub3A_2566, %add3A_2557], %broadcast_in_dim3A_290 masked %ge3A_2571 : memref<104x512xf32, #tpu.memory_space<vmem>>[vector<16xi32>, vector<16xi32>], vector<16xf32>, vector<16xi1>
      %add3A_2572 = arith.constant 112 : i32
      %add3A_2573 = vector.broadcast %add3A_2572 : i32 to vector<16xi32>
      %add3A_2574 = arith.addi %iota3A, %add3A_2573 : vector<16xi32>
      %get3A_2575 = arith.index_cast %scan3A_1666 : i32 to index
      %get3A_2576 = arith.constant 112 : index
      %get3A_2577 = tpu.vector_load %arg4[%get3A_2575, %get3A_2576] {strides = array<i32>} : memref<26x512xi32, #tpu.memory_space<vmem>>, vector<16xi32>,
      %max3A_2578 = arith.constant 96 : i32
      %max3A_2579 = vector.broadcast %max3A_2578 : i32 to vector<16xi32>
      %max3A_2580 = arith.maxsi %get3A_2577, %max3A_2579 : vector<16xi32>
      %sub3A_2581 = arith.constant 96 : i32
      %sub3A_2582 = vector.broadcast %sub3A_2581 : i32 to vector<16xi32>
      %sub3A_2583 = arith.subi %max3A_2580, %sub3A_2582 : vector<16xi32>
      %swap3A_2584 = arith.constant 112 : index
      %swap3A_2585 = tpu.vector_load %arg8[%swap3A_2584] {strides = array<i32>} : memref<512xi32, #tpu.memory_space<vmem>>, vector<16xi32>,
      tpu.vector_store %arg8[%swap3A_2584], %sub3A_2583 {strides = array<i32>} : memref<512xi32, #tpu.memory_space<vmem>>, vector<16xi32>,
      %ge3A_2586 = arith.constant 96 : i32
      %ge3A_2587 = vector.broadcast %ge3A_2586 : i32 to vector<16xi32>
      %ge3A_2588 = arith.cmpi sge, %get3A_2577, %ge3A_2587 : vector<16xi32>
      tpu.vector_store_idx %arg6[%sub3A_2583, %add3A_2574], %broadcast_in_dim3A_290 masked %ge3A_2588 : memref<104x512xf32, #tpu.memory_space<vmem>>[vector<16xi32>, vector<16xi32>], vector<16xf32>, vector<16xi1>
      %add3A_2589 = arith.constant 128 : i32
      %add3A_2590 = vector.broadcast %add3A_2589 : i32 to vector<16xi32>
      %add3A_2591 = arith.addi %iota3A, %add3A_2590 : vector<16xi32>
      %get3A_2592 = arith.index_cast %scan3A_1666 : i32 to index
      %get3A_2593 = arith.constant 128 : index
      %get3A_2594 = tpu.vector_load %arg4[%get3A_2592, %get3A_2593] {strides = array<i32>} : memref<26x512xi32, #tpu.memory_space<vmem>>, vector<16xi32>,
      %max3A_2595 = arith.constant 96 : i32
      %max3A_2596 = vector.broadcast %max3A_2595 : i32 to vector<16xi32>
      %max3A_2597 = arith.maxsi %get3A_2594, %max3A_2596 : vector<16xi32>
      %sub3A_2598 = arith.constant 96 : i32
      %sub3A_2599 = vector.broadcast %sub3A_2598 : i32 to vector<16xi32>
      %sub3A_2600 = arith.subi %max3A_2597, %sub3A_2599 : vector<16xi32>
      %swap3A_2601 = arith.constant 128 : index
      %swap3A_2602 = tpu.vector_load %arg8[%swap3A_2601] {strides = array<i32>} : memref<512xi32, #tpu.memory_space<vmem>>, vector<16xi32>,
      tpu.vector_store %arg8[%swap3A_2601], %sub3A_2600 {strides = array<i32>} : memref<512xi32, #tpu.memory_space<vmem>>, vector<16xi32>,
      %ge3A_2603 = arith.constant 96 : i32
      %ge3A_2604 = vector.broadcast %ge3A_2603 : i32 to vector<16xi32>
      %ge3A_2605 = arith.cmpi sge, %get3A_2594, %ge3A_2604 : vector<16xi32>
      tpu.vector_store_idx %arg6[%sub3A_2600, %add3A_2591], %broadcast_in_dim3A_290 masked %ge3A_2605 : memref<104x512xf32, #tpu.memory_space<vmem>>[vector<16xi32>, vector<16xi32>], vector<16xf32>, vector<16xi1>
      %add3A_2606 = arith.constant 144 : i32
      %add3A_2607 = vector.broadcast %add3A_2606 : i32 to vector<16xi32>
      %add3A_2608 = arith.addi %iota3A, %add3A_2607 : vector<16xi32>
      %get3A_2609 = arith.index_cast %scan3A_1666 : i32 to index
      %get3A_2610 = arith.constant 144 : index
      %get3A_2611 = tpu.vector_load %arg4[%get3A_2609, %get3A_2610] {strides = array<i32>} : memref<26x512xi32, #tpu.memory_space<vmem>>, vector<16xi32>,
      %max3A_2612 = arith.constant 96 : i32
      %max3A_2613 = vector.broadcast %max3A_2612 : i32 to vector<16xi32>
      %max3A_2614 = arith.maxsi %get3A_2611, %max3A_2613 : vector<16xi32>
      %sub3A_2615 = arith.constant 96 : i32
      %sub3A_2616 = vector.broadcast %sub3A_2615 : i32 to vector<16xi32>
      %sub3A_2617 = arith.subi %max3A_2614, %sub3A_2616 : vector<16xi32>
      %swap3A_2618 = arith.constant 144 : index
      %swap3A_2619 = tpu.vector_load %arg8[%swap3A_2618] {strides = array<i32>} : memref<512xi32, #tpu.memory_space<vmem>>, vector<16xi32>,
      tpu.vector_store %arg8[%swap3A_2618], %sub3A_2617 {strides = array<i32>} : memref<512xi32, #tpu.memory_space<vmem>>, vector<16xi32>,
      %ge3A_2620 = arith.constant 96 : i32
      %ge3A_2621 = vector.broadcast %ge3A_2620 : i32 to vector<16xi32>
      %ge3A_2622 = arith.cmpi sge, %get3A_2611, %ge3A_2621 : vector<16xi32>
      tpu.vector_store_idx %arg6[%sub3A_2617, %add3A_2608], %broadcast_in_dim3A_290 masked %ge3A_2622 : memref<104x512xf32, #tpu.memory_space<vmem>>[vector<16xi32>, vector<16xi32>], vector<16xf32>, vector<16xi1>
      %add3A_2623 = arith.constant 160 : i32
      %add3A_2624 = vector.broadcast %add3A_2623 : i32 to vector<16xi32>
      %add3A_2625 = arith.addi %iota3A, %add3A_2624 : vector<16xi32>
      %get3A_2626 = arith.index_cast %scan3A_1666 : i32 to index
      %get3A_2627 = arith.constant 160 : index
      %get3A_2628 = tpu.vector_load %arg4[%get3A_2626, %get3A_2627] {strides = array<i32>} : memref<26x512xi32, #tpu.memory_space<vmem>>, vector<16xi32>,
      %max3A_2629 = arith.constant 96 : i32
      %max3A_2630 = vector.broadcast %max3A_2629 : i32 to vector<16xi32>
      %max3A_2631 = arith.maxsi %get3A_2628, %max3A_2630 : vector<16xi32>
      %sub3A_2632 = arith.constant 96 : i32
      %sub3A_2633 = vector.broadcast %sub3A_2632 : i32 to vector<16xi32>
      %sub3A_2634 = arith.subi %max3A_2631, %sub3A_2633 : vector<16xi32>
      %swap3A_2635 = arith.constant 160 : index
      %swap3A_2636 = tpu.vector_load %arg8[%swap3A_2635] {strides = array<i32>} : memref<512xi32, #tpu.memory_space<vmem>>, vector<16xi32>,
      tpu.vector_store %arg8[%swap3A_2635], %sub3A_2634 {strides = array<i32>} : memref<512xi32, #tpu.memory_space<vmem>>, vector<16xi32>,
      %ge3A_2637 = arith.constant 96 : i32
      %ge3A_2638 = vector.broadcast %ge3A_2637 : i32 to vector<16xi32>
      %ge3A_2639 = arith.cmpi sge, %get3A_2628, %ge3A_2638 : vector<16xi32>
      tpu.vector_store_idx %arg6[%sub3A_2634, %add3A_2625], %broadcast_in_dim3A_290 masked %ge3A_2639 : memref<104x512xf32, #tpu.memory_space<vmem>>[vector<16xi32>, vector<16xi32>], vector<16xf32>, vector<16xi1>
      %add3A_2640 = arith.constant 176 : i32
      %add3A_2641 = vector.broadcast %add3A_2640 : i32 to vector<16xi32>
      %add3A_2642 = arith.addi %iota3A, %add3A_2641 : vector<16xi32>
      %get3A_2643 = arith.index_cast %scan3A_1666 : i32 to index
      %get3A_2644 = arith.constant 176 : index
      %get3A_2645 = tpu.vector_load %arg4[%get3A_2643, %get3A_2644] {strides = array<i32>} : memref<26x512xi32, #tpu.memory_space<vmem>>, vector<16xi32>,
      %max3A_2646 = arith.constant 96 : i32
      %max3A_2647 = vector.broadcast %max3A_2646 : i32 to vector<16xi32>
      %max3A_2648 = arith.maxsi %get3A_2645, %max3A_2647 : vector<16xi32>
      %sub3A_2649 = arith.constant 96 : i32
      %sub3A_2650 = vector.broadcast %sub3A_2649 : i32 to vector<16xi32>
      %sub3A_2651 = arith.subi %max3A_2648, %sub3A_2650 : vector<16xi32>
      %swap3A_2652 = arith.constant 176 : index
      %swap3A_2653 = tpu.vector_load %arg8[%swap3A_2652] {strides = array<i32>} : memref<512xi32, #tpu.memory_space<vmem>>, vector<16xi32>,
      tpu.vector_store %arg8[%swap3A_2652], %sub3A_2651 {strides = array<i32>} : memref<512xi32, #tpu.memory_space<vmem>>, vector<16xi32>,
      %ge3A_2654 = arith.constant 96 : i32
      %ge3A_2655 = vector.broadcast %ge3A_2654 : i32 to vector<16xi32>
      %ge3A_2656 = arith.cmpi sge, %get3A_2645, %ge3A_2655 : vector<16xi32>
      tpu.vector_store_idx %arg6[%sub3A_2651, %add3A_2642], %broadcast_in_dim3A_290 masked %ge3A_2656 : memref<104x512xf32, #tpu.memory_space<vmem>>[vector<16xi32>, vector<16xi32>], vector<16xf32>, vector<16xi1>
      %add3A_2657 = arith.constant 192 : i32
      %add3A_2658 = vector.broadcast %add3A_2657 : i32 to vector<16xi32>
      %add3A_2659 = arith.addi %iota3A, %add3A_2658 : vector<16xi32>
      %get3A_2660 = arith.index_cast %scan3A_1666 : i32 to index
      %get3A_2661 = arith.constant 192 : index
      %get3A_2662 = tpu.vector_load %arg4[%get3A_2660, %get3A_2661] {strides = array<i32>} : memref<26x512xi32, #tpu.memory_space<vmem>>, vector<16xi32>,
      %max3A_2663 = arith.constant 96 : i32
      %max3A_2664 = vector.broadcast %max3A_2663 : i32 to vector<16xi32>
      %max3A_2665 = arith.maxsi %get3A_2662, %max3A_2664 : vector<16xi32>
      %sub3A_2666 = arith.constant 96 : i32
      %sub3A_2667 = vector.broadcast %sub3A_2666 : i32 to vector<16xi32>
      %sub3A_2668 = arith.subi %max3A_2665, %sub3A_2667 : vector<16xi32>
      %swap3A_2669 = arith.constant 192 : index
      %swap3A_2670 = tpu.vector_load %arg8[%swap3A_2669] {strides = array<i32>} : memref<512xi32, #tpu.memory_space<vmem>>, vector<16xi32>,
      tpu.vector_store %arg8[%swap3A_2669], %sub3A_2668 {strides = array<i32>} : memref<512xi32, #tpu.memory_space<vmem>>, vector<16xi32>,
      %ge3A_2671 = arith.constant 96 : i32
      %ge3A_2672 = vector.broadcast %ge3A_2671 : i32 to vector<16xi32>
      %ge3A_2673 = arith.cmpi sge, %get3A_2662, %ge3A_2672 : vector<16xi32>
      tpu.vector_store_idx %arg6[%sub3A_2668, %add3A_2659], %broadcast_in_dim3A_290 masked %ge3A_2673 : memref<104x512xf32, #tpu.memory_space<vmem>>[vector<16xi32>, vector<16xi32>], vector<16xf32>, vector<16xi1>
      %add3A_2674 = arith.constant 208 : i32
      %add3A_2675 = vector.broadcast %add3A_2674 : i32 to vector<16xi32>
      %add3A_2676 = arith.addi %iota3A, %add3A_2675 : vector<16xi32>
      %get3A_2677 = arith.index_cast %scan3A_1666 : i32 to index
      %get3A_2678 = arith.constant 208 : index
      %get3A_2679 = tpu.vector_load %arg4[%get3A_2677, %get3A_2678] {strides = array<i32>} : memref<26x512xi32, #tpu.memory_space<vmem>>, vector<16xi32>,
      %max3A_2680 = arith.constant 96 : i32
      %max3A_2681 = vector.broadcast %max3A_2680 : i32 to vector<16xi32>
      %max3A_2682 = arith.maxsi %get3A_2679, %max3A_2681 : vector<16xi32>
      %sub3A_2683 = arith.constant 96 : i32
      %sub3A_2684 = vector.broadcast %sub3A_2683 : i32 to vector<16xi32>
      %sub3A_2685 = arith.subi %max3A_2682, %sub3A_2684 : vector<16xi32>
      %swap3A_2686 = arith.constant 208 : index
      %swap3A_2687 = tpu.vector_load %arg8[%swap3A_2686] {strides = array<i32>} : memref<512xi32, #tpu.memory_space<vmem>>, vector<16xi32>,
      tpu.vector_store %arg8[%swap3A_2686], %sub3A_2685 {strides = array<i32>} : memref<512xi32, #tpu.memory_space<vmem>>, vector<16xi32>,
      %ge3A_2688 = arith.constant 96 : i32
      %ge3A_2689 = vector.broadcast %ge3A_2688 : i32 to vector<16xi32>
      %ge3A_2690 = arith.cmpi sge, %get3A_2679, %ge3A_2689 : vector<16xi32>
      tpu.vector_store_idx %arg6[%sub3A_2685, %add3A_2676], %broadcast_in_dim3A_290 masked %ge3A_2690 : memref<104x512xf32, #tpu.memory_space<vmem>>[vector<16xi32>, vector<16xi32>], vector<16xf32>, vector<16xi1>
      %add3A_2691 = arith.constant 224 : i32
      %add3A_2692 = vector.broadcast %add3A_2691 : i32 to vector<16xi32>
      %add3A_2693 = arith.addi %iota3A, %add3A_2692 : vector<16xi32>
      %get3A_2694 = arith.index_cast %scan3A_1666 : i32 to index
      %get3A_2695 = arith.constant 224 : index
      %get3A_2696 = tpu.vector_load %arg4[%get3A_2694, %get3A_2695] {strides = array<i32>} : memref<26x512xi32, #tpu.memory_space<vmem>>, vector<16xi32>,
      %max3A_2697 = arith.constant 96 : i32
      %max3A_2698 = vector.broadcast %max3A_2697 : i32 to vector<16xi32>
      %max3A_2699 = arith.maxsi %get3A_2696, %max3A_2698 : vector<16xi32>
      %sub3A_2700 = arith.constant 96 : i32
      %sub3A_2701 = vector.broadcast %sub3A_2700 : i32 to vector<16xi32>
      %sub3A_2702 = arith.subi %max3A_2699, %sub3A_2701 : vector<16xi32>
      %swap3A_2703 = arith.constant 224 : index
      %swap3A_2704 = tpu.vector_load %arg8[%swap3A_2703] {strides = array<i32>} : memref<512xi32, #tpu.memory_space<vmem>>, vector<16xi32>,
      tpu.vector_store %arg8[%swap3A_2703], %sub3A_2702 {strides = array<i32>} : memref<512xi32, #tpu.memory_space<vmem>>, vector<16xi32>,
      %ge3A_2705 = arith.constant 96 : i32
      %ge3A_2706 = vector.broadcast %ge3A_2705 : i32 to vector<16xi32>
      %ge3A_2707 = arith.cmpi sge, %get3A_2696, %ge3A_2706 : vector<16xi32>
      tpu.vector_store_idx %arg6[%sub3A_2702, %add3A_2693], %broadcast_in_dim3A_290 masked %ge3A_2707 : memref<104x512xf32, #tpu.memory_space<vmem>>[vector<16xi32>, vector<16xi32>], vector<16xf32>, vector<16xi1>
      %add3A_2708 = arith.constant 240 : i32
      %add3A_2709 = vector.broadcast %add3A_2708 : i32 to vector<16xi32>
      %add3A_2710 = arith.addi %iota3A, %add3A_2709 : vector<16xi32>
      %get3A_2711 = arith.index_cast %scan3A_1666 : i32 to index
      %get3A_2712 = arith.constant 240 : index
      %get3A_2713 = tpu.vector_load %arg4[%get3A_2711, %get3A_2712] {strides = array<i32>} : memref<26x512xi32, #tpu.memory_space<vmem>>, vector<16xi32>,
      %max3A_2714 = arith.constant 96 : i32
      %max3A_2715 = vector.broadcast %max3A_2714 : i32 to vector<16xi32>
      %max3A_2716 = arith.maxsi %get3A_2713, %max3A_2715 : vector<16xi32>
      %sub3A_2717 = arith.constant 96 : i32
      %sub3A_2718 = vector.broadcast %sub3A_2717 : i32 to vector<16xi32>
      %sub3A_2719 = arith.subi %max3A_2716, %sub3A_2718 : vector<16xi32>
      %swap3A_2720 = arith.constant 240 : index
      %swap3A_2721 = tpu.vector_load %arg8[%swap3A_2720] {strides = array<i32>} : memref<512xi32, #tpu.memory_space<vmem>>, vector<16xi32>,
      tpu.vector_store %arg8[%swap3A_2720], %sub3A_2719 {strides = array<i32>} : memref<512xi32, #tpu.memory_space<vmem>>, vector<16xi32>,
      %ge3A_2722 = arith.constant 96 : i32
      %ge3A_2723 = vector.broadcast %ge3A_2722 : i32 to vector<16xi32>
      %ge3A_2724 = arith.cmpi sge, %get3A_2713, %ge3A_2723 : vector<16xi32>
      tpu.vector_store_idx %arg6[%sub3A_2719, %add3A_2710], %broadcast_in_dim3A_290 masked %ge3A_2724 : memref<104x512xf32, #tpu.memory_space<vmem>>[vector<16xi32>, vector<16xi32>], vector<16xf32>, vector<16xi1>
      %add3A_2725 = arith.constant 256 : i32
      %add3A_2726 = vector.broadcast %add3A_2725 : i32 to vector<16xi32>
      %add3A_2727 = arith.addi %iota3A, %add3A_2726 : vector<16xi32>
      %get3A_2728 = arith.index_cast %scan3A_1666 : i32 to index
      %get3A_2729 = arith.constant 256 : index
      %get3A_2730 = tpu.vector_load %arg4[%get3A_2728, %get3A_2729] {strides = array<i32>} : memref<26x512xi32, #tpu.memory_space<vmem>>, vector<16xi32>,
      %max3A_2731 = arith.constant 96 : i32
      %max3A_2732 = vector.broadcast %max3A_2731 : i32 to vector<16xi32>
      %max3A_2733 = arith.maxsi %get3A_2730, %max3A_2732 : vector<16xi32>
      %sub3A_2734 = arith.constant 96 : i32
      %sub3A_2735 = vector.broadcast %sub3A_2734 : i32 to vector<16xi32>
      %sub3A_2736 = arith.subi %max3A_2733, %sub3A_2735 : vector<16xi32>
      %swap3A_2737 = arith.constant 256 : index
      %swap3A_2738 = tpu.vector_load %arg8[%swap3A_2737] {strides = array<i32>} : memref<512xi32, #tpu.memory_space<vmem>>, vector<16xi32>,
      tpu.vector_store %arg8[%swap3A_2737], %sub3A_2736 {strides = array<i32>} : memref<512xi32, #tpu.memory_space<vmem>>, vector<16xi32>,
      %ge3A_2739 = arith.constant 96 : i32
      %ge3A_2740 = vector.broadcast %ge3A_2739 : i32 to vector<16xi32>
      %ge3A_2741 = arith.cmpi sge, %get3A_2730, %ge3A_2740 : vector<16xi32>
      tpu.vector_store_idx %arg6[%sub3A_2736, %add3A_2727], %broadcast_in_dim3A_290 masked %ge3A_2741 : memref<104x512xf32, #tpu.memory_space<vmem>>[vector<16xi32>, vector<16xi32>], vector<16xf32>, vector<16xi1>
      %add3A_2742 = arith.constant 272 : i32
      %add3A_2743 = vector.broadcast %add3A_2742 : i32 to vector<16xi32>
      %add3A_2744 = arith.addi %iota3A, %add3A_2743 : vector<16xi32>
      %get3A_2745 = arith.index_cast %scan3A_1666 : i32 to index
      %get3A_2746 = arith.constant 272 : index
      %get3A_2747 = tpu.vector_load %arg4[%get3A_2745, %get3A_2746] {strides = array<i32>} : memref<26x512xi32, #tpu.memory_space<vmem>>, vector<16xi32>,
      %max3A_2748 = arith.constant 96 : i32
      %max3A_2749 = vector.broadcast %max3A_2748 : i32 to vector<16xi32>
      %max3A_2750 = arith.maxsi %get3A_2747, %max3A_2749 : vector<16xi32>
      %sub3A_2751 = arith.constant 96 : i32
      %sub3A_2752 = vector.broadcast %sub3A_2751 : i32 to vector<16xi32>
      %sub3A_2753 = arith.subi %max3A_2750, %sub3A_2752 : vector<16xi32>
      %swap3A_2754 = arith.constant 272 : index
      %swap3A_2755 = tpu.vector_load %arg8[%swap3A_2754] {strides = array<i32>} : memref<512xi32, #tpu.memory_space<vmem>>, vector<16xi32>,
      tpu.vector_store %arg8[%swap3A_2754], %sub3A_2753 {strides = array<i32>} : memref<512xi32, #tpu.memory_space<vmem>>, vector<16xi32>,
      %ge3A_2756 = arith.constant 96 : i32
      %ge3A_2757 = vector.broadcast %ge3A_2756 : i32 to vector<16xi32>
      %ge3A_2758 = arith.cmpi sge, %get3A_2747, %ge3A_2757 : vector<16xi32>
      tpu.vector_store_idx %arg6[%sub3A_2753, %add3A_2744], %broadcast_in_dim3A_290 masked %ge3A_2758 : memref<104x512xf32, #tpu.memory_space<vmem>>[vector<16xi32>, vector<16xi32>], vector<16xf32>, vector<16xi1>
      %add3A_2759 = arith.constant 288 : i32
      %add3A_2760 = vector.broadcast %add3A_2759 : i32 to vector<16xi32>
      %add3A_2761 = arith.addi %iota3A, %add3A_2760 : vector<16xi32>
      %get3A_2762 = arith.index_cast %scan3A_1666 : i32 to index
      %get3A_2763 = arith.constant 288 : index
      %get3A_2764 = tpu.vector_load %arg4[%get3A_2762, %get3A_2763] {strides = array<i32>} : memref<26x512xi32, #tpu.memory_space<vmem>>, vector<16xi32>,
      %max3A_2765 = arith.constant 96 : i32
      %max3A_2766 = vector.broadcast %max3A_2765 : i32 to vector<16xi32>
      %max3A_2767 = arith.maxsi %get3A_2764, %max3A_2766 : vector<16xi32>
      %sub3A_2768 = arith.constant 96 : i32
      %sub3A_2769 = vector.broadcast %sub3A_2768 : i32 to vector<16xi32>
      %sub3A_2770 = arith.subi %max3A_2767, %sub3A_2769 : vector<16xi32>
      %swap3A_2771 = arith.constant 288 : index
      %swap3A_2772 = tpu.vector_load %arg8[%swap3A_2771] {strides = array<i32>} : memref<512xi32, #tpu.memory_space<vmem>>, vector<16xi32>,
      tpu.vector_store %arg8[%swap3A_2771], %sub3A_2770 {strides = array<i32>} : memref<512xi32, #tpu.memory_space<vmem>>, vector<16xi32>,
      %ge3A_2773 = arith.constant 96 : i32
      %ge3A_2774 = vector.broadcast %ge3A_2773 : i32 to vector<16xi32>
      %ge3A_2775 = arith.cmpi sge, %get3A_2764, %ge3A_2774 : vector<16xi32>
      tpu.vector_store_idx %arg6[%sub3A_2770, %add3A_2761], %broadcast_in_dim3A_290 masked %ge3A_2775 : memref<104x512xf32, #tpu.memory_space<vmem>>[vector<16xi32>, vector<16xi32>], vector<16xf32>, vector<16xi1>
      %add3A_2776 = arith.constant 304 : i32
      %add3A_2777 = vector.broadcast %add3A_2776 : i32 to vector<16xi32>
      %add3A_2778 = arith.addi %iota3A, %add3A_2777 : vector<16xi32>
      %get3A_2779 = arith.index_cast %scan3A_1666 : i32 to index
      %get3A_2780 = arith.constant 304 : index
      %get3A_2781 = tpu.vector_load %arg4[%get3A_2779, %get3A_2780] {strides = array<i32>} : memref<26x512xi32, #tpu.memory_space<vmem>>, vector<16xi32>,
      %max3A_2782 = arith.constant 96 : i32
      %max3A_2783 = vector.broadcast %max3A_2782 : i32 to vector<16xi32>
      %max3A_2784 = arith.maxsi %get3A_2781, %max3A_2783 : vector<16xi32>
      %sub3A_2785 = arith.constant 96 : i32
      %sub3A_2786 = vector.broadcast %sub3A_2785 : i32 to vector<16xi32>
      %sub3A_2787 = arith.subi %max3A_2784, %sub3A_2786 : vector<16xi32>
      %swap3A_2788 = arith.constant 304 : index
      %swap3A_2789 = tpu.vector_load %arg8[%swap3A_2788] {strides = array<i32>} : memref<512xi32, #tpu.memory_space<vmem>>, vector<16xi32>,
      tpu.vector_store %arg8[%swap3A_2788], %sub3A_2787 {strides = array<i32>} : memref<512xi32, #tpu.memory_space<vmem>>, vector<16xi32>,
      %ge3A_2790 = arith.constant 96 : i32
      %ge3A_2791 = vector.broadcast %ge3A_2790 : i32 to vector<16xi32>
      %ge3A_2792 = arith.cmpi sge, %get3A_2781, %ge3A_2791 : vector<16xi32>
      tpu.vector_store_idx %arg6[%sub3A_2787, %add3A_2778], %broadcast_in_dim3A_290 masked %ge3A_2792 : memref<104x512xf32, #tpu.memory_space<vmem>>[vector<16xi32>, vector<16xi32>], vector<16xf32>, vector<16xi1>
      %add3A_2793 = arith.constant 320 : i32
      %add3A_2794 = vector.broadcast %add3A_2793 : i32 to vector<16xi32>
      %add3A_2795 = arith.addi %iota3A, %add3A_2794 : vector<16xi32>
      %get3A_2796 = arith.index_cast %scan3A_1666 : i32 to index
      %get3A_2797 = arith.constant 320 : index
      %get3A_2798 = tpu.vector_load %arg4[%get3A_2796, %get3A_2797] {strides = array<i32>} : memref<26x512xi32, #tpu.memory_space<vmem>>, vector<16xi32>,
      %max3A_2799 = arith.constant 96 : i32
      %max3A_2800 = vector.broadcast %max3A_2799 : i32 to vector<16xi32>
      %max3A_2801 = arith.maxsi %get3A_2798, %max3A_2800 : vector<16xi32>
      %sub3A_2802 = arith.constant 96 : i32
      %sub3A_2803 = vector.broadcast %sub3A_2802 : i32 to vector<16xi32>
      %sub3A_2804 = arith.subi %max3A_2801, %sub3A_2803 : vector<16xi32>
      %swap3A_2805 = arith.constant 320 : index
      %swap3A_2806 = tpu.vector_load %arg8[%swap3A_2805] {strides = array<i32>} : memref<512xi32, #tpu.memory_space<vmem>>, vector<16xi32>,
      tpu.vector_store %arg8[%swap3A_2805], %sub3A_2804 {strides = array<i32>} : memref<512xi32, #tpu.memory_space<vmem>>, vector<16xi32>,
      %ge3A_2807 = arith.constant 96 : i32
      %ge3A_2808 = vector.broadcast %ge3A_2807 : i32 to vector<16xi32>
      %ge3A_2809 = arith.cmpi sge, %get3A_2798, %ge3A_2808 : vector<16xi32>
      tpu.vector_store_idx %arg6[%sub3A_2804, %add3A_2795], %broadcast_in_dim3A_290 masked %ge3A_2809 : memref<104x512xf32, #tpu.memory_space<vmem>>[vector<16xi32>, vector<16xi32>], vector<16xf32>, vector<16xi1>
      %add3A_2810 = arith.constant 336 : i32
      %add3A_2811 = vector.broadcast %add3A_2810 : i32 to vector<16xi32>
      %add3A_2812 = arith.addi %iota3A, %add3A_2811 : vector<16xi32>
      %get3A_2813 = arith.index_cast %scan3A_1666 : i32 to index
      %get3A_2814 = arith.constant 336 : index
      %get3A_2815 = tpu.vector_load %arg4[%get3A_2813, %get3A_2814] {strides = array<i32>} : memref<26x512xi32, #tpu.memory_space<vmem>>, vector<16xi32>,
      %max3A_2816 = arith.constant 96 : i32
      %max3A_2817 = vector.broadcast %max3A_2816 : i32 to vector<16xi32>
      %max3A_2818 = arith.maxsi %get3A_2815, %max3A_2817 : vector<16xi32>
      %sub3A_2819 = arith.constant 96 : i32
      %sub3A_2820 = vector.broadcast %sub3A_2819 : i32 to vector<16xi32>
      %sub3A_2821 = arith.subi %max3A_2818, %sub3A_2820 : vector<16xi32>
      %swap3A_2822 = arith.constant 336 : index
      %swap3A_2823 = tpu.vector_load %arg8[%swap3A_2822] {strides = array<i32>} : memref<512xi32, #tpu.memory_space<vmem>>, vector<16xi32>,
      tpu.vector_store %arg8[%swap3A_2822], %sub3A_2821 {strides = array<i32>} : memref<512xi32, #tpu.memory_space<vmem>>, vector<16xi32>,
      %ge3A_2824 = arith.constant 96 : i32
      %ge3A_2825 = vector.broadcast %ge3A_2824 : i32 to vector<16xi32>
      %ge3A_2826 = arith.cmpi sge, %get3A_2815, %ge3A_2825 : vector<16xi32>
      tpu.vector_store_idx %arg6[%sub3A_2821, %add3A_2812], %broadcast_in_dim3A_290 masked %ge3A_2826 : memref<104x512xf32, #tpu.memory_space<vmem>>[vector<16xi32>, vector<16xi32>], vector<16xf32>, vector<16xi1>
      %add3A_2827 = arith.constant 352 : i32
      %add3A_2828 = vector.broadcast %add3A_2827 : i32 to vector<16xi32>
      %add3A_2829 = arith.addi %iota3A, %add3A_2828 : vector<16xi32>
      %get3A_2830 = arith.index_cast %scan3A_1666 : i32 to index
      %get3A_2831 = arith.constant 352 : index
      %get3A_2832 = tpu.vector_load %arg4[%get3A_2830, %get3A_2831] {strides = array<i32>} : memref<26x512xi32, #tpu.memory_space<vmem>>, vector<16xi32>,
      %max3A_2833 = arith.constant 96 : i32
      %max3A_2834 = vector.broadcast %max3A_2833 : i32 to vector<16xi32>
      %max3A_2835 = arith.maxsi %get3A_2832, %max3A_2834 : vector<16xi32>
      %sub3A_2836 = arith.constant 96 : i32
      %sub3A_2837 = vector.broadcast %sub3A_2836 : i32 to vector<16xi32>
      %sub3A_2838 = arith.subi %max3A_2835, %sub3A_2837 : vector<16xi32>
      %swap3A_2839 = arith.constant 352 : index
      %swap3A_2840 = tpu.vector_load %arg8[%swap3A_2839] {strides = array<i32>} : memref<512xi32, #tpu.memory_space<vmem>>, vector<16xi32>,
      tpu.vector_store %arg8[%swap3A_2839], %sub3A_2838 {strides = array<i32>} : memref<512xi32, #tpu.memory_space<vmem>>, vector<16xi32>,
      %ge3A_2841 = arith.constant 96 : i32
      %ge3A_2842 = vector.broadcast %ge3A_2841 : i32 to vector<16xi32>
      %ge3A_2843 = arith.cmpi sge, %get3A_2832, %ge3A_2842 : vector<16xi32>
      tpu.vector_store_idx %arg6[%sub3A_2838, %add3A_2829], %broadcast_in_dim3A_290 masked %ge3A_2843 : memref<104x512xf32, #tpu.memory_space<vmem>>[vector<16xi32>, vector<16xi32>], vector<16xf32>, vector<16xi1>
      %add3A_2844 = arith.constant 368 : i32
      %add3A_2845 = vector.broadcast %add3A_2844 : i32 to vector<16xi32>
      %add3A_2846 = arith.addi %iota3A, %add3A_2845 : vector<16xi32>
      %get3A_2847 = arith.index_cast %scan3A_1666 : i32 to index
      %get3A_2848 = arith.constant 368 : index
      %get3A_2849 = tpu.vector_load %arg4[%get3A_2847, %get3A_2848] {strides = array<i32>} : memref<26x512xi32, #tpu.memory_space<vmem>>, vector<16xi32>,
      %max3A_2850 = arith.constant 96 : i32
      %max3A_2851 = vector.broadcast %max3A_2850 : i32 to vector<16xi32>
      %max3A_2852 = arith.maxsi %get3A_2849, %max3A_2851 : vector<16xi32>
      %sub3A_2853 = arith.constant 96 : i32
      %sub3A_2854 = vector.broadcast %sub3A_2853 : i32 to vector<16xi32>
      %sub3A_2855 = arith.subi %max3A_2852, %sub3A_2854 : vector<16xi32>
      %swap3A_2856 = arith.constant 368 : index
      %swap3A_2857 = tpu.vector_load %arg8[%swap3A_2856] {strides = array<i32>} : memref<512xi32, #tpu.memory_space<vmem>>, vector<16xi32>,
      tpu.vector_store %arg8[%swap3A_2856], %sub3A_2855 {strides = array<i32>} : memref<512xi32, #tpu.memory_space<vmem>>, vector<16xi32>,
      %ge3A_2858 = arith.constant 96 : i32
      %ge3A_2859 = vector.broadcast %ge3A_2858 : i32 to vector<16xi32>
      %ge3A_2860 = arith.cmpi sge, %get3A_2849, %ge3A_2859 : vector<16xi32>
      tpu.vector_store_idx %arg6[%sub3A_2855, %add3A_2846], %broadcast_in_dim3A_290 masked %ge3A_2860 : memref<104x512xf32, #tpu.memory_space<vmem>>[vector<16xi32>, vector<16xi32>], vector<16xf32>, vector<16xi1>
      %add3A_2861 = arith.constant 384 : i32
      %add3A_2862 = vector.broadcast %add3A_2861 : i32 to vector<16xi32>
      %add3A_2863 = arith.addi %iota3A, %add3A_2862 : vector<16xi32>
      %get3A_2864 = arith.index_cast %scan3A_1666 : i32 to index
      %get3A_2865 = arith.constant 384 : index
      %get3A_2866 = tpu.vector_load %arg4[%get3A_2864, %get3A_2865] {strides = array<i32>} : memref<26x512xi32, #tpu.memory_space<vmem>>, vector<16xi32>,
      %max3A_2867 = arith.constant 96 : i32
      %max3A_2868 = vector.broadcast %max3A_2867 : i32 to vector<16xi32>
      %max3A_2869 = arith.maxsi %get3A_2866, %max3A_2868 : vector<16xi32>
      %sub3A_2870 = arith.constant 96 : i32
      %sub3A_2871 = vector.broadcast %sub3A_2870 : i32 to vector<16xi32>
      %sub3A_2872 = arith.subi %max3A_2869, %sub3A_2871 : vector<16xi32>
      %swap3A_2873 = arith.constant 384 : index
      %swap3A_2874 = tpu.vector_load %arg8[%swap3A_2873] {strides = array<i32>} : memref<512xi32, #tpu.memory_space<vmem>>, vector<16xi32>,
      tpu.vector_store %arg8[%swap3A_2873], %sub3A_2872 {strides = array<i32>} : memref<512xi32, #tpu.memory_space<vmem>>, vector<16xi32>,
      %ge3A_2875 = arith.constant 96 : i32
      %ge3A_2876 = vector.broadcast %ge3A_2875 : i32 to vector<16xi32>
      %ge3A_2877 = arith.cmpi sge, %get3A_2866, %ge3A_2876 : vector<16xi32>
      tpu.vector_store_idx %arg6[%sub3A_2872, %add3A_2863], %broadcast_in_dim3A_290 masked %ge3A_2877 : memref<104x512xf32, #tpu.memory_space<vmem>>[vector<16xi32>, vector<16xi32>], vector<16xf32>, vector<16xi1>
      %add3A_2878 = arith.constant 400 : i32
      %add3A_2879 = vector.broadcast %add3A_2878 : i32 to vector<16xi32>
      %add3A_2880 = arith.addi %iota3A, %add3A_2879 : vector<16xi32>
      %get3A_2881 = arith.index_cast %scan3A_1666 : i32 to index
      %get3A_2882 = arith.constant 400 : index
      %get3A_2883 = tpu.vector_load %arg4[%get3A_2881, %get3A_2882] {strides = array<i32>} : memref<26x512xi32, #tpu.memory_space<vmem>>, vector<16xi32>,
      %max3A_2884 = arith.constant 96 : i32
      %max3A_2885 = vector.broadcast %max3A_2884 : i32 to vector<16xi32>
      %max3A_2886 = arith.maxsi %get3A_2883, %max3A_2885 : vector<16xi32>
      %sub3A_2887 = arith.constant 96 : i32
      %sub3A_2888 = vector.broadcast %sub3A_2887 : i32 to vector<16xi32>
      %sub3A_2889 = arith.subi %max3A_2886, %sub3A_2888 : vector<16xi32>
      %swap3A_2890 = arith.constant 400 : index
      %swap3A_2891 = tpu.vector_load %arg8[%swap3A_2890] {strides = array<i32>} : memref<512xi32, #tpu.memory_space<vmem>>, vector<16xi32>,
      tpu.vector_store %arg8[%swap3A_2890], %sub3A_2889 {strides = array<i32>} : memref<512xi32, #tpu.memory_space<vmem>>, vector<16xi32>,
      %ge3A_2892 = arith.constant 96 : i32
      %ge3A_2893 = vector.broadcast %ge3A_2892 : i32 to vector<16xi32>
      %ge3A_2894 = arith.cmpi sge, %get3A_2883, %ge3A_2893 : vector<16xi32>
      tpu.vector_store_idx %arg6[%sub3A_2889, %add3A_2880], %broadcast_in_dim3A_290 masked %ge3A_2894 : memref<104x512xf32, #tpu.memory_space<vmem>>[vector<16xi32>, vector<16xi32>], vector<16xf32>, vector<16xi1>
      %add3A_2895 = arith.constant 416 : i32
      %add3A_2896 = vector.broadcast %add3A_2895 : i32 to vector<16xi32>
      %add3A_2897 = arith.addi %iota3A, %add3A_2896 : vector<16xi32>
      %get3A_2898 = arith.index_cast %scan3A_1666 : i32 to index
      %get3A_2899 = arith.constant 416 : index
      %get3A_2900 = tpu.vector_load %arg4[%get3A_2898, %get3A_2899] {strides = array<i32>} : memref<26x512xi32, #tpu.memory_space<vmem>>, vector<16xi32>,
      %max3A_2901 = arith.constant 96 : i32
      %max3A_2902 = vector.broadcast %max3A_2901 : i32 to vector<16xi32>
      %max3A_2903 = arith.maxsi %get3A_2900, %max3A_2902 : vector<16xi32>
      %sub3A_2904 = arith.constant 96 : i32
      %sub3A_2905 = vector.broadcast %sub3A_2904 : i32 to vector<16xi32>
      %sub3A_2906 = arith.subi %max3A_2903, %sub3A_2905 : vector<16xi32>
      %swap3A_2907 = arith.constant 416 : index
      %swap3A_2908 = tpu.vector_load %arg8[%swap3A_2907] {strides = array<i32>} : memref<512xi32, #tpu.memory_space<vmem>>, vector<16xi32>,
      tpu.vector_store %arg8[%swap3A_2907], %sub3A_2906 {strides = array<i32>} : memref<512xi32, #tpu.memory_space<vmem>>, vector<16xi32>,
      %ge3A_2909 = arith.constant 96 : i32
      %ge3A_2910 = vector.broadcast %ge3A_2909 : i32 to vector<16xi32>
      %ge3A_2911 = arith.cmpi sge, %get3A_2900, %ge3A_2910 : vector<16xi32>
      tpu.vector_store_idx %arg6[%sub3A_2906, %add3A_2897], %broadcast_in_dim3A_290 masked %ge3A_2911 : memref<104x512xf32, #tpu.memory_space<vmem>>[vector<16xi32>, vector<16xi32>], vector<16xf32>, vector<16xi1>
      %add3A_2912 = arith.constant 432 : i32
      %add3A_2913 = vector.broadcast %add3A_2912 : i32 to vector<16xi32>
      %add3A_2914 = arith.addi %iota3A, %add3A_2913 : vector<16xi32>
      %get3A_2915 = arith.index_cast %scan3A_1666 : i32 to index
      %get3A_2916 = arith.constant 432 : index
      %get3A_2917 = tpu.vector_load %arg4[%get3A_2915, %get3A_2916] {strides = array<i32>} : memref<26x512xi32, #tpu.memory_space<vmem>>, vector<16xi32>,
      %max3A_2918 = arith.constant 96 : i32
      %max3A_2919 = vector.broadcast %max3A_2918 : i32 to vector<16xi32>
      %max3A_2920 = arith.maxsi %get3A_2917, %max3A_2919 : vector<16xi32>
      %sub3A_2921 = arith.constant 96 : i32
      %sub3A_2922 = vector.broadcast %sub3A_2921 : i32 to vector<16xi32>
      %sub3A_2923 = arith.subi %max3A_2920, %sub3A_2922 : vector<16xi32>
      %swap3A_2924 = arith.constant 432 : index
      %swap3A_2925 = tpu.vector_load %arg8[%swap3A_2924] {strides = array<i32>} : memref<512xi32, #tpu.memory_space<vmem>>, vector<16xi32>,
      tpu.vector_store %arg8[%swap3A_2924], %sub3A_2923 {strides = array<i32>} : memref<512xi32, #tpu.memory_space<vmem>>, vector<16xi32>,
      %ge3A_2926 = arith.constant 96 : i32
      %ge3A_2927 = vector.broadcast %ge3A_2926 : i32 to vector<16xi32>
      %ge3A_2928 = arith.cmpi sge, %get3A_2917, %ge3A_2927 : vector<16xi32>
      tpu.vector_store_idx %arg6[%sub3A_2923, %add3A_2914], %broadcast_in_dim3A_290 masked %ge3A_2928 : memref<104x512xf32, #tpu.memory_space<vmem>>[vector<16xi32>, vector<16xi32>], vector<16xf32>, vector<16xi1>
      %add3A_2929 = arith.constant 448 : i32
      %add3A_2930 = vector.broadcast %add3A_2929 : i32 to vector<16xi32>
      %add3A_2931 = arith.addi %iota3A, %add3A_2930 : vector<16xi32>
      %get3A_2932 = arith.index_cast %scan3A_1666 : i32 to index
      %get3A_2933 = arith.constant 448 : index
      %get3A_2934 = tpu.vector_load %arg4[%get3A_2932, %get3A_2933] {strides = array<i32>} : memref<26x512xi32, #tpu.memory_space<vmem>>, vector<16xi32>,
      %max3A_2935 = arith.constant 96 : i32
      %max3A_2936 = vector.broadcast %max3A_2935 : i32 to vector<16xi32>
      %max3A_2937 = arith.maxsi %get3A_2934, %max3A_2936 : vector<16xi32>
      %sub3A_2938 = arith.constant 96 : i32
      %sub3A_2939 = vector.broadcast %sub3A_2938 : i32 to vector<16xi32>
      %sub3A_2940 = arith.subi %max3A_2937, %sub3A_2939 : vector<16xi32>
      %swap3A_2941 = arith.constant 448 : index
      %swap3A_2942 = tpu.vector_load %arg8[%swap3A_2941] {strides = array<i32>} : memref<512xi32, #tpu.memory_space<vmem>>, vector<16xi32>,
      tpu.vector_store %arg8[%swap3A_2941], %sub3A_2940 {strides = array<i32>} : memref<512xi32, #tpu.memory_space<vmem>>, vector<16xi32>,
      %ge3A_2943 = arith.constant 96 : i32
      %ge3A_2944 = vector.broadcast %ge3A_2943 : i32 to vector<16xi32>
      %ge3A_2945 = arith.cmpi sge, %get3A_2934, %ge3A_2944 : vector<16xi32>
      tpu.vector_store_idx %arg6[%sub3A_2940, %add3A_2931], %broadcast_in_dim3A_290 masked %ge3A_2945 : memref<104x512xf32, #tpu.memory_space<vmem>>[vector<16xi32>, vector<16xi32>], vector<16xf32>, vector<16xi1>
      %add3A_2946 = arith.constant 464 : i32
      %add3A_2947 = vector.broadcast %add3A_2946 : i32 to vector<16xi32>
      %add3A_2948 = arith.addi %iota3A, %add3A_2947 : vector<16xi32>
      %get3A_2949 = arith.index_cast %scan3A_1666 : i32 to index
      %get3A_2950 = arith.constant 464 : index
      %get3A_2951 = tpu.vector_load %arg4[%get3A_2949, %get3A_2950] {strides = array<i32>} : memref<26x512xi32, #tpu.memory_space<vmem>>, vector<16xi32>,
      %max3A_2952 = arith.constant 96 : i32
      %max3A_2953 = vector.broadcast %max3A_2952 : i32 to vector<16xi32>
      %max3A_2954 = arith.maxsi %get3A_2951, %max3A_2953 : vector<16xi32>
      %sub3A_2955 = arith.constant 96 : i32
      %sub3A_2956 = vector.broadcast %sub3A_2955 : i32 to vector<16xi32>
      %sub3A_2957 = arith.subi %max3A_2954, %sub3A_2956 : vector<16xi32>
      %swap3A_2958 = arith.constant 464 : index
      %swap3A_2959 = tpu.vector_load %arg8[%swap3A_2958] {strides = array<i32>} : memref<512xi32, #tpu.memory_space<vmem>>, vector<16xi32>,
      tpu.vector_store %arg8[%swap3A_2958], %sub3A_2957 {strides = array<i32>} : memref<512xi32, #tpu.memory_space<vmem>>, vector<16xi32>,
      %ge3A_2960 = arith.constant 96 : i32
      %ge3A_2961 = vector.broadcast %ge3A_2960 : i32 to vector<16xi32>
      %ge3A_2962 = arith.cmpi sge, %get3A_2951, %ge3A_2961 : vector<16xi32>
      tpu.vector_store_idx %arg6[%sub3A_2957, %add3A_2948], %broadcast_in_dim3A_290 masked %ge3A_2962 : memref<104x512xf32, #tpu.memory_space<vmem>>[vector<16xi32>, vector<16xi32>], vector<16xf32>, vector<16xi1>
      %add3A_2963 = arith.constant 480 : i32
      %add3A_2964 = vector.broadcast %add3A_2963 : i32 to vector<16xi32>
      %add3A_2965 = arith.addi %iota3A, %add3A_2964 : vector<16xi32>
      %get3A_2966 = arith.index_cast %scan3A_1666 : i32 to index
      %get3A_2967 = arith.constant 480 : index
      %get3A_2968 = tpu.vector_load %arg4[%get3A_2966, %get3A_2967] {strides = array<i32>} : memref<26x512xi32, #tpu.memory_space<vmem>>, vector<16xi32>,
      %max3A_2969 = arith.constant 96 : i32
      %max3A_2970 = vector.broadcast %max3A_2969 : i32 to vector<16xi32>
      %max3A_2971 = arith.maxsi %get3A_2968, %max3A_2970 : vector<16xi32>
      %sub3A_2972 = arith.constant 96 : i32
      %sub3A_2973 = vector.broadcast %sub3A_2972 : i32 to vector<16xi32>
      %sub3A_2974 = arith.subi %max3A_2971, %sub3A_2973 : vector<16xi32>
      %swap3A_2975 = arith.constant 480 : index
      %swap3A_2976 = tpu.vector_load %arg8[%swap3A_2975] {strides = array<i32>} : memref<512xi32, #tpu.memory_space<vmem>>, vector<16xi32>,
      tpu.vector_store %arg8[%swap3A_2975], %sub3A_2974 {strides = array<i32>} : memref<512xi32, #tpu.memory_space<vmem>>, vector<16xi32>,
      %ge3A_2977 = arith.constant 96 : i32
      %ge3A_2978 = vector.broadcast %ge3A_2977 : i32 to vector<16xi32>
      %ge3A_2979 = arith.cmpi sge, %get3A_2968, %ge3A_2978 : vector<16xi32>
      tpu.vector_store_idx %arg6[%sub3A_2974, %add3A_2965], %broadcast_in_dim3A_290 masked %ge3A_2979 : memref<104x512xf32, #tpu.memory_space<vmem>>[vector<16xi32>, vector<16xi32>], vector<16xf32>, vector<16xi1>
      %add3A_2980 = arith.constant 496 : i32
      %add3A_2981 = vector.broadcast %add3A_2980 : i32 to vector<16xi32>
      %add3A_2982 = arith.addi %iota3A, %add3A_2981 : vector<16xi32>
      %get3A_2983 = arith.index_cast %scan3A_1666 : i32 to index
      %get3A_2984 = arith.constant 496 : index
      %get3A_2985 = tpu.vector_load %arg4[%get3A_2983, %get3A_2984] {strides = array<i32>} : memref<26x512xi32, #tpu.memory_space<vmem>>, vector<16xi32>,
      %max3A_2986 = arith.constant 96 : i32
      %max3A_2987 = vector.broadcast %max3A_2986 : i32 to vector<16xi32>
      %max3A_2988 = arith.maxsi %get3A_2985, %max3A_2987 : vector<16xi32>
      %sub3A_2989 = arith.constant 96 : i32
      %sub3A_2990 = vector.broadcast %sub3A_2989 : i32 to vector<16xi32>
      %sub3A_2991 = arith.subi %max3A_2988, %sub3A_2990 : vector<16xi32>
      %swap3A_2992 = arith.constant 496 : index
      %swap3A_2993 = tpu.vector_load %arg8[%swap3A_2992] {strides = array<i32>} : memref<512xi32, #tpu.memory_space<vmem>>, vector<16xi32>,
      tpu.vector_store %arg8[%swap3A_2992], %sub3A_2991 {strides = array<i32>} : memref<512xi32, #tpu.memory_space<vmem>>, vector<16xi32>,
      %ge3A_2994 = arith.constant 96 : i32
      %ge3A_2995 = vector.broadcast %ge3A_2994 : i32 to vector<16xi32>
      %ge3A_2996 = arith.cmpi sge, %get3A_2985, %ge3A_2995 : vector<16xi32>
      tpu.vector_store_idx %arg6[%sub3A_2991, %add3A_2982], %broadcast_in_dim3A_290 masked %ge3A_2996 : memref<104x512xf32, #tpu.memory_space<vmem>>[vector<16xi32>, vector<16xi32>], vector<16xf32>, vector<16xi1>
      %mul3A_2997 = arith.constant 200 : i32
      %mul3A_2998 = arith.muli %scan3A_1666, %mul3A_2997 : i32
      %add3A_2999 = arith.constant 96 : i32
      %add3A_3000 = arith.addi %mul3A_2998, %add3A_2999 : i32
      %dma_start3A_3001 = tpu.memref_slice %arg3[%add3A_3000, %mul3A_2] : memref<5200x16384xf32, #tpu.memory_space<hbm>> -> memref<104x512xf32, #tpu.memory_space<hbm>>
      %dma_start3A_3002 = tpu.memref_slice %arg3[%add3A_3000, %mul3A_2] : memref<5200x16384xf32, #tpu.memory_space<hbm>> -> memref<104x512xf32, #tpu.memory_space<hbm>>
      tpu.enqueue_dma source(%arg6 : memref<104x512xf32, #tpu.memory_space<vmem>>) target(%dma_start3A_3002 : memref<104x512xf32, #tpu.memory_space<hbm>>) target_semaphore(%arg10 : memref<!tpu.dma_semaphore, #tpu.memory_space<semaphore_mem>>)
    }
    %scan3A_1653 = arith.constant 25 : i32
    %mul3A_1654 = arith.constant 25 : i32
    %mul3A_1655 = arith.constant 200 : i32
    %mul3A_1656 = arith.muli %mul3A_1654, %mul3A_1655 : i32
    %dma_wait3A_1657 = tpu.memref_slice %arg3[%mul3A_1656, %mul3A_2] : memref<5200x16384xf32, #tpu.memory_space<hbm>> -> memref<96x512xf32, #tpu.memory_space<hbm>>
    %dma_wait3A_1658 = tpu.memref_slice %arg3[%mul3A_1656, %mul3A_2] : memref<5200x16384xf32, #tpu.memory_space<hbm>> -> memref<96x512xf32, #tpu.memory_space<hbm>>
    tpu.wait_dma2 semaphore(%arg9 : memref<!tpu.dma_semaphore, #tpu.memory_space<semaphore_mem>>) src(%arg5 : memref<96x512xf32, #tpu.memory_space<vmem>>) dst(%dma_wait3A_1658 : memref<96x512xf32, #tpu.memory_space<hbm>>)
    %mul3A_1659 = arith.constant 25 : i32
    %mul3A_1660 = arith.constant 200 : i32
    %mul3A_1661 = arith.muli %mul3A_1659, %mul3A_1660 : i32
    %add3A_1662 = arith.constant 96 : i32
    %add3A_1663 = arith.addi %mul3A_1661, %add3A_1662 : i32
    %dma_wait3A_1664 = tpu.memref_slice %arg3[%add3A_1663, %mul3A_2] : memref<5200x16384xf32, #tpu.memory_space<hbm>> -> memref<104x512xf32, #tpu.memory_space<hbm>>
    %dma_wait3A_1665 = tpu.memref_slice %arg3[%add3A_1663, %mul3A_2] : memref<5200x16384xf32, #tpu.memory_space<hbm>> -> memref<104x512xf32, #tpu.memory_space<hbm>>
    tpu.wait_dma2 semaphore(%arg10 : memref<!tpu.dma_semaphore, #tpu.memory_space<semaphore_mem>>) src(%arg6 : memref<104x512xf32, #tpu.memory_space<vmem>>) dst(%dma_wait3A_1665 : memref<104x512xf32, #tpu.memory_space<hbm>>)
    return
  }
}

</mosaic_0001>

<sc_bundles>
// kernel: kernel.3.cloned.1.call-start
scs
__scs_entry_jumppad:
0x0: {  	(pc) =	sbr.rel $0x88, $3  }
0x1: {  	(tag) =	ssettag $0x0;
	lr =	simm.s32 $0x1  }
0x2: {  	[smem:$0x3FA0] =	sst lr;
	_ =	strace $0xD0000000  }
0x3: {  	_ = 	snop  }
0x4: {  	_ = 	snop  }
0x5: {  	_ = 	snop  }
0x6: {  	_ = 	snop  }
0x7: {  	_ = 	snop  }
__scs_overlays_trampoline_lowered:
0x8: {  	[smem:$0x3FAF] =	sst s0  }
0x9: {  	[smem:$0x3FB0] =	sst s1  }
0xa: {  	[smem:$0x3FB1] =	sst s2  }
0xb: {  	[smem:$0x3FB2] =	sst s3  }
0xc: {  	[smem:$0x3FB3] =	sst s4  }
0xd: {  	[smem:$0x3FB4] =	sst s5  }
0xe: {  	[smem:$0x3FB5] =	sst s6  }
0xf: {  	[smem:$0x3FB6] =	sst s7  }
0x10: {  	[smem:$0x3FB7] =	sst s8  }
0x11: {  	[smem:$0x3FB8] =	sst s9;
	s0 =	simm.s32 @!p0 $0x0  }
0x12: {  	s1 =	sld [smem:$0x3F9E];
	s0 =	simm.s32 @p0 $0x1  }
0x13: {  	[smem:$0x3FB9] =	sst s0;
	s0 =	simm.s32 @!p1 $0x0  }
0x14: {  	s2 =	sld [smem:$0x3F9D];
	s0 =	simm.s32 @p1 $0x1  }
0x15: {  	[smem:$0x3FBA] =	sst s0;
	s0 =	simm.s32 @!p2 $0x0  }
0x16: {  	s3 =	sld [smem:$0x3FDB];
	s0 =	simm.s32 @p2 $0x1  }
0x17: {  	s4 =	simm.s32 $0x1BF5;
	[smem:$0x3FBC] =	sst s0  }
0x18: {  	s0 =	sld [smem:$0x3F9F];
	_ =	swait.ge [sflag:s4], $0x0  }
0x19: {  	s7 =	sld [smem:$0x3FA0]  }
0x1a: {  	s8 =	sadd.s32 $0xFFFFE003, lr  }
0x1b: {  	s9 =	sadd.s32 $0xFFFFFEF7, lr;
	s5 =	simm.s32 $0xFFFFFFFF;
	p2 =	slt.u32 s8, $0xFFFFF086  }
0x1c: {  	p1 =	slt.u32 s9, $0xF7A;
	s5 =	simm.s32 @!p2 $0x0  }
0x1d: {  	s5 =	simm.s32 @p1 $0x1;
	p0 =	seq.s32 s7, s2  }
0x1e: {  	s7 =	smul.u32 @!p0 $0xF7A, s2;
	p2 =	seq.s32 @!p0 s5, $0x0  }
0x1f: {  	s9 =	smul.u32 $0xF7A, s1;
	s8 =	simm.s32 @!p0 $0x1BF5;
	p2 =	por !p2, p0  }
0x20: {  	[sflag:s8] =	ssyncset.s32 @!p0 $0xFFFFF086;
	s6 =	sadd.s32 @!p0 s3, s7;
	s7 =	simm.s32 @!p0 $0x108  }
0x21: {  	s3 =	sadd.s32 s3, s9;
	s6 =	sadd.s32 @!p0 $0x88, s6;
	s7 =	simm.s32 @p2 $0x1082  }
0x22: {  	[simem:s7], [sflag:s8] =	dma.local @!p0 [hbm:s6], $0xF7A  }
0x23: {  	s9 =	sor.u32 $0xD0000000, s2;
	s6 =	simm.s32 $0x108;
	_ =	swait.ge @!p0 [sflag:s8], $0x0  }
0x24: {  	s3 =	sadd.s32 $0x88, s3;
	s6 =	simm.s32 @!p1 $0x1082;
	[sflag:s4] =	ssyncset.s32 $0xFFFFF086  }
0x25: {  	[simem:s6], [sflag:s4] =	dma.local [hbm:s3], $0xF7A  }
0x26: {  	[smem:$0x3FA0] =	sst s1;
	(tag) =	ssettag s2;
	_ =	strace s9  }
0x27: {  	s1 =	sld [smem:$0x3FB0]  }
0x28: {  	s2 =	sld [smem:$0x3FB1]  }
0x29: {  	s4 =	sld [smem:$0x3FB3]  }
0x2a: {  	p0 =	seq.s32 s5, $0x0;
	s5 =	sld [smem:$0x3FB4]  }
0x2b: {  	s6 =	sld [smem:$0x3FB5]  }
0x2c: {  	s7 =	sld [smem:$0x3FB6]  }
0x2d: {  	s3 =	simm.s32 $0x108;
	s8 =	sld [smem:$0x3FB7]  }
0x2e: {  	s3 =	simm.s32 @!p0 $0x1082;
	s9 =	sld [smem:$0x3FB8]  }
0x2f: {  	lr =	sadd.s32 s0, s3;
	s0 =	sld [smem:$0x3FAF]  }
0x30: {  	s3 =	sld [smem:$0x3FB2]  }
0x31: {  	[smem:$0x3FBB] =	sst s10  }
0x32: {  	s10 =	sld [smem:$0x3FB9];
	_ =	sdelay $0x3  }
0x33: {  	p0 =	seq.s32 s10, $0x1;
	s10 =	sld [smem:$0x3FBB];
	_ =	sdelay $0x3  }
0x34: {  	[smem:$0x3FBB] =	sst s10  }
0x35: {  	s10 =	sld [smem:$0x3FBA];
	_ =	sdelay $0x3  }
0x36: {  	p1 =	seq.s32 s10, $0x1;
	s10 =	sld [smem:$0x3FBB];
	_ =	sdelay $0x3  }
0x37: {  	[smem:$0x3FBB] =	sst s10  }
0x38: {  	s10 =	sld [smem:$0x3FBC]  }
0x39: {  	_ = 	snop;
	(pc) =	sbr.ind lr, $3  }
0x3a: {  	_ = 	snop  }
0x3b: {  	_ = 	snop  }
0x3c: {  	p2 =	seq.s32 s10, $0x1;
	s10 =	sld [smem:$0x3FBB]  }
0x3d: {  	_ =	shalt  }
0x3e: {  	_ =	shalt  }
0x3f: {  	_ =	shalt  }
0x40: {  	_ =	shalt  }
0x41: {  	_ =	shalt  }
0x42: {  	_ =	shalt  }
0x43: {  	_ =	shalt  }
0x44: {  	_ =	shalt  }
0x45: {  	_ =	shalt  }
0x46: {  	_ =	shalt  }
0x47: {  	_ =	shalt  }
0x48: {  	_ =	shalt  }
0x49: {  	_ =	shalt  }
0x4a: {  	_ =	shalt  }
0x4b: {  	_ =	shalt  }
0x4c: {  	_ =	shalt  }
0x4d: {  	_ =	shalt  }
0x4e: {  	_ =	shalt  }
0x4f: {  	_ =	shalt  }
0x50: {  	_ =	shalt  }
0x51: {  	_ =	shalt  }
0x52: {  	_ =	shalt  }
0x53: {  	_ =	shalt  }
0x54: {  	_ =	shalt  }
0x55: {  	_ =	shalt  }
0x56: {  	_ =	shalt  }
0x57: {  	_ =	shalt  }
0x58: {  	_ =	shalt  }
0x59: {  	_ =	shalt  }
0x5a: {  	_ =	shalt  }
0x5b: {  	_ =	shalt  }
0x5c: {  	_ =	shalt  }
0x5d: {  	_ =	shalt  }
0x5e: {  	_ =	shalt  }
0x5f: {  	_ =	shalt  }
0x60: {  	_ =	shalt  }
0x61: {  	_ =	shalt  }
0x62: {  	_ =	shalt  }
0x63: {  	_ =	shalt  }
0x64: {  	_ =	shalt  }
0x65: {  	_ =	shalt  }
0x66: {  	_ =	shalt  }
0x67: {  	_ =	shalt  }
0x68: {  	_ =	shalt  }
0x69: {  	_ =	shalt  }
0x6a: {  	_ =	shalt  }
0x6b: {  	_ =	shalt  }
0x6c: {  	_ =	shalt  }
0x6d: {  	_ =	shalt  }
0x6e: {  	_ =	shalt  }
0x6f: {  	_ =	shalt  }
0x70: {  	_ =	shalt  }
0x71: {  	_ =	shalt  }
0x72: {  	_ =	shalt  }
0x73: {  	_ =	shalt  }
0x74: {  	_ =	shalt  }
0x75: {  	_ =	shalt  }
0x76: {  	_ =	shalt  }
0x77: {  	_ =	shalt  }
0x78: {  	_ =	shalt  }
0x79: {  	_ =	shalt  }
0x7a: {  	_ =	shalt  }
0x7b: {  	_ =	shalt  }
0x7c: {  	_ =	shalt  }
0x7d: {  	_ =	shalt  }
0x7e: {  	_ =	shalt  }
0x7f: {  	_ =	shalt  }
0x80: {  	_ =	shalt  }
0x81: {  	_ =	shalt  }
0x82: {  	_ =	shalt  }
0x83: {  	_ =	shalt  }
0x84: {  	_ =	shalt  }
0x85: {  	_ =	shalt  }
0x86: {  	_ =	shalt  }
0x87: {  	_ =	shalt  }
.Lfunc_end0:
.L_simem_size_0:
called_computation_lowered:
.L_overlay_start_0:
0x88: {  	s2 =	sld [smem:$0x3FD9]  }
0x89: {  	s3 =	sld [smem:$0x3FFE];
	_ =	sdelay $0x1  }
0x8a: {  	s1 =	srdreg.scid  }
0x8b: {  	s0 =	sand.u32 $0x1, s1  }
0x8c: {  	s17 =	sshll.u32 s0, $0xA;
	s2 =	sadd.s32 s3, s2  }
0x8d: {  	s2 =	sadd.s32 s2, s17  }
0x8e: {  	[smem:$0x3FC7] =	sst s2  }
0x8f: {  	_ = 	snop  }
0x90: {  	s2 =	sld [smem:$0x3FD0];
	(tm) =	ssettm $0x1  }
0x91: {  	s18 =	sld [smem:$0x3FFB];
	_ =	sdelay $0x3  }
0x92: {  	_ =	strace s18  }
0x93: {  	s3 =	sld [smem:$0x3FFC];
	_ =	sdelay $0x3  }
0x94: {  	_ =	strace s3  }
0x95: {  	s3 =	sld [smem:$0x3FFD];
	_ =	sdelay $0x3  }
0x96: {  	_ =	strace s3  }
0x97: {  	_ =	strace $0x8FFFFFFF  }
0x98: {  	s19 =	sld [smem:$0x3FDB];
	_ =	sdelay $0x1  }
0x99: {  	s4 =	simm.s32 $_scs_section_size  }
0x9a: {  	s5 =	simm.s32 $_size__tile_overlayer_lowered;
	s6 =	simm.s32 $_tile_overlayer_lowered  }
0x9b: {  	s22 =	simm.s32 $0x1BFF;
	s21 =	sshll.u32 s6, $0x1;
	s3 =	sadd.s32 s4, s19  }
0x9c: {  	s7 =	simm.s32 $0x0;
	s20 =	sshll.u32 s5, $0x1;
	s5 =	sadd.s32 s21, s3  }
0x9d: {  	[timem:s7], [sflag:s22] =	dma.local [hbm:s5], s20  }
0x9e: {  	_ =	swait.ge [sflag:s22], s20  }
0x9f: {  	s4 =	ssub.s32 $0x0, s20;
	[sflag:s22] =	ssyncset.done $0x0  }
0xa0: {  	[sflag:s22] =	ssyncadd.s32 s4;
	_ =	sdelay $0x1  }
0xa1: {  	s23 =	simm.s32 $0x1B8B  }
0xa2: {  	_ =	swait.ge [sflag:s23], $0x1  }
0xa3: {  	[sflag:s23] =	ssyncset.done $0x0  }
0xa4: {  	s25 =	simm.s32 $0x1B8E;
	s24 =	sld [smem:$0x3FFE];
	[sflag:s23] =	ssyncadd.s32 $0xFFFFFFFF  }
0xa5: {  	s26 =	simm.s32 $execute0_lowered;
	[smem:$0x3FD2] =	sst s25  }
0xa6: {  	s5 =	sshll.u32 s26, $0x1;
	_ =	strace $0x80000046;
	[dreg:$0x1] =	wrdreg $0xFFFFFFFF  }
0xa7: {  	s28 =	simm.s32 $_size_execute0_lowered;
	s3 =	sadd.s32 s3, s5;
	[dreg:$0x0] =	wrdreg $0x0  }
0xa8: {  	s5 =	sshll.u32 s28, $0x1;
	[dreg:$0x2] =	wrdreg s3  }
0xa9: {  	[dreg:$0x3] =	wrdreg s5  }
0xaa: {  	[dreg:$0x4] =	wrdreg $0xC0  }
0xab: {  	_ =	task [dreg:s7], $0x5FFFF  }
0xac: {  	[dreg:$0x1] =	wrdreg $0xFFFFFFFF  }
0xad: {  	[dreg:$0x0] =	wrdreg $0x60  }
0xae: {  	[dreg:$0x2] =	wrdreg s24  }
0xaf: {  	[dreg:$0x3] =	wrdreg s2  }
0xb0: {  	[dreg:$0x4] =	wrdreg $0x9  }
0xb1: {  	_ =	task.clear_ibuf [dreg:s7], $0x5FFFF;
	_ =	strace $0x90000046  }
0xb2: {  	s29 =	simm.s32 $0x9;
	_ =	strace $0x80000048  }
0xb3: {  	_ =	swait.ge [sflag:s29], $0x1  }
0xb4: {  	[sflag:s29] =	ssyncadd.s32 $0xFFFFFFFF  }
0xb5: {  	_ =	strace $0x90000048  }
0xb6: {  	_ =	sfence  }
0xb7: {  	s30 =	sld [smem:$0x0];
	_ =	sdelay $0x2  }
0xb8: {  	s31 =	sshll.u32 s1, $0xD;
	s1 =	sshrl.u32 s1, $0x2  }
0xb9: {  	s3 =	sand.u32 $0x4000, s31;
	s1 =	sadd.s32 s1, s30  }
0xba: {  	s0 =	sor.u32 s3, s0;
	s1 =	sshll.u32 s1, $0x11  }
0xbb: {  	s0 =	sor.u32 s1, s0  }
0xbc: {  	s0 =	sadd.s32 $0x8F2B, s0  }
0xbd: {  	[sflag:s0] =	ssyncadd.remote.s32 $0x1  }
0xbe: {  	_ =	sfence.sel $0xFFFF  }
0xbf: {  	[dreg:$0x0] =	wrdreg $0xFFFFFFFF;
	(pc) =	sbr.abs _section_cstart, $3  }
0xc0: {  	[dreg:$0x1] =	wrdreg $0xFFFFFFFF  }
0xc1: {  	_ =	task.clear_ibuf [dreg:s7], $0x2FFFF;
	_ =	strace $0x9FFFFFFF  }
0xc2: {  	(tm) =	ssettm $0x7FFFFFFF  }
0xc3: {  	_ =	shalt  }
tec
execute0_lowered:
.L_overlay_start_1:
0x0: {  	(tag) =	ssettag $0x1  }
0x1: {  	s0 =	srdreg.scid  }
0x2: {  	s2 =	stileid.u32;
	s0 =	sand.u32 $0x1, s0  }
0x3: {  	s4 =	sshll.u32 s2, $0xA;
	s5 =	sshll.u32 s0, $0x9  }
0x4: {  	s1 =	rddreg [dreg:$0x0];
	s6 =	sor.u32 s5, s4  }
0x5: {  	s3 =	rddreg [dreg:$0x1];
	s7 =	sshrl.u32 s6, $0x3  }
0x6: {  	s2 =	simm.s32 $0x0;
	s8 =	ssub.s32 $0x2, s0;
	s0 =	sadd.s32 s7, s1  }
0x7: {  	[smem:$0x7FF] =	sst s2;
	s19 =	sadd.s32 $0x400, s0  }
0x8: {  	_ =	strace $0x80000047;
	s20 =	sadd.s32 $0xC00, s0;
	[dreg:$0x3] =	wrdreg s19  }
0x9: {  	s21 =	sadd.s32 $0x1400, s0;
	[dreg:$0x4] =	wrdreg s20  }
0xa: {  	s22 =	sadd.s32 $0x1C00, s0;
	[dreg:$0x5] =	wrdreg s21  }
0xb: {  	s23 =	sadd.s32 $0x2400, s0;
	[dreg:$0x6] =	wrdreg s22  }
0xc: {  	s24 =	sadd.s32 $0x2C00, s0;
	[dreg:$0x7] =	wrdreg s23  }
0xd: {  	s25 =	sadd.s32 $0x3400, s0;
	[dreg:$0x8] =	wrdreg s24  }
0xe: {  	s18 =	sshrl.u32 s8, $0x1;
	s26 =	sadd.s32 $0x3C00, s0;
	[dreg:$0x9] =	wrdreg s25  }
0xf: {  	s7 =	ssub.s32 s8, s18;
	s8 =	sadd.s32 $0x4400, s0;
	[dreg:$0xa] =	wrdreg s26  }
0x10: {  	s9 =	sadd.s32 $0x4C00, s0;
	[dreg:$0xb] =	wrdreg s8  }
0x11: {  	s10 =	sadd.s32 $0x5400, s0;
	[dreg:$0xc] =	wrdreg s9  }
0x12: {  	s11 =	sadd.s32 $0x5C00, s0;
	[dreg:$0xd] =	wrdreg s10  }
0x13: {  	s12 =	sadd.s32 $0x6400, s0;
	[dreg:$0xe] =	wrdreg s11  }
0x14: {  	s13 =	sadd.s32 $0x6C00, s0;
	[dreg:$0xf] =	wrdreg s12  }
0x15: {  	s14 =	sadd.s32 $0x7400, s0;
	[dreg:$0x10] =	wrdreg s13  }
0x16: {  	s15 =	sadd.s32 $0x7C00, s0;
	[dreg:$0x11] =	wrdreg s14  }
0x17: {  	s16 =	sadd.s32 $0x8400, s0;
	[dreg:$0x12] =	wrdreg s15  }
0x18: {  	s18 =	sadd.s32 $0x8C00, s0;
	[dreg:$0x13] =	wrdreg s16  }
0x19: {  	s17 =	sadd.s32 s4, s3;
	s4 =	sadd.s32 $0xC400, s0;
	[dreg:$0x14] =	wrdreg s18  }
0x1a: {  	s1 =	sadd.s32 s5, s17;
	s5 =	sadd.s32 $0xCC00, s0;
	[dreg:$0x1c] =	wrdreg s4  }
0x1b: {  	s17 =	sadd.s32 $0x1C30, s0;
	[dreg:$0x1d] =	wrdreg s5  }
0x1c: {  	s19 =	sadd.s32 $0x9400, s0;
	[smem:$0x7C9] =	sst s17  }
0x1d: {  	s21 =	smax.u32 s7, $0x1;
	[dreg:$0x15] =	wrdreg s19  }
0x1e: {  	s22 =	sadd.s32 $0x9C00, s0;
	[dreg:$0x16] =	wrdreg s21  }
0x1f: {  	s23 =	sadd.s32 $0xA400, s0;
	[dreg:$0x17] =	wrdreg s22  }
0x20: {  	s24 =	sadd.s32 $0xAC00, s0;
	[dreg:$0x18] =	wrdreg s23  }
0x21: {  	s25 =	sadd.s32 $0xB400, s0;
	[dreg:$0x19] =	wrdreg s24  }
0x22: {  	s26 =	sadd.s32 $0xBC00, s0;
	[dreg:$0x1a] =	wrdreg s25  }
0x23: {  	s20 =	sadd.s32 s3, s6;
	s6 =	sadd.s32 $0x410, s0;
	[dreg:$0x1b] =	wrdreg s26  }
0x24: {  	s7 =	sadd.s32 $0x420, s0;
	[dreg:$0x1e] =	wrdreg s6  }
0x25: {  	s8 =	sadd.s32 $0x430, s0;
	[dreg:$0x1f] =	wrdreg s7  }
0x26: {  	s9 =	sadd.s32 $0xC10, s0;
	[smem:$0x7C0] =	sst s8  }
0x27: {  	s10 =	sadd.s32 $0xC20, s0;
	[smem:$0x7C1] =	sst s9  }
0x28: {  	s11 =	sadd.s32 $0xC30, s0;
	[smem:$0x7C2] =	sst s10  }
0x29: {  	s12 =	sadd.s32 $0x1410, s0;
	[smem:$0x7C3] =	sst s11  }
0x2a: {  	s13 =	sadd.s32 $0x1420, s0;
	[smem:$0x7C4] =	sst s12  }
0x2b: {  	s14 =	sadd.s32 $0x1430, s0;
	[smem:$0x7C5] =	sst s13  }
0x2c: {  	s15 =	sadd.s32 $0x1C10, s0;
	[smem:$0x7C6] =	sst s14  }
0x2d: {  	s16 =	sadd.s32 $0x1C20, s0;
	[smem:$0x7C7] =	sst s15  }
0x2e: {  	s18 =	sadd.s32 $0x2410, s0;
	[smem:$0x7C8] =	sst s16  }
0x2f: {  	s4 =	sadd.s32 $0x3430, s0;
	[smem:$0x7CA] =	sst s18  }
0x30: {  	s5 =	sadd.s32 $0x3C10, s0;
	[smem:$0x7D2] =	sst s4  }
0x31: {  	s17 =	sadd.s32 $0x5C10, s0;
	[smem:$0x7D3] =	sst s5  }
0x32: {  	s19 =	sadd.s32 $0x2420, s0;
	[smem:$0x7DF] =	sst s17  }
0x33: {  	s21 =	sadd.s32 $0x2430, s0;
	[smem:$0x7CB] =	sst s19  }
0x34: {  	s22 =	sadd.s32 $0x2C10, s0;
	[smem:$0x7CC] =	sst s21  }
0x35: {  	s23 =	sadd.s32 $0x2C20, s0;
	[smem:$0x7CD] =	sst s22  }
0x36: {  	s24 =	sadd.s32 $0x2C30, s0;
	[smem:$0x7CE] =	sst s23  }
0x37: {  	s25 =	sadd.s32 $0x3410, s0;
	[smem:$0x7CF] =	sst s24  }
0x38: {  	s26 =	sadd.s32 $0x3420, s0;
	[smem:$0x7D0] =	sst s25  }
0x39: {  	s6 =	sadd.s32 $0x3C20, s0;
	[smem:$0x7D1] =	sst s26  }
0x3a: {  	s7 =	sadd.s32 $0x3C30, s0;
	[smem:$0x7D4] =	sst s6  }
0x3b: {  	s8 =	sadd.s32 $0x4410, s0;
	[smem:$0x7D5] =	sst s7  }
0x3c: {  	s9 =	sadd.s32 $0x4420, s0;
	[smem:$0x7D6] =	sst s8  }
0x3d: {  	s10 =	sadd.s32 $0x4430, s0;
	[smem:$0x7D7] =	sst s9  }
0x3e: {  	s11 =	sadd.s32 $0x4C10, s0;
	[smem:$0x7D8] =	sst s10  }
0x3f: {  	s12 =	sadd.s32 $0x4C20, s0;
	[smem:$0x7D9] =	sst s11  }
0x40: {  	s13 =	sadd.s32 $0x4C30, s0;
	[smem:$0x7DA] =	sst s12  }
0x41: {  	s14 =	sadd.s32 $0x5410, s0;
	[smem:$0x7DB] =	sst s13  }
0x42: {  	s15 =	sadd.s32 $0x5420, s0;
	[smem:$0x7DC] =	sst s14  }
0x43: {  	s16 =	sadd.s32 $0x5430, s0;
	[smem:$0x7DD] =	sst s15  }
0x44: {  	s18 =	sadd.s32 $0x5C20, s0;
	[smem:$0x7DE] =	sst s16  }
0x45: {  	s4 =	sadd.s32 $0x7410, s0;
	[smem:$0x7E0] =	sst s18  }
0x46: {  	s5 =	sadd.s32 $0x7420, s0;
	[smem:$0x7E8] =	sst s4  }
0x47: {  	s17 =	sadd.s32 $0x9420, s0;
	[smem:$0x7E9] =	sst s5  }
0x48: {  	s19 =	sadd.s32 $0x5C30, s0;
	[smem:$0x7F5] =	sst s17  }
0x49: {  	s21 =	sadd.s32 $0x6410, s0;
	[smem:$0x7E1] =	sst s19  }
0x4a: {  	s22 =	sadd.s32 $0x6420, s0;
	[smem:$0x7E2] =	sst s21  }
0x4b: {  	s23 =	sadd.s32 $0x6430, s0;
	[smem:$0x7E3] =	sst s22  }
0x4c: {  	s24 =	sadd.s32 $0x6C10, s0;
	[smem:$0x7E4] =	sst s23  }
0x4d: {  	s25 =	sadd.s32 $0x6C20, s0;
	[smem:$0x7E5] =	sst s24  }
0x4e: {  	s26 =	sadd.s32 $0x6C30, s0;
	[smem:$0x7E6] =	sst s25  }
0x4f: {  	s6 =	sadd.s32 $0x7430, s0;
	[smem:$0x7E7] =	sst s26  }
0x50: {  	s7 =	sadd.s32 $0x7C10, s0;
	[smem:$0x7EA] =	sst s6  }
0x51: {  	s8 =	sadd.s32 $0x7C20, s0;
	[smem:$0x7EB] =	sst s7  }
0x52: {  	s9 =	sadd.s32 $0x7C30, s0;
	[smem:$0x7EC] =	sst s8  }
0x53: {  	s10 =	sadd.s32 $0x8410, s0;
	[smem:$0x7ED] =	sst s9  }
0x54: {  	s11 =	sadd.s32 $0x8420, s0;
	[smem:$0x7EE] =	sst s10  }
0x55: {  	s28 =	simm.s32 $0x20000;
	s12 =	sadd.s32 $0x8430, s0;
	[smem:$0x7EF] =	sst s11  }
0x56: {  	s29 =	simm.s32 $0x10000;
	s13 =	sadd.s32 $0x8C10, s0;
	[smem:$0x7F0] =	sst s12  }
0x57: {  	s30 =	simm.s32 $0x1;
	s14 =	sadd.s32 $0x8C20, s0;
	[smem:$0x7F1] =	sst s13  }
0x58: {  	s31 =	simm.s32 $0x2;
	s15 =	sadd.s32 $0x8C30, s0;
	[smem:$0x7F2] =	sst s14  }
0x59: {  	s16 =	sadd.s32 $0x9410, s0;
	s18 =	sadd.s32 $0x9430, s0;
	[smem:$0x7F3] =	sst s15  }
0x5a: {  	v0 =	vlaneseq.u32;
	s17 =	sadd.s32 $0xC430, s0;
	s4 =	sadd.s32 $0x94000, s1;
	[smem:$0x7F4] =	sst s16  }
0x5b: {  	v1 =	vimm.f32 $0.0e+00;
	v2 =	vimm.f32 $1.000000000e+00;
	v3 =	vor.u32 $0x10, v0;
	s1 =	simm.s32 $0x0;
	[smem:$0x7F6] =	sst s18;
	s19 =	sadd.s32 $0x9C10, s0  }
0x5c: {  	v4 =	vor.u32 $0x20, v0;
	v5 =	vor.u32 $0x30, v0;
	v6 =	vor.u32 $0x40, v0;
	s21 =	sadd.s32 $0x9C20, s0;
	s22 =	sadd.s32 $0x9C30, s0;
	s23 =	sadd.s32 $0xA410, s0  }
0x5d: {  	v7 =	vor.u32 $0x50, v0;
	v8 =	vor.u32 $0x60, v0;
	v9 =	vor.u32 $0x70, v0;
	s24 =	sadd.s32 $0xA420, s0;
	s25 =	sadd.s32 $0xA430, s0;
	[smem:$0x7F7] =	sst s19  }
0x5e: {  	v10 =	vor.u32 $0x400, v0;
	v11 =	vor.u32 $0x410, v0;
	v12 =	vor.u32 $0x420, v0;
	s26 =	sadd.s32 $0xAC10, s0;
	s7 =	sadd.s32 $0xAC20, s0;
	[smem:$0x7F8] =	sst s21  }
0x5f: {  	v13 =	vor.u32 $0x430, v0;
	v14 =	vor.u32 $0x440, v0;
	v15 =	vor.u32 $0x450, v0;
	s8 =	sadd.s32 $0xAC30, s0;
	s9 =	sadd.s32 $0xB410, s0;
	[smem:$0x7F9] =	sst s22  }
0x60: {  	v16 =	vor.u32 $0x460, v0;
	v17 =	vor.u32 $0x470, v0;
	v18 =	vor.u32 $0x800, v0;
	s10 =	sadd.s32 $0xB420, s0;
	s11 =	sadd.s32 $0xB430, s0;
	[smem:$0x7FA] =	sst s23  }
0x61: {  	v19 =	vor.u32 $0x810, v0;
	v20 =	vor.u32 $0x820, v0;
	v21 =	vor.u32 $0x830, v0;
	s12 =	sadd.s32 $0xBC10, s0;
	s13 =	sadd.s32 $0xBC20, s0;
	[smem:$0x7FB] =	sst s24  }
0x62: {  	v22 =	vor.u32 $0x840, v0;
	v23 =	vor.u32 $0x850, v0;
	v24 =	vor.u32 $0x860, v0;
	s14 =	sadd.s32 $0xBC30, s0;
	s15 =	sadd.s32 $0xC410, s0;
	[smem:$0x7FC] =	sst s25  }
0x63: {  	v25 =	vor.u32 $0x870, v0;
	v26 =	vor.u32 $0xC00, v0;
	v27 =	vor.u32 $0xC10, v0;
	s16 =	sadd.s32 $0xC420, s0;
	s18 =	sadd.s32 $0xCC10, s0;
	[smem:$0x7FD] =	sst s26  }
0x64: {  	v28 =	vor.u32 $0xC20, v0;
	v29 =	vor.u32 $0xC30, v0;
	v30 =	vor.u32 $0xC40, v0;
	s19 =	sadd.s32 $0xCC20, s0;
	s21 =	sadd.s32 $0xCC30, s0;
	s23 =	sadd.s32 $0x30000, s20  }
0x65: {  	v31 =	vor.u32 $0xC50, v0;
	v32 =	vor.u32 $0xC60, v0;
	v33 =	vor.u32 $0xC70, v0;
	s24 =	simm.s32 $0x1000;
	s25 =	simm.s32 $0x3;
	s26 =	simm.s32 $0x4000  }
.LBB2_1:
0x66: {  	s0 =	rddreg [dreg:$0x3]  }
0x67: {  	s5 =	rddreg [dreg:$0x1e]  }
0x68: {  	[tilespmem:s2], [sflag:$0x3] =	stream.linear.gather [hbm4b:s0+s2], $0x80, $0x38;
	[tilespmem:$0x1D400] =	vst v63  }
0x69: {  	s3 =	simm.s32 $0x400;
	s6 =	rddreg [dreg:$0x1f]  }
0x6a: {  	[tilespmem:s3], [sflag:$0x3] =	stream.linear.gather [hbm4b:s5+s2], $0x80, $0x38;
	[tilespmem:$0x1D400] =	vst v63  }
0x6b: {  	s22 =	simm.s32 $0x800;
	s3 =	sld [smem:$0x7C0]  }
0x6c: {  	[tilespmem:s22], [sflag:$0x3] =	stream.linear.gather [hbm4b:s6+s2], $0x80, $0x38;
	[tilespmem:$0x1D400] =	vst v63  }
0x6d: {  	s5 =	simm.s32 $0xC00;
	s6 =	rddreg [dreg:$0x4]  }
0x6e: {  	[tilespmem:s5], [sflag:$0x3] =	stream.linear.gather [hbm4b:s3+s2], $0x80, $0x38;
	[tilespmem:$0x1D400] =	vst v63  }
0x6f: {  	s22 =	simm.s32 $0x80;
	s3 =	sld [smem:$0x7C1]  }
0x70: {  	[tilespmem:s22], [sflag:$0x3] =	stream.linear.gather [hbm4b:s6+s2], $0x80, $0x38;
	[tilespmem:$0x1D400] =	vst v63  }
0x71: {  	s5 =	simm.s32 $0x480;
	s6 =	sld [smem:$0x7C2]  }
0x72: {  	[tilespmem:s5], [sflag:$0x3] =	stream.linear.gather [hbm4b:s3+s2], $0x80, $0x38;
	[tilespmem:$0x1D400] =	vst v63  }
0x73: {  	s22 =	simm.s32 $0x880;
	s3 =	sld [smem:$0x7C3]  }
0x74: {  	[tilespmem:s22], [sflag:$0x3] =	stream.linear.gather [hbm4b:s6+s2], $0x80, $0x38;
	[tilespmem:$0x1D400] =	vst v63  }
0x75: {  	s5 =	simm.s32 $0xC80;
	s6 =	rddreg [dreg:$0x5]  }
0x76: {  	[tilespmem:s5], [sflag:$0x3] =	stream.linear.gather [hbm4b:s3+s2], $0x80, $0x38;
	[tilespmem:$0x1D400] =	vst v63  }
0x77: {  	s22 =	simm.s32 $0x100;
	s3 =	sld [smem:$0x7C4]  }
0x78: {  	[tilespmem:s22], [sflag:$0x3] =	stream.linear.gather [hbm4b:s6+s2], $0x80, $0x38;
	[tilespmem:$0x1D400] =	vst v63  }
0x79: {  	s5 =	simm.s32 $0x500;
	s6 =	sld [smem:$0x7C5]  }
0x7a: {  	[tilespmem:s5], [sflag:$0x3] =	stream.linear.gather [hbm4b:s3+s2], $0x80, $0x38;
	[tilespmem:$0x1D400] =	vst v63  }
0x7b: {  	s22 =	simm.s32 $0x900;
	s3 =	sld [smem:$0x7C6]  }
0x7c: {  	[tilespmem:s22], [sflag:$0x3] =	stream.linear.gather [hbm4b:s6+s2], $0x80, $0x38;
	[tilespmem:$0x1D400] =	vst v63  }
0x7d: {  	s5 =	simm.s32 $0xD00;
	s6 =	rddreg [dreg:$0x6]  }
0x7e: {  	[tilespmem:s5], [sflag:$0x3] =	stream.linear.gather [hbm4b:s3+s2], $0x80, $0x38;
	[tilespmem:$0x1D400] =	vst v63  }
0x7f: {  	s22 =	simm.s32 $0x180;
	s3 =	sld [smem:$0x7C7]  }
0x80: {  	[tilespmem:s22], [sflag:$0x3] =	stream.linear.gather [hbm4b:s6+s2], $0x80, $0x38;
	[tilespmem:$0x1D400] =	vst v63  }
0x81: {  	s5 =	simm.s32 $0x580;
	s6 =	sld [smem:$0x7C8]  }
0x82: {  	[tilespmem:s5], [sflag:$0x3] =	stream.linear.gather [hbm4b:s3+s2], $0x80, $0x38;
	[tilespmem:$0x1D400] =	vst v63  }
0x83: {  	s22 =	simm.s32 $0x980;
	s3 =	sld [smem:$0x7C9]  }
0x84: {  	[tilespmem:s22], [sflag:$0x3] =	stream.linear.gather [hbm4b:s6+s2], $0x80, $0x38;
	[tilespmem:$0x1D400] =	vst v63  }
0x85: {  	s5 =	simm.s32 $0xD80;
	s6 =	rddreg [dreg:$0x7]  }
0x86: {  	[tilespmem:s5], [sflag:$0x3] =	stream.linear.gather [hbm4b:s3+s2], $0x80, $0x38;
	[tilespmem:$0x1D400] =	vst v63  }
0x87: {  	s22 =	simm.s32 $0x200;
	s3 =	sld [smem:$0x7CA]  }
0x88: {  	[tilespmem:s22], [sflag:$0x3] =	stream.linear.gather [hbm4b:s6+s2], $0x80, $0x38;
	[tilespmem:$0x1D400] =	vst v63  }
0x89: {  	s5 =	simm.s32 $0x600;
	s6 =	sld [smem:$0x7CB]  }
0x8a: {  	[tilespmem:s5], [sflag:$0x3] =	stream.linear.gather [hbm4b:s3+s2], $0x80, $0x38;
	[tilespmem:$0x1D400] =	vst v63  }
0x8b: {  	s22 =	simm.s32 $0xA00;
	s3 =	sld [smem:$0x7CC]  }
0x8c: {  	[tilespmem:s22], [sflag:$0x3] =	stream.linear.gather [hbm4b:s6+s2], $0x80, $0x38;
	[tilespmem:$0x1D400] =	vst v63  }
0x8d: {  	s5 =	simm.s32 $0xE00;
	s6 =	rddreg [dreg:$0x8]  }
0x8e: {  	[tilespmem:s5], [sflag:$0x3] =	stream.linear.gather [hbm4b:s3+s2], $0x80, $0x38;
	[tilespmem:$0x1D400] =	vst v63  }
0x8f: {  	s22 =	simm.s32 $0x280;
	s3 =	sld [smem:$0x7CD]  }
0x90: {  	[tilespmem:s22], [sflag:$0x3] =	stream.linear.gather [hbm4b:s6+s2], $0x80, $0x38;
	[tilespmem:$0x1D400] =	vst v63  }
0x91: {  	s5 =	simm.s32 $0x680;
	s6 =	sld [smem:$0x7CE]  }
0x92: {  	[tilespmem:s5], [sflag:$0x3] =	stream.linear.gather [hbm4b:s3+s2], $0x80, $0x38;
	[tilespmem:$0x1D400] =	vst v63  }
0x93: {  	s22 =	simm.s32 $0xA80;
	s3 =	sld [smem:$0x7CF]  }
0x94: {  	[tilespmem:s22], [sflag:$0x3] =	stream.linear.gather [hbm4b:s6+s2], $0x80, $0x38;
	[tilespmem:$0x1D400] =	vst v63  }
0x95: {  	s5 =	simm.s32 $0xE80;
	s6 =	rddreg [dreg:$0x9]  }
0x96: {  	[tilespmem:s5], [sflag:$0x3] =	stream.linear.gather [hbm4b:s3+s2], $0x80, $0x38;
	[tilespmem:$0x1D400] =	vst v63  }
0x97: {  	s22 =	simm.s32 $0x300;
	s3 =	sld [smem:$0x7D0]  }
0x98: {  	[tilespmem:s22], [sflag:$0x3] =	stream.linear.gather [hbm4b:s6+s2], $0x80, $0x38;
	[tilespmem:$0x1D400] =	vst v63  }
0x99: {  	s5 =	simm.s32 $0x700;
	s6 =	sld [smem:$0x7D1]  }
0x9a: {  	[tilespmem:s5], [sflag:$0x3] =	stream.linear.gather [hbm4b:s3+s2], $0x80, $0x38;
	[tilespmem:$0x1D400] =	vst v63  }
0x9b: {  	s22 =	simm.s32 $0xB00;
	s3 =	sld [smem:$0x7D2]  }
0x9c: {  	[tilespmem:s22], [sflag:$0x3] =	stream.linear.gather [hbm4b:s6+s2], $0x80, $0x38;
	[tilespmem:$0x1D400] =	vst v63  }
0x9d: {  	s5 =	simm.s32 $0xF00;
	s6 =	rddreg [dreg:$0xa]  }
0x9e: {  	[tilespmem:s5], [sflag:$0x3] =	stream.linear.gather [hbm4b:s3+s2], $0x80, $0x38;
	[tilespmem:$0x1D400] =	vst v63  }
0x9f: {  	s22 =	simm.s32 $0x380;
	s3 =	sld [smem:$0x7D3]  }
0xa0: {  	[tilespmem:s22], [sflag:$0x3] =	stream.linear.gather [hbm4b:s6+s2], $0x80, $0x38;
	[tilespmem:$0x1D400] =	vst v63  }
0xa1: {  	s5 =	simm.s32 $0x780;
	s6 =	sld [smem:$0x7D4]  }
0xa2: {  	[tilespmem:s5], [sflag:$0x3] =	stream.linear.gather [hbm4b:s3+s2], $0x80, $0x38;
	[tilespmem:$0x1D400] =	vst v63  }
0xa3: {  	s22 =	simm.s32 $0xB80;
	s5 =	sld [smem:$0x7D5]  }
0xa4: {  	[tilespmem:s22], [sflag:$0x3] =	stream.linear.gather [hbm4b:s6+s2], $0x80, $0x38;
	[tilespmem:$0x1D400] =	vst v63  }
0xa5: {  	s3 =	sld [smem:$0x7D6];
	s6 =	simm.s32 $0xF80  }
0xa6: {  	[tilespmem:s6], [sflag:$0x3] =	stream.linear.gather [hbm4b:s5+s2], $0x80, $0x38;
	[tilespmem:$0x1D400] =	vst v63  }
0xa7: {  	s22 =	rddreg [dreg:$0xb]  }
0xa8: {  	[tilespmem:s24], [sflag:$0x3] =	stream.linear.gather [hbm4b:s22+s2], $0x80, $0x38;
	[tilespmem:$0x1D400] =	vst v63  }
0xa9: {  	s5 =	simm.s32 $0x1400;
	s6 =	sld [smem:$0x7D7]  }
0xaa: {  	[tilespmem:s5], [sflag:$0x3] =	stream.linear.gather [hbm4b:s3+s2], $0x80, $0x38;
	[tilespmem:$0x1D400] =	vst v63  }
0xab: {  	s22 =	simm.s32 $0x1800;
	s3 =	sld [smem:$0x7D8]  }
0xac: {  	[tilespmem:s22], [sflag:$0x3] =	stream.linear.gather [hbm4b:s6+s2], $0x80, $0x38;
	[tilespmem:$0x1D400] =	vst v63  }
0xad: {  	s5 =	simm.s32 $0x1C00;
	s6 =	rddreg [dreg:$0xc]  }
0xae: {  	[tilespmem:s5], [sflag:$0x3] =	stream.linear.gather [hbm4b:s3+s2], $0x80, $0x38;
	[tilespmem:$0x1D400] =	vst v63  }
0xaf: {  	s22 =	simm.s32 $0x1080;
	s3 =	sld [smem:$0x7D9]  }
0xb0: {  	[tilespmem:s22], [sflag:$0x3] =	stream.linear.gather [hbm4b:s6+s2], $0x80, $0x38;
	[tilespmem:$0x1D400] =	vst v63  }
0xb1: {  	s5 =	simm.s32 $0x1480;
	s6 =	sld [smem:$0x7DA]  }
0xb2: {  	[tilespmem:s5], [sflag:$0x3] =	stream.linear.gather [hbm4b:s3+s2], $0x80, $0x38;
	[tilespmem:$0x1D400] =	vst v63  }
0xb3: {  	s22 =	simm.s32 $0x1880;
	s3 =	sld [smem:$0x7DB]  }
0xb4: {  	[tilespmem:s22], [sflag:$0x3] =	stream.linear.gather [hbm4b:s6+s2], $0x80, $0x38;
	[tilespmem:$0x1D400] =	vst v63  }
0xb5: {  	s5 =	simm.s32 $0x1C80;
	s6 =	rddreg [dreg:$0xd]  }
0xb6: {  	[tilespmem:s5], [sflag:$0x3] =	stream.linear.gather [hbm4b:s3+s2], $0x80, $0x38;
	[tilespmem:$0x1D400] =	vst v63  }
0xb7: {  	s22 =	simm.s32 $0x1100;
	s3 =	sld [smem:$0x7DC]  }
0xb8: {  	[tilespmem:s22], [sflag:$0x3] =	stream.linear.gather [hbm4b:s6+s2], $0x80, $0x38;
	[tilespmem:$0x1D400] =	vst v63  }
0xb9: {  	s5 =	simm.s32 $0x1500;
	s6 =	sld [smem:$0x7DD]  }
0xba: {  	[tilespmem:s5], [sflag:$0x3] =	stream.linear.gather [hbm4b:s3+s2], $0x80, $0x38;
	[tilespmem:$0x1D400] =	vst v63  }
0xbb: {  	s22 =	simm.s32 $0x1900;
	s3 =	sld [smem:$0x7DE]  }
0xbc: {  	[tilespmem:s22], [sflag:$0x3] =	stream.linear.gather [hbm4b:s6+s2], $0x80, $0x38;
	[tilespmem:$0x1D400] =	vst v63  }
0xbd: {  	s5 =	simm.s32 $0x1D00;
	s6 =	rddreg [dreg:$0xe]  }
0xbe: {  	[tilespmem:s5], [sflag:$0x3] =	stream.linear.gather [hbm4b:s3+s2], $0x80, $0x38;
	[tilespmem:$0x1D400] =	vst v63  }
0xbf: {  	s22 =	simm.s32 $0x1180;
	s3 =	sld [smem:$0x7DF]  }
0xc0: {  	[tilespmem:s22], [sflag:$0x3] =	stream.linear.gather [hbm4b:s6+s2], $0x80, $0x38;
	[tilespmem:$0x1D400] =	vst v63  }
0xc1: {  	s5 =	simm.s32 $0x1580;
	s6 =	sld [smem:$0x7E0]  }
0xc2: {  	[tilespmem:s5], [sflag:$0x3] =	stream.linear.gather [hbm4b:s3+s2], $0x80, $0x38;
	[tilespmem:$0x1D400] =	vst v63  }
0xc3: {  	s22 =	simm.s32 $0x1980;
	s3 =	sld [smem:$0x7E1]  }
0xc4: {  	[tilespmem:s22], [sflag:$0x3] =	stream.linear.gather [hbm4b:s6+s2], $0x80, $0x38;
	[tilespmem:$0x1D400] =	vst v63  }
0xc5: {  	s5 =	simm.s32 $0x1D80;
	s6 =	rddreg [dreg:$0xf]  }
0xc6: {  	[tilespmem:s5], [sflag:$0x3] =	stream.linear.gather [hbm4b:s3+s2], $0x80, $0x38;
	[tilespmem:$0x1D400] =	vst v63  }
0xc7: {  	s22 =	simm.s32 $0x1200;
	s3 =	sld [smem:$0x7E2]  }
0xc8: {  	[tilespmem:s22], [sflag:$0x3] =	stream.linear.gather [hbm4b:s6+s2], $0x80, $0x38;
	[tilespmem:$0x1D400] =	vst v63  }
0xc9: {  	s5 =	simm.s32 $0x1600;
	s6 =	sld [smem:$0x7E3]  }
0xca: {  	[tilespmem:s5], [sflag:$0x3] =	stream.linear.gather [hbm4b:s3+s2], $0x80, $0x38;
	[tilespmem:$0x1D400] =	vst v63  }
0xcb: {  	s22 =	simm.s32 $0x1A00;
	s3 =	sld [smem:$0x7E4]  }
0xcc: {  	[tilespmem:s22], [sflag:$0x3] =	stream.linear.gather [hbm4b:s6+s2], $0x80, $0x38;
	[tilespmem:$0x1D400] =	vst v63  }
0xcd: {  	s5 =	simm.s32 $0x1E00;
	s6 =	rddreg [dreg:$0x10]  }
0xce: {  	[tilespmem:s5], [sflag:$0x3] =	stream.linear.gather [hbm4b:s3+s2], $0x80, $0x38;
	[tilespmem:$0x1D400] =	vst v63  }
0xcf: {  	s22 =	simm.s32 $0x1280;
	s3 =	sld [smem:$0x7E5]  }
0xd0: {  	[tilespmem:s22], [sflag:$0x3] =	stream.linear.gather [hbm4b:s6+s2], $0x80, $0x38;
	[tilespmem:$0x1D400] =	vst v63  }
0xd1: {  	s5 =	simm.s32 $0x1680;
	s6 =	sld [smem:$0x7E6]  }
0xd2: {  	[tilespmem:s5], [sflag:$0x3] =	stream.linear.gather [hbm4b:s3+s2], $0x80, $0x38;
	[tilespmem:$0x1D400] =	vst v63  }
0xd3: {  	s22 =	simm.s32 $0x1A80;
	s3 =	sld [smem:$0x7E7]  }
0xd4: {  	[tilespmem:s22], [sflag:$0x3] =	stream.linear.gather [hbm4b:s6+s2], $0x80, $0x38;
	[tilespmem:$0x1D400] =	vst v63  }
0xd5: {  	s5 =	simm.s32 $0x1E80;
	s6 =	rddreg [dreg:$0x11]  }
0xd6: {  	[tilespmem:s5], [sflag:$0x3] =	stream.linear.gather [hbm4b:s3+s2], $0x80, $0x38;
	[tilespmem:$0x1D400] =	vst v63  }
0xd7: {  	s22 =	simm.s32 $0x1300;
	s3 =	sld [smem:$0x7E8]  }
0xd8: {  	[tilespmem:s22], [sflag:$0x3] =	stream.linear.gather [hbm4b:s6+s2], $0x80, $0x38;
	[tilespmem:$0x1D400] =	vst v63  }
0xd9: {  	s5 =	simm.s32 $0x1700;
	s6 =	sld [smem:$0x7E9]  }
0xda: {  	[tilespmem:s5], [sflag:$0x3] =	stream.linear.gather [hbm4b:s3+s2], $0x80, $0x38;
	[tilespmem:$0x1D400] =	vst v63  }
0xdb: {  	s22 =	simm.s32 $0x1B00;
	s3 =	sld [smem:$0x7EA]  }
0xdc: {  	[tilespmem:s22], [sflag:$0x3] =	stream.linear.gather [hbm4b:s6+s2], $0x80, $0x38;
	[tilespmem:$0x1D400] =	vst v63  }
0xdd: {  	s5 =	simm.s32 $0x1F00;
	s6 =	rddreg [dreg:$0x12]  }
0xde: {  	[tilespmem:s5], [sflag:$0x3] =	stream.linear.gather [hbm4b:s3+s2], $0x80, $0x38;
	[tilespmem:$0x1D400] =	vst v63  }
0xdf: {  	s22 =	simm.s32 $0x1380;
	s3 =	sld [smem:$0x7EB]  }
0xe0: {  	[tilespmem:s22], [sflag:$0x3] =	stream.linear.gather [hbm4b:s6+s2], $0x80, $0x38;
	[tilespmem:$0x1D400] =	vst v63  }
0xe1: {  	s5 =	simm.s32 $0x1780;
	s6 =	sld [smem:$0x7EC]  }
0xe2: {  	[tilespmem:s5], [sflag:$0x3] =	stream.linear.gather [hbm4b:s3+s2], $0x80, $0x38;
	[tilespmem:$0x1D400] =	vst v63  }
0xe3: {  	s22 =	simm.s32 $0x1B80;
	s3 =	sld [smem:$0x7ED]  }
0xe4: {  	[tilespmem:s22], [sflag:$0x3] =	stream.linear.gather [hbm4b:s6+s2], $0x80, $0x38;
	[tilespmem:$0x1D400] =	vst v63  }
0xe5: {  	s5 =	simm.s32 $0x1F80;
	s6 =	rddreg [dreg:$0x13]  }
0xe6: {  	[tilespmem:s5], [sflag:$0x3] =	stream.linear.gather [hbm4b:s3+s2], $0x80, $0x38;
	[tilespmem:$0x1D400] =	vst v63  }
0xe7: {  	s22 =	simm.s32 $0x2000;
	s3 =	sld [smem:$0x7EE]  }
0xe8: {  	[tilespmem:s22], [sflag:$0x3] =	stream.linear.gather [hbm4b:s6+s2], $0x80, $0x38;
	[tilespmem:$0x1D400] =	vst v63  }
0xe9: {  	s5 =	simm.s32 $0x2400;
	s6 =	sld [smem:$0x7EF]  }
0xea: {  	[tilespmem:s5], [sflag:$0x3] =	stream.linear.gather [hbm4b:s3+s2], $0x80, $0x38;
	[tilespmem:$0x1D400] =	vst v63  }
0xeb: {  	s22 =	simm.s32 $0x2800;
	s3 =	sld [smem:$0x7F0]  }
0xec: {  	[tilespmem:s22], [sflag:$0x3] =	stream.linear.gather [hbm4b:s6+s2], $0x80, $0x38;
	[tilespmem:$0x1D400] =	vst v63  }
0xed: {  	s5 =	simm.s32 $0x2C00;
	s6 =	rddreg [dreg:$0x14]  }
0xee: {  	[tilespmem:s5], [sflag:$0x3] =	stream.linear.gather [hbm4b:s3+s2], $0x80, $0x38;
	[tilespmem:$0x1D400] =	vst v63  }
0xef: {  	s22 =	simm.s32 $0x2080;
	s3 =	sld [smem:$0x7F1]  }
0xf0: {  	[tilespmem:s22], [sflag:$0x3] =	stream.linear.gather [hbm4b:s6+s2], $0x80, $0x38;
	[tilespmem:$0x1D400] =	vst v63  }
0xf1: {  	s5 =	simm.s32 $0x2480;
	s6 =	sld [smem:$0x7F2]  }
0xf2: {  	[tilespmem:s5], [sflag:$0x3] =	stream.linear.gather [hbm4b:s3+s2], $0x80, $0x38;
	[tilespmem:$0x1D400] =	vst v63  }
0xf3: {  	s22 =	simm.s32 $0x2880;
	s3 =	sld [smem:$0x7F3]  }
0xf4: {  	[tilespmem:s22], [sflag:$0x3] =	stream.linear.gather [hbm4b:s6+s2], $0x80, $0x38;
	[tilespmem:$0x1D400] =	vst v63  }
0xf5: {  	s5 =	simm.s32 $0x2C80;
	s6 =	rddreg [dreg:$0x15]  }
0xf6: {  	[tilespmem:s5], [sflag:$0x3] =	stream.linear.gather [hbm4b:s3+s2], $0x80, $0x38;
	[tilespmem:$0x1D400] =	vst v63  }
0xf7: {  	s22 =	simm.s32 $0x2100;
	s3 =	sld [smem:$0x7F4]  }
0xf8: {  	[tilespmem:s22], [sflag:$0x3] =	stream.linear.gather [hbm4b:s6+s2], $0x80, $0x38;
	[tilespmem:$0x1D400] =	vst v63  }
0xf9: {  	s5 =	simm.s32 $0x2500;
	s6 =	sld [smem:$0x7F5]  }
0xfa: {  	[tilespmem:s5], [sflag:$0x3] =	stream.linear.gather [hbm4b:s3+s2], $0x80, $0x38;
	[tilespmem:$0x1D400] =	vst v63  }
0xfb: {  	s22 =	simm.s32 $0x2900;
	s3 =	sld [smem:$0x7F6]  }
0xfc: {  	[tilespmem:s22], [sflag:$0x3] =	stream.linear.gather [hbm4b:s6+s2], $0x80, $0x38;
	[tilespmem:$0x1D400] =	vst v63  }
0xfd: {  	s5 =	simm.s32 $0x2D00;
	s6 =	rddreg [dreg:$0x17]  }
0xfe: {  	[tilespmem:s5], [sflag:$0x3] =	stream.linear.gather [hbm4b:s3+s2], $0x80, $0x38;
	[tilespmem:$0x1D400] =	vst v63  }
0xff: {  	s22 =	simm.s32 $0x2180;
	s3 =	sld [smem:$0x7F7]  }
0x100: {  	[tilespmem:s22], [sflag:$0x3] =	stream.linear.gather [hbm4b:s6+s2], $0x80, $0x38;
	[tilespmem:$0x1D400] =	vst v63  }
0x101: {  	s5 =	simm.s32 $0x2580;
	s6 =	sld [smem:$0x7F8]  }
0x102: {  	[tilespmem:s5], [sflag:$0x3] =	stream.linear.gather [hbm4b:s3+s2], $0x80, $0x38;
	[tilespmem:$0x1D400] =	vst v63  }
0x103: {  	s22 =	simm.s32 $0x2980;
	s3 =	sld [smem:$0x7F9]  }
0x104: {  	[tilespmem:s22], [sflag:$0x3] =	stream.linear.gather [hbm4b:s6+s2], $0x80, $0x38;
	[tilespmem:$0x1D400] =	vst v63  }
0x105: {  	s5 =	simm.s32 $0x2D80;
	s6 =	rddreg [dreg:$0x18]  }
0x106: {  	[tilespmem:s5], [sflag:$0x3] =	stream.linear.gather [hbm4b:s3+s2], $0x80, $0x38;
	[tilespmem:$0x1D400] =	vst v63  }
0x107: {  	s22 =	simm.s32 $0x2200;
	s3 =	sld [smem:$0x7FA]  }
0x108: {  	[tilespmem:s22], [sflag:$0x3] =	stream.linear.gather [hbm4b:s6+s2], $0x80, $0x38;
	[tilespmem:$0x1D400] =	vst v63  }
0x109: {  	s5 =	simm.s32 $0x2600;
	s6 =	sld [smem:$0x7FB]  }
0x10a: {  	[tilespmem:s5], [sflag:$0x3] =	stream.linear.gather [hbm4b:s3+s2], $0x80, $0x38;
	[tilespmem:$0x1D400] =	vst v63  }
0x10b: {  	s22 =	simm.s32 $0x2A00;
	s3 =	sld [smem:$0x7FC]  }
0x10c: {  	[tilespmem:s22], [sflag:$0x3] =	stream.linear.gather [hbm4b:s6+s2], $0x80, $0x38;
	[tilespmem:$0x1D400] =	vst v63  }
0x10d: {  	s5 =	simm.s32 $0x2E00;
	s6 =	rddreg [dreg:$0x19]  }
0x10e: {  	[tilespmem:s5], [sflag:$0x3] =	stream.linear.gather [hbm4b:s3+s2], $0x80, $0x38;
	[tilespmem:$0x1D400] =	vst v63  }
0x10f: {  	s22 =	simm.s32 $0x2280;
	s5 =	sld [smem:$0x7FD]  }
0x110: {  	[tilespmem:s22], [sflag:$0x3] =	stream.linear.gather [hbm4b:s6+s2], $0x80, $0x38;
	[tilespmem:$0x1D400] =	vst v63  }
0x111: {  	s6 =	simm.s32 $0x2680  }
0x112: {  	[tilespmem:s6], [sflag:$0x3] =	stream.linear.gather [hbm4b:s5+s2], $0x80, $0x38;
	[tilespmem:$0x1D400] =	vst v63  }
0x113: {  	s22 =	simm.s32 $0x2A80  }
0x114: {  	[tilespmem:s22], [sflag:$0x3] =	stream.linear.gather [hbm4b:s7+s2], $0x80, $0x38;
	[tilespmem:$0x1D400] =	vst v63  }
0x115: {  	s3 =	simm.s32 $0x2E80  }
0x116: {  	[tilespmem:s3], [sflag:$0x3] =	stream.linear.gather [hbm4b:s8+s2], $0x80, $0x38;
	[tilespmem:$0x1D400] =	vst v63  }
0x117: {  	s5 =	rddreg [dreg:$0x1a];
	s6 =	simm.s32 $0x2300  }
0x118: {  	[tilespmem:s6], [sflag:$0x3] =	stream.linear.gather [hbm4b:s5+s2], $0x80, $0x38;
	[tilespmem:$0x1D400] =	vst v63  }
0x119: {  	s22 =	simm.s32 $0x2700  }
0x11a: {  	[tilespmem:s22], [sflag:$0x3] =	stream.linear.gather [hbm4b:s9+s2], $0x80, $0x38;
	[tilespmem:$0x1D400] =	vst v63  }
0x11b: {  	s3 =	simm.s32 $0x2B00  }
0x11c: {  	[tilespmem:s3], [sflag:$0x3] =	stream.linear.gather [hbm4b:s10+s2], $0x80, $0x38;
	[tilespmem:$0x1D400] =	vst v63  }
0x11d: {  	s5 =	simm.s32 $0x2F00  }
0x11e: {  	[tilespmem:s5], [sflag:$0x3] =	stream.linear.gather [hbm4b:s11+s2], $0x80, $0x38;
	[tilespmem:$0x1D400] =	vst v63  }
0x11f: {  	s6 =	rddreg [dreg:$0x1b];
	s22 =	simm.s32 $0x2380  }
0x120: {  	[tilespmem:s22], [sflag:$0x3] =	stream.linear.gather [hbm4b:s6+s2], $0x80, $0x38;
	[tilespmem:$0x1D400] =	vst v63  }
0x121: {  	s5 =	simm.s32 $0x2780  }
0x122: {  	[tilespmem:s5], [sflag:$0x3] =	stream.linear.gather [hbm4b:s12+s2], $0x80, $0x38;
	[tilespmem:$0x1D400] =	vst v63  }
0x123: {  	s6 =	simm.s32 $0x2B80  }
0x124: {  	[tilespmem:s6], [sflag:$0x3] =	stream.linear.gather [hbm4b:s13+s2], $0x80, $0x38;
	[tilespmem:$0x1D400] =	vst v63  }
0x125: {  	s22 =	simm.s32 $0x2F80  }
0x126: {  	[tilespmem:s22], [sflag:$0x3] =	stream.linear.gather [hbm4b:s14+s2], $0x80, $0x38;
	[tilespmem:$0x1D400] =	vst v63  }
0x127: {  	s3 =	rddreg [dreg:$0x1c];
	s5 =	simm.s32 $0x3000  }
0x128: {  	[tilespmem:s5], [sflag:$0x3] =	stream.linear.gather [hbm4b:s3+s2], $0x80, $0x38;
	[tilespmem:$0x1D400] =	vst v63  }
0x129: {  	s6 =	simm.s32 $0x3400  }
0x12a: {  	[tilespmem:s6], [sflag:$0x3] =	stream.linear.gather [hbm4b:s15+s2], $0x80, $0x38;
	[tilespmem:$0x1D400] =	vst v63  }
0x12b: {  	s22 =	simm.s32 $0x3800  }
0x12c: {  	[tilespmem:s22], [sflag:$0x3] =	stream.linear.gather [hbm4b:s16+s2], $0x80, $0x38;
	[tilespmem:$0x1D400] =	vst v63  }
0x12d: {  	s3 =	simm.s32 $0x3C00  }
0x12e: {  	[tilespmem:s3], [sflag:$0x3] =	stream.linear.gather [hbm4b:s17+s2], $0x80, $0x38;
	[tilespmem:$0x1D400] =	vst v63  }
0x12f: {  	s5 =	rddreg [dreg:$0x1d];
	s6 =	simm.s32 $0x3080  }
0x130: {  	[tilespmem:s6], [sflag:$0x3] =	stream.linear.gather [hbm4b:s5+s2], $0x80, $0x38;
	[tilespmem:$0x1D400] =	vst v63  }
0x131: {  	s22 =	simm.s32 $0x3480  }
0x132: {  	[tilespmem:s22], [sflag:$0x3] =	stream.linear.gather [hbm4b:s18+s2], $0x80, $0x38;
	[tilespmem:$0x1D400] =	vst v63  }
0x133: {  	s3 =	simm.s32 $0x3880;
	s6 =	sand.u32 $0xF000, s2;
	s22 =	sand.u32 $0x380, s2  }
0x134: {  	[tilespmem:s3], [sflag:$0x3] =	stream.linear.gather [hbm4b:s19+s2], $0x80, $0x38;
	[tilespmem:$0x1D400] =	vst v63  }
0x135: {  	s5 =	simm.s32 $0x3C80;
	s0 =	sor.u32 s22, s6  }
0x136: {  	[tilespmem:s5], [sflag:$0x3] =	stream.linear.gather [hbm4b:s21+s2], $0x80, $0x38;
	[tilespmem:$0x1D400] =	vst v63  }
0x137: {  	[tilespmem:s0+$0x4C70] =	vst v1  }
0x138: {  	[tilespmem:s0+$0x4000] =	vst v1  }
0x139: {  	[tilespmem:s0+$0x4010] =	vst v1  }
0x13a: {  	[tilespmem:s0+$0x4020] =	vst v1  }
0x13b: {  	[tilespmem:s0+$0x4030] =	vst v1  }
0x13c: {  	[tilespmem:s0+$0x4040] =	vst v1  }
0x13d: {  	[tilespmem:s0+$0x4050] =	vst v1  }
0x13e: {  	[tilespmem:s0+$0x4060] =	vst v1  }
0x13f: {  	[tilespmem:s0+$0x4070] =	vst v1  }
0x140: {  	[tilespmem:s0+$0x4400] =	vst v1  }
0x141: {  	[tilespmem:s0+$0x4410] =	vst v1  }
0x142: {  	[tilespmem:s0+$0x4420] =	vst v1  }
0x143: {  	[tilespmem:s0+$0x4430] =	vst v1  }
0x144: {  	[tilespmem:s0+$0x4440] =	vst v1  }
0x145: {  	[tilespmem:s0+$0x4450] =	vst v1  }
0x146: {  	[tilespmem:s0+$0x4460] =	vst v1  }
0x147: {  	[tilespmem:s0+$0x4470] =	vst v1  }
0x148: {  	[tilespmem:s0+$0x4800] =	vst v1  }
0x149: {  	[tilespmem:s0+$0x4810] =	vst v1  }
0x14a: {  	[tilespmem:s0+$0x4820] =	vst v1  }
0x14b: {  	[tilespmem:s0+$0x4830] =	vst v1  }
0x14c: {  	[tilespmem:s0+$0x4840] =	vst v1  }
0x14d: {  	[tilespmem:s0+$0x4850] =	vst v1  }
0x14e: {  	[tilespmem:s0+$0x4860] =	vst v1  }
0x14f: {  	[tilespmem:s0+$0x4870] =	vst v1  }
0x150: {  	[tilespmem:s0+$0x4C00] =	vst v1  }
0x151: {  	[tilespmem:s0+$0x4C10] =	vst v1  }
0x152: {  	[tilespmem:s0+$0x4C20] =	vst v1  }
0x153: {  	[tilespmem:s0+$0x4C30] =	vst v1  }
0x154: {  	s3 =	simm.s32 $0x80;
	s5 =	simm.s32 $0x200;
	[tilespmem:s0+$0x4C40] =	vst v1  }
0x155: {  	s6 =	sand.u32 $0x380, s3;
	s22 =	sand.u32 $0xF000, s5;
	s5 =	simm.s32 $0x400;
	[tilespmem:s0+$0x4C50] =	vst v1  }
.LBB2_2:
0x156: {  	p0 =	sne.s32 s5, $0xBE00;
	[tilespmem:s0+$0x4C60] =	vst v1;
	s0 =	sor.u32 s6, s22  }
0x157: {  	[tilespmem:s0+$0x4C70] =	vst v1  }
0x158: {  	[tilespmem:s0+$0x4000] =	vst v1  }
0x159: {  	[tilespmem:s0+$0x4010] =	vst v1  }
0x15a: {  	[tilespmem:s0+$0x4020] =	vst v1  }
0x15b: {  	[tilespmem:s0+$0x4030] =	vst v1  }
0x15c: {  	[tilespmem:s0+$0x4040] =	vst v1  }
0x15d: {  	[tilespmem:s0+$0x4050] =	vst v1  }
0x15e: {  	[tilespmem:s0+$0x4060] =	vst v1  }
0x15f: {  	[tilespmem:s0+$0x4070] =	vst v1  }
0x160: {  	[tilespmem:s0+$0x4400] =	vst v1  }
0x161: {  	[tilespmem:s0+$0x4410] =	vst v1  }
0x162: {  	[tilespmem:s0+$0x4420] =	vst v1  }
0x163: {  	[tilespmem:s0+$0x4430] =	vst v1  }
0x164: {  	[tilespmem:s0+$0x4440] =	vst v1  }
0x165: {  	[tilespmem:s0+$0x4450] =	vst v1  }
0x166: {  	[tilespmem:s0+$0x4460] =	vst v1  }
0x167: {  	[tilespmem:s0+$0x4470] =	vst v1  }
0x168: {  	[tilespmem:s0+$0x4800] =	vst v1  }
0x169: {  	[tilespmem:s0+$0x4810] =	vst v1  }
0x16a: {  	[tilespmem:s0+$0x4820] =	vst v1  }
0x16b: {  	[tilespmem:s0+$0x4830] =	vst v1  }
0x16c: {  	[tilespmem:s0+$0x4840] =	vst v1  }
0x16d: {  	[tilespmem:s0+$0x4850] =	vst v1  }
0x16e: {  	[tilespmem:s0+$0x4860] =	vst v1  }
0x16f: {  	[tilespmem:s0+$0x4870] =	vst v1  }
0x170: {  	[tilespmem:s0+$0x4C00] =	vst v1  }
.Ltmp0:
0x171: {  	[tilespmem:s0+$0x4C10] =	vst v1;
	(pc) =	sbr.rel @p0 .LBB2_2-.Ltmp0, $4  }
0x172: {  	[tilespmem:s0+$0x4C20] =	vst v1  }
0x173: {  	[tilespmem:s0+$0x4C30] =	vst v1  }
0x174: {  	s3 =	sadd.s32 $0x80, s3;
	[tilespmem:s0+$0x4C40] =	vst v1  }
0x175: {  	s22 =	sand.u32 $0xF000, s5;
	s5 =	sadd.s32 $0x200, s5;
	s6 =	sand.u32 $0x380, s3;
	[tilespmem:s0+$0x4C50] =	vst v1  }
0x176: {  	s3 =	sor.u32 s6, s22;
	[tilespmem:s0+$0x4C60] =	vst v1  }
0x177: {  	[tilespmem:s3+$0x4C70] =	vst v1  }
0x178: {  	[tilespmem:s3+$0x4000] =	vst v1  }
0x179: {  	[tilespmem:s3+$0x4010] =	vst v1  }
0x17a: {  	[tilespmem:s3+$0x4020] =	vst v1  }
0x17b: {  	[tilespmem:s3+$0x4030] =	vst v1  }
0x17c: {  	[tilespmem:s3+$0x4040] =	vst v1  }
0x17d: {  	[tilespmem:s3+$0x4050] =	vst v1  }
0x17e: {  	[tilespmem:s3+$0x4060] =	vst v1  }
0x17f: {  	[tilespmem:s3+$0x4070] =	vst v1  }
0x180: {  	[tilespmem:s3+$0x4400] =	vst v1  }
0x181: {  	[tilespmem:s3+$0x4410] =	vst v1  }
0x182: {  	[tilespmem:s3+$0x4420] =	vst v1  }
0x183: {  	[tilespmem:s3+$0x4430] =	vst v1  }
0x184: {  	[tilespmem:s3+$0x4440] =	vst v1  }
0x185: {  	[tilespmem:s3+$0x4450] =	vst v1  }
0x186: {  	[tilespmem:s3+$0x4460] =	vst v1  }
0x187: {  	[tilespmem:s3+$0x4470] =	vst v1  }
0x188: {  	[tilespmem:s3+$0x4800] =	vst v1  }
0x189: {  	[tilespmem:s3+$0x4810] =	vst v1  }
0x18a: {  	[tilespmem:s3+$0x4820] =	vst v1  }
0x18b: {  	[tilespmem:s3+$0x4830] =	vst v1  }
0x18c: {  	[tilespmem:s3+$0x4840] =	vst v1  }
0x18d: {  	[tilespmem:s3+$0x4850] =	vst v1  }
0x18e: {  	[tilespmem:s3+$0x4860] =	vst v1  }
0x18f: {  	[tilespmem:s3+$0x4870] =	vst v1  }
0x190: {  	[tilespmem:s3+$0x4C00] =	vst v1  }
0x191: {  	[tilespmem:s3+$0x4C10] =	vst v1  }
0x192: {  	[tilespmem:s3+$0x4C20] =	vst v1  }
0x193: {  	[tilespmem:s3+$0x4C30] =	vst v1  }
0x194: {  	[tilespmem:s3+$0x4C40] =	vst v1  }
0x195: {  	[tilespmem:s3+$0x4C50] =	vst v1  }
0x196: {  	[tilespmem:s3+$0x4C60] =	vst v1  }
0x197: {  	_ =	swait.ge [sflag:s25], $0x200  }
0x198: {  	[sflag:s25] =	ssyncset.done $0x0  }
0x199: {  	[sflag:s25] =	ssyncadd.s32 $0xFFFFFE00  }
0x19a: {  	_ =	swait.ge [sflag:s25], $0x200  }
0x19b: {  	[sflag:s25] =	ssyncset.done $0x0  }
0x19c: {  	[sflag:s25] =	ssyncadd.s32 $0xFFFFFE00  }
0x19d: {  	_ =	swait.ge [sflag:s25], $0x200  }
0x19e: {  	[sflag:s25] =	ssyncset.done $0x0  }
0x19f: {  	[sflag:s25] =	ssyncadd.s32 $0xFFFFFE00  }
0x1a0: {  	_ =	swait.ge [sflag:s25], $0x200  }
0x1a1: {  	[sflag:s25] =	ssyncset.done $0x0  }
0x1a2: {  	[sflag:s25] =	ssyncadd.s32 $0xFFFFFE00  }
0x1a3: {  	_ =	swait.ge [sflag:s25], $0x200  }
0x1a4: {  	[sflag:s25] =	ssyncset.done $0x0  }
0x1a5: {  	[sflag:s25] =	ssyncadd.s32 $0xFFFFFE00  }
0x1a6: {  	_ =	swait.ge [sflag:s25], $0x200  }
0x1a7: {  	[sflag:s25] =	ssyncset.done $0x0  }
0x1a8: {  	[sflag:s25] =	ssyncadd.s32 $0xFFFFFE00  }
0x1a9: {  	_ =	swait.ge [sflag:s25], $0x200  }
0x1aa: {  	[sflag:s25] =	ssyncset.done $0x0  }
0x1ab: {  	[sflag:s25] =	ssyncadd.s32 $0xFFFFFE00  }
0x1ac: {  	_ =	swait.ge [sflag:s25], $0x200  }
0x1ad: {  	[sflag:s25] =	ssyncset.done $0x0  }
0x1ae: {  	[sflag:s25] =	ssyncadd.s32 $0xFFFFFE00  }
0x1af: {  	_ =	swait.ge [sflag:s25], $0x200  }
0x1b0: {  	[sflag:s25] =	ssyncset.done $0x0  }
0x1b1: {  	[sflag:s25] =	ssyncadd.s32 $0xFFFFFE00  }
0x1b2: {  	_ =	swait.ge [sflag:s25], $0x200  }
0x1b3: {  	[sflag:s25] =	ssyncset.done $0x0  }
0x1b4: {  	[sflag:s25] =	ssyncadd.s32 $0xFFFFFE00  }
0x1b5: {  	_ =	swait.ge [sflag:s25], $0x200  }
0x1b6: {  	[sflag:s25] =	ssyncset.done $0x0  }
0x1b7: {  	[sflag:s25] =	ssyncadd.s32 $0xFFFFFE00  }
0x1b8: {  	_ =	swait.ge [sflag:s25], $0x200  }
0x1b9: {  	[sflag:s25] =	ssyncset.done $0x0  }
0x1ba: {  	[sflag:s25] =	ssyncadd.s32 $0xFFFFFE00  }
0x1bb: {  	_ =	swait.ge [sflag:s25], $0x200  }
0x1bc: {  	[sflag:s25] =	ssyncset.done $0x0  }
0x1bd: {  	[sflag:s25] =	ssyncadd.s32 $0xFFFFFE00  }
0x1be: {  	_ =	swait.ge [sflag:s25], $0x200  }
0x1bf: {  	[sflag:s25] =	ssyncset.done $0x0  }
0x1c0: {  	[sflag:s25] =	ssyncadd.s32 $0xFFFFFE00  }
0x1c1: {  	_ =	swait.ge [sflag:s25], $0x200  }
0x1c2: {  	[sflag:s25] =	ssyncset.done $0x0  }
0x1c3: {  	[sflag:s25] =	ssyncadd.s32 $0xFFFFFE00  }
0x1c4: {  	_ =	swait.ge [sflag:s25], $0x200  }
0x1c5: {  	[sflag:s25] =	ssyncset.done $0x0  }
0x1c6: {  	[sflag:s25] =	ssyncadd.s32 $0xFFFFFE00  }
0x1c7: {  	_ =	swait.ge [sflag:s25], $0x200  }
0x1c8: {  	[sflag:s25] =	ssyncset.done $0x0  }
0x1c9: {  	[sflag:s25] =	ssyncadd.s32 $0xFFFFFE00  }
0x1ca: {  	_ =	swait.ge [sflag:s25], $0x200  }
0x1cb: {  	[sflag:s25] =	ssyncset.done $0x0  }
0x1cc: {  	[sflag:s25] =	ssyncadd.s32 $0xFFFFFE00  }
0x1cd: {  	_ =	swait.ge [sflag:s25], $0x200  }
0x1ce: {  	[sflag:s25] =	ssyncset.done $0x0  }
0x1cf: {  	[sflag:s25] =	ssyncadd.s32 $0xFFFFFE00  }
0x1d0: {  	_ =	swait.ge [sflag:s25], $0x200  }
0x1d1: {  	[sflag:s25] =	ssyncset.done $0x0  }
0x1d2: {  	[sflag:s25] =	ssyncadd.s32 $0xFFFFFE00  }
0x1d3: {  	_ =	swait.ge [sflag:s25], $0x200  }
0x1d4: {  	[sflag:s25] =	ssyncset.done $0x0  }
0x1d5: {  	[sflag:s25] =	ssyncadd.s32 $0xFFFFFE00  }
0x1d6: {  	_ =	swait.ge [sflag:s25], $0x200  }
0x1d7: {  	[sflag:s25] =	ssyncset.done $0x0  }
0x1d8: {  	[sflag:s25] =	ssyncadd.s32 $0xFFFFFE00  }
0x1d9: {  	_ =	swait.ge [sflag:s25], $0x200  }
0x1da: {  	[sflag:s25] =	ssyncset.done $0x0  }
0x1db: {  	[sflag:s25] =	ssyncadd.s32 $0xFFFFFE00  }
0x1dc: {  	_ =	swait.ge [sflag:s25], $0x200  }
0x1dd: {  	[sflag:s25] =	ssyncset.done $0x0  }
0x1de: {  	[sflag:s25] =	ssyncadd.s32 $0xFFFFFE00  }
0x1df: {  	_ =	swait.ge [sflag:s25], $0x200  }
0x1e0: {  	[sflag:s25] =	ssyncset.done $0x0  }
0x1e1: {  	[sflag:s25] =	ssyncadd.s32 $0xFFFFFE00  }
0x1e2: {  	_ =	swait.ge [sflag:s25], $0x200  }
0x1e3: {  	[sflag:s25] =	ssyncset.done $0x0  }
0x1e4: {  	[sflag:s25] =	ssyncadd.s32 $0xFFFFFE00  }
0x1e5: {  	v34 =	vld [tilespmem:$0x0];
	_ =	sdelay $0x4  }
0x1e6: {  	vm0 =	vlt.s32 v34, $0x5F  }
0x1e7: {  	v35 =	vnsel vm0, $0x5F, v34  }
0x1e8: {  	v36 =	vshll.u32 v35, $0x9;
	v37 =	vshll.u32 v35, $0x7  }
0x1e9: {  	v36 =	vand.u32 $0xFFFFF000, v36;
	v37 =	vand.u32 $0x380, v37  }
0x1ea: {  	vm13 =	vlt.s32 v34, $0x60;
	v60 =	vor.u32 v36, v37  }
0x1eb: {  	v34 =	vor.u32 v0, v60;
	_ =	sdelay $0x3  }
0x1ec: {  	[tilespmem:$0x1D000] =	vst v35  }
0x1ed: {  	[tilespmem:v34+s26+$0x0] =	vst.idx.msk vm13, v2  }
0x1ee: {  	v34 =	vld [tilespmem:$0x10];
	_ =	sdelay $0x4  }
0x1ef: {  	vm14 =	vlt.s32 v34, $0x5F  }
0x1f0: {  	v61 =	vnsel vm14, $0x5F, v34  }
0x1f1: {  	v62 =	vshll.u32 v61, $0x9;
	v63 =	vshll.u32 v61, $0x7  }
0x1f2: {  	v36 =	vand.u32 $0xFFFFF000, v62;
	v37 =	vand.u32 $0x380, v63  }
0x1f3: {  	vm15 =	vlt.s32 v34, $0x60;
	v40 =	vor.u32 v36, v37  }
0x1f4: {  	v34 =	vor.u32 v3, v40;
	_ =	sdelay $0x3  }
0x1f5: {  	[tilespmem:$0x1D010] =	vst v61  }
0x1f6: {  	[tilespmem:v34+s26+$0x0] =	vst.idx.msk vm15, v2  }
0x1f7: {  	v34 =	vld [tilespmem:$0x20];
	_ =	sdelay $0x4  }
0x1f8: {  	vm4 =	vlt.s32 v34, $0x5F  }
0x1f9: {  	v41 =	vnsel vm4, $0x5F, v34  }
0x1fa: {  	v42 =	vshll.u32 v41, $0x9;
	v43 =	vshll.u32 v41, $0x7  }
0x1fb: {  	v36 =	vand.u32 $0xFFFFF000, v42;
	v37 =	vand.u32 $0x380, v43  }
0x1fc: {  	vm5 =	vlt.s32 v34, $0x60;
	v44 =	vor.u32 v36, v37  }
0x1fd: {  	v34 =	vor.u32 v4, v44;
	_ =	sdelay $0x3  }
0x1fe: {  	[tilespmem:$0x1D020] =	vst v41  }
0x1ff: {  	[tilespmem:v34+s26+$0x0] =	vst.idx.msk vm5, v2  }
0x200: {  	v34 =	vld [tilespmem:$0x30];
	_ =	sdelay $0x4  }
0x201: {  	vm6 =	vlt.s32 v34, $0x5F  }
0x202: {  	v45 =	vnsel vm6, $0x5F, v34  }
0x203: {  	v46 =	vshll.u32 v45, $0x9;
	v47 =	vshll.u32 v45, $0x7  }
0x204: {  	v36 =	vand.u32 $0xFFFFF000, v46;
	v37 =	vand.u32 $0x380, v47  }
0x205: {  	vm7 =	vlt.s32 v34, $0x60;
	v48 =	vor.u32 v36, v37  }
0x206: {  	v34 =	vor.u32 v5, v48;
	_ =	sdelay $0x3  }
0x207: {  	[tilespmem:$0x1D030] =	vst v45  }
0x208: {  	[tilespmem:v34+s26+$0x0] =	vst.idx.msk vm7, v2  }
0x209: {  	v34 =	vld [tilespmem:$0x40];
	_ =	sdelay $0x4  }
0x20a: {  	vm8 =	vlt.s32 v34, $0x5F  }
0x20b: {  	v49 =	vnsel vm8, $0x5F, v34  }
0x20c: {  	v50 =	vshll.u32 v49, $0x9;
	v51 =	vshll.u32 v49, $0x7  }
0x20d: {  	v36 =	vand.u32 $0xFFFFF000, v50;
	v37 =	vand.u32 $0x380, v51  }
0x20e: {  	vm9 =	vlt.s32 v34, $0x60;
	v52 =	vor.u32 v36, v37  }
0x20f: {  	v34 =	vor.u32 v6, v52;
	_ =	sdelay $0x3  }
0x210: {  	[tilespmem:$0x1D040] =	vst v49  }
0x211: {  	[tilespmem:v34+s26+$0x0] =	vst.idx.msk vm9, v2  }
0x212: {  	v34 =	vld [tilespmem:$0x50];
	_ =	sdelay $0x4  }
0x213: {  	vm10 =	vlt.s32 v34, $0x5F  }
0x214: {  	v53 =	vnsel vm10, $0x5F, v34  }
0x215: {  	v54 =	vshll.u32 v53, $0x9;
	v55 =	vshll.u32 v53, $0x7  }
0x216: {  	v36 =	vand.u32 $0xFFFFF000, v54;
	v37 =	vand.u32 $0x380, v55  }
0x217: {  	vm11 =	vlt.s32 v34, $0x60;
	v56 =	vor.u32 v36, v37  }
0x218: {  	v34 =	vor.u32 v7, v56;
	_ =	sdelay $0x3  }
0x219: {  	[tilespmem:$0x1D050] =	vst v53  }
0x21a: {  	[tilespmem:v34+s26+$0x0] =	vst.idx.msk vm11, v2  }
0x21b: {  	v34 =	vld [tilespmem:$0x60];
	_ =	sdelay $0x4  }
0x21c: {  	vm12 =	vlt.s32 v34, $0x5F  }
0x21d: {  	v57 =	vnsel vm12, $0x5F, v34  }
0x21e: {  	v58 =	vshll.u32 v57, $0x9;
	v59 =	vshll.u32 v57, $0x7  }
0x21f: {  	v36 =	vand.u32 $0xFFFFF000, v58;
	v37 =	vand.u32 $0x380, v59  }
0x220: {  	vm13 =	vlt.s32 v34, $0x60;
	v60 =	vor.u32 v36, v37  }
0x221: {  	v34 =	vor.u32 v8, v60;
	_ =	sdelay $0x3  }
0x222: {  	[tilespmem:$0x1D060] =	vst v57  }
0x223: {  	[tilespmem:v34+s26+$0x0] =	vst.idx.msk vm13, v2  }
0x224: {  	v34 =	vld [tilespmem:$0x70];
	_ =	sdelay $0x4  }
0x225: {  	vm14 =	vlt.s32 v34, $0x5F  }
0x226: {  	v61 =	vnsel vm14, $0x5F, v34  }
0x227: {  	v62 =	vshll.u32 v61, $0x9;
	v63 =	vshll.u32 v61, $0x7  }
0x228: {  	v36 =	vand.u32 $0xFFFFF000, v62;
	v37 =	vand.u32 $0x380, v63  }
0x229: {  	vm15 =	vlt.s32 v34, $0x60;
	v40 =	vor.u32 v36, v37  }
0x22a: {  	v34 =	vor.u32 v9, v40;
	_ =	sdelay $0x3  }
0x22b: {  	[tilespmem:$0x1D070] =	vst v61  }
0x22c: {  	[tilespmem:v34+s26+$0x0] =	vst.idx.msk vm15, v2  }
0x22d: {  	v34 =	vld [tilespmem:$0x400];
	_ =	sdelay $0x4  }
0x22e: {  	vm4 =	vlt.s32 v34, $0x5F  }
0x22f: {  	v41 =	vnsel vm4, $0x5F, v34  }
0x230: {  	v42 =	vshll.u32 v41, $0x9;
	v43 =	vshll.u32 v41, $0x7  }
0x231: {  	v36 =	vand.u32 $0xFFFFF000, v42;
	v37 =	vand.u32 $0x380, v43  }
0x232: {  	vm5 =	vlt.s32 v34, $0x60;
	v44 =	vor.u32 v37, v36  }
0x233: {  	v34 =	vor.u32 v10, v44;
	_ =	sdelay $0x3  }
0x234: {  	[tilespmem:$0x1D080] =	vst v41  }
0x235: {  	[tilespmem:v34+s26+$0x0] =	vst.idx.msk vm5, v2  }
0x236: {  	v34 =	vld [tilespmem:$0x410];
	_ =	sdelay $0x4  }
0x237: {  	vm6 =	vlt.s32 v34, $0x5F  }
0x238: {  	v45 =	vnsel vm6, $0x5F, v34  }
0x239: {  	v46 =	vshll.u32 v45, $0x9;
	v47 =	vshll.u32 v45, $0x7  }
0x23a: {  	v36 =	vand.u32 $0xFFFFF000, v46;
	v37 =	vand.u32 $0x380, v47  }
0x23b: {  	vm7 =	vlt.s32 v34, $0x60;
	v48 =	vor.u32 v37, v36  }
0x23c: {  	v34 =	vor.u32 v11, v48;
	_ =	sdelay $0x3  }
0x23d: {  	[tilespmem:$0x1D090] =	vst v45  }
0x23e: {  	[tilespmem:v34+s26+$0x0] =	vst.idx.msk vm7, v2  }
0x23f: {  	v34 =	vld [tilespmem:$0x420];
	_ =	sdelay $0x4  }
0x240: {  	vm8 =	vlt.s32 v34, $0x5F  }
0x241: {  	v49 =	vnsel vm8, $0x5F, v34  }
0x242: {  	v50 =	vshll.u32 v49, $0x9;
	v51 =	vshll.u32 v49, $0x7  }
0x243: {  	v36 =	vand.u32 $0xFFFFF000, v50;
	v37 =	vand.u32 $0x380, v51  }
0x244: {  	vm9 =	vlt.s32 v34, $0x60;
	v52 =	vor.u32 v37, v36  }
0x245: {  	v34 =	vor.u32 v12, v52;
	_ =	sdelay $0x3  }
0x246: {  	[tilespmem:$0x1D0A0] =	vst v49  }
0x247: {  	[tilespmem:v34+s26+$0x0] =	vst.idx.msk vm9, v2  }
0x248: {  	v34 =	vld [tilespmem:$0x430];
	_ =	sdelay $0x4  }
0x249: {  	vm10 =	vlt.s32 v34, $0x5F  }
0x24a: {  	v53 =	vnsel vm10, $0x5F, v34  }
0x24b: {  	v54 =	vshll.u32 v53, $0x9;
	v55 =	vshll.u32 v53, $0x7  }
0x24c: {  	v36 =	vand.u32 $0xFFFFF000, v54;
	v37 =	vand.u32 $0x380, v55  }
0x24d: {  	vm11 =	vlt.s32 v34, $0x60;
	v56 =	vor.u32 v37, v36  }
0x24e: {  	v34 =	vor.u32 v13, v56;
	_ =	sdelay $0x3  }
0x24f: {  	[tilespmem:$0x1D0B0] =	vst v53  }
0x250: {  	[tilespmem:v34+s26+$0x0] =	vst.idx.msk vm11, v2  }
0x251: {  	v34 =	vld [tilespmem:$0x440];
	_ =	sdelay $0x4  }
0x252: {  	vm12 =	vlt.s32 v34, $0x5F  }
0x253: {  	v57 =	vnsel vm12, $0x5F, v34  }
0x254: {  	v58 =	vshll.u32 v57, $0x9;
	v59 =	vshll.u32 v57, $0x7  }
0x255: {  	v36 =	vand.u32 $0xFFFFF000, v58;
	v37 =	vand.u32 $0x380, v59  }
0x256: {  	vm13 =	vlt.s32 v34, $0x60;
	v60 =	vor.u32 v37, v36  }
0x257: {  	v34 =	vor.u32 v14, v60;
	_ =	sdelay $0x3  }
0x258: {  	[tilespmem:$0x1D0C0] =	vst v57  }
0x259: {  	[tilespmem:v34+s26+$0x0] =	vst.idx.msk vm13, v2  }
0x25a: {  	v34 =	vld [tilespmem:$0x450];
	_ =	sdelay $0x4  }
0x25b: {  	vm14 =	vlt.s32 v34, $0x5F  }
0x25c: {  	v61 =	vnsel vm14, $0x5F, v34  }
0x25d: {  	v62 =	vshll.u32 v61, $0x9;
	v63 =	vshll.u32 v61, $0x7  }
0x25e: {  	v36 =	vand.u32 $0xFFFFF000, v62;
	v37 =	vand.u32 $0x380, v63  }
0x25f: {  	vm15 =	vlt.s32 v34, $0x60;
	v40 =	vor.u32 v37, v36  }
0x260: {  	v34 =	vor.u32 v15, v40;
	_ =	sdelay $0x3  }
0x261: {  	[tilespmem:$0x1D0D0] =	vst v61  }
0x262: {  	[tilespmem:v34+s26+$0x0] =	vst.idx.msk vm15, v2  }
0x263: {  	v34 =	vld [tilespmem:$0x460];
	_ =	sdelay $0x4  }
0x264: {  	vm4 =	vlt.s32 v34, $0x5F  }
0x265: {  	v41 =	vnsel vm4, $0x5F, v34  }
0x266: {  	v42 =	vshll.u32 v41, $0x9;
	v43 =	vshll.u32 v41, $0x7  }
0x267: {  	v36 =	vand.u32 $0xFFFFF000, v42;
	v37 =	vand.u32 $0x380, v43  }
0x268: {  	vm5 =	vlt.s32 v34, $0x60;
	v44 =	vor.u32 v37, v36  }
0x269: {  	v34 =	vor.u32 v16, v44;
	_ =	sdelay $0x3  }
0x26a: {  	[tilespmem:$0x1D0E0] =	vst v41  }
0x26b: {  	[tilespmem:v34+s26+$0x0] =	vst.idx.msk vm5, v2  }
0x26c: {  	v34 =	vld [tilespmem:$0x470];
	_ =	sdelay $0x4  }
0x26d: {  	vm6 =	vlt.s32 v34, $0x5F  }
0x26e: {  	v45 =	vnsel vm6, $0x5F, v34  }
0x26f: {  	v46 =	vshll.u32 v45, $0x9;
	v47 =	vshll.u32 v45, $0x7  }
0x270: {  	v36 =	vand.u32 $0xFFFFF000, v46;
	v37 =	vand.u32 $0x380, v47  }
0x271: {  	vm7 =	vlt.s32 v34, $0x60;
	v48 =	vor.u32 v37, v36  }
0x272: {  	v34 =	vor.u32 v17, v48;
	_ =	sdelay $0x3  }
0x273: {  	[tilespmem:$0x1D0F0] =	vst v45  }
0x274: {  	[tilespmem:v34+s26+$0x0] =	vst.idx.msk vm7, v2  }
0x275: {  	v34 =	vld [tilespmem:$0x800];
	_ =	sdelay $0x4  }
0x276: {  	vm8 =	vlt.s32 v34, $0x5F  }
0x277: {  	v49 =	vnsel vm8, $0x5F, v34  }
0x278: {  	v50 =	vshll.u32 v49, $0x9;
	v51 =	vshll.u32 v49, $0x7  }
0x279: {  	v36 =	vand.u32 $0xFFFFF000, v50;
	v37 =	vand.u32 $0x380, v51  }
0x27a: {  	vm9 =	vlt.s32 v34, $0x60;
	v52 =	vor.u32 v37, v36  }
0x27b: {  	v34 =	vor.u32 v18, v52;
	_ =	sdelay $0x3  }
0x27c: {  	[tilespmem:$0x1D100] =	vst v49  }
0x27d: {  	[tilespmem:v34+s26+$0x0] =	vst.idx.msk vm9, v2  }
0x27e: {  	v34 =	vld [tilespmem:$0x810];
	_ =	sdelay $0x4  }
0x27f: {  	vm10 =	vlt.s32 v34, $0x5F  }
0x280: {  	v53 =	vnsel vm10, $0x5F, v34  }
0x281: {  	v54 =	vshll.u32 v53, $0x9;
	v55 =	vshll.u32 v53, $0x7  }
0x282: {  	v36 =	vand.u32 $0xFFFFF000, v54;
	v37 =	vand.u32 $0x380, v55  }
0x283: {  	vm11 =	vlt.s32 v34, $0x60;
	v56 =	vor.u32 v37, v36  }
0x284: {  	v34 =	vor.u32 v19, v56;
	_ =	sdelay $0x3  }
0x285: {  	[tilespmem:$0x1D110] =	vst v53  }
0x286: {  	[tilespmem:v34+s26+$0x0] =	vst.idx.msk vm11, v2  }
0x287: {  	v34 =	vld [tilespmem:$0x820];
	_ =	sdelay $0x4  }
0x288: {  	vm12 =	vlt.s32 v34, $0x5F  }
0x289: {  	v57 =	vnsel vm12, $0x5F, v34  }
0x28a: {  	v58 =	vshll.u32 v57, $0x9;
	v59 =	vshll.u32 v57, $0x7  }
0x28b: {  	v36 =	vand.u32 $0xFFFFF000, v58;
	v37 =	vand.u32 $0x380, v59  }
0x28c: {  	vm13 =	vlt.s32 v34, $0x60;
	v60 =	vor.u32 v37, v36  }
0x28d: {  	v34 =	vor.u32 v20, v60;
	_ =	sdelay $0x3  }
0x28e: {  	[tilespmem:$0x1D120] =	vst v57  }
0x28f: {  	[tilespmem:v34+s26+$0x0] =	vst.idx.msk vm13, v2  }
0x290: {  	v34 =	vld [tilespmem:$0x830];
	_ =	sdelay $0x4  }
0x291: {  	vm14 =	vlt.s32 v34, $0x5F  }
0x292: {  	v61 =	vnsel vm14, $0x5F, v34  }
0x293: {  	v62 =	vshll.u32 v61, $0x9;
	v63 =	vshll.u32 v61, $0x7  }
0x294: {  	v36 =	vand.u32 $0xFFFFF000, v62;
	v37 =	vand.u32 $0x380, v63  }
0x295: {  	vm15 =	vlt.s32 v34, $0x60;
	v40 =	vor.u32 v37, v36  }
0x296: {  	v34 =	vor.u32 v21, v40;
	_ =	sdelay $0x3  }
0x297: {  	[tilespmem:$0x1D130] =	vst v61  }
0x298: {  	[tilespmem:v34+s26+$0x0] =	vst.idx.msk vm15, v2  }
0x299: {  	v34 =	vld [tilespmem:$0x840];
	_ =	sdelay $0x4  }
0x29a: {  	vm4 =	vlt.s32 v34, $0x5F  }
0x29b: {  	v41 =	vnsel vm4, $0x5F, v34  }
0x29c: {  	v42 =	vshll.u32 v41, $0x9;
	v43 =	vshll.u32 v41, $0x7  }
0x29d: {  	v36 =	vand.u32 $0xFFFFF000, v42;
	v37 =	vand.u32 $0x380, v43  }
0x29e: {  	vm5 =	vlt.s32 v34, $0x60;
	v44 =	vor.u32 v37, v36  }
0x29f: {  	v34 =	vor.u32 v22, v44;
	_ =	sdelay $0x3  }
0x2a0: {  	[tilespmem:$0x1D140] =	vst v41  }
0x2a1: {  	[tilespmem:v34+s26+$0x0] =	vst.idx.msk vm5, v2  }
0x2a2: {  	v34 =	vld [tilespmem:$0x850];
	_ =	sdelay $0x4  }
0x2a3: {  	vm6 =	vlt.s32 v34, $0x5F  }
0x2a4: {  	v45 =	vnsel vm6, $0x5F, v34  }
0x2a5: {  	v46 =	vshll.u32 v45, $0x9;
	v47 =	vshll.u32 v45, $0x7  }
0x2a6: {  	v36 =	vand.u32 $0xFFFFF000, v46;
	v37 =	vand.u32 $0x380, v47  }
0x2a7: {  	vm7 =	vlt.s32 v34, $0x60;
	v48 =	vor.u32 v37, v36  }
0x2a8: {  	v34 =	vor.u32 v23, v48;
	_ =	sdelay $0x3  }
0x2a9: {  	[tilespmem:$0x1D150] =	vst v45  }
0x2aa: {  	[tilespmem:v34+s26+$0x0] =	vst.idx.msk vm7, v2  }
0x2ab: {  	v34 =	vld [tilespmem:$0x860];
	_ =	sdelay $0x4  }
0x2ac: {  	vm8 =	vlt.s32 v34, $0x5F  }
0x2ad: {  	v49 =	vnsel vm8, $0x5F, v34  }
0x2ae: {  	v50 =	vshll.u32 v49, $0x9;
	v51 =	vshll.u32 v49, $0x7  }
0x2af: {  	v36 =	vand.u32 $0xFFFFF000, v50;
	v37 =	vand.u32 $0x380, v51  }
0x2b0: {  	vm9 =	vlt.s32 v34, $0x60;
	v52 =	vor.u32 v37, v36  }
0x2b1: {  	v34 =	vor.u32 v24, v52;
	_ =	sdelay $0x3  }
0x2b2: {  	[tilespmem:$0x1D160] =	vst v49  }
0x2b3: {  	[tilespmem:v34+s26+$0x0] =	vst.idx.msk vm9, v2  }
0x2b4: {  	v34 =	vld [tilespmem:$0x870];
	_ =	sdelay $0x4  }
0x2b5: {  	vm10 =	vlt.s32 v34, $0x5F  }
0x2b6: {  	v53 =	vnsel vm10, $0x5F, v34  }
0x2b7: {  	v54 =	vshll.u32 v53, $0x9;
	v55 =	vshll.u32 v53, $0x7  }
0x2b8: {  	v36 =	vand.u32 $0xFFFFF000, v54;
	v37 =	vand.u32 $0x380, v55  }
0x2b9: {  	vm11 =	vlt.s32 v34, $0x60;
	v56 =	vor.u32 v37, v36  }
0x2ba: {  	v34 =	vor.u32 v25, v56;
	_ =	sdelay $0x3  }
0x2bb: {  	[tilespmem:$0x1D170] =	vst v53  }
0x2bc: {  	[tilespmem:v34+s26+$0x0] =	vst.idx.msk vm11, v2  }
0x2bd: {  	v34 =	vld [tilespmem:$0xC00];
	_ =	sdelay $0x4  }
0x2be: {  	vm12 =	vlt.s32 v34, $0x5F  }
0x2bf: {  	v57 =	vnsel vm12, $0x5F, v34  }
0x2c0: {  	v58 =	vshll.u32 v57, $0x9;
	v59 =	vshll.u32 v57, $0x7  }
0x2c1: {  	v36 =	vand.u32 $0xFFFFF000, v58;
	v37 =	vand.u32 $0x380, v59  }
0x2c2: {  	vm13 =	vlt.s32 v34, $0x60;
	v60 =	vor.u32 v37, v36  }
0x2c3: {  	v34 =	vor.u32 v26, v60;
	_ =	sdelay $0x3  }
0x2c4: {  	[tilespmem:$0x1D180] =	vst v57  }
0x2c5: {  	[tilespmem:v34+s26+$0x0] =	vst.idx.msk vm13, v2  }
0x2c6: {  	v34 =	vld [tilespmem:$0xC10];
	_ =	sdelay $0x4  }
0x2c7: {  	vm14 =	vlt.s32 v34, $0x5F  }
0x2c8: {  	v61 =	vnsel vm14, $0x5F, v34  }
0x2c9: {  	v62 =	vshll.u32 v61, $0x9;
	v63 =	vshll.u32 v61, $0x7  }
0x2ca: {  	v36 =	vand.u32 $0xFFFFF000, v62;
	v37 =	vand.u32 $0x380, v63  }
0x2cb: {  	vm15 =	vlt.s32 v34, $0x60;
	v39 =	vor.u32 v37, v36  }
0x2cc: {  	v34 =	vor.u32 v27, v39;
	_ =	sdelay $0x3  }
0x2cd: {  	[tilespmem:$0x1D190] =	vst v61  }
0x2ce: {  	[tilespmem:v34+s26+$0x0] =	vst.idx.msk vm15, v2  }
0x2cf: {  	v34 =	vld [tilespmem:$0xC20];
	_ =	sdelay $0x4  }
0x2d0: {  	vm4 =	vlt.s32 v34, $0x5F  }
0x2d1: {  	v40 =	vnsel vm4, $0x5F, v34  }
0x2d2: {  	v41 =	vshll.u32 v40, $0x9;
	v42 =	vshll.u32 v40, $0x7  }
0x2d3: {  	v36 =	vand.u32 $0xFFFFF000, v41;
	v37 =	vand.u32 $0x380, v42  }
0x2d4: {  	vm5 =	vlt.s32 v34, $0x60;
	v43 =	vor.u32 v37, v36  }
0x2d5: {  	v34 =	vor.u32 v28, v43;
	_ =	sdelay $0x3  }
0x2d6: {  	[tilespmem:$0x1D1A0] =	vst v40  }
0x2d7: {  	[tilespmem:v34+s26+$0x0] =	vst.idx.msk vm5, v2  }
0x2d8: {  	v34 =	vld [tilespmem:$0xC30];
	_ =	sdelay $0x4  }
0x2d9: {  	vm6 =	vlt.s32 v34, $0x5F  }
0x2da: {  	v44 =	vnsel vm6, $0x5F, v34  }
0x2db: {  	v45 =	vshll.u32 v44, $0x9;
	v46 =	vshll.u32 v44, $0x7  }
0x2dc: {  	v36 =	vand.u32 $0xFFFFF000, v45;
	v37 =	vand.u32 $0x380, v46  }
0x2dd: {  	vm7 =	vlt.s32 v34, $0x60;
	v47 =	vor.u32 v37, v36  }
0x2de: {  	v34 =	vor.u32 v29, v47;
	_ =	sdelay $0x3  }
0x2df: {  	[tilespmem:$0x1D1B0] =	vst v44  }
0x2e0: {  	[tilespmem:v34+s26+$0x0] =	vst.idx.msk vm7, v2  }
0x2e1: {  	v34 =	vld [tilespmem:$0xC40];
	_ =	sdelay $0x4  }
0x2e2: {  	vm8 =	vlt.s32 v34, $0x5F  }
0x2e3: {  	v48 =	vnsel vm8, $0x5F, v34  }
0x2e4: {  	v49 =	vshll.u32 v48, $0x9;
	v50 =	vshll.u32 v48, $0x7  }
0x2e5: {  	v36 =	vand.u32 $0xFFFFF000, v49;
	v37 =	vand.u32 $0x380, v50  }
0x2e6: {  	vm9 =	vlt.s32 v34, $0x60;
	v51 =	vor.u32 v37, v36  }
0x2e7: {  	v34 =	vor.u32 v30, v51;
	_ =	sdelay $0x3  }
0x2e8: {  	[tilespmem:$0x1D1C0] =	vst v48  }
0x2e9: {  	[tilespmem:v34+s26+$0x0] =	vst.idx.msk vm9, v2  }
0x2ea: {  	v34 =	vld [tilespmem:$0xC50];
	_ =	sdelay $0x4  }
0x2eb: {  	vm10 =	vlt.s32 v34, $0x5F  }
0x2ec: {  	v52 =	vnsel vm10, $0x5F, v34  }
0x2ed: {  	v53 =	vshll.u32 v52, $0x9;
	v54 =	vshll.u32 v52, $0x7  }
0x2ee: {  	v36 =	vand.u32 $0xFFFFF000, v53;
	v37 =	vand.u32 $0x380, v54  }
0x2ef: {  	vm11 =	vlt.s32 v34, $0x60;
	v55 =	vor.u32 v37, v36  }
0x2f0: {  	v34 =	vor.u32 v31, v55;
	_ =	sdelay $0x3  }
0x2f1: {  	[tilespmem:$0x1D1D0] =	vst v52  }
0x2f2: {  	[tilespmem:v34+s26+$0x0] =	vst.idx.msk vm11, v2  }
0x2f3: {  	v34 =	vld [tilespmem:$0xC60];
	_ =	sdelay $0x4  }
0x2f4: {  	vm12 =	vlt.s32 v34, $0x5F  }
0x2f5: {  	v56 =	vnsel vm12, $0x5F, v34  }
0x2f6: {  	v57 =	vshll.u32 v56, $0x9;
	v58 =	vshll.u32 v56, $0x7  }
0x2f7: {  	v36 =	vand.u32 $0xFFFFF000, v57;
	v37 =	vand.u32 $0x380, v58  }
0x2f8: {  	vm13 =	vlt.s32 v34, $0x60;
	v59 =	vor.u32 v37, v36  }
0x2f9: {  	v34 =	vor.u32 v32, v59;
	_ =	sdelay $0x3  }
0x2fa: {  	[tilespmem:$0x1D1E0] =	vst v56  }
0x2fb: {  	[tilespmem:v34+s26+$0x0] =	vst.idx.msk vm13, v2  }
0x2fc: {  	v34 =	vld [tilespmem:$0xC70];
	_ =	sdelay $0x4  }
0x2fd: {  	vm14 =	vlt.s32 v34, $0x5F  }
0x2fe: {  	v60 =	vnsel vm14, $0x5F, v34  }
0x2ff: {  	v61 =	vshll.u32 v60, $0x9;
	v62 =	vshll.u32 v60, $0x7  }
0x300: {  	v36 =	vand.u32 $0xFFFFF000, v61;
	v37 =	vand.u32 $0x380, v62  }
0x301: {  	vm15 =	vlt.s32 v34, $0x60;
	v63 =	vor.u32 v37, v36  }
0x302: {  	v34 =	vor.u32 v33, v63;
	_ =	sdelay $0x2  }
0x303: {  	s6 =	simm.s32 $0x0  }
0x304: {  	s22 =	sand.u32 $0xF000, s6;
	s0 =	sand.u32 $0x380, s6;
	[tilespmem:$0x1D1F0] =	vst v60  }
0x305: {  	s0 =	sor.u32 s0, s22;
	[tilespmem:v34+s26+$0x0] =	vst.idx.msk vm15, v2  }
0x306: {  	[hbm4b:s20+s24] =	stream.strided.scatter [tilespmem:s26], [sflag:$0x1], $0xC000, s28, s24, $0x38;
	[tilespmem:$0x1D400] =	vst v63  }
0x307: {  	[tilespmem:s0+$0x10C70] =	vst v1  }
0x308: {  	[tilespmem:s0+$0x10000] =	vst v1  }
0x309: {  	[tilespmem:s0+$0x10010] =	vst v1  }
0x30a: {  	[tilespmem:s0+$0x10020] =	vst v1  }
0x30b: {  	[tilespmem:s0+$0x10030] =	vst v1  }
0x30c: {  	[tilespmem:s0+$0x10040] =	vst v1  }
0x30d: {  	[tilespmem:s0+$0x10050] =	vst v1  }
0x30e: {  	[tilespmem:s0+$0x10060] =	vst v1  }
0x30f: {  	[tilespmem:s0+$0x10070] =	vst v1  }
0x310: {  	[tilespmem:s0+$0x10400] =	vst v1  }
0x311: {  	[tilespmem:s0+$0x10410] =	vst v1  }
0x312: {  	[tilespmem:s0+$0x10420] =	vst v1  }
0x313: {  	[tilespmem:s0+$0x10430] =	vst v1  }
0x314: {  	[tilespmem:s0+$0x10440] =	vst v1  }
0x315: {  	[tilespmem:s0+$0x10450] =	vst v1  }
0x316: {  	[tilespmem:s0+$0x10460] =	vst v1  }
0x317: {  	[tilespmem:s0+$0x10470] =	vst v1  }
0x318: {  	[tilespmem:s0+$0x10800] =	vst v1  }
0x319: {  	[tilespmem:s0+$0x10810] =	vst v1  }
0x31a: {  	[tilespmem:s0+$0x10820] =	vst v1  }
0x31b: {  	[tilespmem:s0+$0x10830] =	vst v1  }
0x31c: {  	[tilespmem:s0+$0x10840] =	vst v1  }
0x31d: {  	[tilespmem:s0+$0x10850] =	vst v1  }
0x31e: {  	[tilespmem:s0+$0x10860] =	vst v1  }
0x31f: {  	[tilespmem:s0+$0x10870] =	vst v1  }
0x320: {  	[tilespmem:s0+$0x10C00] =	vst v1  }
0x321: {  	[tilespmem:s0+$0x10C10] =	vst v1  }
0x322: {  	[tilespmem:s0+$0x10C20] =	vst v1  }
0x323: {  	[tilespmem:s0+$0x10C30] =	vst v1  }
0x324: {  	s5 =	simm.s32 $0x200;
	s3 =	simm.s32 $0x80;
	[tilespmem:s0+$0x10C40] =	vst v1  }
0x325: {  	s22 =	sand.u32 $0xF000, s5;
	s6 =	sand.u32 $0x380, s3;
	s5 =	simm.s32 $0x400;
	[tilespmem:s0+$0x10C50] =	vst v1  }
.LBB2_4:
0x326: {  	p0 =	sne.s32 s5, $0xCE00;
	[tilespmem:s0+$0x10C60] =	vst v1;
	s0 =	sor.u32 s6, s22  }
0x327: {  	[tilespmem:s0+$0x10C70] =	vst v1  }
0x328: {  	[tilespmem:s0+$0x10000] =	vst v1  }
0x329: {  	[tilespmem:s0+$0x10010] =	vst v1  }
0x32a: {  	[tilespmem:s0+$0x10020] =	vst v1  }
0x32b: {  	[tilespmem:s0+$0x10030] =	vst v1  }
0x32c: {  	[tilespmem:s0+$0x10040] =	vst v1  }
0x32d: {  	[tilespmem:s0+$0x10050] =	vst v1  }
0x32e: {  	[tilespmem:s0+$0x10060] =	vst v1  }
0x32f: {  	[tilespmem:s0+$0x10070] =	vst v1  }
0x330: {  	[tilespmem:s0+$0x10400] =	vst v1  }
0x331: {  	[tilespmem:s0+$0x10410] =	vst v1  }
0x332: {  	[tilespmem:s0+$0x10420] =	vst v1  }
0x333: {  	[tilespmem:s0+$0x10430] =	vst v1  }
0x334: {  	[tilespmem:s0+$0x10440] =	vst v1  }
0x335: {  	[tilespmem:s0+$0x10450] =	vst v1  }
0x336: {  	[tilespmem:s0+$0x10460] =	vst v1  }
0x337: {  	[tilespmem:s0+$0x10470] =	vst v1  }
0x338: {  	[tilespmem:s0+$0x10800] =	vst v1  }
0x339: {  	[tilespmem:s0+$0x10810] =	vst v1  }
0x33a: {  	[tilespmem:s0+$0x10820] =	vst v1  }
0x33b: {  	[tilespmem:s0+$0x10830] =	vst v1  }
0x33c: {  	[tilespmem:s0+$0x10840] =	vst v1  }
0x33d: {  	[tilespmem:s0+$0x10850] =	vst v1  }
0x33e: {  	[tilespmem:s0+$0x10860] =	vst v1  }
0x33f: {  	[tilespmem:s0+$0x10870] =	vst v1  }
0x340: {  	[tilespmem:s0+$0x10C00] =	vst v1  }
.Ltmp1:
0x341: {  	[tilespmem:s0+$0x10C10] =	vst v1;
	(pc) =	sbr.rel @p0 .LBB2_4-.Ltmp1, $4  }
0x342: {  	[tilespmem:s0+$0x10C20] =	vst v1  }
0x343: {  	[tilespmem:s0+$0x10C30] =	vst v1  }
0x344: {  	s3 =	sadd.s32 $0x80, s3;
	[tilespmem:s0+$0x10C40] =	vst v1  }
0x345: {  	s22 =	sand.u32 $0xF000, s5;
	s5 =	sadd.s32 $0x200, s5;
	s6 =	sand.u32 $0x380, s3;
	[tilespmem:s0+$0x10C50] =	vst v1  }
0x346: {  	s3 =	sor.u32 s6, s22;
	[tilespmem:s0+$0x10C60] =	vst v1  }
0x347: {  	[tilespmem:s3+$0x10C70] =	vst v1  }
0x348: {  	[tilespmem:s3+$0x10000] =	vst v1  }
0x349: {  	[tilespmem:s3+$0x10010] =	vst v1  }
0x34a: {  	[tilespmem:s3+$0x10020] =	vst v1  }
0x34b: {  	[tilespmem:s3+$0x10030] =	vst v1  }
0x34c: {  	[tilespmem:s3+$0x10040] =	vst v1  }
0x34d: {  	[tilespmem:s3+$0x10050] =	vst v1  }
0x34e: {  	[tilespmem:s3+$0x10060] =	vst v1  }
0x34f: {  	[tilespmem:s3+$0x10070] =	vst v1  }
0x350: {  	[tilespmem:s3+$0x10400] =	vst v1  }
0x351: {  	[tilespmem:s3+$0x10410] =	vst v1  }
0x352: {  	[tilespmem:s3+$0x10420] =	vst v1  }
0x353: {  	[tilespmem:s3+$0x10430] =	vst v1  }
0x354: {  	[tilespmem:s3+$0x10440] =	vst v1  }
0x355: {  	[tilespmem:s3+$0x10450] =	vst v1  }
0x356: {  	[tilespmem:s3+$0x10460] =	vst v1  }
0x357: {  	[tilespmem:s3+$0x10470] =	vst v1  }
0x358: {  	[tilespmem:s3+$0x10800] =	vst v1  }
0x359: {  	[tilespmem:s3+$0x10810] =	vst v1  }
0x35a: {  	[tilespmem:s3+$0x10820] =	vst v1  }
0x35b: {  	[tilespmem:s3+$0x10830] =	vst v1  }
0x35c: {  	[tilespmem:s3+$0x10840] =	vst v1  }
0x35d: {  	[tilespmem:s3+$0x10850] =	vst v1  }
0x35e: {  	[tilespmem:s3+$0x10860] =	vst v1  }
0x35f: {  	[tilespmem:s3+$0x10870] =	vst v1  }
0x360: {  	[tilespmem:s3+$0x10C00] =	vst v1  }
0x361: {  	[tilespmem:s3+$0x10C10] =	vst v1  }
0x362: {  	[tilespmem:s3+$0x10C20] =	vst v1  }
0x363: {  	[tilespmem:s3+$0x10C30] =	vst v1  }
0x364: {  	[tilespmem:s3+$0x10C40] =	vst v1  }
0x365: {  	[tilespmem:s3+$0x10C50] =	vst v1  }
0x366: {  	[tilespmem:s3+$0x10C60] =	vst v1  }
0x367: {  	v34 =	vld [tilespmem:$0x0];
	_ =	sdelay $0x4  }
0x368: {  	vm0 =	vgt.s32 v34, $0x60  }
0x369: {  	v35 =	vnsel vm0, $0x60, v34  }
0x36a: {  	v36 =	vadd.s32 $0xFFFFFFA0, v35  }
0x36b: {  	v35 =	vshll.u32 v35, $0x7;
	v37 =	vshll.u32 v36, $0x9  }
0x36c: {  	v35 =	vand.u32 $0x380, v35;
	v37 =	vand.u32 $0xFFFFF000, v37  }
0x36d: {  	vm13 =	vgt.s32 v34, $0x5F;
	v60 =	vor.u32 v37, v35  }
0x36e: {  	v34 =	vor.u32 v0, v60;
	_ =	sdelay $0x3  }
0x36f: {  	[tilespmem:$0x1D200] =	vst v36  }
0x370: {  	[tilespmem:v34+s29+$0x0] =	vst.idx.msk vm13, v2  }
0x371: {  	v34 =	vld [tilespmem:$0x10];
	_ =	sdelay $0x4  }
0x372: {  	vm14 =	vgt.s32 v34, $0x60  }
0x373: {  	v61 =	vnsel vm14, $0x60, v34  }
0x374: {  	v62 =	vadd.s32 $0xFFFFFFA0, v61  }
0x375: {  	v35 =	vshll.u32 v61, $0x7;
	v63 =	vshll.u32 v62, $0x9  }
0x376: {  	v35 =	vand.u32 $0x380, v35;
	v37 =	vand.u32 $0xFFFFF000, v63  }
0x377: {  	vm15 =	vgt.s32 v34, $0x5F;
	v40 =	vor.u32 v37, v35  }
0x378: {  	v34 =	vor.u32 v3, v40;
	_ =	sdelay $0x3  }
0x379: {  	[tilespmem:$0x1D210] =	vst v62  }
0x37a: {  	[tilespmem:v34+s29+$0x0] =	vst.idx.msk vm15, v2  }
0x37b: {  	v34 =	vld [tilespmem:$0x20];
	_ =	sdelay $0x4  }
0x37c: {  	vm4 =	vgt.s32 v34, $0x60  }
0x37d: {  	v41 =	vnsel vm4, $0x60, v34  }
0x37e: {  	v42 =	vadd.s32 $0xFFFFFFA0, v41  }
0x37f: {  	v35 =	vshll.u32 v41, $0x7;
	v43 =	vshll.u32 v42, $0x9  }
0x380: {  	v35 =	vand.u32 $0x380, v35;
	v37 =	vand.u32 $0xFFFFF000, v43  }
0x381: {  	vm5 =	vgt.s32 v34, $0x5F;
	v44 =	vor.u32 v37, v35  }
0x382: {  	v34 =	vor.u32 v4, v44;
	_ =	sdelay $0x3  }
0x383: {  	[tilespmem:$0x1D220] =	vst v42  }
0x384: {  	[tilespmem:v34+s29+$0x0] =	vst.idx.msk vm5, v2  }
0x385: {  	v34 =	vld [tilespmem:$0x30];
	_ =	sdelay $0x4  }
0x386: {  	vm6 =	vgt.s32 v34, $0x60  }
0x387: {  	v45 =	vnsel vm6, $0x60, v34  }
0x388: {  	v46 =	vadd.s32 $0xFFFFFFA0, v45  }
0x389: {  	v35 =	vshll.u32 v45, $0x7;
	v47 =	vshll.u32 v46, $0x9  }
0x38a: {  	v35 =	vand.u32 $0x380, v35;
	v37 =	vand.u32 $0xFFFFF000, v47  }
0x38b: {  	vm7 =	vgt.s32 v34, $0x5F;
	v48 =	vor.u32 v37, v35  }
0x38c: {  	v34 =	vor.u32 v5, v48;
	_ =	sdelay $0x3  }
0x38d: {  	[tilespmem:$0x1D230] =	vst v46  }
0x38e: {  	[tilespmem:v34+s29+$0x0] =	vst.idx.msk vm7, v2  }
0x38f: {  	v34 =	vld [tilespmem:$0x40];
	_ =	sdelay $0x4  }
0x390: {  	vm8 =	vgt.s32 v34, $0x60  }
0x391: {  	v49 =	vnsel vm8, $0x60, v34  }
0x392: {  	v50 =	vadd.s32 $0xFFFFFFA0, v49  }
0x393: {  	v35 =	vshll.u32 v49, $0x7;
	v51 =	vshll.u32 v50, $0x9  }
0x394: {  	v35 =	vand.u32 $0x380, v35;
	v37 =	vand.u32 $0xFFFFF000, v51  }
0x395: {  	vm9 =	vgt.s32 v34, $0x5F;
	v52 =	vor.u32 v37, v35  }
0x396: {  	v34 =	vor.u32 v6, v52;
	_ =	sdelay $0x3  }
0x397: {  	[tilespmem:$0x1D240] =	vst v50  }
0x398: {  	[tilespmem:v34+s29+$0x0] =	vst.idx.msk vm9, v2  }
0x399: {  	v34 =	vld [tilespmem:$0x50];
	_ =	sdelay $0x4  }
0x39a: {  	vm10 =	vgt.s32 v34, $0x60  }
0x39b: {  	v53 =	vnsel vm10, $0x60, v34  }
0x39c: {  	v54 =	vadd.s32 $0xFFFFFFA0, v53  }
0x39d: {  	v35 =	vshll.u32 v53, $0x7;
	v55 =	vshll.u32 v54, $0x9  }
0x39e: {  	v35 =	vand.u32 $0x380, v35;
	v37 =	vand.u32 $0xFFFFF000, v55  }
0x39f: {  	vm11 =	vgt.s32 v34, $0x5F;
	v56 =	vor.u32 v37, v35  }
0x3a0: {  	v34 =	vor.u32 v7, v56;
	_ =	sdelay $0x3  }
0x3a1: {  	[tilespmem:$0x1D250] =	vst v54  }
0x3a2: {  	[tilespmem:v34+s29+$0x0] =	vst.idx.msk vm11, v2  }
0x3a3: {  	v34 =	vld [tilespmem:$0x60];
	_ =	sdelay $0x4  }
0x3a4: {  	vm12 =	vgt.s32 v34, $0x60  }
0x3a5: {  	v57 =	vnsel vm12, $0x60, v34  }
0x3a6: {  	v58 =	vadd.s32 $0xFFFFFFA0, v57  }
0x3a7: {  	v35 =	vshll.u32 v57, $0x7;
	v59 =	vshll.u32 v58, $0x9  }
0x3a8: {  	v35 =	vand.u32 $0x380, v35;
	v37 =	vand.u32 $0xFFFFF000, v59  }
0x3a9: {  	vm13 =	vgt.s32 v34, $0x5F;
	v60 =	vor.u32 v37, v35  }
0x3aa: {  	v34 =	vor.u32 v8, v60;
	_ =	sdelay $0x3  }
0x3ab: {  	[tilespmem:$0x1D260] =	vst v58  }
0x3ac: {  	[tilespmem:v34+s29+$0x0] =	vst.idx.msk vm13, v2  }
0x3ad: {  	v34 =	vld [tilespmem:$0x70];
	_ =	sdelay $0x4  }
0x3ae: {  	vm14 =	vgt.s32 v34, $0x60  }
0x3af: {  	v61 =	vnsel vm14, $0x60, v34  }
0x3b0: {  	v62 =	vadd.s32 $0xFFFFFFA0, v61  }
0x3b1: {  	v35 =	vshll.u32 v61, $0x7;
	v63 =	vshll.u32 v62, $0x9  }
0x3b2: {  	v35 =	vand.u32 $0x380, v35;
	v37 =	vand.u32 $0xFFFFF000, v63  }
0x3b3: {  	vm15 =	vgt.s32 v34, $0x5F;
	v40 =	vor.u32 v37, v35  }
0x3b4: {  	v34 =	vor.u32 v9, v40;
	_ =	sdelay $0x3  }
0x3b5: {  	[tilespmem:$0x1D270] =	vst v62  }
0x3b6: {  	[tilespmem:v34+s29+$0x0] =	vst.idx.msk vm15, v2  }
0x3b7: {  	v34 =	vld [tilespmem:$0x400];
	_ =	sdelay $0x4  }
0x3b8: {  	vm4 =	vgt.s32 v34, $0x60  }
0x3b9: {  	v41 =	vnsel vm4, $0x60, v34  }
0x3ba: {  	v42 =	vadd.s32 $0xFFFFFFA0, v41  }
0x3bb: {  	v35 =	vshll.u32 v41, $0x7;
	v43 =	vshll.u32 v42, $0x9  }
0x3bc: {  	v35 =	vand.u32 $0x380, v35;
	v37 =	vand.u32 $0xFFFFF000, v43  }
0x3bd: {  	vm5 =	vgt.s32 v34, $0x5F;
	v44 =	vor.u32 v37, v35  }
0x3be: {  	v34 =	vor.u32 v10, v44;
	_ =	sdelay $0x3  }
0x3bf: {  	[tilespmem:$0x1D280] =	vst v42  }
0x3c0: {  	[tilespmem:v34+s29+$0x0] =	vst.idx.msk vm5, v2  }
0x3c1: {  	v34 =	vld [tilespmem:$0x410];
	_ =	sdelay $0x4  }
0x3c2: {  	vm6 =	vgt.s32 v34, $0x60  }
0x3c3: {  	v45 =	vnsel vm6, $0x60, v34  }
0x3c4: {  	v46 =	vadd.s32 $0xFFFFFFA0, v45  }
0x3c5: {  	v35 =	vshll.u32 v45, $0x7;
	v47 =	vshll.u32 v46, $0x9  }
0x3c6: {  	v35 =	vand.u32 $0x380, v35;
	v37 =	vand.u32 $0xFFFFF000, v47  }
0x3c7: {  	vm7 =	vgt.s32 v34, $0x5F;
	v48 =	vor.u32 v37, v35  }
0x3c8: {  	v34 =	vor.u32 v11, v48;
	_ =	sdelay $0x3  }
0x3c9: {  	[tilespmem:$0x1D290] =	vst v46  }
0x3ca: {  	[tilespmem:v34+s29+$0x0] =	vst.idx.msk vm7, v2  }
0x3cb: {  	v34 =	vld [tilespmem:$0x420];
	_ =	sdelay $0x4  }
0x3cc: {  	vm8 =	vgt.s32 v34, $0x60  }
0x3cd: {  	v49 =	vnsel vm8, $0x60, v34  }
0x3ce: {  	v50 =	vadd.s32 $0xFFFFFFA0, v49  }
0x3cf: {  	v35 =	vshll.u32 v49, $0x7;
	v51 =	vshll.u32 v50, $0x9  }
0x3d0: {  	v35 =	vand.u32 $0x380, v35;
	v37 =	vand.u32 $0xFFFFF000, v51  }
0x3d1: {  	vm9 =	vgt.s32 v34, $0x5F;
	v52 =	vor.u32 v37, v35  }
0x3d2: {  	v34 =	vor.u32 v12, v52;
	_ =	sdelay $0x3  }
0x3d3: {  	[tilespmem:$0x1D2A0] =	vst v50  }
0x3d4: {  	[tilespmem:v34+s29+$0x0] =	vst.idx.msk vm9, v2  }
0x3d5: {  	v34 =	vld [tilespmem:$0x430];
	_ =	sdelay $0x4  }
0x3d6: {  	vm10 =	vgt.s32 v34, $0x60  }
0x3d7: {  	v53 =	vnsel vm10, $0x60, v34  }
0x3d8: {  	v54 =	vadd.s32 $0xFFFFFFA0, v53  }
0x3d9: {  	v35 =	vshll.u32 v53, $0x7;
	v55 =	vshll.u32 v54, $0x9  }
0x3da: {  	v35 =	vand.u32 $0x380, v35;
	v37 =	vand.u32 $0xFFFFF000, v55  }
0x3db: {  	vm11 =	vgt.s32 v34, $0x5F;
	v56 =	vor.u32 v37, v35  }
0x3dc: {  	v34 =	vor.u32 v13, v56;
	_ =	sdelay $0x3  }
0x3dd: {  	[tilespmem:$0x1D2B0] =	vst v54  }
0x3de: {  	[tilespmem:v34+s29+$0x0] =	vst.idx.msk vm11, v2  }
0x3df: {  	v34 =	vld [tilespmem:$0x440];
	_ =	sdelay $0x4  }
0x3e0: {  	vm12 =	vgt.s32 v34, $0x60  }
0x3e1: {  	v57 =	vnsel vm12, $0x60, v34  }
0x3e2: {  	v58 =	vadd.s32 $0xFFFFFFA0, v57  }
0x3e3: {  	v35 =	vshll.u32 v57, $0x7;
	v59 =	vshll.u32 v58, $0x9  }
0x3e4: {  	v35 =	vand.u32 $0x380, v35;
	v37 =	vand.u32 $0xFFFFF000, v59  }
0x3e5: {  	vm13 =	vgt.s32 v34, $0x5F;
	v60 =	vor.u32 v37, v35  }
0x3e6: {  	v34 =	vor.u32 v14, v60;
	_ =	sdelay $0x3  }
0x3e7: {  	[tilespmem:$0x1D2C0] =	vst v58  }
0x3e8: {  	[tilespmem:v34+s29+$0x0] =	vst.idx.msk vm13, v2  }
0x3e9: {  	v34 =	vld [tilespmem:$0x450];
	_ =	sdelay $0x4  }
0x3ea: {  	vm14 =	vgt.s32 v34, $0x60  }
0x3eb: {  	v61 =	vnsel vm14, $0x60, v34  }
0x3ec: {  	v62 =	vadd.s32 $0xFFFFFFA0, v61  }
0x3ed: {  	v35 =	vshll.u32 v61, $0x7;
	v63 =	vshll.u32 v62, $0x9  }
0x3ee: {  	v35 =	vand.u32 $0x380, v35;
	v37 =	vand.u32 $0xFFFFF000, v63  }
0x3ef: {  	vm15 =	vgt.s32 v34, $0x5F;
	v40 =	vor.u32 v37, v35  }
0x3f0: {  	v34 =	vor.u32 v15, v40;
	_ =	sdelay $0x3  }
0x3f1: {  	[tilespmem:$0x1D2D0] =	vst v62  }
0x3f2: {  	[tilespmem:v34+s29+$0x0] =	vst.idx.msk vm15, v2  }
0x3f3: {  	v34 =	vld [tilespmem:$0x460];
	_ =	sdelay $0x4  }
0x3f4: {  	vm4 =	vgt.s32 v34, $0x60  }
0x3f5: {  	v41 =	vnsel vm4, $0x60, v34  }
0x3f6: {  	v42 =	vadd.s32 $0xFFFFFFA0, v41  }
0x3f7: {  	v35 =	vshll.u32 v41, $0x7;
	v43 =	vshll.u32 v42, $0x9  }
0x3f8: {  	v35 =	vand.u32 $0x380, v35;
	v37 =	vand.u32 $0xFFFFF000, v43  }
0x3f9: {  	vm5 =	vgt.s32 v34, $0x5F;
	v44 =	vor.u32 v37, v35  }
0x3fa: {  	v34 =	vor.u32 v16, v44;
	_ =	sdelay $0x3  }
0x3fb: {  	[tilespmem:$0x1D2E0] =	vst v42  }
0x3fc: {  	[tilespmem:v34+s29+$0x0] =	vst.idx.msk vm5, v2  }
0x3fd: {  	v34 =	vld [tilespmem:$0x470];
	_ =	sdelay $0x4  }
0x3fe: {  	vm6 =	vgt.s32 v34, $0x60  }
0x3ff: {  	v45 =	vnsel vm6, $0x60, v34  }
0x400: {  	v46 =	vadd.s32 $0xFFFFFFA0, v45  }
0x401: {  	v35 =	vshll.u32 v45, $0x7;
	v47 =	vshll.u32 v46, $0x9  }
0x402: {  	v35 =	vand.u32 $0x380, v35;
	v37 =	vand.u32 $0xFFFFF000, v47  }
0x403: {  	vm7 =	vgt.s32 v34, $0x5F;
	v48 =	vor.u32 v37, v35  }
0x404: {  	v34 =	vor.u32 v17, v48;
	_ =	sdelay $0x3  }
0x405: {  	[tilespmem:$0x1D2F0] =	vst v46  }
0x406: {  	[tilespmem:v34+s29+$0x0] =	vst.idx.msk vm7, v2  }
0x407: {  	v34 =	vld [tilespmem:$0x800];
	_ =	sdelay $0x4  }
0x408: {  	vm8 =	vgt.s32 v34, $0x60  }
0x409: {  	v49 =	vnsel vm8, $0x60, v34  }
0x40a: {  	v50 =	vadd.s32 $0xFFFFFFA0, v49  }
0x40b: {  	v35 =	vshll.u32 v49, $0x7;
	v51 =	vshll.u32 v50, $0x9  }
0x40c: {  	v35 =	vand.u32 $0x380, v35;
	v37 =	vand.u32 $0xFFFFF000, v51  }
0x40d: {  	vm9 =	vgt.s32 v34, $0x5F;
	v52 =	vor.u32 v37, v35  }
0x40e: {  	v34 =	vor.u32 v18, v52;
	_ =	sdelay $0x3  }
0x40f: {  	[tilespmem:$0x1D300] =	vst v50  }
0x410: {  	[tilespmem:v34+s29+$0x0] =	vst.idx.msk vm9, v2  }
0x411: {  	v34 =	vld [tilespmem:$0x810];
	_ =	sdelay $0x4  }
0x412: {  	vm10 =	vgt.s32 v34, $0x60  }
0x413: {  	v53 =	vnsel vm10, $0x60, v34  }
0x414: {  	v54 =	vadd.s32 $0xFFFFFFA0, v53  }
0x415: {  	v35 =	vshll.u32 v53, $0x7;
	v55 =	vshll.u32 v54, $0x9  }
0x416: {  	v35 =	vand.u32 $0x380, v35;
	v37 =	vand.u32 $0xFFFFF000, v55  }
0x417: {  	vm11 =	vgt.s32 v34, $0x5F;
	v56 =	vor.u32 v37, v35  }
0x418: {  	v34 =	vor.u32 v19, v56;
	_ =	sdelay $0x3  }
0x419: {  	[tilespmem:$0x1D310] =	vst v54  }
0x41a: {  	[tilespmem:v34+s29+$0x0] =	vst.idx.msk vm11, v2  }
0x41b: {  	v34 =	vld [tilespmem:$0x820];
	_ =	sdelay $0x4  }
0x41c: {  	vm12 =	vgt.s32 v34, $0x60  }
0x41d: {  	v57 =	vnsel vm12, $0x60, v34  }
0x41e: {  	v58 =	vadd.s32 $0xFFFFFFA0, v57  }
0x41f: {  	v35 =	vshll.u32 v57, $0x7;
	v59 =	vshll.u32 v58, $0x9  }
0x420: {  	v35 =	vand.u32 $0x380, v35;
	v37 =	vand.u32 $0xFFFFF000, v59  }
0x421: {  	vm13 =	vgt.s32 v34, $0x5F;
	v60 =	vor.u32 v37, v35  }
0x422: {  	v34 =	vor.u32 v20, v60;
	_ =	sdelay $0x3  }
0x423: {  	[tilespmem:$0x1D320] =	vst v58  }
0x424: {  	[tilespmem:v34+s29+$0x0] =	vst.idx.msk vm13, v2  }
0x425: {  	v34 =	vld [tilespmem:$0x830];
	_ =	sdelay $0x4  }
0x426: {  	vm14 =	vgt.s32 v34, $0x60  }
0x427: {  	v61 =	vnsel vm14, $0x60, v34  }
0x428: {  	v62 =	vadd.s32 $0xFFFFFFA0, v61  }
0x429: {  	v35 =	vshll.u32 v61, $0x7;
	v63 =	vshll.u32 v62, $0x9  }
0x42a: {  	v35 =	vand.u32 $0x380, v35;
	v37 =	vand.u32 $0xFFFFF000, v63  }
0x42b: {  	vm15 =	vgt.s32 v34, $0x5F;
	v40 =	vor.u32 v37, v35  }
0x42c: {  	v34 =	vor.u32 v21, v40;
	_ =	sdelay $0x3  }
0x42d: {  	[tilespmem:$0x1D330] =	vst v62  }
0x42e: {  	[tilespmem:v34+s29+$0x0] =	vst.idx.msk vm15, v2  }
0x42f: {  	v34 =	vld [tilespmem:$0x840];
	_ =	sdelay $0x4  }
0x430: {  	vm4 =	vgt.s32 v34, $0x60  }
0x431: {  	v41 =	vnsel vm4, $0x60, v34  }
0x432: {  	v42 =	vadd.s32 $0xFFFFFFA0, v41  }
0x433: {  	v35 =	vshll.u32 v41, $0x7;
	v43 =	vshll.u32 v42, $0x9  }
0x434: {  	v35 =	vand.u32 $0x380, v35;
	v37 =	vand.u32 $0xFFFFF000, v43  }
0x435: {  	vm5 =	vgt.s32 v34, $0x5F;
	v44 =	vor.u32 v37, v35  }
0x436: {  	v34 =	vor.u32 v22, v44;
	_ =	sdelay $0x3  }
0x437: {  	[tilespmem:$0x1D340] =	vst v42  }
0x438: {  	[tilespmem:v34+s29+$0x0] =	vst.idx.msk vm5, v2  }
0x439: {  	v34 =	vld [tilespmem:$0x850];
	_ =	sdelay $0x4  }
0x43a: {  	vm6 =	vgt.s32 v34, $0x60  }
0x43b: {  	v45 =	vnsel vm6, $0x60, v34  }
0x43c: {  	v46 =	vadd.s32 $0xFFFFFFA0, v45  }
0x43d: {  	v35 =	vshll.u32 v45, $0x7;
	v47 =	vshll.u32 v46, $0x9  }
0x43e: {  	v35 =	vand.u32 $0x380, v35;
	v37 =	vand.u32 $0xFFFFF000, v47  }
0x43f: {  	vm7 =	vgt.s32 v34, $0x5F;
	v48 =	vor.u32 v37, v35  }
0x440: {  	v34 =	vor.u32 v23, v48;
	_ =	sdelay $0x3  }
0x441: {  	[tilespmem:$0x1D350] =	vst v46  }
0x442: {  	[tilespmem:v34+s29+$0x0] =	vst.idx.msk vm7, v2  }
0x443: {  	v34 =	vld [tilespmem:$0x860];
	_ =	sdelay $0x4  }
0x444: {  	vm8 =	vgt.s32 v34, $0x60  }
0x445: {  	v49 =	vnsel vm8, $0x60, v34  }
0x446: {  	v50 =	vadd.s32 $0xFFFFFFA0, v49  }
0x447: {  	v35 =	vshll.u32 v49, $0x7;
	v51 =	vshll.u32 v50, $0x9  }
0x448: {  	v35 =	vand.u32 $0x380, v35;
	v37 =	vand.u32 $0xFFFFF000, v51  }
0x449: {  	vm9 =	vgt.s32 v34, $0x5F;
	v52 =	vor.u32 v37, v35  }
0x44a: {  	v34 =	vor.u32 v24, v52;
	_ =	sdelay $0x3  }
0x44b: {  	[tilespmem:$0x1D360] =	vst v50  }
0x44c: {  	[tilespmem:v34+s29+$0x0] =	vst.idx.msk vm9, v2  }
0x44d: {  	v34 =	vld [tilespmem:$0x870];
	_ =	sdelay $0x4  }
0x44e: {  	vm10 =	vgt.s32 v34, $0x60  }
0x44f: {  	v53 =	vnsel vm10, $0x60, v34  }
0x450: {  	v54 =	vadd.s32 $0xFFFFFFA0, v53  }
0x451: {  	v35 =	vshll.u32 v53, $0x7;
	v55 =	vshll.u32 v54, $0x9  }
0x452: {  	v35 =	vand.u32 $0x380, v35;
	v37 =	vand.u32 $0xFFFFF000, v55  }
0x453: {  	vm11 =	vgt.s32 v34, $0x5F;
	v56 =	vor.u32 v37, v35  }
0x454: {  	v34 =	vor.u32 v25, v56;
	_ =	sdelay $0x3  }
0x455: {  	[tilespmem:$0x1D370] =	vst v54  }
0x456: {  	[tilespmem:v34+s29+$0x0] =	vst.idx.msk vm11, v2  }
0x457: {  	v34 =	vld [tilespmem:$0xC00];
	_ =	sdelay $0x4  }
0x458: {  	vm12 =	vgt.s32 v34, $0x60  }
0x459: {  	v57 =	vnsel vm12, $0x60, v34  }
0x45a: {  	v58 =	vadd.s32 $0xFFFFFFA0, v57  }
0x45b: {  	v35 =	vshll.u32 v57, $0x7;
	v59 =	vshll.u32 v58, $0x9  }
0x45c: {  	v35 =	vand.u32 $0x380, v35;
	v37 =	vand.u32 $0xFFFFF000, v59  }
0x45d: {  	vm13 =	vgt.s32 v34, $0x5F;
	v60 =	vor.u32 v37, v35  }
0x45e: {  	v34 =	vor.u32 v26, v60;
	_ =	sdelay $0x3  }
0x45f: {  	[tilespmem:$0x1D380] =	vst v58  }
0x460: {  	[tilespmem:v34+s29+$0x0] =	vst.idx.msk vm13, v2  }
0x461: {  	v34 =	vld [tilespmem:$0xC10];
	_ =	sdelay $0x4  }
0x462: {  	vm14 =	vgt.s32 v34, $0x60  }
0x463: {  	v61 =	vnsel vm14, $0x60, v34  }
0x464: {  	v62 =	vadd.s32 $0xFFFFFFA0, v61  }
0x465: {  	v35 =	vshll.u32 v61, $0x7;
	v63 =	vshll.u32 v62, $0x9  }
0x466: {  	v35 =	vand.u32 $0x380, v35;
	v37 =	vand.u32 $0xFFFFF000, v63  }
0x467: {  	vm15 =	vgt.s32 v34, $0x5F;
	v39 =	vor.u32 v37, v35  }
0x468: {  	v34 =	vor.u32 v27, v39;
	_ =	sdelay $0x3  }
0x469: {  	[tilespmem:$0x1D390] =	vst v62  }
0x46a: {  	[tilespmem:v34+s29+$0x0] =	vst.idx.msk vm15, v2  }
0x46b: {  	v34 =	vld [tilespmem:$0xC20];
	_ =	sdelay $0x4  }
0x46c: {  	vm4 =	vgt.s32 v34, $0x60  }
0x46d: {  	v40 =	vnsel vm4, $0x60, v34  }
0x46e: {  	v41 =	vadd.s32 $0xFFFFFFA0, v40  }
0x46f: {  	v35 =	vshll.u32 v40, $0x7;
	v42 =	vshll.u32 v41, $0x9  }
0x470: {  	v35 =	vand.u32 $0x380, v35;
	v37 =	vand.u32 $0xFFFFF000, v42  }
0x471: {  	vm5 =	vgt.s32 v34, $0x5F;
	v43 =	vor.u32 v37, v35  }
0x472: {  	v34 =	vor.u32 v28, v43;
	_ =	sdelay $0x3  }
0x473: {  	[tilespmem:$0x1D3A0] =	vst v41  }
0x474: {  	[tilespmem:v34+s29+$0x0] =	vst.idx.msk vm5, v2  }
0x475: {  	v34 =	vld [tilespmem:$0xC30];
	_ =	sdelay $0x4  }
0x476: {  	vm6 =	vgt.s32 v34, $0x60  }
0x477: {  	v44 =	vnsel vm6, $0x60, v34  }
0x478: {  	v45 =	vadd.s32 $0xFFFFFFA0, v44  }
0x479: {  	v35 =	vshll.u32 v44, $0x7;
	v46 =	vshll.u32 v45, $0x9  }
0x47a: {  	v35 =	vand.u32 $0x380, v35;
	v37 =	vand.u32 $0xFFFFF000, v46  }
0x47b: {  	vm7 =	vgt.s32 v34, $0x5F;
	v47 =	vor.u32 v37, v35  }
0x47c: {  	v34 =	vor.u32 v29, v47;
	_ =	sdelay $0x3  }
0x47d: {  	[tilespmem:$0x1D3B0] =	vst v45  }
0x47e: {  	[tilespmem:v34+s29+$0x0] =	vst.idx.msk vm7, v2  }
0x47f: {  	v34 =	vld [tilespmem:$0xC40];
	_ =	sdelay $0x4  }
0x480: {  	vm8 =	vgt.s32 v34, $0x60  }
0x481: {  	v48 =	vnsel vm8, $0x60, v34  }
0x482: {  	v49 =	vadd.s32 $0xFFFFFFA0, v48  }
0x483: {  	v35 =	vshll.u32 v48, $0x7;
	v50 =	vshll.u32 v49, $0x9  }
0x484: {  	v35 =	vand.u32 $0x380, v35;
	v37 =	vand.u32 $0xFFFFF000, v50  }
0x485: {  	vm9 =	vgt.s32 v34, $0x5F;
	v51 =	vor.u32 v37, v35  }
0x486: {  	v34 =	vor.u32 v30, v51;
	_ =	sdelay $0x3  }
0x487: {  	[tilespmem:$0x1D3C0] =	vst v49  }
0x488: {  	[tilespmem:v34+s29+$0x0] =	vst.idx.msk vm9, v2  }
0x489: {  	v34 =	vld [tilespmem:$0xC50];
	_ =	sdelay $0x4  }
0x48a: {  	vm10 =	vgt.s32 v34, $0x60  }
0x48b: {  	v52 =	vnsel vm10, $0x60, v34  }
0x48c: {  	v53 =	vadd.s32 $0xFFFFFFA0, v52  }
0x48d: {  	v35 =	vshll.u32 v52, $0x7;
	v54 =	vshll.u32 v53, $0x9  }
0x48e: {  	v35 =	vand.u32 $0x380, v35;
	v37 =	vand.u32 $0xFFFFF000, v54  }
0x48f: {  	vm11 =	vgt.s32 v34, $0x5F;
	v55 =	vor.u32 v37, v35  }
0x490: {  	v34 =	vor.u32 v31, v55;
	_ =	sdelay $0x3  }
0x491: {  	[tilespmem:$0x1D3D0] =	vst v53  }
0x492: {  	[tilespmem:v34+s29+$0x0] =	vst.idx.msk vm11, v2  }
0x493: {  	v34 =	vld [tilespmem:$0xC60];
	_ =	sdelay $0x4  }
0x494: {  	vm12 =	vgt.s32 v34, $0x60  }
0x495: {  	v56 =	vnsel vm12, $0x60, v34  }
0x496: {  	v57 =	vadd.s32 $0xFFFFFFA0, v56  }
0x497: {  	v35 =	vshll.u32 v56, $0x7;
	v58 =	vshll.u32 v57, $0x9  }
0x498: {  	v35 =	vand.u32 $0x380, v35;
	v37 =	vand.u32 $0xFFFFF000, v58  }
0x499: {  	vm13 =	vgt.s32 v34, $0x5F;
	v59 =	vor.u32 v37, v35  }
0x49a: {  	v34 =	vor.u32 v32, v59;
	_ =	sdelay $0x3  }
0x49b: {  	[tilespmem:$0x1D3E0] =	vst v57  }
0x49c: {  	[tilespmem:v34+s29+$0x0] =	vst.idx.msk vm13, v2  }
0x49d: {  	v34 =	vld [tilespmem:$0xC70];
	_ =	sdelay $0x4  }
0x49e: {  	vm14 =	vgt.s32 v34, $0x60  }
0x49f: {  	v60 =	vnsel vm14, $0x60, v34  }
0x4a0: {  	v61 =	vadd.s32 $0xFFFFFFA0, v60  }
0x4a1: {  	v35 =	vshll.u32 v60, $0x7;
	v62 =	vshll.u32 v61, $0x9  }
0x4a2: {  	v35 =	vand.u32 $0x380, v35;
	v37 =	vand.u32 $0xFFFFF000, v62  }
0x4a3: {  	vm15 =	vgt.s32 v34, $0x5F;
	v35 =	vor.u32 v37, v35  }
0x4a4: {  	v63 =	vor.u32 v33, v35;
	_ =	sdelay $0x3  }
0x4a5: {  	[tilespmem:$0x1D3F0] =	vst v61  }
0x4a6: {  	s0 =	simm.s32 $0x200;
	s22 =	smov.u32 s4;
	s3 =	simm.s32 $0x80;
	[tilespmem:v63+s29+$0x0] =	vst.idx.msk vm15, v2  }
0x4a7: {  	[hbm4b:s23+s24] =	stream.strided.scatter [tilespmem:s29], [sflag:$0x2], $0xD000, s28, s24, $0x38;
	[tilespmem:$0x1D400] =	vst v63  }
.LBB2_6:
0x4a8: {  	_ =	swait.ge [sflag:s30], $0xC000  }
0x4a9: {  	[sflag:s30] =	ssyncset.done $0x0  }
0x4aa: {  	[sflag:s30] =	ssyncadd.s32 $0xFFFF4000  }
0x4ab: {  	v34 =	vld [tilespmem:$0x1D000];
	_ =	sdelay $0x4  }
0x4ac: {  	v35 =	vshll.u32 v34, $0x9;
	v34 =	vshll.u32 v34, $0x7  }
0x4ad: {  	v35 =	vand.u32 $0xFFFFF000, v35;
	v34 =	vand.u32 $0x380, v34  }
0x4ae: {  	v34 =	vor.u32 v35, v34  }
0x4af: {  	v34 =	vor.u32 v0, v34;
	_ =	sdelay $0x4  }
0x4b0: {  	[tilespmem:v34+s26+$0x0] =	vst.idx.msk $0xffff, v1  }
0x4b1: {  	v34 =	vld [tilespmem:$0x1D010];
	_ =	sdelay $0x4  }
0x4b2: {  	v44 =	vshll.u32 v34, $0x9;
	v34 =	vshll.u32 v34, $0x7  }
0x4b3: {  	v35 =	vand.u32 $0xFFFFF000, v44;
	v34 =	vand.u32 $0x380, v34  }
0x4b4: {  	v34 =	vor.u32 v35, v34  }
0x4b5: {  	v34 =	vor.u32 v3, v34;
	_ =	sdelay $0x4  }
0x4b6: {  	[tilespmem:v34+s26+$0x0] =	vst.idx.msk $0xffff, v1  }
0x4b7: {  	v34 =	vld [tilespmem:$0x1D020];
	_ =	sdelay $0x4  }
0x4b8: {  	v45 =	vshll.u32 v34, $0x9;
	v34 =	vshll.u32 v34, $0x7  }
0x4b9: {  	v35 =	vand.u32 $0xFFFFF000, v45;
	v34 =	vand.u32 $0x380, v34  }
0x4ba: {  	v34 =	vor.u32 v35, v34  }
0x4bb: {  	v34 =	vor.u32 v4, v34;
	_ =	sdelay $0x4  }
0x4bc: {  	[tilespmem:v34+s26+$0x0] =	vst.idx.msk $0xffff, v1  }
0x4bd: {  	v34 =	vld [tilespmem:$0x1D030];
	_ =	sdelay $0x4  }
0x4be: {  	v46 =	vshll.u32 v34, $0x9;
	v34 =	vshll.u32 v34, $0x7  }
0x4bf: {  	v35 =	vand.u32 $0xFFFFF000, v46;
	v34 =	vand.u32 $0x380, v34  }
0x4c0: {  	v34 =	vor.u32 v35, v34  }
0x4c1: {  	v34 =	vor.u32 v5, v34;
	_ =	sdelay $0x4  }
0x4c2: {  	[tilespmem:v34+s26+$0x0] =	vst.idx.msk $0xffff, v1  }
0x4c3: {  	v34 =	vld [tilespmem:$0x1D040];
	_ =	sdelay $0x4  }
0x4c4: {  	v47 =	vshll.u32 v34, $0x9;
	v34 =	vshll.u32 v34, $0x7  }
0x4c5: {  	v35 =	vand.u32 $0xFFFFF000, v47;
	v34 =	vand.u32 $0x380, v34  }
0x4c6: {  	v34 =	vor.u32 v35, v34  }
0x4c7: {  	v34 =	vor.u32 v6, v34;
	_ =	sdelay $0x4  }
0x4c8: {  	[tilespmem:v34+s26+$0x0] =	vst.idx.msk $0xffff, v1  }
0x4c9: {  	v34 =	vld [tilespmem:$0x1D050];
	_ =	sdelay $0x4  }
0x4ca: {  	v48 =	vshll.u32 v34, $0x9;
	v34 =	vshll.u32 v34, $0x7  }
0x4cb: {  	v35 =	vand.u32 $0xFFFFF000, v48;
	v34 =	vand.u32 $0x380, v34  }
0x4cc: {  	v34 =	vor.u32 v35, v34  }
0x4cd: {  	v34 =	vor.u32 v7, v34;
	_ =	sdelay $0x4  }
0x4ce: {  	[tilespmem:v34+s26+$0x0] =	vst.idx.msk $0xffff, v1  }
0x4cf: {  	v34 =	vld [tilespmem:$0x1D060];
	_ =	sdelay $0x4  }
0x4d0: {  	v49 =	vshll.u32 v34, $0x9;
	v34 =	vshll.u32 v34, $0x7  }
0x4d1: {  	v35 =	vand.u32 $0xFFFFF000, v49;
	v34 =	vand.u32 $0x380, v34  }
0x4d2: {  	v34 =	vor.u32 v35, v34  }
0x4d3: {  	v34 =	vor.u32 v8, v34;
	_ =	sdelay $0x4  }
0x4d4: {  	[tilespmem:v34+s26+$0x0] =	vst.idx.msk $0xffff, v1  }
0x4d5: {  	v34 =	vld [tilespmem:$0x1D070];
	_ =	sdelay $0x4  }
0x4d6: {  	v50 =	vshll.u32 v34, $0x9;
	v34 =	vshll.u32 v34, $0x7  }
0x4d7: {  	v35 =	vand.u32 $0xFFFFF000, v50;
	v34 =	vand.u32 $0x380, v34  }
0x4d8: {  	v34 =	vor.u32 v35, v34  }
0x4d9: {  	v34 =	vor.u32 v9, v34;
	_ =	sdelay $0x4  }
0x4da: {  	[tilespmem:v34+s26+$0x0] =	vst.idx.msk $0xffff, v1  }
0x4db: {  	v34 =	vld [tilespmem:$0x1D080];
	_ =	sdelay $0x4  }
0x4dc: {  	v51 =	vshll.u32 v34, $0x9;
	v34 =	vshll.u32 v34, $0x7  }
0x4dd: {  	v35 =	vand.u32 $0xFFFFF000, v51;
	v34 =	vand.u32 $0x380, v34  }
0x4de: {  	v34 =	vor.u32 v34, v35  }
0x4df: {  	v34 =	vor.u32 v10, v34;
	_ =	sdelay $0x4  }
0x4e0: {  	[tilespmem:v34+s26+$0x0] =	vst.idx.msk $0xffff, v1  }
0x4e1: {  	v34 =	vld [tilespmem:$0x1D090];
	_ =	sdelay $0x4  }
0x4e2: {  	v52 =	vshll.u32 v34, $0x9;
	v34 =	vshll.u32 v34, $0x7  }
0x4e3: {  	v35 =	vand.u32 $0xFFFFF000, v52;
	v34 =	vand.u32 $0x380, v34  }
0x4e4: {  	v34 =	vor.u32 v34, v35  }
0x4e5: {  	v34 =	vor.u32 v11, v34;
	_ =	sdelay $0x4  }
0x4e6: {  	[tilespmem:v34+s26+$0x0] =	vst.idx.msk $0xffff, v1  }
0x4e7: {  	v34 =	vld [tilespmem:$0x1D0A0];
	_ =	sdelay $0x4  }
0x4e8: {  	v53 =	vshll.u32 v34, $0x9;
	v34 =	vshll.u32 v34, $0x7  }
0x4e9: {  	v35 =	vand.u32 $0xFFFFF000, v53;
	v34 =	vand.u32 $0x380, v34  }
0x4ea: {  	v34 =	vor.u32 v34, v35  }
0x4eb: {  	v34 =	vor.u32 v12, v34;
	_ =	sdelay $0x4  }
0x4ec: {  	[tilespmem:v34+s26+$0x0] =	vst.idx.msk $0xffff, v1  }
0x4ed: {  	v34 =	vld [tilespmem:$0x1D0B0];
	_ =	sdelay $0x4  }
0x4ee: {  	v54 =	vshll.u32 v34, $0x9;
	v34 =	vshll.u32 v34, $0x7  }
0x4ef: {  	v35 =	vand.u32 $0xFFFFF000, v54;
	v34 =	vand.u32 $0x380, v34  }
0x4f0: {  	v34 =	vor.u32 v34, v35  }
0x4f1: {  	v34 =	vor.u32 v13, v34;
	_ =	sdelay $0x4  }
0x4f2: {  	[tilespmem:v34+s26+$0x0] =	vst.idx.msk $0xffff, v1  }
0x4f3: {  	v34 =	vld [tilespmem:$0x1D0C0];
	_ =	sdelay $0x4  }
0x4f4: {  	v55 =	vshll.u32 v34, $0x9;
	v34 =	vshll.u32 v34, $0x7  }
0x4f5: {  	v35 =	vand.u32 $0xFFFFF000, v55;
	v34 =	vand.u32 $0x380, v34  }
0x4f6: {  	v34 =	vor.u32 v34, v35  }
0x4f7: {  	v34 =	vor.u32 v14, v34;
	_ =	sdelay $0x4  }
0x4f8: {  	[tilespmem:v34+s26+$0x0] =	vst.idx.msk $0xffff, v1  }
0x4f9: {  	v34 =	vld [tilespmem:$0x1D0D0];
	_ =	sdelay $0x4  }
0x4fa: {  	v56 =	vshll.u32 v34, $0x9;
	v34 =	vshll.u32 v34, $0x7  }
0x4fb: {  	v35 =	vand.u32 $0xFFFFF000, v56;
	v34 =	vand.u32 $0x380, v34  }
0x4fc: {  	v34 =	vor.u32 v34, v35  }
0x4fd: {  	v34 =	vor.u32 v15, v34;
	_ =	sdelay $0x4  }
0x4fe: {  	[tilespmem:v34+s26+$0x0] =	vst.idx.msk $0xffff, v1  }
0x4ff: {  	v34 =	vld [tilespmem:$0x1D0E0];
	_ =	sdelay $0x4  }
0x500: {  	v57 =	vshll.u32 v34, $0x9;
	v34 =	vshll.u32 v34, $0x7  }
0x501: {  	v35 =	vand.u32 $0xFFFFF000, v57;
	v34 =	vand.u32 $0x380, v34  }
0x502: {  	v34 =	vor.u32 v34, v35  }
0x503: {  	v34 =	vor.u32 v16, v34;
	_ =	sdelay $0x4  }
0x504: {  	[tilespmem:v34+s26+$0x0] =	vst.idx.msk $0xffff, v1  }
0x505: {  	v34 =	vld [tilespmem:$0x1D0F0];
	_ =	sdelay $0x4  }
0x506: {  	v58 =	vshll.u32 v34, $0x9;
	v34 =	vshll.u32 v34, $0x7  }
0x507: {  	v35 =	vand.u32 $0xFFFFF000, v58;
	v34 =	vand.u32 $0x380, v34  }
0x508: {  	v34 =	vor.u32 v34, v35  }
0x509: {  	v34 =	vor.u32 v17, v34;
	_ =	sdelay $0x4  }
0x50a: {  	[tilespmem:v34+s26+$0x0] =	vst.idx.msk $0xffff, v1  }
0x50b: {  	v34 =	vld [tilespmem:$0x1D100];
	_ =	sdelay $0x4  }
0x50c: {  	v59 =	vshll.u32 v34, $0x9;
	v34 =	vshll.u32 v34, $0x7  }
0x50d: {  	v35 =	vand.u32 $0xFFFFF000, v59;
	v34 =	vand.u32 $0x380, v34  }
0x50e: {  	v34 =	vor.u32 v34, v35  }
0x50f: {  	v34 =	vor.u32 v18, v34;
	_ =	sdelay $0x4  }
0x510: {  	[tilespmem:v34+s26+$0x0] =	vst.idx.msk $0xffff, v1  }
0x511: {  	v34 =	vld [tilespmem:$0x1D110];
	_ =	sdelay $0x4  }
0x512: {  	v60 =	vshll.u32 v34, $0x9;
	v34 =	vshll.u32 v34, $0x7  }
0x513: {  	v35 =	vand.u32 $0xFFFFF000, v60;
	v34 =	vand.u32 $0x380, v34  }
0x514: {  	v34 =	vor.u32 v34, v35  }
0x515: {  	v34 =	vor.u32 v19, v34;
	_ =	sdelay $0x4  }
0x516: {  	[tilespmem:v34+s26+$0x0] =	vst.idx.msk $0xffff, v1  }
0x517: {  	v34 =	vld [tilespmem:$0x1D120];
	_ =	sdelay $0x4  }
0x518: {  	v61 =	vshll.u32 v34, $0x9;
	v34 =	vshll.u32 v34, $0x7  }
0x519: {  	v35 =	vand.u32 $0xFFFFF000, v61;
	v34 =	vand.u32 $0x380, v34  }
0x51a: {  	v34 =	vor.u32 v34, v35  }
0x51b: {  	v34 =	vor.u32 v20, v34;
	_ =	sdelay $0x4  }
0x51c: {  	[tilespmem:v34+s26+$0x0] =	vst.idx.msk $0xffff, v1  }
0x51d: {  	v34 =	vld [tilespmem:$0x1D130];
	_ =	sdelay $0x4  }
0x51e: {  	v62 =	vshll.u32 v34, $0x9;
	v34 =	vshll.u32 v34, $0x7  }
0x51f: {  	v35 =	vand.u32 $0xFFFFF000, v62;
	v34 =	vand.u32 $0x380, v34  }
0x520: {  	v34 =	vor.u32 v34, v35  }
0x521: {  	v34 =	vor.u32 v21, v34;
	_ =	sdelay $0x4  }
0x522: {  	[tilespmem:v34+s26+$0x0] =	vst.idx.msk $0xffff, v1  }
0x523: {  	v34 =	vld [tilespmem:$0x1D140];
	_ =	sdelay $0x4  }
0x524: {  	v63 =	vshll.u32 v34, $0x9;
	v34 =	vshll.u32 v34, $0x7  }
0x525: {  	v35 =	vand.u32 $0xFFFFF000, v63;
	v34 =	vand.u32 $0x380, v34  }
0x526: {  	v34 =	vor.u32 v34, v35  }
0x527: {  	v34 =	vor.u32 v22, v34;
	_ =	sdelay $0x4  }
0x528: {  	[tilespmem:v34+s26+$0x0] =	vst.idx.msk $0xffff, v1  }
0x529: {  	v34 =	vld [tilespmem:$0x1D150];
	_ =	sdelay $0x4  }
0x52a: {  	v36 =	vshll.u32 v34, $0x9;
	v34 =	vshll.u32 v34, $0x7  }
0x52b: {  	v35 =	vand.u32 $0xFFFFF000, v36;
	v34 =	vand.u32 $0x380, v34  }
0x52c: {  	v34 =	vor.u32 v34, v35  }
0x52d: {  	v34 =	vor.u32 v23, v34;
	_ =	sdelay $0x4  }
0x52e: {  	[tilespmem:v34+s26+$0x0] =	vst.idx.msk $0xffff, v1  }
0x52f: {  	v34 =	vld [tilespmem:$0x1D160];
	_ =	sdelay $0x4  }
0x530: {  	v37 =	vshll.u32 v34, $0x9;
	v34 =	vshll.u32 v34, $0x7  }
0x531: {  	v35 =	vand.u32 $0xFFFFF000, v37;
	v34 =	vand.u32 $0x380, v34  }
0x532: {  	v34 =	vor.u32 v34, v35  }
0x533: {  	v34 =	vor.u32 v24, v34;
	_ =	sdelay $0x4  }
0x534: {  	[tilespmem:v34+s26+$0x0] =	vst.idx.msk $0xffff, v1  }
0x535: {  	v34 =	vld [tilespmem:$0x1D170];
	_ =	sdelay $0x4  }
0x536: {  	v38 =	vshll.u32 v34, $0x9;
	v34 =	vshll.u32 v34, $0x7  }
0x537: {  	v35 =	vand.u32 $0xFFFFF000, v38;
	v34 =	vand.u32 $0x380, v34  }
0x538: {  	v34 =	vor.u32 v34, v35  }
0x539: {  	v34 =	vor.u32 v25, v34;
	_ =	sdelay $0x4  }
0x53a: {  	[tilespmem:v34+s26+$0x0] =	vst.idx.msk $0xffff, v1  }
0x53b: {  	v34 =	vld [tilespmem:$0x1D180];
	_ =	sdelay $0x4  }
0x53c: {  	v39 =	vshll.u32 v34, $0x9;
	v34 =	vshll.u32 v34, $0x7  }
0x53d: {  	v35 =	vand.u32 $0xFFFFF000, v39;
	v34 =	vand.u32 $0x380, v34  }
0x53e: {  	v34 =	vor.u32 v34, v35  }
0x53f: {  	v34 =	vor.u32 v26, v34;
	_ =	sdelay $0x4  }
0x540: {  	[tilespmem:v34+s26+$0x0] =	vst.idx.msk $0xffff, v1  }
0x541: {  	v34 =	vld [tilespmem:$0x1D190];
	_ =	sdelay $0x4  }
0x542: {  	v40 =	vshll.u32 v34, $0x9;
	v34 =	vshll.u32 v34, $0x7  }
0x543: {  	v35 =	vand.u32 $0xFFFFF000, v40;
	v34 =	vand.u32 $0x380, v34  }
0x544: {  	v34 =	vor.u32 v34, v35  }
0x545: {  	v34 =	vor.u32 v27, v34;
	_ =	sdelay $0x4  }
0x546: {  	[tilespmem:v34+s26+$0x0] =	vst.idx.msk $0xffff, v1  }
0x547: {  	v34 =	vld [tilespmem:$0x1D1A0];
	_ =	sdelay $0x4  }
0x548: {  	v41 =	vshll.u32 v34, $0x9;
	v34 =	vshll.u32 v34, $0x7  }
0x549: {  	v35 =	vand.u32 $0xFFFFF000, v41;
	v34 =	vand.u32 $0x380, v34  }
0x54a: {  	v34 =	vor.u32 v34, v35  }
0x54b: {  	v34 =	vor.u32 v28, v34;
	_ =	sdelay $0x4  }
0x54c: {  	[tilespmem:v34+s26+$0x0] =	vst.idx.msk $0xffff, v1  }
0x54d: {  	v34 =	vld [tilespmem:$0x1D1B0];
	_ =	sdelay $0x4  }
0x54e: {  	v42 =	vshll.u32 v34, $0x9;
	v34 =	vshll.u32 v34, $0x7  }
0x54f: {  	v35 =	vand.u32 $0xFFFFF000, v42;
	v34 =	vand.u32 $0x380, v34  }
0x550: {  	v34 =	vor.u32 v34, v35  }
0x551: {  	v34 =	vor.u32 v29, v34;
	_ =	sdelay $0x4  }
0x552: {  	[tilespmem:v34+s26+$0x0] =	vst.idx.msk $0xffff, v1  }
0x553: {  	v34 =	vld [tilespmem:$0x1D1C0];
	_ =	sdelay $0x4  }
0x554: {  	v43 =	vshll.u32 v34, $0x9;
	v34 =	vshll.u32 v34, $0x7  }
0x555: {  	v35 =	vand.u32 $0xFFFFF000, v43;
	v34 =	vand.u32 $0x380, v34  }
0x556: {  	v34 =	vor.u32 v34, v35  }
0x557: {  	v34 =	vor.u32 v30, v34;
	_ =	sdelay $0x4  }
0x558: {  	[tilespmem:v34+s26+$0x0] =	vst.idx.msk $0xffff, v1  }
0x559: {  	v34 =	vld [tilespmem:$0x1D1D0];
	_ =	sdelay $0x4  }
0x55a: {  	v44 =	vshll.u32 v34, $0x9;
	v34 =	vshll.u32 v34, $0x7  }
0x55b: {  	v35 =	vand.u32 $0xFFFFF000, v44;
	v34 =	vand.u32 $0x380, v34  }
0x55c: {  	v34 =	vor.u32 v34, v35  }
0x55d: {  	v34 =	vor.u32 v31, v34;
	_ =	sdelay $0x4  }
0x55e: {  	[tilespmem:v34+s26+$0x0] =	vst.idx.msk $0xffff, v1  }
0x55f: {  	v34 =	vld [tilespmem:$0x1D1E0];
	_ =	sdelay $0x4  }
0x560: {  	v45 =	vshll.u32 v34, $0x9;
	v34 =	vshll.u32 v34, $0x7  }
0x561: {  	v35 =	vand.u32 $0xFFFFF000, v45;
	v34 =	vand.u32 $0x380, v34  }
0x562: {  	v34 =	vor.u32 v34, v35  }
0x563: {  	v34 =	vor.u32 v32, v34;
	_ =	sdelay $0x4  }
0x564: {  	[tilespmem:v34+s26+$0x0] =	vst.idx.msk $0xffff, v1  }
0x565: {  	v34 =	vld [tilespmem:$0x1D1F0];
	_ =	sdelay $0x4  }
0x566: {  	v46 =	vshll.u32 v34, $0x9;
	v34 =	vshll.u32 v34, $0x7  }
0x567: {  	v35 =	vand.u32 $0xFFFFF000, v46;
	v34 =	vand.u32 $0x380, v34  }
0x568: {  	v34 =	vor.u32 v34, v35  }
0x569: {  	v34 =	vor.u32 v33, v34;
	_ =	sdelay $0x3  }
0x56a: {  	s5 =	sand.u32 $0x3000, s0;
	s6 =	sand.u32 $0x380, s3  }
0x56b: {  	s5 =	sor.u32 s6, s5;
	[tilespmem:v34+s26+$0x0] =	vst.idx.msk $0xffff, v1  }
0x56c: {  	v34 =	vld [tilespmem:s5+$0x0];
	_ =	sdelay $0x4  }
0x56d: {  	vm0 =	vlt.s32 v34, $0x5F  }
0x56e: {  	v47 =	vnsel vm0, $0x5F, v34  }
0x56f: {  	v36 =	vshll.u32 v47, $0x9;
	v37 =	vshll.u32 v47, $0x7  }
0x570: {  	v36 =	vand.u32 $0xFFFFF000, v36;
	v37 =	vand.u32 $0x380, v37  }
0x571: {  	vm9 =	vlt.s32 v34, $0x60;
	v48 =	vor.u32 v36, v37  }
0x572: {  	v34 =	vor.u32 v0, v48;
	_ =	sdelay $0x3  }
0x573: {  	[tilespmem:$0x1D000] =	vst v47  }
0x574: {  	[tilespmem:v34+s26+$0x0] =	vst.idx.msk vm9, v2  }
0x575: {  	v34 =	vld [tilespmem:s5+$0x10];
	_ =	sdelay $0x4  }
0x576: {  	vm10 =	vlt.s32 v34, $0x5F  }
0x577: {  	v49 =	vnsel vm10, $0x5F, v34  }
0x578: {  	v50 =	vshll.u32 v49, $0x9;
	v51 =	vshll.u32 v49, $0x7  }
0x579: {  	v36 =	vand.u32 $0xFFFFF000, v50;
	v37 =	vand.u32 $0x380, v51  }
0x57a: {  	vm11 =	vlt.s32 v34, $0x60;
	v52 =	vor.u32 v36, v37  }
0x57b: {  	v34 =	vor.u32 v3, v52;
	_ =	sdelay $0x3  }
0x57c: {  	[tilespmem:$0x1D010] =	vst v49  }
0x57d: {  	[tilespmem:v34+s26+$0x0] =	vst.idx.msk vm11, v2  }
0x57e: {  	v34 =	vld [tilespmem:s5+$0x20];
	_ =	sdelay $0x4  }
0x57f: {  	vm12 =	vlt.s32 v34, $0x5F  }
0x580: {  	v53 =	vnsel vm12, $0x5F, v34  }
0x581: {  	v54 =	vshll.u32 v53, $0x9;
	v55 =	vshll.u32 v53, $0x7  }
0x582: {  	v36 =	vand.u32 $0xFFFFF000, v54;
	v37 =	vand.u32 $0x380, v55  }
0x583: {  	vm13 =	vlt.s32 v34, $0x60;
	v56 =	vor.u32 v36, v37  }
0x584: {  	v34 =	vor.u32 v4, v56;
	_ =	sdelay $0x3  }
0x585: {  	[tilespmem:$0x1D020] =	vst v53  }
0x586: {  	[tilespmem:v34+s26+$0x0] =	vst.idx.msk vm13, v2  }
0x587: {  	v34 =	vld [tilespmem:s5+$0x30];
	_ =	sdelay $0x4  }
0x588: {  	vm14 =	vlt.s32 v34, $0x5F  }
0x589: {  	v57 =	vnsel vm14, $0x5F, v34  }
0x58a: {  	v58 =	vshll.u32 v57, $0x9;
	v59 =	vshll.u32 v57, $0x7  }
0x58b: {  	v36 =	vand.u32 $0xFFFFF000, v58;
	v37 =	vand.u32 $0x380, v59  }
0x58c: {  	vm15 =	vlt.s32 v34, $0x60;
	v60 =	vor.u32 v36, v37  }
0x58d: {  	v34 =	vor.u32 v5, v60;
	_ =	sdelay $0x3  }
0x58e: {  	[tilespmem:$0x1D030] =	vst v57  }
0x58f: {  	[tilespmem:v34+s26+$0x0] =	vst.idx.msk vm15, v2  }
0x590: {  	v34 =	vld [tilespmem:s5+$0x40];
	_ =	sdelay $0x4  }
0x591: {  	vm4 =	vlt.s32 v34, $0x5F  }
0x592: {  	v61 =	vnsel vm4, $0x5F, v34  }
0x593: {  	v62 =	vshll.u32 v61, $0x9;
	v63 =	vshll.u32 v61, $0x7  }
0x594: {  	v36 =	vand.u32 $0xFFFFF000, v62;
	v37 =	vand.u32 $0x380, v63  }
0x595: {  	vm5 =	vlt.s32 v34, $0x60;
	v40 =	vor.u32 v36, v37  }
0x596: {  	v34 =	vor.u32 v6, v40;
	_ =	sdelay $0x3  }
0x597: {  	[tilespmem:$0x1D040] =	vst v61  }
0x598: {  	[tilespmem:v34+s26+$0x0] =	vst.idx.msk vm5, v2  }
0x599: {  	v34 =	vld [tilespmem:s5+$0x50];
	_ =	sdelay $0x4  }
0x59a: {  	vm6 =	vlt.s32 v34, $0x5F  }
0x59b: {  	v41 =	vnsel vm6, $0x5F, v34  }
0x59c: {  	v42 =	vshll.u32 v41, $0x9;
	v43 =	vshll.u32 v41, $0x7  }
0x59d: {  	v36 =	vand.u32 $0xFFFFF000, v42;
	v37 =	vand.u32 $0x380, v43  }
0x59e: {  	vm7 =	vlt.s32 v34, $0x60;
	v44 =	vor.u32 v36, v37  }
0x59f: {  	v34 =	vor.u32 v7, v44;
	_ =	sdelay $0x3  }
0x5a0: {  	[tilespmem:$0x1D050] =	vst v41  }
0x5a1: {  	[tilespmem:v34+s26+$0x0] =	vst.idx.msk vm7, v2  }
0x5a2: {  	v34 =	vld [tilespmem:s5+$0x60];
	_ =	sdelay $0x4  }
0x5a3: {  	vm8 =	vlt.s32 v34, $0x5F  }
0x5a4: {  	v45 =	vnsel vm8, $0x5F, v34  }
0x5a5: {  	v46 =	vshll.u32 v45, $0x9;
	v47 =	vshll.u32 v45, $0x7  }
0x5a6: {  	v36 =	vand.u32 $0xFFFFF000, v46;
	v37 =	vand.u32 $0x380, v47  }
0x5a7: {  	vm9 =	vlt.s32 v34, $0x60;
	v48 =	vor.u32 v36, v37  }
0x5a8: {  	v34 =	vor.u32 v8, v48;
	_ =	sdelay $0x3  }
0x5a9: {  	[tilespmem:$0x1D060] =	vst v45  }
0x5aa: {  	[tilespmem:v34+s26+$0x0] =	vst.idx.msk vm9, v2  }
0x5ab: {  	v34 =	vld [tilespmem:s5+$0x70];
	_ =	sdelay $0x4  }
0x5ac: {  	vm10 =	vlt.s32 v34, $0x5F  }
0x5ad: {  	v49 =	vnsel vm10, $0x5F, v34  }
0x5ae: {  	v50 =	vshll.u32 v49, $0x9;
	v51 =	vshll.u32 v49, $0x7  }
0x5af: {  	v36 =	vand.u32 $0xFFFFF000, v50;
	v37 =	vand.u32 $0x380, v51  }
0x5b0: {  	vm11 =	vlt.s32 v34, $0x60;
	v52 =	vor.u32 v36, v37  }
0x5b1: {  	v34 =	vor.u32 v9, v52;
	_ =	sdelay $0x3  }
0x5b2: {  	[tilespmem:$0x1D070] =	vst v49  }
0x5b3: {  	[tilespmem:v34+s26+$0x0] =	vst.idx.msk vm11, v2  }
0x5b4: {  	v34 =	vld [tilespmem:s5+$0x400];
	_ =	sdelay $0x4  }
0x5b5: {  	vm12 =	vlt.s32 v34, $0x5F  }
0x5b6: {  	v53 =	vnsel vm12, $0x5F, v34  }
0x5b7: {  	v54 =	vshll.u32 v53, $0x9;
	v55 =	vshll.u32 v53, $0x7  }
0x5b8: {  	v36 =	vand.u32 $0xFFFFF000, v54;
	v37 =	vand.u32 $0x380, v55  }
0x5b9: {  	vm13 =	vlt.s32 v34, $0x60;
	v56 =	vor.u32 v37, v36  }
0x5ba: {  	v34 =	vor.u32 v10, v56;
	_ =	sdelay $0x3  }
0x5bb: {  	[tilespmem:$0x1D080] =	vst v53  }
0x5bc: {  	[tilespmem:v34+s26+$0x0] =	vst.idx.msk vm13, v2  }
0x5bd: {  	v34 =	vld [tilespmem:s5+$0x410];
	_ =	sdelay $0x4  }
0x5be: {  	vm14 =	vlt.s32 v34, $0x5F  }
0x5bf: {  	v57 =	vnsel vm14, $0x5F, v34  }
0x5c0: {  	v58 =	vshll.u32 v57, $0x9;
	v59 =	vshll.u32 v57, $0x7  }
0x5c1: {  	v36 =	vand.u32 $0xFFFFF000, v58;
	v37 =	vand.u32 $0x380, v59  }
0x5c2: {  	vm15 =	vlt.s32 v34, $0x60;
	v60 =	vor.u32 v37, v36  }
0x5c3: {  	v34 =	vor.u32 v11, v60;
	_ =	sdelay $0x3  }
0x5c4: {  	[tilespmem:$0x1D090] =	vst v57  }
0x5c5: {  	[tilespmem:v34+s26+$0x0] =	vst.idx.msk vm15, v2  }
0x5c6: {  	v34 =	vld [tilespmem:s5+$0x420];
	_ =	sdelay $0x4  }
0x5c7: {  	vm4 =	vlt.s32 v34, $0x5F  }
0x5c8: {  	v61 =	vnsel vm4, $0x5F, v34  }
0x5c9: {  	v62 =	vshll.u32 v61, $0x9;
	v63 =	vshll.u32 v61, $0x7  }
0x5ca: {  	v36 =	vand.u32 $0xFFFFF000, v62;
	v37 =	vand.u32 $0x380, v63  }
0x5cb: {  	vm5 =	vlt.s32 v34, $0x60;
	v40 =	vor.u32 v37, v36  }
0x5cc: {  	v34 =	vor.u32 v12, v40;
	_ =	sdelay $0x3  }
0x5cd: {  	[tilespmem:$0x1D0A0] =	vst v61  }
0x5ce: {  	[tilespmem:v34+s26+$0x0] =	vst.idx.msk vm5, v2  }
0x5cf: {  	v34 =	vld [tilespmem:s5+$0x430];
	_ =	sdelay $0x4  }
0x5d0: {  	vm6 =	vlt.s32 v34, $0x5F  }
0x5d1: {  	v41 =	vnsel vm6, $0x5F, v34  }
0x5d2: {  	v42 =	vshll.u32 v41, $0x9;
	v43 =	vshll.u32 v41, $0x7  }
0x5d3: {  	v36 =	vand.u32 $0xFFFFF000, v42;
	v37 =	vand.u32 $0x380, v43  }
0x5d4: {  	vm7 =	vlt.s32 v34, $0x60;
	v44 =	vor.u32 v37, v36  }
0x5d5: {  	v34 =	vor.u32 v13, v44;
	_ =	sdelay $0x3  }
0x5d6: {  	[tilespmem:$0x1D0B0] =	vst v41  }
0x5d7: {  	[tilespmem:v34+s26+$0x0] =	vst.idx.msk vm7, v2  }
0x5d8: {  	v34 =	vld [tilespmem:s5+$0x440];
	_ =	sdelay $0x4  }
0x5d9: {  	vm8 =	vlt.s32 v34, $0x5F  }
0x5da: {  	v45 =	vnsel vm8, $0x5F, v34  }
0x5db: {  	v46 =	vshll.u32 v45, $0x9;
	v47 =	vshll.u32 v45, $0x7  }
0x5dc: {  	v36 =	vand.u32 $0xFFFFF000, v46;
	v37 =	vand.u32 $0x380, v47  }
0x5dd: {  	vm9 =	vlt.s32 v34, $0x60;
	v48 =	vor.u32 v37, v36  }
0x5de: {  	v34 =	vor.u32 v14, v48;
	_ =	sdelay $0x3  }
0x5df: {  	[tilespmem:$0x1D0C0] =	vst v45  }
0x5e0: {  	[tilespmem:v34+s26+$0x0] =	vst.idx.msk vm9, v2  }
0x5e1: {  	v34 =	vld [tilespmem:s5+$0x450];
	_ =	sdelay $0x4  }
0x5e2: {  	vm10 =	vlt.s32 v34, $0x5F  }
0x5e3: {  	v49 =	vnsel vm10, $0x5F, v34  }
0x5e4: {  	v50 =	vshll.u32 v49, $0x9;
	v51 =	vshll.u32 v49, $0x7  }
0x5e5: {  	v36 =	vand.u32 $0xFFFFF000, v50;
	v37 =	vand.u32 $0x380, v51  }
0x5e6: {  	vm11 =	vlt.s32 v34, $0x60;
	v52 =	vor.u32 v37, v36  }
0x5e7: {  	v34 =	vor.u32 v15, v52;
	_ =	sdelay $0x3  }
0x5e8: {  	[tilespmem:$0x1D0D0] =	vst v49  }
0x5e9: {  	[tilespmem:v34+s26+$0x0] =	vst.idx.msk vm11, v2  }
0x5ea: {  	v34 =	vld [tilespmem:s5+$0x460];
	_ =	sdelay $0x4  }
0x5eb: {  	vm12 =	vlt.s32 v34, $0x5F  }
0x5ec: {  	v53 =	vnsel vm12, $0x5F, v34  }
0x5ed: {  	v54 =	vshll.u32 v53, $0x9;
	v55 =	vshll.u32 v53, $0x7  }
0x5ee: {  	v36 =	vand.u32 $0xFFFFF000, v54;
	v37 =	vand.u32 $0x380, v55  }
0x5ef: {  	vm13 =	vlt.s32 v34, $0x60;
	v56 =	vor.u32 v37, v36  }
0x5f0: {  	v34 =	vor.u32 v16, v56;
	_ =	sdelay $0x3  }
0x5f1: {  	[tilespmem:$0x1D0E0] =	vst v53  }
0x5f2: {  	[tilespmem:v34+s26+$0x0] =	vst.idx.msk vm13, v2  }
0x5f3: {  	v34 =	vld [tilespmem:s5+$0x470];
	_ =	sdelay $0x4  }
0x5f4: {  	vm14 =	vlt.s32 v34, $0x5F  }
0x5f5: {  	v57 =	vnsel vm14, $0x5F, v34  }
0x5f6: {  	v58 =	vshll.u32 v57, $0x9;
	v59 =	vshll.u32 v57, $0x7  }
0x5f7: {  	v36 =	vand.u32 $0xFFFFF000, v58;
	v37 =	vand.u32 $0x380, v59  }
0x5f8: {  	vm15 =	vlt.s32 v34, $0x60;
	v60 =	vor.u32 v37, v36  }
0x5f9: {  	v34 =	vor.u32 v17, v60;
	_ =	sdelay $0x3  }
0x5fa: {  	[tilespmem:$0x1D0F0] =	vst v57  }
0x5fb: {  	[tilespmem:v34+s26+$0x0] =	vst.idx.msk vm15, v2  }
0x5fc: {  	v34 =	vld [tilespmem:s5+$0x800];
	_ =	sdelay $0x4  }
0x5fd: {  	vm4 =	vlt.s32 v34, $0x5F  }
0x5fe: {  	v61 =	vnsel vm4, $0x5F, v34  }
0x5ff: {  	v62 =	vshll.u32 v61, $0x9;
	v63 =	vshll.u32 v61, $0x7  }
0x600: {  	v36 =	vand.u32 $0xFFFFF000, v62;
	v37 =	vand.u32 $0x380, v63  }
0x601: {  	vm5 =	vlt.s32 v34, $0x60;
	v40 =	vor.u32 v37, v36  }
0x602: {  	v34 =	vor.u32 v18, v40;
	_ =	sdelay $0x3  }
0x603: {  	[tilespmem:$0x1D100] =	vst v61  }
0x604: {  	[tilespmem:v34+s26+$0x0] =	vst.idx.msk vm5, v2  }
0x605: {  	v34 =	vld [tilespmem:s5+$0x810];
	_ =	sdelay $0x4  }
0x606: {  	vm6 =	vlt.s32 v34, $0x5F  }
0x607: {  	v41 =	vnsel vm6, $0x5F, v34  }
0x608: {  	v42 =	vshll.u32 v41, $0x9;
	v43 =	vshll.u32 v41, $0x7  }
0x609: {  	v36 =	vand.u32 $0xFFFFF000, v42;
	v37 =	vand.u32 $0x380, v43  }
0x60a: {  	vm7 =	vlt.s32 v34, $0x60;
	v44 =	vor.u32 v37, v36  }
0x60b: {  	v34 =	vor.u32 v19, v44;
	_ =	sdelay $0x3  }
0x60c: {  	[tilespmem:$0x1D110] =	vst v41  }
0x60d: {  	[tilespmem:v34+s26+$0x0] =	vst.idx.msk vm7, v2  }
0x60e: {  	v34 =	vld [tilespmem:s5+$0x820];
	_ =	sdelay $0x4  }
0x60f: {  	vm8 =	vlt.s32 v34, $0x5F  }
0x610: {  	v45 =	vnsel vm8, $0x5F, v34  }
0x611: {  	v46 =	vshll.u32 v45, $0x9;
	v47 =	vshll.u32 v45, $0x7  }
0x612: {  	v36 =	vand.u32 $0xFFFFF000, v46;
	v37 =	vand.u32 $0x380, v47  }
0x613: {  	vm9 =	vlt.s32 v34, $0x60;
	v48 =	vor.u32 v37, v36  }
0x614: {  	v34 =	vor.u32 v20, v48;
	_ =	sdelay $0x3  }
0x615: {  	[tilespmem:$0x1D120] =	vst v45  }
0x616: {  	[tilespmem:v34+s26+$0x0] =	vst.idx.msk vm9, v2  }
0x617: {  	v34 =	vld [tilespmem:s5+$0x830];
	_ =	sdelay $0x4  }
0x618: {  	vm10 =	vlt.s32 v34, $0x5F  }
0x619: {  	v49 =	vnsel vm10, $0x5F, v34  }
0x61a: {  	v50 =	vshll.u32 v49, $0x9;
	v51 =	vshll.u32 v49, $0x7  }
0x61b: {  	v36 =	vand.u32 $0xFFFFF000, v50;
	v37 =	vand.u32 $0x380, v51  }
0x61c: {  	vm11 =	vlt.s32 v34, $0x60;
	v52 =	vor.u32 v37, v36  }
0x61d: {  	v34 =	vor.u32 v21, v52;
	_ =	sdelay $0x3  }
0x61e: {  	[tilespmem:$0x1D130] =	vst v49  }
0x61f: {  	[tilespmem:v34+s26+$0x0] =	vst.idx.msk vm11, v2  }
0x620: {  	v34 =	vld [tilespmem:s5+$0x840];
	_ =	sdelay $0x4  }
0x621: {  	vm12 =	vlt.s32 v34, $0x5F  }
0x622: {  	v53 =	vnsel vm12, $0x5F, v34  }
0x623: {  	v54 =	vshll.u32 v53, $0x9;
	v55 =	vshll.u32 v53, $0x7  }
0x624: {  	v36 =	vand.u32 $0xFFFFF000, v54;
	v37 =	vand.u32 $0x380, v55  }
0x625: {  	vm13 =	vlt.s32 v34, $0x60;
	v56 =	vor.u32 v37, v36  }
0x626: {  	v34 =	vor.u32 v22, v56;
	_ =	sdelay $0x3  }
0x627: {  	[tilespmem:$0x1D140] =	vst v53  }
0x628: {  	[tilespmem:v34+s26+$0x0] =	vst.idx.msk vm13, v2  }
0x629: {  	v34 =	vld [tilespmem:s5+$0x850];
	_ =	sdelay $0x4  }
0x62a: {  	vm14 =	vlt.s32 v34, $0x5F  }
0x62b: {  	v57 =	vnsel vm14, $0x5F, v34  }
0x62c: {  	v58 =	vshll.u32 v57, $0x9;
	v59 =	vshll.u32 v57, $0x7  }
0x62d: {  	v36 =	vand.u32 $0xFFFFF000, v58;
	v37 =	vand.u32 $0x380, v59  }
0x62e: {  	vm15 =	vlt.s32 v34, $0x60;
	v60 =	vor.u32 v37, v36  }
0x62f: {  	v34 =	vor.u32 v23, v60;
	_ =	sdelay $0x3  }
0x630: {  	[tilespmem:$0x1D150] =	vst v57  }
0x631: {  	[tilespmem:v34+s26+$0x0] =	vst.idx.msk vm15, v2  }
0x632: {  	v34 =	vld [tilespmem:s5+$0x860];
	_ =	sdelay $0x4  }
0x633: {  	vm4 =	vlt.s32 v34, $0x5F  }
0x634: {  	v61 =	vnsel vm4, $0x5F, v34  }
0x635: {  	v62 =	vshll.u32 v61, $0x9;
	v63 =	vshll.u32 v61, $0x7  }
0x636: {  	v36 =	vand.u32 $0xFFFFF000, v62;
	v37 =	vand.u32 $0x380, v63  }
0x637: {  	vm5 =	vlt.s32 v34, $0x60;
	v40 =	vor.u32 v37, v36  }
0x638: {  	v34 =	vor.u32 v24, v40;
	_ =	sdelay $0x3  }
0x639: {  	[tilespmem:$0x1D160] =	vst v61  }
0x63a: {  	[tilespmem:v34+s26+$0x0] =	vst.idx.msk vm5, v2  }
0x63b: {  	v34 =	vld [tilespmem:s5+$0x870];
	_ =	sdelay $0x4  }
0x63c: {  	vm6 =	vlt.s32 v34, $0x5F  }
0x63d: {  	v41 =	vnsel vm6, $0x5F, v34  }
0x63e: {  	v42 =	vshll.u32 v41, $0x9;
	v43 =	vshll.u32 v41, $0x7  }
0x63f: {  	v36 =	vand.u32 $0xFFFFF000, v42;
	v37 =	vand.u32 $0x380, v43  }
0x640: {  	vm7 =	vlt.s32 v34, $0x60;
	v44 =	vor.u32 v37, v36  }
0x641: {  	v34 =	vor.u32 v25, v44;
	_ =	sdelay $0x3  }
0x642: {  	[tilespmem:$0x1D170] =	vst v41  }
0x643: {  	[tilespmem:v34+s26+$0x0] =	vst.idx.msk vm7, v2  }
0x644: {  	v34 =	vld [tilespmem:s5+$0xC00];
	_ =	sdelay $0x4  }
0x645: {  	vm8 =	vlt.s32 v34, $0x5F  }
0x646: {  	v45 =	vnsel vm8, $0x5F, v34  }
0x647: {  	v46 =	vshll.u32 v45, $0x9;
	v47 =	vshll.u32 v45, $0x7  }
0x648: {  	v36 =	vand.u32 $0xFFFFF000, v46;
	v37 =	vand.u32 $0x380, v47  }
0x649: {  	vm9 =	vlt.s32 v34, $0x60;
	v48 =	vor.u32 v37, v36  }
0x64a: {  	v34 =	vor.u32 v26, v48;
	_ =	sdelay $0x3  }
0x64b: {  	[tilespmem:$0x1D180] =	vst v45  }
0x64c: {  	[tilespmem:v34+s26+$0x0] =	vst.idx.msk vm9, v2  }
0x64d: {  	v34 =	vld [tilespmem:s5+$0xC10];
	_ =	sdelay $0x4  }
0x64e: {  	vm10 =	vlt.s32 v34, $0x5F  }
0x64f: {  	v49 =	vnsel vm10, $0x5F, v34  }
0x650: {  	v50 =	vshll.u32 v49, $0x9;
	v51 =	vshll.u32 v49, $0x7  }
0x651: {  	v36 =	vand.u32 $0xFFFFF000, v50;
	v37 =	vand.u32 $0x380, v51  }
0x652: {  	vm11 =	vlt.s32 v34, $0x60;
	v52 =	vor.u32 v37, v36  }
0x653: {  	v34 =	vor.u32 v27, v52;
	_ =	sdelay $0x3  }
0x654: {  	[tilespmem:$0x1D190] =	vst v49  }
0x655: {  	[tilespmem:v34+s26+$0x0] =	vst.idx.msk vm11, v2  }
0x656: {  	v34 =	vld [tilespmem:s5+$0xC20];
	_ =	sdelay $0x4  }
0x657: {  	vm12 =	vlt.s32 v34, $0x5F  }
0x658: {  	v53 =	vnsel vm12, $0x5F, v34  }
0x659: {  	v54 =	vshll.u32 v53, $0x9;
	v55 =	vshll.u32 v53, $0x7  }
0x65a: {  	v36 =	vand.u32 $0xFFFFF000, v54;
	v37 =	vand.u32 $0x380, v55  }
0x65b: {  	vm13 =	vlt.s32 v34, $0x60;
	v56 =	vor.u32 v37, v36  }
0x65c: {  	v34 =	vor.u32 v28, v56;
	_ =	sdelay $0x3  }
0x65d: {  	[tilespmem:$0x1D1A0] =	vst v53  }
0x65e: {  	[tilespmem:v34+s26+$0x0] =	vst.idx.msk vm13, v2  }
0x65f: {  	v34 =	vld [tilespmem:s5+$0xC30];
	_ =	sdelay $0x4  }
0x660: {  	vm14 =	vlt.s32 v34, $0x5F  }
0x661: {  	v57 =	vnsel vm14, $0x5F, v34  }
0x662: {  	v58 =	vshll.u32 v57, $0x9;
	v59 =	vshll.u32 v57, $0x7  }
0x663: {  	v36 =	vand.u32 $0xFFFFF000, v58;
	v37 =	vand.u32 $0x380, v59  }
0x664: {  	vm15 =	vlt.s32 v34, $0x60;
	v60 =	vor.u32 v37, v36  }
0x665: {  	v34 =	vor.u32 v29, v60;
	_ =	sdelay $0x3  }
0x666: {  	[tilespmem:$0x1D1B0] =	vst v57  }
0x667: {  	[tilespmem:v34+s26+$0x0] =	vst.idx.msk vm15, v2  }
0x668: {  	v34 =	vld [tilespmem:s5+$0xC40];
	_ =	sdelay $0x4  }
0x669: {  	vm4 =	vlt.s32 v34, $0x5F  }
0x66a: {  	v61 =	vnsel vm4, $0x5F, v34  }
0x66b: {  	v62 =	vshll.u32 v61, $0x9;
	v63 =	vshll.u32 v61, $0x7  }
0x66c: {  	v36 =	vand.u32 $0xFFFFF000, v62;
	v37 =	vand.u32 $0x380, v63  }
0x66d: {  	vm5 =	vlt.s32 v34, $0x60;
	v39 =	vor.u32 v37, v36  }
0x66e: {  	v34 =	vor.u32 v30, v39;
	_ =	sdelay $0x3  }
0x66f: {  	[tilespmem:$0x1D1C0] =	vst v61  }
0x670: {  	[tilespmem:v34+s26+$0x0] =	vst.idx.msk vm5, v2  }
0x671: {  	v34 =	vld [tilespmem:s5+$0xC50];
	_ =	sdelay $0x4  }
0x672: {  	vm6 =	vlt.s32 v34, $0x5F  }
0x673: {  	v40 =	vnsel vm6, $0x5F, v34  }
0x674: {  	v41 =	vshll.u32 v40, $0x9;
	v42 =	vshll.u32 v40, $0x7  }
0x675: {  	v36 =	vand.u32 $0xFFFFF000, v41;
	v37 =	vand.u32 $0x380, v42  }
0x676: {  	vm7 =	vlt.s32 v34, $0x60;
	v43 =	vor.u32 v37, v36  }
0x677: {  	v34 =	vor.u32 v31, v43;
	_ =	sdelay $0x3  }
0x678: {  	[tilespmem:$0x1D1D0] =	vst v40  }
0x679: {  	[tilespmem:v34+s26+$0x0] =	vst.idx.msk vm7, v2  }
0x67a: {  	v34 =	vld [tilespmem:s5+$0xC60];
	_ =	sdelay $0x4  }
0x67b: {  	vm8 =	vlt.s32 v34, $0x5F  }
0x67c: {  	v44 =	vnsel vm8, $0x5F, v34  }
0x67d: {  	v45 =	vshll.u32 v44, $0x9;
	v46 =	vshll.u32 v44, $0x7  }
0x67e: {  	v36 =	vand.u32 $0xFFFFF000, v45;
	v37 =	vand.u32 $0x380, v46  }
0x67f: {  	vm9 =	vlt.s32 v34, $0x60;
	v47 =	vor.u32 v37, v36  }
0x680: {  	v34 =	vor.u32 v32, v47;
	_ =	sdelay $0x3  }
0x681: {  	[tilespmem:$0x1D1E0] =	vst v44  }
0x682: {  	[tilespmem:v34+s26+$0x0] =	vst.idx.msk vm9, v2  }
0x683: {  	v34 =	vld [tilespmem:s5+$0xC70];
	_ =	sdelay $0x4  }
0x684: {  	vm10 =	vlt.s32 v34, $0x5F  }
0x685: {  	v48 =	vnsel vm10, $0x5F, v34  }
0x686: {  	v49 =	vshll.u32 v48, $0x9;
	v50 =	vshll.u32 v48, $0x7  }
0x687: {  	v36 =	vand.u32 $0xFFFFF000, v49;
	v37 =	vand.u32 $0x380, v50  }
0x688: {  	vm11 =	vlt.s32 v34, $0x60;
	v51 =	vor.u32 v37, v36  }
0x689: {  	v34 =	vor.u32 v33, v51;
	_ =	sdelay $0x3  }
0x68a: {  	[tilespmem:$0x1D1F0] =	vst v48  }
0x68b: {  	s6 =	sadd.s32 $0xFFFD0000, s22;
	[tilespmem:v34+s26+$0x0] =	vst.idx.msk vm11, v2  }
0x68c: {  	[hbm4b:s6+s24] =	stream.strided.scatter [tilespmem:s26], [sflag:$0x1], $0xC000, s28, s24, $0x38;
	[tilespmem:$0x1D400] =	vst v63  }
0x68d: {  	_ =	swait.ge [sflag:s31], $0xD000  }
0x68e: {  	[sflag:s31] =	ssyncset.done $0x0  }
0x68f: {  	[sflag:s31] =	ssyncadd.s32 $0xFFFF3000  }
0x690: {  	v52 =	vld [tilespmem:$0x1D200];
	_ =	sdelay $0x4  }
0x691: {  	v53 =	vshll.u32 v52, $0x9;
	v34 =	vshll.u32 v52, $0x7  }
0x692: {  	v35 =	vand.u32 $0xFFFFF000, v53;
	v34 =	vand.u32 $0x380, v34  }
0x693: {  	v34 =	vor.u32 v35, v34  }
0x694: {  	v34 =	vor.u32 v0, v34;
	_ =	sdelay $0x4  }
0x695: {  	[tilespmem:v34+s29+$0x0] =	vst.idx.msk $0xffff, v1  }
0x696: {  	v34 =	vld [tilespmem:$0x1D210];
	_ =	sdelay $0x4  }
0x697: {  	v54 =	vshll.u32 v34, $0x9;
	v34 =	vshll.u32 v34, $0x7  }
0x698: {  	v35 =	vand.u32 $0xFFFFF000, v54;
	v34 =	vand.u32 $0x380, v34  }
0x699: {  	v34 =	vor.u32 v35, v34  }
0x69a: {  	v34 =	vor.u32 v3, v34;
	_ =	sdelay $0x4  }
0x69b: {  	[tilespmem:v34+s29+$0x0] =	vst.idx.msk $0xffff, v1  }
0x69c: {  	v34 =	vld [tilespmem:$0x1D220];
	_ =	sdelay $0x4  }
0x69d: {  	v55 =	vshll.u32 v34, $0x9;
	v34 =	vshll.u32 v34, $0x7  }
0x69e: {  	v35 =	vand.u32 $0xFFFFF000, v55;
	v34 =	vand.u32 $0x380, v34  }
0x69f: {  	v34 =	vor.u32 v35, v34  }
0x6a0: {  	v34 =	vor.u32 v4, v34;
	_ =	sdelay $0x4  }
0x6a1: {  	[tilespmem:v34+s29+$0x0] =	vst.idx.msk $0xffff, v1  }
0x6a2: {  	v34 =	vld [tilespmem:$0x1D230];
	_ =	sdelay $0x4  }
0x6a3: {  	v56 =	vshll.u32 v34, $0x9;
	v34 =	vshll.u32 v34, $0x7  }
0x6a4: {  	v35 =	vand.u32 $0xFFFFF000, v56;
	v34 =	vand.u32 $0x380, v34  }
0x6a5: {  	v34 =	vor.u32 v35, v34  }
0x6a6: {  	v34 =	vor.u32 v5, v34;
	_ =	sdelay $0x4  }
0x6a7: {  	[tilespmem:v34+s29+$0x0] =	vst.idx.msk $0xffff, v1  }
0x6a8: {  	v34 =	vld [tilespmem:$0x1D240];
	_ =	sdelay $0x4  }
0x6a9: {  	v57 =	vshll.u32 v34, $0x9;
	v34 =	vshll.u32 v34, $0x7  }
0x6aa: {  	v35 =	vand.u32 $0xFFFFF000, v57;
	v34 =	vand.u32 $0x380, v34  }
0x6ab: {  	v34 =	vor.u32 v35, v34  }
0x6ac: {  	v34 =	vor.u32 v6, v34;
	_ =	sdelay $0x4  }
0x6ad: {  	[tilespmem:v34+s29+$0x0] =	vst.idx.msk $0xffff, v1  }
0x6ae: {  	v34 =	vld [tilespmem:$0x1D250];
	_ =	sdelay $0x4  }
0x6af: {  	v58 =	vshll.u32 v34, $0x9;
	v34 =	vshll.u32 v34, $0x7  }
0x6b0: {  	v35 =	vand.u32 $0xFFFFF000, v58;
	v34 =	vand.u32 $0x380, v34  }
0x6b1: {  	v34 =	vor.u32 v35, v34  }
0x6b2: {  	v34 =	vor.u32 v7, v34;
	_ =	sdelay $0x4  }
0x6b3: {  	[tilespmem:v34+s29+$0x0] =	vst.idx.msk $0xffff, v1  }
0x6b4: {  	v34 =	vld [tilespmem:$0x1D260];
	_ =	sdelay $0x4  }
0x6b5: {  	v59 =	vshll.u32 v34, $0x9;
	v34 =	vshll.u32 v34, $0x7  }
0x6b6: {  	v35 =	vand.u32 $0xFFFFF000, v59;
	v34 =	vand.u32 $0x380, v34  }
0x6b7: {  	v34 =	vor.u32 v35, v34  }
0x6b8: {  	v34 =	vor.u32 v8, v34;
	_ =	sdelay $0x4  }
0x6b9: {  	[tilespmem:v34+s29+$0x0] =	vst.idx.msk $0xffff, v1  }
0x6ba: {  	v34 =	vld [tilespmem:$0x1D270];
	_ =	sdelay $0x4  }
0x6bb: {  	v60 =	vshll.u32 v34, $0x9;
	v34 =	vshll.u32 v34, $0x7  }
0x6bc: {  	v35 =	vand.u32 $0xFFFFF000, v60;
	v34 =	vand.u32 $0x380, v34  }
0x6bd: {  	v34 =	vor.u32 v35, v34  }
0x6be: {  	v34 =	vor.u32 v9, v34;
	_ =	sdelay $0x4  }
0x6bf: {  	[tilespmem:v34+s29+$0x0] =	vst.idx.msk $0xffff, v1  }
0x6c0: {  	v34 =	vld [tilespmem:$0x1D280];
	_ =	sdelay $0x4  }
0x6c1: {  	v61 =	vshll.u32 v34, $0x9;
	v34 =	vshll.u32 v34, $0x7  }
0x6c2: {  	v35 =	vand.u32 $0xFFFFF000, v61;
	v34 =	vand.u32 $0x380, v34  }
0x6c3: {  	v34 =	vor.u32 v34, v35  }
0x6c4: {  	v34 =	vor.u32 v10, v34;
	_ =	sdelay $0x4  }
0x6c5: {  	[tilespmem:v34+s29+$0x0] =	vst.idx.msk $0xffff, v1  }
0x6c6: {  	v34 =	vld [tilespmem:$0x1D290];
	_ =	sdelay $0x4  }
0x6c7: {  	v62 =	vshll.u32 v34, $0x9;
	v34 =	vshll.u32 v34, $0x7  }
0x6c8: {  	v35 =	vand.u32 $0xFFFFF000, v62;
	v34 =	vand.u32 $0x380, v34  }
0x6c9: {  	v34 =	vor.u32 v34, v35  }
0x6ca: {  	v34 =	vor.u32 v11, v34;
	_ =	sdelay $0x4  }
0x6cb: {  	[tilespmem:v34+s29+$0x0] =	vst.idx.msk $0xffff, v1  }
0x6cc: {  	v34 =	vld [tilespmem:$0x1D2A0];
	_ =	sdelay $0x4  }
0x6cd: {  	v63 =	vshll.u32 v34, $0x9;
	v34 =	vshll.u32 v34, $0x7  }
0x6ce: {  	v35 =	vand.u32 $0xFFFFF000, v63;
	v34 =	vand.u32 $0x380, v34  }
0x6cf: {  	v34 =	vor.u32 v34, v35  }
0x6d0: {  	v34 =	vor.u32 v12, v34;
	_ =	sdelay $0x4  }
0x6d1: {  	[tilespmem:v34+s29+$0x0] =	vst.idx.msk $0xffff, v1  }
0x6d2: {  	v34 =	vld [tilespmem:$0x1D2B0];
	_ =	sdelay $0x4  }
0x6d3: {  	v36 =	vshll.u32 v34, $0x9;
	v34 =	vshll.u32 v34, $0x7  }
0x6d4: {  	v35 =	vand.u32 $0xFFFFF000, v36;
	v34 =	vand.u32 $0x380, v34  }
0x6d5: {  	v34 =	vor.u32 v34, v35  }
0x6d6: {  	v34 =	vor.u32 v13, v34;
	_ =	sdelay $0x4  }
0x6d7: {  	[tilespmem:v34+s29+$0x0] =	vst.idx.msk $0xffff, v1  }
0x6d8: {  	v34 =	vld [tilespmem:$0x1D2C0];
	_ =	sdelay $0x4  }
0x6d9: {  	v37 =	vshll.u32 v34, $0x9;
	v34 =	vshll.u32 v34, $0x7  }
0x6da: {  	v35 =	vand.u32 $0xFFFFF000, v37;
	v34 =	vand.u32 $0x380, v34  }
0x6db: {  	v34 =	vor.u32 v34, v35  }
0x6dc: {  	v34 =	vor.u32 v14, v34;
	_ =	sdelay $0x4  }
0x6dd: {  	[tilespmem:v34+s29+$0x0] =	vst.idx.msk $0xffff, v1  }
0x6de: {  	v34 =	vld [tilespmem:$0x1D2D0];
	_ =	sdelay $0x4  }
0x6df: {  	v38 =	vshll.u32 v34, $0x9;
	v34 =	vshll.u32 v34, $0x7  }
0x6e0: {  	v35 =	vand.u32 $0xFFFFF000, v38;
	v34 =	vand.u32 $0x380, v34  }
0x6e1: {  	v34 =	vor.u32 v34, v35  }
0x6e2: {  	v34 =	vor.u32 v15, v34;
	_ =	sdelay $0x4  }
0x6e3: {  	[tilespmem:v34+s29+$0x0] =	vst.idx.msk $0xffff, v1  }
0x6e4: {  	v34 =	vld [tilespmem:$0x1D2E0];
	_ =	sdelay $0x4  }
0x6e5: {  	v39 =	vshll.u32 v34, $0x9;
	v34 =	vshll.u32 v34, $0x7  }
0x6e6: {  	v35 =	vand.u32 $0xFFFFF000, v39;
	v34 =	vand.u32 $0x380, v34  }
0x6e7: {  	v34 =	vor.u32 v34, v35  }
0x6e8: {  	v34 =	vor.u32 v16, v34;
	_ =	sdelay $0x4  }
0x6e9: {  	[tilespmem:v34+s29+$0x0] =	vst.idx.msk $0xffff, v1  }
0x6ea: {  	v34 =	vld [tilespmem:$0x1D2F0];
	_ =	sdelay $0x4  }
0x6eb: {  	v40 =	vshll.u32 v34, $0x9;
	v34 =	vshll.u32 v34, $0x7  }
0x6ec: {  	v35 =	vand.u32 $0xFFFFF000, v40;
	v34 =	vand.u32 $0x380, v34  }
0x6ed: {  	v34 =	vor.u32 v34, v35  }
0x6ee: {  	v34 =	vor.u32 v17, v34;
	_ =	sdelay $0x4  }
0x6ef: {  	[tilespmem:v34+s29+$0x0] =	vst.idx.msk $0xffff, v1  }
0x6f0: {  	v34 =	vld [tilespmem:$0x1D300];
	_ =	sdelay $0x4  }
0x6f1: {  	v41 =	vshll.u32 v34, $0x9;
	v34 =	vshll.u32 v34, $0x7  }
0x6f2: {  	v35 =	vand.u32 $0xFFFFF000, v41;
	v34 =	vand.u32 $0x380, v34  }
0x6f3: {  	v34 =	vor.u32 v34, v35  }
0x6f4: {  	v34 =	vor.u32 v18, v34;
	_ =	sdelay $0x4  }
0x6f5: {  	[tilespmem:v34+s29+$0x0] =	vst.idx.msk $0xffff, v1  }
0x6f6: {  	v34 =	vld [tilespmem:$0x1D310];
	_ =	sdelay $0x4  }
0x6f7: {  	v42 =	vshll.u32 v34, $0x9;
	v34 =	vshll.u32 v34, $0x7  }
0x6f8: {  	v35 =	vand.u32 $0xFFFFF000, v42;
	v34 =	vand.u32 $0x380, v34  }
0x6f9: {  	v34 =	vor.u32 v34, v35  }
0x6fa: {  	v34 =	vor.u32 v19, v34;
	_ =	sdelay $0x4  }
0x6fb: {  	[tilespmem:v34+s29+$0x0] =	vst.idx.msk $0xffff, v1  }
0x6fc: {  	v34 =	vld [tilespmem:$0x1D320];
	_ =	sdelay $0x4  }
0x6fd: {  	v43 =	vshll.u32 v34, $0x9;
	v34 =	vshll.u32 v34, $0x7  }
0x6fe: {  	v35 =	vand.u32 $0xFFFFF000, v43;
	v34 =	vand.u32 $0x380, v34  }
0x6ff: {  	v34 =	vor.u32 v34, v35  }
0x700: {  	v34 =	vor.u32 v20, v34;
	_ =	sdelay $0x4  }
0x701: {  	[tilespmem:v34+s29+$0x0] =	vst.idx.msk $0xffff, v1  }
0x702: {  	v34 =	vld [tilespmem:$0x1D330];
	_ =	sdelay $0x4  }
0x703: {  	v44 =	vshll.u32 v34, $0x9;
	v34 =	vshll.u32 v34, $0x7  }
0x704: {  	v35 =	vand.u32 $0xFFFFF000, v44;
	v34 =	vand.u32 $0x380, v34  }
0x705: {  	v34 =	vor.u32 v34, v35  }
0x706: {  	v34 =	vor.u32 v21, v34;
	_ =	sdelay $0x4  }
0x707: {  	[tilespmem:v34+s29+$0x0] =	vst.idx.msk $0xffff, v1  }
0x708: {  	v34 =	vld [tilespmem:$0x1D340];
	_ =	sdelay $0x4  }
0x709: {  	v45 =	vshll.u32 v34, $0x9;
	v34 =	vshll.u32 v34, $0x7  }
0x70a: {  	v35 =	vand.u32 $0xFFFFF000, v45;
	v34 =	vand.u32 $0x380, v34  }
0x70b: {  	v34 =	vor.u32 v34, v35  }
0x70c: {  	v34 =	vor.u32 v22, v34;
	_ =	sdelay $0x4  }
0x70d: {  	[tilespmem:v34+s29+$0x0] =	vst.idx.msk $0xffff, v1  }
0x70e: {  	v34 =	vld [tilespmem:$0x1D350];
	_ =	sdelay $0x4  }
0x70f: {  	v46 =	vshll.u32 v34, $0x9;
	v34 =	vshll.u32 v34, $0x7  }
0x710: {  	v35 =	vand.u32 $0xFFFFF000, v46;
	v34 =	vand.u32 $0x380, v34  }
0x711: {  	v34 =	vor.u32 v34, v35  }
0x712: {  	v34 =	vor.u32 v23, v34;
	_ =	sdelay $0x4  }
0x713: {  	[tilespmem:v34+s29+$0x0] =	vst.idx.msk $0xffff, v1  }
0x714: {  	v34 =	vld [tilespmem:$0x1D360];
	_ =	sdelay $0x4  }
0x715: {  	v47 =	vshll.u32 v34, $0x9;
	v34 =	vshll.u32 v34, $0x7  }
0x716: {  	v35 =	vand.u32 $0xFFFFF000, v47;
	v34 =	vand.u32 $0x380, v34  }
0x717: {  	v34 =	vor.u32 v34, v35  }
0x718: {  	v34 =	vor.u32 v24, v34;
	_ =	sdelay $0x4  }
0x719: {  	[tilespmem:v34+s29+$0x0] =	vst.idx.msk $0xffff, v1  }
0x71a: {  	v34 =	vld [tilespmem:$0x1D370];
	_ =	sdelay $0x4  }
0x71b: {  	v48 =	vshll.u32 v34, $0x9;
	v34 =	vshll.u32 v34, $0x7  }
0x71c: {  	v35 =	vand.u32 $0xFFFFF000, v48;
	v34 =	vand.u32 $0x380, v34  }
0x71d: {  	v34 =	vor.u32 v34, v35  }
0x71e: {  	v34 =	vor.u32 v25, v34;
	_ =	sdelay $0x4  }
0x71f: {  	[tilespmem:v34+s29+$0x0] =	vst.idx.msk $0xffff, v1  }
0x720: {  	v34 =	vld [tilespmem:$0x1D380];
	_ =	sdelay $0x4  }
0x721: {  	v49 =	vshll.u32 v34, $0x9;
	v34 =	vshll.u32 v34, $0x7  }
0x722: {  	v35 =	vand.u32 $0xFFFFF000, v49;
	v34 =	vand.u32 $0x380, v34  }
0x723: {  	v34 =	vor.u32 v34, v35  }
0x724: {  	v34 =	vor.u32 v26, v34;
	_ =	sdelay $0x4  }
0x725: {  	[tilespmem:v34+s29+$0x0] =	vst.idx.msk $0xffff, v1  }
0x726: {  	v34 =	vld [tilespmem:$0x1D390];
	_ =	sdelay $0x4  }
0x727: {  	v50 =	vshll.u32 v34, $0x9;
	v34 =	vshll.u32 v34, $0x7  }
0x728: {  	v35 =	vand.u32 $0xFFFFF000, v50;
	v34 =	vand.u32 $0x380, v34  }
0x729: {  	v34 =	vor.u32 v34, v35  }
0x72a: {  	v34 =	vor.u32 v27, v34;
	_ =	sdelay $0x4  }
0x72b: {  	[tilespmem:v34+s29+$0x0] =	vst.idx.msk $0xffff, v1  }
0x72c: {  	v34 =	vld [tilespmem:$0x1D3A0];
	_ =	sdelay $0x4  }
0x72d: {  	v51 =	vshll.u32 v34, $0x9;
	v34 =	vshll.u32 v34, $0x7  }
0x72e: {  	v35 =	vand.u32 $0xFFFFF000, v51;
	v34 =	vand.u32 $0x380, v34  }
0x72f: {  	v34 =	vor.u32 v34, v35  }
0x730: {  	v34 =	vor.u32 v28, v34;
	_ =	sdelay $0x4  }
0x731: {  	[tilespmem:v34+s29+$0x0] =	vst.idx.msk $0xffff, v1  }
0x732: {  	v34 =	vld [tilespmem:$0x1D3B0];
	_ =	sdelay $0x4  }
0x733: {  	v52 =	vshll.u32 v34, $0x9;
	v34 =	vshll.u32 v34, $0x7  }
0x734: {  	v35 =	vand.u32 $0xFFFFF000, v52;
	v34 =	vand.u32 $0x380, v34  }
0x735: {  	v34 =	vor.u32 v34, v35  }
0x736: {  	v34 =	vor.u32 v29, v34;
	_ =	sdelay $0x4  }
0x737: {  	[tilespmem:v34+s29+$0x0] =	vst.idx.msk $0xffff, v1  }
0x738: {  	v34 =	vld [tilespmem:$0x1D3C0];
	_ =	sdelay $0x4  }
0x739: {  	v53 =	vshll.u32 v34, $0x9;
	v34 =	vshll.u32 v34, $0x7  }
0x73a: {  	v35 =	vand.u32 $0xFFFFF000, v53;
	v34 =	vand.u32 $0x380, v34  }
0x73b: {  	v34 =	vor.u32 v34, v35  }
0x73c: {  	v34 =	vor.u32 v30, v34;
	_ =	sdelay $0x4  }
0x73d: {  	[tilespmem:v34+s29+$0x0] =	vst.idx.msk $0xffff, v1  }
0x73e: {  	v34 =	vld [tilespmem:$0x1D3D0];
	_ =	sdelay $0x4  }
0x73f: {  	v54 =	vshll.u32 v34, $0x9;
	v34 =	vshll.u32 v34, $0x7  }
0x740: {  	v35 =	vand.u32 $0xFFFFF000, v54;
	v34 =	vand.u32 $0x380, v34  }
0x741: {  	v34 =	vor.u32 v34, v35  }
0x742: {  	v34 =	vor.u32 v31, v34;
	_ =	sdelay $0x4  }
0x743: {  	[tilespmem:v34+s29+$0x0] =	vst.idx.msk $0xffff, v1  }
0x744: {  	v34 =	vld [tilespmem:$0x1D3E0];
	_ =	sdelay $0x4  }
0x745: {  	v55 =	vshll.u32 v34, $0x9;
	v34 =	vshll.u32 v34, $0x7  }
0x746: {  	v35 =	vand.u32 $0xFFFFF000, v55;
	v34 =	vand.u32 $0x380, v34  }
0x747: {  	v34 =	vor.u32 v34, v35  }
0x748: {  	v34 =	vor.u32 v32, v34;
	_ =	sdelay $0x4  }
0x749: {  	[tilespmem:v34+s29+$0x0] =	vst.idx.msk $0xffff, v1  }
0x74a: {  	v34 =	vld [tilespmem:$0x1D3F0];
	_ =	sdelay $0x4  }
0x74b: {  	v56 =	vshll.u32 v34, $0x9;
	v34 =	vshll.u32 v34, $0x7  }
0x74c: {  	v35 =	vand.u32 $0xFFFFF000, v56;
	v34 =	vand.u32 $0x380, v34  }
0x74d: {  	v34 =	vor.u32 v34, v35  }
0x74e: {  	v34 =	vor.u32 v33, v34;
	_ =	sdelay $0x4  }
0x74f: {  	[tilespmem:v34+s29+$0x0] =	vst.idx.msk $0xffff, v1  }
0x750: {  	v34 =	vld [tilespmem:s5+$0x0];
	_ =	sdelay $0x4  }
0x751: {  	vm12 =	vgt.s32 v34, $0x60  }
0x752: {  	v57 =	vnsel vm12, $0x60, v34  }
0x753: {  	v58 =	vadd.s32 $0xFFFFFFA0, v57  }
0x754: {  	v35 =	vshll.u32 v57, $0x7;
	v59 =	vshll.u32 v58, $0x9  }
0x755: {  	v35 =	vand.u32 $0x380, v35;
	v37 =	vand.u32 $0xFFFFF000, v59  }
0x756: {  	vm13 =	vgt.s32 v34, $0x5F;
	v60 =	vor.u32 v37, v35  }
0x757: {  	v34 =	vor.u32 v0, v60;
	_ =	sdelay $0x3  }
0x758: {  	[tilespmem:$0x1D200] =	vst v58  }
0x759: {  	[tilespmem:v34+s29+$0x0] =	vst.idx.msk vm13, v2  }
0x75a: {  	v34 =	vld [tilespmem:s5+$0x10];
	_ =	sdelay $0x4  }
0x75b: {  	vm14 =	vgt.s32 v34, $0x60  }
0x75c: {  	v61 =	vnsel vm14, $0x60, v34  }
0x75d: {  	v62 =	vadd.s32 $0xFFFFFFA0, v61  }
0x75e: {  	v35 =	vshll.u32 v61, $0x7;
	v63 =	vshll.u32 v62, $0x9  }
0x75f: {  	v35 =	vand.u32 $0x380, v35;
	v37 =	vand.u32 $0xFFFFF000, v63  }
0x760: {  	vm15 =	vgt.s32 v34, $0x5F;
	v40 =	vor.u32 v37, v35  }
0x761: {  	v34 =	vor.u32 v3, v40;
	_ =	sdelay $0x3  }
0x762: {  	[tilespmem:$0x1D210] =	vst v62  }
0x763: {  	[tilespmem:v34+s29+$0x0] =	vst.idx.msk vm15, v2  }
0x764: {  	v34 =	vld [tilespmem:s5+$0x20];
	_ =	sdelay $0x4  }
0x765: {  	vm4 =	vgt.s32 v34, $0x60  }
0x766: {  	v41 =	vnsel vm4, $0x60, v34  }
0x767: {  	v42 =	vadd.s32 $0xFFFFFFA0, v41  }
0x768: {  	v35 =	vshll.u32 v41, $0x7;
	v43 =	vshll.u32 v42, $0x9  }
0x769: {  	v35 =	vand.u32 $0x380, v35;
	v37 =	vand.u32 $0xFFFFF000, v43  }
0x76a: {  	vm5 =	vgt.s32 v34, $0x5F;
	v44 =	vor.u32 v37, v35  }
0x76b: {  	v34 =	vor.u32 v4, v44;
	_ =	sdelay $0x3  }
0x76c: {  	[tilespmem:$0x1D220] =	vst v42  }
0x76d: {  	[tilespmem:v34+s29+$0x0] =	vst.idx.msk vm5, v2  }
0x76e: {  	v34 =	vld [tilespmem:s5+$0x30];
	_ =	sdelay $0x4  }
0x76f: {  	vm6 =	vgt.s32 v34, $0x60  }
0x770: {  	v45 =	vnsel vm6, $0x60, v34  }
0x771: {  	v46 =	vadd.s32 $0xFFFFFFA0, v45  }
0x772: {  	v35 =	vshll.u32 v45, $0x7;
	v47 =	vshll.u32 v46, $0x9  }
0x773: {  	v35 =	vand.u32 $0x380, v35;
	v37 =	vand.u32 $0xFFFFF000, v47  }
0x774: {  	vm7 =	vgt.s32 v34, $0x5F;
	v48 =	vor.u32 v37, v35  }
0x775: {  	v34 =	vor.u32 v5, v48;
	_ =	sdelay $0x3  }
0x776: {  	[tilespmem:$0x1D230] =	vst v46  }
0x777: {  	[tilespmem:v34+s29+$0x0] =	vst.idx.msk vm7, v2  }
0x778: {  	v34 =	vld [tilespmem:s5+$0x40];
	_ =	sdelay $0x4  }
0x779: {  	vm8 =	vgt.s32 v34, $0x60  }
0x77a: {  	v49 =	vnsel vm8, $0x60, v34  }
0x77b: {  	v50 =	vadd.s32 $0xFFFFFFA0, v49  }
0x77c: {  	v35 =	vshll.u32 v49, $0x7;
	v51 =	vshll.u32 v50, $0x9  }
0x77d: {  	v35 =	vand.u32 $0x380, v35;
	v37 =	vand.u32 $0xFFFFF000, v51  }
0x77e: {  	vm9 =	vgt.s32 v34, $0x5F;
	v52 =	vor.u32 v37, v35  }
0x77f: {  	v34 =	vor.u32 v6, v52;
	_ =	sdelay $0x3  }
0x780: {  	[tilespmem:$0x1D240] =	vst v50  }
0x781: {  	[tilespmem:v34+s29+$0x0] =	vst.idx.msk vm9, v2  }
0x782: {  	v34 =	vld [tilespmem:s5+$0x50];
	_ =	sdelay $0x4  }
0x783: {  	vm10 =	vgt.s32 v34, $0x60  }
0x784: {  	v53 =	vnsel vm10, $0x60, v34  }
0x785: {  	v54 =	vadd.s32 $0xFFFFFFA0, v53  }
0x786: {  	v35 =	vshll.u32 v53, $0x7;
	v55 =	vshll.u32 v54, $0x9  }
0x787: {  	v35 =	vand.u32 $0x380, v35;
	v37 =	vand.u32 $0xFFFFF000, v55  }
0x788: {  	vm11 =	vgt.s32 v34, $0x5F;
	v56 =	vor.u32 v37, v35  }
0x789: {  	v34 =	vor.u32 v7, v56;
	_ =	sdelay $0x3  }
0x78a: {  	[tilespmem:$0x1D250] =	vst v54  }
0x78b: {  	[tilespmem:v34+s29+$0x0] =	vst.idx.msk vm11, v2  }
0x78c: {  	v34 =	vld [tilespmem:s5+$0x60];
	_ =	sdelay $0x4  }
0x78d: {  	vm12 =	vgt.s32 v34, $0x60  }
0x78e: {  	v57 =	vnsel vm12, $0x60, v34  }
0x78f: {  	v58 =	vadd.s32 $0xFFFFFFA0, v57  }
0x790: {  	v35 =	vshll.u32 v57, $0x7;
	v59 =	vshll.u32 v58, $0x9  }
0x791: {  	v35 =	vand.u32 $0x380, v35;
	v37 =	vand.u32 $0xFFFFF000, v59  }
0x792: {  	vm13 =	vgt.s32 v34, $0x5F;
	v60 =	vor.u32 v37, v35  }
0x793: {  	v34 =	vor.u32 v8, v60;
	_ =	sdelay $0x3  }
0x794: {  	[tilespmem:$0x1D260] =	vst v58  }
0x795: {  	[tilespmem:v34+s29+$0x0] =	vst.idx.msk vm13, v2  }
0x796: {  	v34 =	vld [tilespmem:s5+$0x70];
	_ =	sdelay $0x4  }
0x797: {  	vm14 =	vgt.s32 v34, $0x60  }
0x798: {  	v61 =	vnsel vm14, $0x60, v34  }
0x799: {  	v62 =	vadd.s32 $0xFFFFFFA0, v61  }
0x79a: {  	v35 =	vshll.u32 v61, $0x7;
	v63 =	vshll.u32 v62, $0x9  }
0x79b: {  	v35 =	vand.u32 $0x380, v35;
	v37 =	vand.u32 $0xFFFFF000, v63  }
0x79c: {  	vm15 =	vgt.s32 v34, $0x5F;
	v40 =	vor.u32 v37, v35  }
0x79d: {  	v34 =	vor.u32 v9, v40;
	_ =	sdelay $0x3  }
0x79e: {  	[tilespmem:$0x1D270] =	vst v62  }
0x79f: {  	[tilespmem:v34+s29+$0x0] =	vst.idx.msk vm15, v2  }
0x7a0: {  	v34 =	vld [tilespmem:s5+$0x400];
	_ =	sdelay $0x4  }
0x7a1: {  	vm4 =	vgt.s32 v34, $0x60  }
0x7a2: {  	v41 =	vnsel vm4, $0x60, v34  }
0x7a3: {  	v42 =	vadd.s32 $0xFFFFFFA0, v41  }
0x7a4: {  	v35 =	vshll.u32 v41, $0x7;
	v43 =	vshll.u32 v42, $0x9  }
0x7a5: {  	v35 =	vand.u32 $0x380, v35;
	v37 =	vand.u32 $0xFFFFF000, v43  }
0x7a6: {  	vm5 =	vgt.s32 v34, $0x5F;
	v44 =	vor.u32 v37, v35  }
0x7a7: {  	v34 =	vor.u32 v10, v44;
	_ =	sdelay $0x3  }
0x7a8: {  	[tilespmem:$0x1D280] =	vst v42  }
0x7a9: {  	[tilespmem:v34+s29+$0x0] =	vst.idx.msk vm5, v2  }
0x7aa: {  	v34 =	vld [tilespmem:s5+$0x410];
	_ =	sdelay $0x4  }
0x7ab: {  	vm6 =	vgt.s32 v34, $0x60  }
0x7ac: {  	v45 =	vnsel vm6, $0x60, v34  }
0x7ad: {  	v46 =	vadd.s32 $0xFFFFFFA0, v45  }
0x7ae: {  	v35 =	vshll.u32 v45, $0x7;
	v47 =	vshll.u32 v46, $0x9  }
0x7af: {  	v35 =	vand.u32 $0x380, v35;
	v37 =	vand.u32 $0xFFFFF000, v47  }
0x7b0: {  	vm7 =	vgt.s32 v34, $0x5F;
	v48 =	vor.u32 v37, v35  }
0x7b1: {  	v34 =	vor.u32 v11, v48;
	_ =	sdelay $0x3  }
0x7b2: {  	[tilespmem:$0x1D290] =	vst v46  }
0x7b3: {  	[tilespmem:v34+s29+$0x0] =	vst.idx.msk vm7, v2  }
0x7b4: {  	v34 =	vld [tilespmem:s5+$0x420];
	_ =	sdelay $0x4  }
0x7b5: {  	vm8 =	vgt.s32 v34, $0x60  }
0x7b6: {  	v49 =	vnsel vm8, $0x60, v34  }
0x7b7: {  	v50 =	vadd.s32 $0xFFFFFFA0, v49  }
0x7b8: {  	v35 =	vshll.u32 v49, $0x7;
	v51 =	vshll.u32 v50, $0x9  }
0x7b9: {  	v35 =	vand.u32 $0x380, v35;
	v37 =	vand.u32 $0xFFFFF000, v51  }
0x7ba: {  	vm9 =	vgt.s32 v34, $0x5F;
	v52 =	vor.u32 v37, v35  }
0x7bb: {  	v34 =	vor.u32 v12, v52;
	_ =	sdelay $0x3  }
0x7bc: {  	[tilespmem:$0x1D2A0] =	vst v50  }
0x7bd: {  	[tilespmem:v34+s29+$0x0] =	vst.idx.msk vm9, v2  }
0x7be: {  	v34 =	vld [tilespmem:s5+$0x430];
	_ =	sdelay $0x4  }
0x7bf: {  	vm10 =	vgt.s32 v34, $0x60  }
0x7c0: {  	v53 =	vnsel vm10, $0x60, v34  }
0x7c1: {  	v54 =	vadd.s32 $0xFFFFFFA0, v53  }
0x7c2: {  	v35 =	vshll.u32 v53, $0x7;
	v55 =	vshll.u32 v54, $0x9  }
0x7c3: {  	v35 =	vand.u32 $0x380, v35;
	v37 =	vand.u32 $0xFFFFF000, v55  }
0x7c4: {  	vm11 =	vgt.s32 v34, $0x5F;
	v56 =	vor.u32 v37, v35  }
0x7c5: {  	v34 =	vor.u32 v13, v56;
	_ =	sdelay $0x3  }
0x7c6: {  	[tilespmem:$0x1D2B0] =	vst v54  }
0x7c7: {  	[tilespmem:v34+s29+$0x0] =	vst.idx.msk vm11, v2  }
0x7c8: {  	v34 =	vld [tilespmem:s5+$0x440];
	_ =	sdelay $0x4  }
0x7c9: {  	vm12 =	vgt.s32 v34, $0x60  }
0x7ca: {  	v57 =	vnsel vm12, $0x60, v34  }
0x7cb: {  	v58 =	vadd.s32 $0xFFFFFFA0, v57  }
0x7cc: {  	v35 =	vshll.u32 v57, $0x7;
	v59 =	vshll.u32 v58, $0x9  }
0x7cd: {  	v35 =	vand.u32 $0x380, v35;
	v37 =	vand.u32 $0xFFFFF000, v59  }
0x7ce: {  	vm13 =	vgt.s32 v34, $0x5F;
	v60 =	vor.u32 v37, v35  }
0x7cf: {  	v34 =	vor.u32 v14, v60;
	_ =	sdelay $0x3  }
0x7d0: {  	[tilespmem:$0x1D2C0] =	vst v58  }
0x7d1: {  	[tilespmem:v34+s29+$0x0] =	vst.idx.msk vm13, v2  }
0x7d2: {  	v34 =	vld [tilespmem:s5+$0x450];
	_ =	sdelay $0x4  }
0x7d3: {  	vm14 =	vgt.s32 v34, $0x60  }
0x7d4: {  	v61 =	vnsel vm14, $0x60, v34  }
0x7d5: {  	v62 =	vadd.s32 $0xFFFFFFA0, v61  }
0x7d6: {  	v35 =	vshll.u32 v61, $0x7;
	v63 =	vshll.u32 v62, $0x9  }
0x7d7: {  	v35 =	vand.u32 $0x380, v35;
	v37 =	vand.u32 $0xFFFFF000, v63  }
0x7d8: {  	vm15 =	vgt.s32 v34, $0x5F;
	v40 =	vor.u32 v37, v35  }
0x7d9: {  	v34 =	vor.u32 v15, v40;
	_ =	sdelay $0x3  }
0x7da: {  	[tilespmem:$0x1D2D0] =	vst v62  }
0x7db: {  	[tilespmem:v34+s29+$0x0] =	vst.idx.msk vm15, v2  }
0x7dc: {  	v34 =	vld [tilespmem:s5+$0x460];
	_ =	sdelay $0x4  }
0x7dd: {  	vm4 =	vgt.s32 v34, $0x60  }
0x7de: {  	v41 =	vnsel vm4, $0x60, v34  }
0x7df: {  	v42 =	vadd.s32 $0xFFFFFFA0, v41  }
0x7e0: {  	v35 =	vshll.u32 v41, $0x7;
	v43 =	vshll.u32 v42, $0x9  }
0x7e1: {  	v35 =	vand.u32 $0x380, v35;
	v37 =	vand.u32 $0xFFFFF000, v43  }
0x7e2: {  	vm5 =	vgt.s32 v34, $0x5F;
	v44 =	vor.u32 v37, v35  }
0x7e3: {  	v34 =	vor.u32 v16, v44;
	_ =	sdelay $0x3  }
0x7e4: {  	[tilespmem:$0x1D2E0] =	vst v42  }
0x7e5: {  	[tilespmem:v34+s29+$0x0] =	vst.idx.msk vm5, v2  }
0x7e6: {  	v34 =	vld [tilespmem:s5+$0x470];
	_ =	sdelay $0x4  }
0x7e7: {  	vm6 =	vgt.s32 v34, $0x60  }
0x7e8: {  	v45 =	vnsel vm6, $0x60, v34  }
0x7e9: {  	v46 =	vadd.s32 $0xFFFFFFA0, v45  }
0x7ea: {  	v35 =	vshll.u32 v45, $0x7;
	v47 =	vshll.u32 v46, $0x9  }
0x7eb: {  	v35 =	vand.u32 $0x380, v35;
	v37 =	vand.u32 $0xFFFFF000, v47  }
0x7ec: {  	vm7 =	vgt.s32 v34, $0x5F;
	v48 =	vor.u32 v37, v35  }
0x7ed: {  	v34 =	vor.u32 v17, v48;
	_ =	sdelay $0x3  }
0x7ee: {  	[tilespmem:$0x1D2F0] =	vst v46  }
0x7ef: {  	[tilespmem:v34+s29+$0x0] =	vst.idx.msk vm7, v2  }
0x7f0: {  	v34 =	vld [tilespmem:s5+$0x800];
	_ =	sdelay $0x4  }
0x7f1: {  	vm8 =	vgt.s32 v34, $0x60  }
0x7f2: {  	v49 =	vnsel vm8, $0x60, v34  }
0x7f3: {  	v50 =	vadd.s32 $0xFFFFFFA0, v49  }
0x7f4: {  	v35 =	vshll.u32 v49, $0x7;
	v51 =	vshll.u32 v50, $0x9  }
0x7f5: {  	v35 =	vand.u32 $0x380, v35;
	v37 =	vand.u32 $0xFFFFF000, v51  }
0x7f6: {  	vm9 =	vgt.s32 v34, $0x5F;
	v52 =	vor.u32 v37, v35  }
0x7f7: {  	v34 =	vor.u32 v18, v52;
	_ =	sdelay $0x3  }
0x7f8: {  	[tilespmem:$0x1D300] =	vst v50  }
0x7f9: {  	[tilespmem:v34+s29+$0x0] =	vst.idx.msk vm9, v2  }
0x7fa: {  	v34 =	vld [tilespmem:s5+$0x810];
	_ =	sdelay $0x4  }
0x7fb: {  	vm10 =	vgt.s32 v34, $0x60  }
0x7fc: {  	v53 =	vnsel vm10, $0x60, v34  }
0x7fd: {  	v54 =	vadd.s32 $0xFFFFFFA0, v53  }
0x7fe: {  	v35 =	vshll.u32 v53, $0x7;
	v55 =	vshll.u32 v54, $0x9  }
0x7ff: {  	v35 =	vand.u32 $0x380, v35;
	v37 =	vand.u32 $0xFFFFF000, v55  }
0x800: {  	vm11 =	vgt.s32 v34, $0x5F;
	v56 =	vor.u32 v37, v35  }
0x801: {  	v34 =	vor.u32 v19, v56;
	_ =	sdelay $0x3  }
0x802: {  	[tilespmem:$0x1D310] =	vst v54  }
0x803: {  	[tilespmem:v34+s29+$0x0] =	vst.idx.msk vm11, v2  }
0x804: {  	v34 =	vld [tilespmem:s5+$0x820];
	_ =	sdelay $0x4  }
0x805: {  	vm12 =	vgt.s32 v34, $0x60  }
0x806: {  	v57 =	vnsel vm12, $0x60, v34  }
0x807: {  	v58 =	vadd.s32 $0xFFFFFFA0, v57  }
0x808: {  	v35 =	vshll.u32 v57, $0x7;
	v59 =	vshll.u32 v58, $0x9  }
0x809: {  	v35 =	vand.u32 $0x380, v35;
	v37 =	vand.u32 $0xFFFFF000, v59  }
0x80a: {  	vm13 =	vgt.s32 v34, $0x5F;
	v60 =	vor.u32 v37, v35  }
0x80b: {  	v34 =	vor.u32 v20, v60;
	_ =	sdelay $0x3  }
0x80c: {  	[tilespmem:$0x1D320] =	vst v58  }
0x80d: {  	[tilespmem:v34+s29+$0x0] =	vst.idx.msk vm13, v2  }
0x80e: {  	v34 =	vld [tilespmem:s5+$0x830];
	_ =	sdelay $0x4  }
0x80f: {  	vm14 =	vgt.s32 v34, $0x60  }
0x810: {  	v61 =	vnsel vm14, $0x60, v34  }
0x811: {  	v62 =	vadd.s32 $0xFFFFFFA0, v61  }
0x812: {  	v35 =	vshll.u32 v61, $0x7;
	v63 =	vshll.u32 v62, $0x9  }
0x813: {  	v35 =	vand.u32 $0x380, v35;
	v37 =	vand.u32 $0xFFFFF000, v63  }
0x814: {  	vm15 =	vgt.s32 v34, $0x5F;
	v40 =	vor.u32 v37, v35  }
0x815: {  	v34 =	vor.u32 v21, v40;
	_ =	sdelay $0x3  }
0x816: {  	[tilespmem:$0x1D330] =	vst v62  }
0x817: {  	[tilespmem:v34+s29+$0x0] =	vst.idx.msk vm15, v2  }
0x818: {  	v34 =	vld [tilespmem:s5+$0x840];
	_ =	sdelay $0x4  }
0x819: {  	vm4 =	vgt.s32 v34, $0x60  }
0x81a: {  	v41 =	vnsel vm4, $0x60, v34  }
0x81b: {  	v42 =	vadd.s32 $0xFFFFFFA0, v41  }
0x81c: {  	v35 =	vshll.u32 v41, $0x7;
	v43 =	vshll.u32 v42, $0x9  }
0x81d: {  	v35 =	vand.u32 $0x380, v35;
	v37 =	vand.u32 $0xFFFFF000, v43  }
0x81e: {  	vm5 =	vgt.s32 v34, $0x5F;
	v44 =	vor.u32 v37, v35  }
0x81f: {  	v34 =	vor.u32 v22, v44;
	_ =	sdelay $0x3  }
0x820: {  	[tilespmem:$0x1D340] =	vst v42  }
0x821: {  	[tilespmem:v34+s29+$0x0] =	vst.idx.msk vm5, v2  }
0x822: {  	v34 =	vld [tilespmem:s5+$0x850];
	_ =	sdelay $0x4  }
0x823: {  	vm6 =	vgt.s32 v34, $0x60  }
0x824: {  	v45 =	vnsel vm6, $0x60, v34  }
0x825: {  	v46 =	vadd.s32 $0xFFFFFFA0, v45  }
0x826: {  	v35 =	vshll.u32 v45, $0x7;
	v47 =	vshll.u32 v46, $0x9  }
0x827: {  	v35 =	vand.u32 $0x380, v35;
	v37 =	vand.u32 $0xFFFFF000, v47  }
0x828: {  	vm7 =	vgt.s32 v34, $0x5F;
	v48 =	vor.u32 v37, v35  }
0x829: {  	v34 =	vor.u32 v23, v48;
	_ =	sdelay $0x3  }
0x82a: {  	[tilespmem:$0x1D350] =	vst v46  }
0x82b: {  	[tilespmem:v34+s29+$0x0] =	vst.idx.msk vm7, v2  }
0x82c: {  	v34 =	vld [tilespmem:s5+$0x860];
	_ =	sdelay $0x4  }
0x82d: {  	vm8 =	vgt.s32 v34, $0x60  }
0x82e: {  	v49 =	vnsel vm8, $0x60, v34  }
0x82f: {  	v50 =	vadd.s32 $0xFFFFFFA0, v49  }
0x830: {  	v35 =	vshll.u32 v49, $0x7;
	v51 =	vshll.u32 v50, $0x9  }
0x831: {  	v35 =	vand.u32 $0x380, v35;
	v37 =	vand.u32 $0xFFFFF000, v51  }
0x832: {  	vm9 =	vgt.s32 v34, $0x5F;
	v52 =	vor.u32 v37, v35  }
0x833: {  	v34 =	vor.u32 v24, v52;
	_ =	sdelay $0x3  }
0x834: {  	[tilespmem:$0x1D360] =	vst v50  }
0x835: {  	[tilespmem:v34+s29+$0x0] =	vst.idx.msk vm9, v2  }
0x836: {  	v34 =	vld [tilespmem:s5+$0x870];
	_ =	sdelay $0x4  }
0x837: {  	vm10 =	vgt.s32 v34, $0x60  }
0x838: {  	v53 =	vnsel vm10, $0x60, v34  }
0x839: {  	v54 =	vadd.s32 $0xFFFFFFA0, v53  }
0x83a: {  	v35 =	vshll.u32 v53, $0x7;
	v55 =	vshll.u32 v54, $0x9  }
0x83b: {  	v35 =	vand.u32 $0x380, v35;
	v37 =	vand.u32 $0xFFFFF000, v55  }
0x83c: {  	vm11 =	vgt.s32 v34, $0x5F;
	v56 =	vor.u32 v37, v35  }
0x83d: {  	v34 =	vor.u32 v25, v56;
	_ =	sdelay $0x3  }
0x83e: {  	[tilespmem:$0x1D370] =	vst v54  }
0x83f: {  	[tilespmem:v34+s29+$0x0] =	vst.idx.msk vm11, v2  }
0x840: {  	v34 =	vld [tilespmem:s5+$0xC00];
	_ =	sdelay $0x4  }
0x841: {  	vm12 =	vgt.s32 v34, $0x60  }
0x842: {  	v57 =	vnsel vm12, $0x60, v34  }
0x843: {  	v58 =	vadd.s32 $0xFFFFFFA0, v57  }
0x844: {  	v35 =	vshll.u32 v57, $0x7;
	v59 =	vshll.u32 v58, $0x9  }
0x845: {  	v35 =	vand.u32 $0x380, v35;
	v37 =	vand.u32 $0xFFFFF000, v59  }
0x846: {  	vm13 =	vgt.s32 v34, $0x5F;
	v60 =	vor.u32 v37, v35  }
0x847: {  	v34 =	vor.u32 v26, v60;
	_ =	sdelay $0x3  }
0x848: {  	[tilespmem:$0x1D380] =	vst v58  }
0x849: {  	[tilespmem:v34+s29+$0x0] =	vst.idx.msk vm13, v2  }
0x84a: {  	v34 =	vld [tilespmem:s5+$0xC10];
	_ =	sdelay $0x4  }
0x84b: {  	vm14 =	vgt.s32 v34, $0x60  }
0x84c: {  	v61 =	vnsel vm14, $0x60, v34  }
0x84d: {  	v62 =	vadd.s32 $0xFFFFFFA0, v61  }
0x84e: {  	v35 =	vshll.u32 v61, $0x7;
	v63 =	vshll.u32 v62, $0x9  }
0x84f: {  	v35 =	vand.u32 $0x380, v35;
	v37 =	vand.u32 $0xFFFFF000, v63  }
0x850: {  	vm15 =	vgt.s32 v34, $0x5F;
	v39 =	vor.u32 v37, v35  }
0x851: {  	v34 =	vor.u32 v27, v39;
	_ =	sdelay $0x3  }
0x852: {  	[tilespmem:$0x1D390] =	vst v62  }
0x853: {  	[tilespmem:v34+s29+$0x0] =	vst.idx.msk vm15, v2  }
0x854: {  	v34 =	vld [tilespmem:s5+$0xC20];
	_ =	sdelay $0x4  }
0x855: {  	vm4 =	vgt.s32 v34, $0x60  }
0x856: {  	v40 =	vnsel vm4, $0x60, v34  }
0x857: {  	v41 =	vadd.s32 $0xFFFFFFA0, v40  }
0x858: {  	v35 =	vshll.u32 v40, $0x7;
	v42 =	vshll.u32 v41, $0x9  }
0x859: {  	v35 =	vand.u32 $0x380, v35;
	v37 =	vand.u32 $0xFFFFF000, v42  }
0x85a: {  	vm5 =	vgt.s32 v34, $0x5F;
	v43 =	vor.u32 v37, v35  }
0x85b: {  	v34 =	vor.u32 v28, v43;
	_ =	sdelay $0x3  }
0x85c: {  	[tilespmem:$0x1D3A0] =	vst v41  }
0x85d: {  	[tilespmem:v34+s29+$0x0] =	vst.idx.msk vm5, v2  }
0x85e: {  	v34 =	vld [tilespmem:s5+$0xC30];
	_ =	sdelay $0x4  }
0x85f: {  	vm6 =	vgt.s32 v34, $0x60  }
0x860: {  	v44 =	vnsel vm6, $0x60, v34  }
0x861: {  	v45 =	vadd.s32 $0xFFFFFFA0, v44  }
0x862: {  	v35 =	vshll.u32 v44, $0x7;
	v46 =	vshll.u32 v45, $0x9  }
0x863: {  	v35 =	vand.u32 $0x380, v35;
	v37 =	vand.u32 $0xFFFFF000, v46  }
0x864: {  	vm7 =	vgt.s32 v34, $0x5F;
	v47 =	vor.u32 v37, v35  }
0x865: {  	v34 =	vor.u32 v29, v47;
	_ =	sdelay $0x3  }
0x866: {  	[tilespmem:$0x1D3B0] =	vst v45  }
0x867: {  	[tilespmem:v34+s29+$0x0] =	vst.idx.msk vm7, v2  }
0x868: {  	v34 =	vld [tilespmem:s5+$0xC40];
	_ =	sdelay $0x4  }
0x869: {  	vm8 =	vgt.s32 v34, $0x60  }
0x86a: {  	v48 =	vnsel vm8, $0x60, v34  }
0x86b: {  	v49 =	vadd.s32 $0xFFFFFFA0, v48  }
0x86c: {  	v35 =	vshll.u32 v48, $0x7;
	v50 =	vshll.u32 v49, $0x9  }
0x86d: {  	v35 =	vand.u32 $0x380, v35;
	v37 =	vand.u32 $0xFFFFF000, v50  }
0x86e: {  	vm9 =	vgt.s32 v34, $0x5F;
	v51 =	vor.u32 v37, v35  }
0x86f: {  	v34 =	vor.u32 v30, v51;
	_ =	sdelay $0x3  }
0x870: {  	[tilespmem:$0x1D3C0] =	vst v49  }
0x871: {  	[tilespmem:v34+s29+$0x0] =	vst.idx.msk vm9, v2  }
0x872: {  	v34 =	vld [tilespmem:s5+$0xC50];
	_ =	sdelay $0x4  }
0x873: {  	vm10 =	vgt.s32 v34, $0x60  }
0x874: {  	v52 =	vnsel vm10, $0x60, v34  }
0x875: {  	v53 =	vadd.s32 $0xFFFFFFA0, v52  }
0x876: {  	v35 =	vshll.u32 v52, $0x7;
	v54 =	vshll.u32 v53, $0x9  }
0x877: {  	v35 =	vand.u32 $0x380, v35;
	v37 =	vand.u32 $0xFFFFF000, v54  }
0x878: {  	vm11 =	vgt.s32 v34, $0x5F;
	v55 =	vor.u32 v37, v35  }
0x879: {  	v34 =	vor.u32 v31, v55;
	_ =	sdelay $0x3  }
0x87a: {  	[tilespmem:$0x1D3D0] =	vst v53  }
0x87b: {  	[tilespmem:v34+s29+$0x0] =	vst.idx.msk vm11, v2  }
0x87c: {  	v34 =	vld [tilespmem:s5+$0xC60];
	_ =	sdelay $0x4  }
0x87d: {  	vm12 =	vgt.s32 v34, $0x60  }
0x87e: {  	v56 =	vnsel vm12, $0x60, v34  }
0x87f: {  	v57 =	vadd.s32 $0xFFFFFFA0, v56  }
0x880: {  	v35 =	vshll.u32 v56, $0x7;
	v58 =	vshll.u32 v57, $0x9  }
0x881: {  	v35 =	vand.u32 $0x380, v35;
	v37 =	vand.u32 $0xFFFFF000, v58  }
0x882: {  	vm13 =	vgt.s32 v34, $0x5F;
	v59 =	vor.u32 v37, v35  }
0x883: {  	v34 =	vor.u32 v32, v59;
	_ =	sdelay $0x3  }
0x884: {  	[tilespmem:$0x1D3E0] =	vst v57  }
0x885: {  	[tilespmem:v34+s29+$0x0] =	vst.idx.msk vm13, v2  }
0x886: {  	v34 =	vld [tilespmem:s5+$0xC70];
	_ =	sdelay $0x4  }
0x887: {  	vm14 =	vgt.s32 v34, $0x60  }
0x888: {  	v60 =	vnsel vm14, $0x60, v34  }
0x889: {  	v61 =	vadd.s32 $0xFFFFFFA0, v60  }
0x88a: {  	v35 =	vshll.u32 v60, $0x7;
	v62 =	vshll.u32 v61, $0x9  }
0x88b: {  	v35 =	vand.u32 $0x380, v35;
	v37 =	vand.u32 $0xFFFFF000, v62  }
0x88c: {  	vm15 =	vgt.s32 v34, $0x5F;
	v35 =	vor.u32 v37, v35  }
0x88d: {  	v63 =	vor.u32 v33, v35;
	_ =	sdelay $0x1  }
0x88e: {  	p0 =	sne.s32 s0, $0x3200  }
.Ltmp2:
0x88f: {  	_ = 	snop;
	(pc) =	sbr.rel @p0 .LBB2_6-.Ltmp2, $4  }
0x890: {  	[tilespmem:$0x1D3F0] =	vst v61  }
0x891: {  	[tilespmem:v63+s29+$0x0] =	vst.idx.msk vm15, v2  }
0x892: {  	[hbm4b:s22+s24] =	stream.strided.scatter [tilespmem:s29], [sflag:$0x2], $0xD000, s28, s24, $0x38;
	[tilespmem:$0x1D400] =	vst v63  }
0x893: {  	s3 =	sadd.s32 $0x80, s3;
	s0 =	sadd.s32 $0x200, s0;
	s22 =	sadd.s32 $0x64000, s22  }
0x894: {  	_ =	swait.ge [sflag:s30], $0xC000  }
0x895: {  	[sflag:s30] =	ssyncset.done $0x0  }
0x896: {  	[sflag:s30] =	ssyncadd.s32 $0xFFFF4000  }
0x897: {  	_ =	swait.ge [sflag:s31], $0xD000  }
0x898: {  	s1 =	sadd.s32 $0x1, s1;
	s0 =	rddreg [dreg:$0x16]  }
0x899: {  	p0 =	sne.s32 s1, s0  }
.Ltmp3:
0x89a: {  	_ = 	snop;
	(pc) =	sbr.rel @p0 .LBB2_1-.Ltmp3, $3  }
0x89b: {  	_ =	sdelay $0x1  }
0x89c: {  	[sflag:s31] =	ssyncset.done $0x0  }
0x89d: {  	[sflag:s31] =	ssyncadd.s32 $0xFFFF3000  }
0x89e: {  	_ =	sfence.sel $0x180000  }
0x89f: {  	[bflag:$0x0] =	sbarrier.arrive $0xFFFF  }
0x8a0: {  	_ =	strace $0x90000047  }
0x8a1: {  	s0 =	stileid.u32;
	[bflag:$0x2] =	sbarrier.arrive $0xFFFF  }
0x8a2: {  	p0 =	sne.s32 s0, $0x0;
	s0 =	rddreg [dreg:$0x2]  }
0x8a3: {  	s0 =	sadd.s32 @!p0 $0x100000, s0  }
0x8a4: {  	[sflag:s0] =	ssyncadd.tile.s32 @!p0 $0x1;
	_ =	shalt  }
.Lfunc_end2:
_tile_overlayer_lowered:
.L_overlay_start_2:
0x8a5: {  	(tag) =	ssettag $0x2  }
0x8a6: {  	s0 =	rddreg [dreg:$0x0];
	s2 =	stileid.u32  }
0x8a7: {  	s1 =	rddreg [dreg:$0x1];
	p0 =	sne.s32 s2, $0x0  }
0x8a8: {  	s3 =	rddreg [dreg:$0x2];
	[bflag:$0x3] =	sbarrier.arrive $0xFFFF;
	s2 =	simm.s32 @!p0 $0x1C04  }
0x8a9: {  	[timem:s3], [sflag:s2] =	dma.local @!p0 [hbm:s0], s1  }
0x8aa: {  	s0 =	simm.s32 @!p0 $0x4  }
0x8ab: {  	_ =	swait.ge @!p0 [sflag:s0], s1  }
0x8ac: {  	s1 =	ssub.s32 @!p0 $0x0, s1;
	[sflag:s0] =	ssyncset.done @!p0 $0x0  }
0x8ad: {  	[sflag:s0] =	ssyncadd.s32 @!p0 s1  }
0x8ae: {  	[bflag:$0x3] =	sbarrier.arrive $0xFFFF  }
0x8af: {  	_ =	shalt  }

</sc_bundles>
